<compile_context>
chip_gen: v7x
topology: tpu7x:2x2x1
jax: 0.10.2.dev20260603
libtpu: 0.0.44.dev20260713+nightly
codegen_flags: <defaults>
</compile_context>

<pallas_src>
import functools

import jax
import jax.numpy as jnp
from jax import lax
from jax.experimental import pallas as pl
from jax.experimental.pallas import tpu as pltpu
from jax.experimental.pallas import tpu_sc as plsc

B, L = 16384, 20
PV, VV = 100000, 1000
ED, SD, VD, CD, H = 16, 32, 8, 32, 64

NC, NS = 2, 16
NW = NC * NS
RPW = B // NW
CR = 32
NCH = RPW // CR
IPC = CR * L
KSL = IPC // 128
PD = ED + SD


def _side_body(with_venue):
    def body(ids_hbm, ven_ids_hbm, emb_hbm, st_hbm, venp_hbm, out_hbm,
             idxa_v, idxb_v, emba_v, embb_v, sta_v, stb_v,
             outa_v, outb_v, vidx_v, venbuf_v,
             sema, semb, semia, semib, semoa, semob, semv):
        cid = lax.axis_index("c")
        sid = lax.axis_index("s")
        wid = sid * NC + cid
        wbase = wid * RPW
        NH = NCH // 2

        if with_venue:
            pltpu.sync_copy(ven_ids_hbm.at[pl.ds(wbase, RPW)], vidx_v)
            vcps = [pltpu.async_copy(
                venp_hbm.at[vidx_v.at[pl.ds(j * 128, 128)]],
                venbuf_v.at[pl.ds(j * 128, 128)], semv)
                for j in range(RPW // 128)]

        def fire_ids(base, idx_v, semi):
            pltpu.async_copy(ids_hbm.at[:, pl.ds(base, CR)], idx_v, semi)

        def wait_ids(base, idx_v, semi):
            pltpu.make_async_copy(ids_hbm.at[:, pl.ds(base, CR)], idx_v,
                                  semi).wait()

        def fire_g(idx_v, emb_v, st_v, sem):
            for t in range(L):
                pltpu.async_copy(emb_hbm.at[idx_v.at[t]],
                                 emb_v.at[pl.ds(t * CR, CR)], sem)
                pltpu.async_copy(st_hbm.at[idx_v.at[t]],
                                 st_v.at[pl.ds(t * CR, CR)], sem)

        def drain_g(idx_v, emb_v, st_v, sem):
            for t in range(L):
                pltpu.make_async_copy(
                    emb_hbm.at[idx_v.at[t]],
                    emb_v.at[pl.ds(t * CR, CR)], sem).wait()
                pltpu.make_async_copy(
                    st_hbm.at[idx_v.at[t]],
                    st_v.at[pl.ds(t * CR, CR)], sem).wait()

        def wait_out(out_v, semo):
            pltpu.make_async_copy(out_v, out_hbm.at[pl.ds(wbase, CR)],
                                  semo).wait()

        def reduce(emb_v, st_v, out_v, c):
            def row_body(r, rc):
                acc0 = emb_v[r]
                acc1 = st_v[r, pl.ds(0, 16)]
                acc2 = st_v[r, pl.ds(16, 16)]
                for t in range(1, L):
                    acc0 = acc0 + emb_v[t * CR + r]
                    acc1 = acc1 + st_v[t * CR + r, pl.ds(0, 16)]
                    acc2 = acc2 + st_v[t * CR + r, pl.ds(16, 16)]
                out_v[r, pl.ds(0, 16)] = acc0
                out_v[r, pl.ds(16, 16)] = acc1
                out_v[r, pl.ds(32, 16)] = acc2
                if with_venue:
                    out_v[r, pl.ds(2 * PD, 16)] = venbuf_v[c * CR + r]
                return rc

            lax.fori_loop(0, CR, row_body, 0)

        zv = jnp.zeros((16,), jnp.float32)
        zcols = range(2 * PD + 16, 128, 16) if with_venue else range(PD, 128, 16)

        def zrow_body(r, rc):
            for off in zcols:
                outa_v[r, pl.ds(off, 16)] = zv
                outb_v[r, pl.ds(off, 16)] = zv
            return rc

        lax.fori_loop(0, CR, zrow_body, 0)

        fire_ids(wbase, idxa_v, semia)
        fire_ids(wbase + CR, idxb_v, semib)
        wait_ids(wbase, idxa_v, semia)
        fire_g(idxa_v, emba_v, sta_v, sema)
        if with_venue:
            for cp in vcps:
                cp.wait()

        def pair_body(h, carry):
            base_a = wbase + (2 * h) * CR
            base_b = base_a + CR
            not_last = h < NH - 1

            wait_ids(base_b, idxb_v, semib)
            drain_g(idxa_v, emba_v, sta_v, sema)
            fire_g(idxb_v, embb_v, stb_v, semb)

            @pl.when(h > 0)
            def _():
                wait_out(outa_v, semoa)

            reduce(emba_v, sta_v, outa_v, 2 * h)

            @pl.when(not_last)
            def _():
                fire_ids(base_b + CR, idxa_v, semia)

            pltpu.async_copy(outa_v, out_hbm.at[pl.ds(base_a, CR)], semoa)
            drain_g(idxb_v, embb_v, stb_v, semb)

            @pl.when(not_last)
            def _():
                wait_ids(base_b + CR, idxa_v, semia)
                fire_g(idxa_v, emba_v, sta_v, sema)
                fire_ids(base_b + 2 * CR, idxb_v, semib)

            @pl.when(h > 0)
            def _():
                wait_out(outb_v, semob)

            reduce(embb_v, stb_v, outb_v, 2 * h + 1)
            pltpu.async_copy(outb_v, out_hbm.at[pl.ds(base_b, CR)], semob)
            return carry

        lax.fori_loop(0, NH, pair_body, 0)
        wait_out(outa_v, semoa)
        wait_out(outb_v, semob)

    return body


def _make_side(with_venue):
    mesh = plsc.VectorSubcoreMesh(core_axis_name="c", subcore_axis_name="s")
    return pl.kernel(
        _side_body(with_venue),
        out_type=jax.ShapeDtypeStruct((B, 128), jnp.float32),
        mesh=mesh,
        compiler_params=pltpu.CompilerParams(use_tc_tiling_on_sc=False),
        scratch_types=[
            pltpu.VMEM((L, CR), jnp.int32),
            pltpu.VMEM((L, CR), jnp.int32),
            pltpu.VMEM((IPC, ED), jnp.float32),
            pltpu.VMEM((IPC, ED), jnp.float32),
            pltpu.VMEM((IPC, SD), jnp.float32),
            pltpu.VMEM((IPC, SD), jnp.float32),
            pltpu.VMEM((CR, 128), jnp.float32),
            pltpu.VMEM((CR, 128), jnp.float32),
            pltpu.VMEM((RPW,), jnp.int32),
            pltpu.VMEM((RPW, 16), jnp.float32),
            pltpu.SemaphoreType.DMA,
            pltpu.SemaphoreType.DMA,
            pltpu.SemaphoreType.DMA,
            pltpu.SemaphoreType.DMA,
            pltpu.SemaphoreType.DMA,
            pltpu.SemaphoreType.DMA,
            pltpu.SemaphoreType.DMA,
        ],
    )


@jax.jit
def _sc_bat(bat1d, ven_ids, player_embed, player_stats, venp):
    return _make_side(True)(bat1d, ven_ids, player_embed, player_stats, venp)


@jax.jit
def _sc_bowl(bowl1d, ven_ids, player_embed, player_stats, venp):
    return _make_side(False)(bowl1d, ven_ids, player_embed, player_stats, venp)


def _mlp_body(p1_ref, p2_ref, cat_ref, W1a_ref, W1b_ref, W1c_ref,
              b1_ref, W2r_ref, b2_ref, out_ref):
    h = (jnp.dot(p1_ref[...], W1a_ref[...], preferred_element_type=jnp.float32)
         + jnp.dot(p2_ref[...], W1b_ref[...], preferred_element_type=jnp.float32)
         + jnp.dot(cat_ref[...], W1c_ref[...], preferred_element_type=jnp.float32)
         + b1_ref[...])
    h = jnp.maximum(h, 0.0)
    out_ref[...] = (jnp.dot(h, W2r_ref[...], preferred_element_type=jnp.float32)
                    + b2_ref[...])


@jax.jit
def _tc_mlp(p1, p2, cat, W1a, W1b, W1c, b1, W2, b2):
    BB = 2048
    grid = (B // BB,)
    return pl.pallas_call(
        _mlp_body,
        grid=grid,
        in_specs=[
            pl.BlockSpec((BB, 128), lambda i: (i, 0)),
            pl.BlockSpec((BB, 128), lambda i: (i, 0)),
            pl.BlockSpec((BB, CD), lambda i: (i, 0)),
            pl.BlockSpec((128, H), lambda i: (0, 0)),
            pl.BlockSpec((128, H), lambda i: (0, 0)),
            pl.BlockSpec((CD, H), lambda i: (0, 0)),
            pl.BlockSpec((1, H), lambda i: (0, 0)),
            pl.BlockSpec((H, 1), lambda i: (0, 0)),
            pl.BlockSpec((1, 1), lambda i: (0, 0)),
        ],
        out_specs=pl.BlockSpec((BB, 1), lambda i: (i, 0)),
        out_shape=jax.ShapeDtypeStruct((B, 1), jnp.float32),
    )(p1, p2, cat, W1a, W1b, W1c, b1, W2, b2)


def kernel(bat_ids, bat_mask, bowl_ids, bowl_mask, venue_ids, cat,
           player_embed, venue_embed, player_stats, W1, b1, W2, b2):
    bat1d = bat_ids.astype(jnp.int32).T
    bowl1d = bowl_ids.astype(jnp.int32).T
    ven1d = venue_ids.astype(jnp.int32)
    venp = jnp.pad(venue_embed, ((0, 0), (0, 16 - VD)))
    z = jnp.zeros((H,), jnp.float32)
    W1a = jnp.concatenate([
        W1[0:PD] * (1.0 / L),
        jnp.tile(z[None], (2 * PD - PD, 1)),
        W1[2 * PD:2 * PD + VD],
        jnp.tile(z[None], (128 - 2 * PD - VD, 1)),
    ], axis=0)
    W1b = jnp.concatenate([
        W1[PD:2 * PD] * (1.0 / L),
        jnp.tile(z[None], (128 - PD, 1)),
    ], axis=0)
    W1c = W1[2 * PD + VD:]
    p1 = _sc_bat(bat1d, ven1d, player_embed, player_stats, venp)
    p2 = _sc_bowl(bowl1d, ven1d, player_embed, player_stats, venp)
    out = _tc_mlp(p1, p2, cat, W1a, W1b, W1c,
                  b1.reshape(1, H), W2, b2.reshape(1, 1))
    return out[:, 0]

# --- scband reference (transcript-rebuilt; emitter-appended) ---
"""Pipeline reference for scband-player-encoder-61349312856523 (READ-ONLY COPY).

The authoritative reference and input builder live on the scoring server;
editing this copy changes nothing except your own understanding.
"""

import jax, jax.numpy as jnp
import numpy as np

B, L = 16384, 20
PV, VV = 100000, 1000
ED, SD, VD, CD, H = 16, 32, 8, 32, 64


def setup_inputs(seed: int = 0) -> dict:
    key = jax.random.key(seed)
    ks = jax.random.split(key, 12)
    bat_ids = jax.random.randint(ks[0], (B, L), 0, PV, dtype=jnp.int64 if jax.config.jax_enable_x64 else jnp.int32)
    bowl_ids = jax.random.randint(ks[1], (B, L), 0, PV, dtype=bat_ids.dtype)
    venue_ids = jax.random.randint(ks[2], (B,), 0, VV, dtype=bat_ids.dtype)
    bat_mask = jnp.ones((B, L), dtype=jnp.float32)
    bowl_mask = jnp.ones((B, L), dtype=jnp.float32)
    cat = jax.random.normal(ks[3], (B, CD), dtype=jnp.float32)
    player_embed = jax.random.normal(ks[4], (PV, ED), dtype=jnp.float32) * 0.02
    player_embed = player_embed.at[0].set(0.0)  # padding_idx=0
    venue_embed = jax.random.normal(ks[5], (VV, VD), dtype=jnp.float32) * 0.02
    venue_embed = venue_embed.at[0].set(0.0)  # padding_idx=0
    player_stats = jax.random.normal(ks[6], (PV, SD), dtype=jnp.float32)  # fixed career-stats buffer
    in_dim = 2 * (ED + SD) + VD + CD
    W1 = jax.random.normal(ks[7], (in_dim, H), dtype=jnp.float32) * (1.0 / np.sqrt(in_dim))
    b1 = jnp.zeros((H,), dtype=jnp.float32)
    W2 = jax.random.normal(ks[8], (H, 1), dtype=jnp.float32) * (1.0 / np.sqrt(H))
    b2 = jnp.zeros((1,), dtype=jnp.float32)
    return {
        'bat_ids': bat_ids, 'bat_mask': bat_mask,
        'bowl_ids': bowl_ids, 'bowl_mask': bowl_mask,
        'venue_ids': venue_ids, 'cat': cat,
        'player_embed': player_embed, 'venue_embed': venue_embed,
        'player_stats': player_stats,
        'W1': W1, 'b1': b1, 'W2': W2, 'b2': b2,
    }


def reference(bat_ids, bat_mask, bowl_ids, bowl_mask, venue_ids, cat,
              player_embed, venue_embed, player_stats, W1, b1, W2, b2):
    def player_token(ids):
        # hybrid token = [learned embedding || fixed stats vector]
        return jnp.concatenate([jnp.take(player_embed, ids, axis=0),
                                jnp.take(player_stats, ids, axis=0)], axis=-1)

    def masked_mean(tok, mask):
        denom = jnp.clip(jnp.sum(mask, axis=1, keepdims=True), 1.0, None)
        return jnp.sum(tok * mask[..., None], axis=1) / denom

    bat_vec = masked_mean(player_token(bat_ids), bat_mask)
    bowl_vec = masked_mean(player_token(bowl_ids), bowl_mask)
    venue_vec = jnp.take(venue_embed, venue_ids, axis=0)
    x = jnp.concatenate([bat_vec, bowl_vec, venue_vec, cat], axis=-1)
    h = jnp.maximum(x @ W1 + b1, 0.0)  # Linear + ReLU; Dropout is identity in eval
    out = (h @ W2 + b2)[..., 0]
    return out

if __name__ == "__main__":
    import jax
    _d = setup_inputs()
    print(jax.jit(kernel)(*tuple(_d.values())))

</pallas_src>

<mosaic_0001>
#map = affine_map<(d0, d1) -> (0, 0)>
#map1 = affine_map<(d0, d1) -> (0)>
module attributes {stable_mosaic.version = 14 : i64} {
  func.func @body(%arg0: i32, %arg1: i32, %arg2: memref<20x16384xi32, #tpu.memory_space<hbm>>, %arg3: memref<16384xi32, #tpu.memory_space<hbm>>, %arg4: memref<100000x16xf32, #tpu.memory_space<hbm>>, %arg5: memref<100000x32xf32, #tpu.memory_space<hbm>>, %arg6: memref<1000x16xf32, #tpu.memory_space<hbm>>, %arg7: memref<16384x128xf32, #tpu.memory_space<hbm>>, %arg8: memref<20x32xi32, #tpu.memory_space<vmem>>, %arg9: memref<20x32xi32, #tpu.memory_space<vmem>>, %arg10: memref<640x16xf32, #tpu.memory_space<vmem>>, %arg11: memref<640x16xf32, #tpu.memory_space<vmem>>, %arg12: memref<640x32xf32, #tpu.memory_space<vmem>>, %arg13: memref<640x32xf32, #tpu.memory_space<vmem>>, %arg14: memref<32x128xf32, #tpu.memory_space<vmem>>, %arg15: memref<32x128xf32, #tpu.memory_space<vmem>>, %arg16: memref<512xi32, #tpu.memory_space<vmem>>, %arg17: memref<512x16xf32, #tpu.memory_space<vmem>>, %arg18: memref<!tpu.dma_semaphore, #tpu.memory_space<semaphore_mem>>, %arg19: memref<!tpu.dma_semaphore, #tpu.memory_space<semaphore_mem>>, %arg20: memref<!tpu.dma_semaphore, #tpu.memory_space<semaphore_mem>>, %arg21: memref<!tpu.dma_semaphore, #tpu.memory_space<semaphore_mem>>, %arg22: memref<!tpu.dma_semaphore, #tpu.memory_space<semaphore_mem>>, %arg23: memref<!tpu.dma_semaphore, #tpu.memory_space<semaphore_mem>>, %arg24: memref<!tpu.dma_semaphore, #tpu.memory_space<semaphore_mem>>) attributes {dimension_semantics = [#tpu.dimension_semantics<core_parallel>, #tpu.dimension_semantics<subcore_parallel>], iteration_bounds = array<i64: 2, 16>, scalar_prefetch = 0 : i64, scratch_operands = 17 : i64, tpu.core_type = #tpu.core_type<sc_vector_subcore>, window_params = [{transform_indices = #map}, {transform_indices = #map1}, {transform_indices = #map}, {transform_indices = #map}, {transform_indices = #map}, {transform_indices = #map}]} {
    %mul3A = arith.constant 2 : i32
    %mul3A_0 = arith.muli %arg1, %mul3A : i32
    %add3A = arith.addi %mul3A_0, %arg0 : i32
    %mul3A_1 = arith.constant 512 : i32
    %mul3A_2 = arith.muli %add3A, %mul3A_1 : i32
    "tpu.region"() ({
      %run_scoped3A = tpu.sem_alloc : memref<!tpu.dma_semaphore, #tpu.memory_space<semaphore_mem>>
      %dma_start3A_499 = tpu.memref_slice %arg3[%mul3A_2] : memref<16384xi32, #tpu.memory_space<hbm>> -> memref<512xi32, #tpu.memory_space<hbm>>
      %dma_start3A_500 = tpu.memref_slice %arg3[%mul3A_2] : memref<16384xi32, #tpu.memory_space<hbm>> -> memref<512xi32, #tpu.memory_space<hbm>>
      tpu.enqueue_dma source(%dma_start3A_500 : memref<512xi32, #tpu.memory_space<hbm>>) target(%arg16 : memref<512xi32, #tpu.memory_space<vmem>>) target_semaphore(%run_scoped3A : memref<!tpu.dma_semaphore, #tpu.memory_space<semaphore_mem>>)
      %dma_wait3A_501 = tpu.memref_slice %arg3[%mul3A_2] : memref<16384xi32, #tpu.memory_space<hbm>> -> memref<512xi32, #tpu.memory_space<hbm>>
      %dma_wait3A_502 = tpu.memref_slice %arg3[%mul3A_2] : memref<16384xi32, #tpu.memory_space<hbm>> -> memref<512xi32, #tpu.memory_space<hbm>>
      tpu.wait_dma2 semaphore(%run_scoped3A : memref<!tpu.dma_semaphore, #tpu.memory_space<semaphore_mem>>) src(%dma_wait3A_502 : memref<512xi32, #tpu.memory_space<hbm>>) dst(%arg16 : memref<512xi32, #tpu.memory_space<vmem>>)
      tpu.yield
    }) : () -> ()
    %dma_start3A = arith.constant 0 : i32
    %dma_start3A_3 = arith.constant 0 : i32
    %dma_start3A_4 = tpu.memref_slice %arg17[%dma_start3A, %dma_start3A_3] : memref<512x16xf32, #tpu.memory_space<vmem>> -> memref<128x16xf32, #tpu.memory_space<vmem>>
    %dma_start3A_5 = arith.constant 0 : i32
    %dma_start3A_6 = tpu.memref_slice %arg16[%dma_start3A_5] : memref<512xi32, #tpu.memory_space<vmem>> -> memref<128xi32, #tpu.memory_space<vmem>>
    %dma_start3A_7 = arith.constant 0 : i32
    %dma_start3A_8 = arith.constant 0 : i32
    %dma_start3A_9 = tpu.memref_slice %arg6[%dma_start3A_7, %dma_start3A_8] : memref<1000x16xf32, #tpu.memory_space<hbm>> -> memref<1000x16xf32, #tpu.memory_space<hbm>>
    tpu.enqueue_indirect_dma source(%dma_start3A_9 : memref<1000x16xf32, #tpu.memory_space<hbm>>) target(%dma_start3A_4 : memref<128x16xf32, #tpu.memory_space<vmem>>) offsets(%dma_start3A_6 : memref<128xi32, #tpu.memory_space<vmem>>) semaphore(%arg24 : memref<!tpu.dma_semaphore, #tpu.memory_space<semaphore_mem>>)
    %dma_start3A_10 = arith.constant 128 : i32
    %dma_start3A_11 = arith.constant 0 : i32
    %dma_start3A_12 = tpu.memref_slice %arg17[%dma_start3A_10, %dma_start3A_11] : memref<512x16xf32, #tpu.memory_space<vmem>> -> memref<128x16xf32, #tpu.memory_space<vmem>>
    %dma_start3A_13 = arith.constant 128 : i32
    %dma_start3A_14 = tpu.memref_slice %arg16[%dma_start3A_13] : memref<512xi32, #tpu.memory_space<vmem>> -> memref<128xi32, #tpu.memory_space<vmem>>
    %dma_start3A_15 = arith.constant 0 : i32
    %dma_start3A_16 = arith.constant 0 : i32
    %dma_start3A_17 = tpu.memref_slice %arg6[%dma_start3A_15, %dma_start3A_16] : memref<1000x16xf32, #tpu.memory_space<hbm>> -> memref<1000x16xf32, #tpu.memory_space<hbm>>
    tpu.enqueue_indirect_dma source(%dma_start3A_17 : memref<1000x16xf32, #tpu.memory_space<hbm>>) target(%dma_start3A_12 : memref<128x16xf32, #tpu.memory_space<vmem>>) offsets(%dma_start3A_14 : memref<128xi32, #tpu.memory_space<vmem>>) semaphore(%arg24 : memref<!tpu.dma_semaphore, #tpu.memory_space<semaphore_mem>>)
    %dma_start3A_18 = arith.constant 256 : i32
    %dma_start3A_19 = arith.constant 0 : i32
    %dma_start3A_20 = tpu.memref_slice %arg17[%dma_start3A_18, %dma_start3A_19] : memref<512x16xf32, #tpu.memory_space<vmem>> -> memref<128x16xf32, #tpu.memory_space<vmem>>
    %dma_start3A_21 = arith.constant 256 : i32
    %dma_start3A_22 = tpu.memref_slice %arg16[%dma_start3A_21] : memref<512xi32, #tpu.memory_space<vmem>> -> memref<128xi32, #tpu.memory_space<vmem>>
    %dma_start3A_23 = arith.constant 0 : i32
    %dma_start3A_24 = arith.constant 0 : i32
    %dma_start3A_25 = tpu.memref_slice %arg6[%dma_start3A_23, %dma_start3A_24] : memref<1000x16xf32, #tpu.memory_space<hbm>> -> memref<1000x16xf32, #tpu.memory_space<hbm>>
    tpu.enqueue_indirect_dma source(%dma_start3A_25 : memref<1000x16xf32, #tpu.memory_space<hbm>>) target(%dma_start3A_20 : memref<128x16xf32, #tpu.memory_space<vmem>>) offsets(%dma_start3A_22 : memref<128xi32, #tpu.memory_space<vmem>>) semaphore(%arg24 : memref<!tpu.dma_semaphore, #tpu.memory_space<semaphore_mem>>)
    %dma_start3A_26 = arith.constant 384 : i32
    %dma_start3A_27 = arith.constant 0 : i32
    %dma_start3A_28 = tpu.memref_slice %arg17[%dma_start3A_26, %dma_start3A_27] : memref<512x16xf32, #tpu.memory_space<vmem>> -> memref<128x16xf32, #tpu.memory_space<vmem>>
    %dma_start3A_29 = arith.constant 384 : i32
    %dma_start3A_30 = tpu.memref_slice %arg16[%dma_start3A_29] : memref<512xi32, #tpu.memory_space<vmem>> -> memref<128xi32, #tpu.memory_space<vmem>>
    %dma_start3A_31 = arith.constant 0 : i32
    %dma_start3A_32 = arith.constant 0 : i32
    %dma_start3A_33 = tpu.memref_slice %arg6[%dma_start3A_31, %dma_start3A_32] : memref<1000x16xf32, #tpu.memory_space<hbm>> -> memref<1000x16xf32, #tpu.memory_space<hbm>>
    tpu.enqueue_indirect_dma source(%dma_start3A_33 : memref<1000x16xf32, #tpu.memory_space<hbm>>) target(%dma_start3A_28 : memref<128x16xf32, #tpu.memory_space<vmem>>) offsets(%dma_start3A_30 : memref<128xi32, #tpu.memory_space<vmem>>) semaphore(%arg24 : memref<!tpu.dma_semaphore, #tpu.memory_space<semaphore_mem>>)
    %broadcast_in_dim3A = arith.constant 0.000000e+00 : f32
    %broadcast_in_dim3A_34 = vector.broadcast %broadcast_in_dim3A : f32 to vector<16xf32>
    %scan3A = arith.constant 0 : i32
    %scan3A_35 = arith.constant 0 : i32
    %scan3A_36 = arith.constant 32 : i32
    %scan3A_37 = arith.addi %scan3A_35, %scan3A_36 : i32
    %scan3A_38 = arith.constant 1 : i32
    scf.for %scan3A_499 = %scan3A_35 to %scan3A_37 step %scan3A_38  : i32 {
      %swap3A = arith.index_cast %scan3A_499 : i32 to index
      %swap3A_500 = arith.constant 112 : index
      %swap3A_501 = tpu.vector_load %arg14[%swap3A, %swap3A_500] {strides = array<i32>} : memref<32x128xf32, #tpu.memory_space<vmem>>, vector<1x16xf32>,
      %swap3A_502 = vector.shape_cast %swap3A_501 : vector<1x16xf32> to vector<16xf32>
      %swap3A_503 = vector.shape_cast %broadcast_in_dim3A_34 : vector<16xf32> to vector<1x16xf32>
      tpu.vector_store %arg14[%swap3A, %swap3A_500], %swap3A_503 {strides = array<i32>} : memref<32x128xf32, #tpu.memory_space<vmem>>, vector<1x16xf32>,
      %swap3A_504 = arith.index_cast %scan3A_499 : i32 to index
      %swap3A_505 = arith.constant 112 : index
      %swap3A_506 = tpu.vector_load %arg15[%swap3A_504, %swap3A_505] {strides = array<i32>} : memref<32x128xf32, #tpu.memory_space<vmem>>, vector<1x16xf32>,
      %swap3A_507 = vector.shape_cast %swap3A_506 : vector<1x16xf32> to vector<16xf32>
      %swap3A_508 = vector.shape_cast %broadcast_in_dim3A_34 : vector<16xf32> to vector<1x16xf32>
      tpu.vector_store %arg15[%swap3A_504, %swap3A_505], %swap3A_508 {strides = array<i32>} : memref<32x128xf32, #tpu.memory_space<vmem>>, vector<1x16xf32>,
    }
    %scan3A_39 = arith.constant 32 : i32
    %dma_start3A_40 = arith.constant 0 : i32
    %dma_start3A_41 = tpu.memref_slice %arg2[%dma_start3A_40, %mul3A_2] : memref<20x16384xi32, #tpu.memory_space<hbm>> -> memref<20x32xi32, #tpu.memory_space<hbm>>
    %dma_start3A_42 = arith.constant 0 : i32
    %dma_start3A_43 = tpu.memref_slice %arg2[%dma_start3A_42, %mul3A_2] : memref<20x16384xi32, #tpu.memory_space<hbm>> -> memref<20x32xi32, #tpu.memory_space<hbm>>
    tpu.enqueue_dma source(%dma_start3A_43 : memref<20x32xi32, #tpu.memory_space<hbm>>) target(%arg8 : memref<20x32xi32, #tpu.memory_space<vmem>>) target_semaphore(%arg20 : memref<!tpu.dma_semaphore, #tpu.memory_space<semaphore_mem>>)
    %add3A_44 = arith.constant 32 : i32
    %add3A_45 = arith.addi %mul3A_2, %add3A_44 : i32
    %dma_start3A_46 = arith.constant 0 : i32
    %dma_start3A_47 = tpu.memref_slice %arg2[%dma_start3A_46, %add3A_45] : memref<20x16384xi32, #tpu.memory_space<hbm>> -> memref<20x32xi32, #tpu.memory_space<hbm>>
    %dma_start3A_48 = arith.constant 0 : i32
    %dma_start3A_49 = tpu.memref_slice %arg2[%dma_start3A_48, %add3A_45] : memref<20x16384xi32, #tpu.memory_space<hbm>> -> memref<20x32xi32, #tpu.memory_space<hbm>>
    tpu.enqueue_dma source(%dma_start3A_49 : memref<20x32xi32, #tpu.memory_space<hbm>>) target(%arg9 : memref<20x32xi32, #tpu.memory_space<vmem>>) target_semaphore(%arg21 : memref<!tpu.dma_semaphore, #tpu.memory_space<semaphore_mem>>)
    %dma_wait3A = arith.constant 0 : i32
    %dma_wait3A_50 = tpu.memref_slice %arg2[%dma_wait3A, %mul3A_2] : memref<20x16384xi32, #tpu.memory_space<hbm>> -> memref<20x32xi32, #tpu.memory_space<hbm>>
    %dma_wait3A_51 = arith.constant 0 : i32
    %dma_wait3A_52 = tpu.memref_slice %arg2[%dma_wait3A_51, %mul3A_2] : memref<20x16384xi32, #tpu.memory_space<hbm>> -> memref<20x32xi32, #tpu.memory_space<hbm>>
    tpu.wait_dma2 semaphore(%arg20 : memref<!tpu.dma_semaphore, #tpu.memory_space<semaphore_mem>>) src(%dma_wait3A_52 : memref<20x32xi32, #tpu.memory_space<hbm>>) dst(%arg8 : memref<20x32xi32, #tpu.memory_space<vmem>>)
    %dma_start3A_53 = arith.constant 0 : i32
    %dma_start3A_54 = arith.constant 0 : i32
    %dma_start3A_55 = arith.constant 0 : i32
    %dma_start3A_56 = tpu.memref_slice %arg10[%dma_start3A_54, %dma_start3A_55] : memref<640x16xf32, #tpu.memory_space<vmem>> -> memref<32x16xf32, #tpu.memory_space<vmem>>
    %dma_start3A_57 = arith.constant 0 : i32
    %dma_start3A_58 = tpu.memref_slice %arg8[%dma_start3A_53, %dma_start3A_57] : memref<20x32xi32, #tpu.memory_space<vmem>> -> memref<1x32xi32, #tpu.memory_space<vmem>>
    %dma_start3A_59 = tpu.memref_squeeze %dma_start3A_58 : memref<1x32xi32, #tpu.memory_space<vmem>> -> memref<32xi32, #tpu.memory_space<vmem>>
    %dma_start3A_60 = arith.constant 0 : i32
    %dma_start3A_61 = arith.constant 0 : i32
    %dma_start3A_62 = tpu.memref_slice %arg4[%dma_start3A_60, %dma_start3A_61] : memref<100000x16xf32, #tpu.memory_space<hbm>> -> memref<100000x16xf32, #tpu.memory_space<hbm>>
    tpu.enqueue_indirect_dma source(%dma_start3A_62 : memref<100000x16xf32, #tpu.memory_space<hbm>>) target(%dma_start3A_56 : memref<32x16xf32, #tpu.memory_space<vmem>>) offsets(%dma_start3A_59 : memref<32xi32, #tpu.memory_space<vmem>>) semaphore(%arg18 : memref<!tpu.dma_semaphore, #tpu.memory_space<semaphore_mem>>)
    %dma_start3A_63 = arith.constant 0 : i32
    %dma_start3A_64 = arith.constant 0 : i32
    %dma_start3A_65 = arith.constant 0 : i32
    %dma_start3A_66 = tpu.memref_slice %arg12[%dma_start3A_64, %dma_start3A_65] : memref<640x32xf32, #tpu.memory_space<vmem>> -> memref<32x32xf32, #tpu.memory_space<vmem>>
    %dma_start3A_67 = arith.constant 0 : i32
    %dma_start3A_68 = tpu.memref_slice %arg8[%dma_start3A_63, %dma_start3A_67] : memref<20x32xi32, #tpu.memory_space<vmem>> -> memref<1x32xi32, #tpu.memory_space<vmem>>
    %dma_start3A_69 = tpu.memref_squeeze %dma_start3A_68 : memref<1x32xi32, #tpu.memory_space<vmem>> -> memref<32xi32, #tpu.memory_space<vmem>>
    %dma_start3A_70 = arith.constant 0 : i32
    %dma_start3A_71 = arith.constant 0 : i32
    %dma_start3A_72 = tpu.memref_slice %arg5[%dma_start3A_70, %dma_start3A_71] : memref<100000x32xf32, #tpu.memory_space<hbm>> -> memref<100000x32xf32, #tpu.memory_space<hbm>>
    tpu.enqueue_indirect_dma source(%dma_start3A_72 : memref<100000x32xf32, #tpu.memory_space<hbm>>) target(%dma_start3A_66 : memref<32x32xf32, #tpu.memory_space<vmem>>) offsets(%dma_start3A_69 : memref<32xi32, #tpu.memory_space<vmem>>) semaphore(%arg18 : memref<!tpu.dma_semaphore, #tpu.memory_space<semaphore_mem>>)
    %dma_start3A_73 = arith.constant 1 : i32
    %dma_start3A_74 = arith.constant 32 : i32
    %dma_start3A_75 = arith.constant 0 : i32
    %dma_start3A_76 = tpu.memref_slice %arg10[%dma_start3A_74, %dma_start3A_75] : memref<640x16xf32, #tpu.memory_space<vmem>> -> memref<32x16xf32, #tpu.memory_space<vmem>>
    %dma_start3A_77 = arith.constant 0 : i32
    %dma_start3A_78 = tpu.memref_slice %arg8[%dma_start3A_73, %dma_start3A_77] : memref<20x32xi32, #tpu.memory_space<vmem>> -> memref<1x32xi32, #tpu.memory_space<vmem>>
    %dma_start3A_79 = tpu.memref_squeeze %dma_start3A_78 : memref<1x32xi32, #tpu.memory_space<vmem>> -> memref<32xi32, #tpu.memory_space<vmem>>
    %dma_start3A_80 = arith.constant 0 : i32
    %dma_start3A_81 = arith.constant 0 : i32
    %dma_start3A_82 = tpu.memref_slice %arg4[%dma_start3A_80, %dma_start3A_81] : memref<100000x16xf32, #tpu.memory_space<hbm>> -> memref<100000x16xf32, #tpu.memory_space<hbm>>
    tpu.enqueue_indirect_dma source(%dma_start3A_82 : memref<100000x16xf32, #tpu.memory_space<hbm>>) target(%dma_start3A_76 : memref<32x16xf32, #tpu.memory_space<vmem>>) offsets(%dma_start3A_79 : memref<32xi32, #tpu.memory_space<vmem>>) semaphore(%arg18 : memref<!tpu.dma_semaphore, #tpu.memory_space<semaphore_mem>>)
    %dma_start3A_83 = arith.constant 1 : i32
    %dma_start3A_84 = arith.constant 32 : i32
    %dma_start3A_85 = arith.constant 0 : i32
    %dma_start3A_86 = tpu.memref_slice %arg12[%dma_start3A_84, %dma_start3A_85] : memref<640x32xf32, #tpu.memory_space<vmem>> -> memref<32x32xf32, #tpu.memory_space<vmem>>
    %dma_start3A_87 = arith.constant 0 : i32
    %dma_start3A_88 = tpu.memref_slice %arg8[%dma_start3A_83, %dma_start3A_87] : memref<20x32xi32, #tpu.memory_space<vmem>> -> memref<1x32xi32, #tpu.memory_space<vmem>>
    %dma_start3A_89 = tpu.memref_squeeze %dma_start3A_88 : memref<1x32xi32, #tpu.memory_space<vmem>> -> memref<32xi32, #tpu.memory_space<vmem>>
    %dma_start3A_90 = arith.constant 0 : i32
    %dma_start3A_91 = arith.constant 0 : i32
    %dma_start3A_92 = tpu.memref_slice %arg5[%dma_start3A_90, %dma_start3A_91] : memref<100000x32xf32, #tpu.memory_space<hbm>> -> memref<100000x32xf32, #tpu.memory_space<hbm>>
    tpu.enqueue_indirect_dma source(%dma_start3A_92 : memref<100000x32xf32, #tpu.memory_space<hbm>>) target(%dma_start3A_86 : memref<32x32xf32, #tpu.memory_space<vmem>>) offsets(%dma_start3A_89 : memref<32xi32, #tpu.memory_space<vmem>>) semaphore(%arg18 : memref<!tpu.dma_semaphore, #tpu.memory_space<semaphore_mem>>)
    %dma_start3A_93 = arith.constant 2 : i32
    %dma_start3A_94 = arith.constant 64 : i32
    %dma_start3A_95 = arith.constant 0 : i32
    %dma_start3A_96 = tpu.memref_slice %arg10[%dma_start3A_94, %dma_start3A_95] : memref<640x16xf32, #tpu.memory_space<vmem>> -> memref<32x16xf32, #tpu.memory_space<vmem>>
    %dma_start3A_97 = arith.constant 0 : i32
    %dma_start3A_98 = tpu.memref_slice %arg8[%dma_start3A_93, %dma_start3A_97] : memref<20x32xi32, #tpu.memory_space<vmem>> -> memref<1x32xi32, #tpu.memory_space<vmem>>
    %dma_start3A_99 = tpu.memref_squeeze %dma_start3A_98 : memref<1x32xi32, #tpu.memory_space<vmem>> -> memref<32xi32, #tpu.memory_space<vmem>>
    %dma_start3A_100 = arith.constant 0 : i32
    %dma_start3A_101 = arith.constant 0 : i32
    %dma_start3A_102 = tpu.memref_slice %arg4[%dma_start3A_100, %dma_start3A_101] : memref<100000x16xf32, #tpu.memory_space<hbm>> -> memref<100000x16xf32, #tpu.memory_space<hbm>>
    tpu.enqueue_indirect_dma source(%dma_start3A_102 : memref<100000x16xf32, #tpu.memory_space<hbm>>) target(%dma_start3A_96 : memref<32x16xf32, #tpu.memory_space<vmem>>) offsets(%dma_start3A_99 : memref<32xi32, #tpu.memory_space<vmem>>) semaphore(%arg18 : memref<!tpu.dma_semaphore, #tpu.memory_space<semaphore_mem>>)
    %dma_start3A_103 = arith.constant 2 : i32
    %dma_start3A_104 = arith.constant 64 : i32
    %dma_start3A_105 = arith.constant 0 : i32
    %dma_start3A_106 = tpu.memref_slice %arg12[%dma_start3A_104, %dma_start3A_105] : memref<640x32xf32, #tpu.memory_space<vmem>> -> memref<32x32xf32, #tpu.memory_space<vmem>>
    %dma_start3A_107 = arith.constant 0 : i32
    %dma_start3A_108 = tpu.memref_slice %arg8[%dma_start3A_103, %dma_start3A_107] : memref<20x32xi32, #tpu.memory_space<vmem>> -> memref<1x32xi32, #tpu.memory_space<vmem>>
    %dma_start3A_109 = tpu.memref_squeeze %dma_start3A_108 : memref<1x32xi32, #tpu.memory_space<vmem>> -> memref<32xi32, #tpu.memory_space<vmem>>
    %dma_start3A_110 = arith.constant 0 : i32
    %dma_start3A_111 = arith.constant 0 : i32
    %dma_start3A_112 = tpu.memref_slice %arg5[%dma_start3A_110, %dma_start3A_111] : memref<100000x32xf32, #tpu.memory_space<hbm>> -> memref<100000x32xf32, #tpu.memory_space<hbm>>
    tpu.enqueue_indirect_dma source(%dma_start3A_112 : memref<100000x32xf32, #tpu.memory_space<hbm>>) target(%dma_start3A_106 : memref<32x32xf32, #tpu.memory_space<vmem>>) offsets(%dma_start3A_109 : memref<32xi32, #tpu.memory_space<vmem>>) semaphore(%arg18 : memref<!tpu.dma_semaphore, #tpu.memory_space<semaphore_mem>>)
    %dma_start3A_113 = arith.constant 3 : i32
    %dma_start3A_114 = arith.constant 96 : i32
    %dma_start3A_115 = arith.constant 0 : i32
    %dma_start3A_116 = tpu.memref_slice %arg10[%dma_start3A_114, %dma_start3A_115] : memref<640x16xf32, #tpu.memory_space<vmem>> -> memref<32x16xf32, #tpu.memory_space<vmem>>
    %dma_start3A_117 = arith.constant 0 : i32
    %dma_start3A_118 = tpu.memref_slice %arg8[%dma_start3A_113, %dma_start3A_117] : memref<20x32xi32, #tpu.memory_space<vmem>> -> memref<1x32xi32, #tpu.memory_space<vmem>>
    %dma_start3A_119 = tpu.memref_squeeze %dma_start3A_118 : memref<1x32xi32, #tpu.memory_space<vmem>> -> memref<32xi32, #tpu.memory_space<vmem>>
    %dma_start3A_120 = arith.constant 0 : i32
    %dma_start3A_121 = arith.constant 0 : i32
    %dma_start3A_122 = tpu.memref_slice %arg4[%dma_start3A_120, %dma_start3A_121] : memref<100000x16xf32, #tpu.memory_space<hbm>> -> memref<100000x16xf32, #tpu.memory_space<hbm>>
    tpu.enqueue_indirect_dma source(%dma_start3A_122 : memref<100000x16xf32, #tpu.memory_space<hbm>>) target(%dma_start3A_116 : memref<32x16xf32, #tpu.memory_space<vmem>>) offsets(%dma_start3A_119 : memref<32xi32, #tpu.memory_space<vmem>>) semaphore(%arg18 : memref<!tpu.dma_semaphore, #tpu.memory_space<semaphore_mem>>)
    %dma_start3A_123 = arith.constant 3 : i32
    %dma_start3A_124 = arith.constant 96 : i32
    %dma_start3A_125 = arith.constant 0 : i32
    %dma_start3A_126 = tpu.memref_slice %arg12[%dma_start3A_124, %dma_start3A_125] : memref<640x32xf32, #tpu.memory_space<vmem>> -> memref<32x32xf32, #tpu.memory_space<vmem>>
    %dma_start3A_127 = arith.constant 0 : i32
    %dma_start3A_128 = tpu.memref_slice %arg8[%dma_start3A_123, %dma_start3A_127] : memref<20x32xi32, #tpu.memory_space<vmem>> -> memref<1x32xi32, #tpu.memory_space<vmem>>
    %dma_start3A_129 = tpu.memref_squeeze %dma_start3A_128 : memref<1x32xi32, #tpu.memory_space<vmem>> -> memref<32xi32, #tpu.memory_space<vmem>>
    %dma_start3A_130 = arith.constant 0 : i32
    %dma_start3A_131 = arith.constant 0 : i32
    %dma_start3A_132 = tpu.memref_slice %arg5[%dma_start3A_130, %dma_start3A_131] : memref<100000x32xf32, #tpu.memory_space<hbm>> -> memref<100000x32xf32, #tpu.memory_space<hbm>>
    tpu.enqueue_indirect_dma source(%dma_start3A_132 : memref<100000x32xf32, #tpu.memory_space<hbm>>) target(%dma_start3A_126 : memref<32x32xf32, #tpu.memory_space<vmem>>) offsets(%dma_start3A_129 : memref<32xi32, #tpu.memory_space<vmem>>) semaphore(%arg18 : memref<!tpu.dma_semaphore, #tpu.memory_space<semaphore_mem>>)
    %dma_start3A_133 = arith.constant 4 : i32
    %dma_start3A_134 = arith.constant 128 : i32
    %dma_start3A_135 = arith.constant 0 : i32
    %dma_start3A_136 = tpu.memref_slice %arg10[%dma_start3A_134, %dma_start3A_135] : memref<640x16xf32, #tpu.memory_space<vmem>> -> memref<32x16xf32, #tpu.memory_space<vmem>>
    %dma_start3A_137 = arith.constant 0 : i32
    %dma_start3A_138 = tpu.memref_slice %arg8[%dma_start3A_133, %dma_start3A_137] : memref<20x32xi32, #tpu.memory_space<vmem>> -> memref<1x32xi32, #tpu.memory_space<vmem>>
    %dma_start3A_139 = tpu.memref_squeeze %dma_start3A_138 : memref<1x32xi32, #tpu.memory_space<vmem>> -> memref<32xi32, #tpu.memory_space<vmem>>
    %dma_start3A_140 = arith.constant 0 : i32
    %dma_start3A_141 = arith.constant 0 : i32
    %dma_start3A_142 = tpu.memref_slice %arg4[%dma_start3A_140, %dma_start3A_141] : memref<100000x16xf32, #tpu.memory_space<hbm>> -> memref<100000x16xf32, #tpu.memory_space<hbm>>
    tpu.enqueue_indirect_dma source(%dma_start3A_142 : memref<100000x16xf32, #tpu.memory_space<hbm>>) target(%dma_start3A_136 : memref<32x16xf32, #tpu.memory_space<vmem>>) offsets(%dma_start3A_139 : memref<32xi32, #tpu.memory_space<vmem>>) semaphore(%arg18 : memref<!tpu.dma_semaphore, #tpu.memory_space<semaphore_mem>>)
    %dma_start3A_143 = arith.constant 4 : i32
    %dma_start3A_144 = arith.constant 128 : i32
    %dma_start3A_145 = arith.constant 0 : i32
    %dma_start3A_146 = tpu.memref_slice %arg12[%dma_start3A_144, %dma_start3A_145] : memref<640x32xf32, #tpu.memory_space<vmem>> -> memref<32x32xf32, #tpu.memory_space<vmem>>
    %dma_start3A_147 = arith.constant 0 : i32
    %dma_start3A_148 = tpu.memref_slice %arg8[%dma_start3A_143, %dma_start3A_147] : memref<20x32xi32, #tpu.memory_space<vmem>> -> memref<1x32xi32, #tpu.memory_space<vmem>>
    %dma_start3A_149 = tpu.memref_squeeze %dma_start3A_148 : memref<1x32xi32, #tpu.memory_space<vmem>> -> memref<32xi32, #tpu.memory_space<vmem>>
    %dma_start3A_150 = arith.constant 0 : i32
    %dma_start3A_151 = arith.constant 0 : i32
    %dma_start3A_152 = tpu.memref_slice %arg5[%dma_start3A_150, %dma_start3A_151] : memref<100000x32xf32, #tpu.memory_space<hbm>> -> memref<100000x32xf32, #tpu.memory_space<hbm>>
    tpu.enqueue_indirect_dma source(%dma_start3A_152 : memref<100000x32xf32, #tpu.memory_space<hbm>>) target(%dma_start3A_146 : memref<32x32xf32, #tpu.memory_space<vmem>>) offsets(%dma_start3A_149 : memref<32xi32, #tpu.memory_space<vmem>>) semaphore(%arg18 : memref<!tpu.dma_semaphore, #tpu.memory_space<semaphore_mem>>)
    %dma_start3A_153 = arith.constant 5 : i32
    %dma_start3A_154 = arith.constant 160 : i32
    %dma_start3A_155 = arith.constant 0 : i32
    %dma_start3A_156 = tpu.memref_slice %arg10[%dma_start3A_154, %dma_start3A_155] : memref<640x16xf32, #tpu.memory_space<vmem>> -> memref<32x16xf32, #tpu.memory_space<vmem>>
    %dma_start3A_157 = arith.constant 0 : i32
    %dma_start3A_158 = tpu.memref_slice %arg8[%dma_start3A_153, %dma_start3A_157] : memref<20x32xi32, #tpu.memory_space<vmem>> -> memref<1x32xi32, #tpu.memory_space<vmem>>
    %dma_start3A_159 = tpu.memref_squeeze %dma_start3A_158 : memref<1x32xi32, #tpu.memory_space<vmem>> -> memref<32xi32, #tpu.memory_space<vmem>>
    %dma_start3A_160 = arith.constant 0 : i32
    %dma_start3A_161 = arith.constant 0 : i32
    %dma_start3A_162 = tpu.memref_slice %arg4[%dma_start3A_160, %dma_start3A_161] : memref<100000x16xf32, #tpu.memory_space<hbm>> -> memref<100000x16xf32, #tpu.memory_space<hbm>>
    tpu.enqueue_indirect_dma source(%dma_start3A_162 : memref<100000x16xf32, #tpu.memory_space<hbm>>) target(%dma_start3A_156 : memref<32x16xf32, #tpu.memory_space<vmem>>) offsets(%dma_start3A_159 : memref<32xi32, #tpu.memory_space<vmem>>) semaphore(%arg18 : memref<!tpu.dma_semaphore, #tpu.memory_space<semaphore_mem>>)
    %dma_start3A_163 = arith.constant 5 : i32
    %dma_start3A_164 = arith.constant 160 : i32
    %dma_start3A_165 = arith.constant 0 : i32
    %dma_start3A_166 = tpu.memref_slice %arg12[%dma_start3A_164, %dma_start3A_165] : memref<640x32xf32, #tpu.memory_space<vmem>> -> memref<32x32xf32, #tpu.memory_space<vmem>>
    %dma_start3A_167 = arith.constant 0 : i32
    %dma_start3A_168 = tpu.memref_slice %arg8[%dma_start3A_163, %dma_start3A_167] : memref<20x32xi32, #tpu.memory_space<vmem>> -> memref<1x32xi32, #tpu.memory_space<vmem>>
    %dma_start3A_169 = tpu.memref_squeeze %dma_start3A_168 : memref<1x32xi32, #tpu.memory_space<vmem>> -> memref<32xi32, #tpu.memory_space<vmem>>
    %dma_start3A_170 = arith.constant 0 : i32
    %dma_start3A_171 = arith.constant 0 : i32
    %dma_start3A_172 = tpu.memref_slice %arg5[%dma_start3A_170, %dma_start3A_171] : memref<100000x32xf32, #tpu.memory_space<hbm>> -> memref<100000x32xf32, #tpu.memory_space<hbm>>
    tpu.enqueue_indirect_dma source(%dma_start3A_172 : memref<100000x32xf32, #tpu.memory_space<hbm>>) target(%dma_start3A_166 : memref<32x32xf32, #tpu.memory_space<vmem>>) offsets(%dma_start3A_169 : memref<32xi32, #tpu.memory_space<vmem>>) semaphore(%arg18 : memref<!tpu.dma_semaphore, #tpu.memory_space<semaphore_mem>>)
    %dma_start3A_173 = arith.constant 6 : i32
    %dma_start3A_174 = arith.constant 192 : i32
    %dma_start3A_175 = arith.constant 0 : i32
    %dma_start3A_176 = tpu.memref_slice %arg10[%dma_start3A_174, %dma_start3A_175] : memref<640x16xf32, #tpu.memory_space<vmem>> -> memref<32x16xf32, #tpu.memory_space<vmem>>
    %dma_start3A_177 = arith.constant 0 : i32
    %dma_start3A_178 = tpu.memref_slice %arg8[%dma_start3A_173, %dma_start3A_177] : memref<20x32xi32, #tpu.memory_space<vmem>> -> memref<1x32xi32, #tpu.memory_space<vmem>>
    %dma_start3A_179 = tpu.memref_squeeze %dma_start3A_178 : memref<1x32xi32, #tpu.memory_space<vmem>> -> memref<32xi32, #tpu.memory_space<vmem>>
    %dma_start3A_180 = arith.constant 0 : i32
    %dma_start3A_181 = arith.constant 0 : i32
    %dma_start3A_182 = tpu.memref_slice %arg4[%dma_start3A_180, %dma_start3A_181] : memref<100000x16xf32, #tpu.memory_space<hbm>> -> memref<100000x16xf32, #tpu.memory_space<hbm>>
    tpu.enqueue_indirect_dma source(%dma_start3A_182 : memref<100000x16xf32, #tpu.memory_space<hbm>>) target(%dma_start3A_176 : memref<32x16xf32, #tpu.memory_space<vmem>>) offsets(%dma_start3A_179 : memref<32xi32, #tpu.memory_space<vmem>>) semaphore(%arg18 : memref<!tpu.dma_semaphore, #tpu.memory_space<semaphore_mem>>)
    %dma_start3A_183 = arith.constant 6 : i32
    %dma_start3A_184 = arith.constant 192 : i32
    %dma_start3A_185 = arith.constant 0 : i32
    %dma_start3A_186 = tpu.memref_slice %arg12[%dma_start3A_184, %dma_start3A_185] : memref<640x32xf32, #tpu.memory_space<vmem>> -> memref<32x32xf32, #tpu.memory_space<vmem>>
    %dma_start3A_187 = arith.constant 0 : i32
    %dma_start3A_188 = tpu.memref_slice %arg8[%dma_start3A_183, %dma_start3A_187] : memref<20x32xi32, #tpu.memory_space<vmem>> -> memref<1x32xi32, #tpu.memory_space<vmem>>
    %dma_start3A_189 = tpu.memref_squeeze %dma_start3A_188 : memref<1x32xi32, #tpu.memory_space<vmem>> -> memref<32xi32, #tpu.memory_space<vmem>>
    %dma_start3A_190 = arith.constant 0 : i32
    %dma_start3A_191 = arith.constant 0 : i32
    %dma_start3A_192 = tpu.memref_slice %arg5[%dma_start3A_190, %dma_start3A_191] : memref<100000x32xf32, #tpu.memory_space<hbm>> -> memref<100000x32xf32, #tpu.memory_space<hbm>>
    tpu.enqueue_indirect_dma source(%dma_start3A_192 : memref<100000x32xf32, #tpu.memory_space<hbm>>) target(%dma_start3A_186 : memref<32x32xf32, #tpu.memory_space<vmem>>) offsets(%dma_start3A_189 : memref<32xi32, #tpu.memory_space<vmem>>) semaphore(%arg18 : memref<!tpu.dma_semaphore, #tpu.memory_space<semaphore_mem>>)
    %dma_start3A_193 = arith.constant 7 : i32
    %dma_start3A_194 = arith.constant 224 : i32
    %dma_start3A_195 = arith.constant 0 : i32
    %dma_start3A_196 = tpu.memref_slice %arg10[%dma_start3A_194, %dma_start3A_195] : memref<640x16xf32, #tpu.memory_space<vmem>> -> memref<32x16xf32, #tpu.memory_space<vmem>>
    %dma_start3A_197 = arith.constant 0 : i32
    %dma_start3A_198 = tpu.memref_slice %arg8[%dma_start3A_193, %dma_start3A_197] : memref<20x32xi32, #tpu.memory_space<vmem>> -> memref<1x32xi32, #tpu.memory_space<vmem>>
    %dma_start3A_199 = tpu.memref_squeeze %dma_start3A_198 : memref<1x32xi32, #tpu.memory_space<vmem>> -> memref<32xi32, #tpu.memory_space<vmem>>
    %dma_start3A_200 = arith.constant 0 : i32
    %dma_start3A_201 = arith.constant 0 : i32
    %dma_start3A_202 = tpu.memref_slice %arg4[%dma_start3A_200, %dma_start3A_201] : memref<100000x16xf32, #tpu.memory_space<hbm>> -> memref<100000x16xf32, #tpu.memory_space<hbm>>
    tpu.enqueue_indirect_dma source(%dma_start3A_202 : memref<100000x16xf32, #tpu.memory_space<hbm>>) target(%dma_start3A_196 : memref<32x16xf32, #tpu.memory_space<vmem>>) offsets(%dma_start3A_199 : memref<32xi32, #tpu.memory_space<vmem>>) semaphore(%arg18 : memref<!tpu.dma_semaphore, #tpu.memory_space<semaphore_mem>>)
    %dma_start3A_203 = arith.constant 7 : i32
    %dma_start3A_204 = arith.constant 224 : i32
    %dma_start3A_205 = arith.constant 0 : i32
    %dma_start3A_206 = tpu.memref_slice %arg12[%dma_start3A_204, %dma_start3A_205] : memref<640x32xf32, #tpu.memory_space<vmem>> -> memref<32x32xf32, #tpu.memory_space<vmem>>
    %dma_start3A_207 = arith.constant 0 : i32
    %dma_start3A_208 = tpu.memref_slice %arg8[%dma_start3A_203, %dma_start3A_207] : memref<20x32xi32, #tpu.memory_space<vmem>> -> memref<1x32xi32, #tpu.memory_space<vmem>>
    %dma_start3A_209 = tpu.memref_squeeze %dma_start3A_208 : memref<1x32xi32, #tpu.memory_space<vmem>> -> memref<32xi32, #tpu.memory_space<vmem>>
    %dma_start3A_210 = arith.constant 0 : i32
    %dma_start3A_211 = arith.constant 0 : i32
    %dma_start3A_212 = tpu.memref_slice %arg5[%dma_start3A_210, %dma_start3A_211] : memref<100000x32xf32, #tpu.memory_space<hbm>> -> memref<100000x32xf32, #tpu.memory_space<hbm>>
    tpu.enqueue_indirect_dma source(%dma_start3A_212 : memref<100000x32xf32, #tpu.memory_space<hbm>>) target(%dma_start3A_206 : memref<32x32xf32, #tpu.memory_space<vmem>>) offsets(%dma_start3A_209 : memref<32xi32, #tpu.memory_space<vmem>>) semaphore(%arg18 : memref<!tpu.dma_semaphore, #tpu.memory_space<semaphore_mem>>)
    %dma_start3A_213 = arith.constant 8 : i32
    %dma_start3A_214 = arith.constant 256 : i32
    %dma_start3A_215 = arith.constant 0 : i32
    %dma_start3A_216 = tpu.memref_slice %arg10[%dma_start3A_214, %dma_start3A_215] : memref<640x16xf32, #tpu.memory_space<vmem>> -> memref<32x16xf32, #tpu.memory_space<vmem>>
    %dma_start3A_217 = arith.constant 0 : i32
    %dma_start3A_218 = tpu.memref_slice %arg8[%dma_start3A_213, %dma_start3A_217] : memref<20x32xi32, #tpu.memory_space<vmem>> -> memref<1x32xi32, #tpu.memory_space<vmem>>
    %dma_start3A_219 = tpu.memref_squeeze %dma_start3A_218 : memref<1x32xi32, #tpu.memory_space<vmem>> -> memref<32xi32, #tpu.memory_space<vmem>>
    %dma_start3A_220 = arith.constant 0 : i32
    %dma_start3A_221 = arith.constant 0 : i32
    %dma_start3A_222 = tpu.memref_slice %arg4[%dma_start3A_220, %dma_start3A_221] : memref<100000x16xf32, #tpu.memory_space<hbm>> -> memref<100000x16xf32, #tpu.memory_space<hbm>>
    tpu.enqueue_indirect_dma source(%dma_start3A_222 : memref<100000x16xf32, #tpu.memory_space<hbm>>) target(%dma_start3A_216 : memref<32x16xf32, #tpu.memory_space<vmem>>) offsets(%dma_start3A_219 : memref<32xi32, #tpu.memory_space<vmem>>) semaphore(%arg18 : memref<!tpu.dma_semaphore, #tpu.memory_space<semaphore_mem>>)
    %dma_start3A_223 = arith.constant 8 : i32
    %dma_start3A_224 = arith.constant 256 : i32
    %dma_start3A_225 = arith.constant 0 : i32
    %dma_start3A_226 = tpu.memref_slice %arg12[%dma_start3A_224, %dma_start3A_225] : memref<640x32xf32, #tpu.memory_space<vmem>> -> memref<32x32xf32, #tpu.memory_space<vmem>>
    %dma_start3A_227 = arith.constant 0 : i32
    %dma_start3A_228 = tpu.memref_slice %arg8[%dma_start3A_223, %dma_start3A_227] : memref<20x32xi32, #tpu.memory_space<vmem>> -> memref<1x32xi32, #tpu.memory_space<vmem>>
    %dma_start3A_229 = tpu.memref_squeeze %dma_start3A_228 : memref<1x32xi32, #tpu.memory_space<vmem>> -> memref<32xi32, #tpu.memory_space<vmem>>
    %dma_start3A_230 = arith.constant 0 : i32
    %dma_start3A_231 = arith.constant 0 : i32
    %dma_start3A_232 = tpu.memref_slice %arg5[%dma_start3A_230, %dma_start3A_231] : memref<100000x32xf32, #tpu.memory_space<hbm>> -> memref<100000x32xf32, #tpu.memory_space<hbm>>
    tpu.enqueue_indirect_dma source(%dma_start3A_232 : memref<100000x32xf32, #tpu.memory_space<hbm>>) target(%dma_start3A_226 : memref<32x32xf32, #tpu.memory_space<vmem>>) offsets(%dma_start3A_229 : memref<32xi32, #tpu.memory_space<vmem>>) semaphore(%arg18 : memref<!tpu.dma_semaphore, #tpu.memory_space<semaphore_mem>>)
    %dma_start3A_233 = arith.constant 9 : i32
    %dma_start3A_234 = arith.constant 288 : i32
    %dma_start3A_235 = arith.constant 0 : i32
    %dma_start3A_236 = tpu.memref_slice %arg10[%dma_start3A_234, %dma_start3A_235] : memref<640x16xf32, #tpu.memory_space<vmem>> -> memref<32x16xf32, #tpu.memory_space<vmem>>
    %dma_start3A_237 = arith.constant 0 : i32
    %dma_start3A_238 = tpu.memref_slice %arg8[%dma_start3A_233, %dma_start3A_237] : memref<20x32xi32, #tpu.memory_space<vmem>> -> memref<1x32xi32, #tpu.memory_space<vmem>>
    %dma_start3A_239 = tpu.memref_squeeze %dma_start3A_238 : memref<1x32xi32, #tpu.memory_space<vmem>> -> memref<32xi32, #tpu.memory_space<vmem>>
    %dma_start3A_240 = arith.constant 0 : i32
    %dma_start3A_241 = arith.constant 0 : i32
    %dma_start3A_242 = tpu.memref_slice %arg4[%dma_start3A_240, %dma_start3A_241] : memref<100000x16xf32, #tpu.memory_space<hbm>> -> memref<100000x16xf32, #tpu.memory_space<hbm>>
    tpu.enqueue_indirect_dma source(%dma_start3A_242 : memref<100000x16xf32, #tpu.memory_space<hbm>>) target(%dma_start3A_236 : memref<32x16xf32, #tpu.memory_space<vmem>>) offsets(%dma_start3A_239 : memref<32xi32, #tpu.memory_space<vmem>>) semaphore(%arg18 : memref<!tpu.dma_semaphore, #tpu.memory_space<semaphore_mem>>)
    %dma_start3A_243 = arith.constant 9 : i32
    %dma_start3A_244 = arith.constant 288 : i32
    %dma_start3A_245 = arith.constant 0 : i32
    %dma_start3A_246 = tpu.memref_slice %arg12[%dma_start3A_244, %dma_start3A_245] : memref<640x32xf32, #tpu.memory_space<vmem>> -> memref<32x32xf32, #tpu.memory_space<vmem>>
    %dma_start3A_247 = arith.constant 0 : i32
    %dma_start3A_248 = tpu.memref_slice %arg8[%dma_start3A_243, %dma_start3A_247] : memref<20x32xi32, #tpu.memory_space<vmem>> -> memref<1x32xi32, #tpu.memory_space<vmem>>
    %dma_start3A_249 = tpu.memref_squeeze %dma_start3A_248 : memref<1x32xi32, #tpu.memory_space<vmem>> -> memref<32xi32, #tpu.memory_space<vmem>>
    %dma_start3A_250 = arith.constant 0 : i32
    %dma_start3A_251 = arith.constant 0 : i32
    %dma_start3A_252 = tpu.memref_slice %arg5[%dma_start3A_250, %dma_start3A_251] : memref<100000x32xf32, #tpu.memory_space<hbm>> -> memref<100000x32xf32, #tpu.memory_space<hbm>>
    tpu.enqueue_indirect_dma source(%dma_start3A_252 : memref<100000x32xf32, #tpu.memory_space<hbm>>) target(%dma_start3A_246 : memref<32x32xf32, #tpu.memory_space<vmem>>) offsets(%dma_start3A_249 : memref<32xi32, #tpu.memory_space<vmem>>) semaphore(%arg18 : memref<!tpu.dma_semaphore, #tpu.memory_space<semaphore_mem>>)
    %dma_start3A_253 = arith.constant 10 : i32
    %dma_start3A_254 = arith.constant 320 : i32
    %dma_start3A_255 = arith.constant 0 : i32
    %dma_start3A_256 = tpu.memref_slice %arg10[%dma_start3A_254, %dma_start3A_255] : memref<640x16xf32, #tpu.memory_space<vmem>> -> memref<32x16xf32, #tpu.memory_space<vmem>>
    %dma_start3A_257 = arith.constant 0 : i32
    %dma_start3A_258 = tpu.memref_slice %arg8[%dma_start3A_253, %dma_start3A_257] : memref<20x32xi32, #tpu.memory_space<vmem>> -> memref<1x32xi32, #tpu.memory_space<vmem>>
    %dma_start3A_259 = tpu.memref_squeeze %dma_start3A_258 : memref<1x32xi32, #tpu.memory_space<vmem>> -> memref<32xi32, #tpu.memory_space<vmem>>
    %dma_start3A_260 = arith.constant 0 : i32
    %dma_start3A_261 = arith.constant 0 : i32
    %dma_start3A_262 = tpu.memref_slice %arg4[%dma_start3A_260, %dma_start3A_261] : memref<100000x16xf32, #tpu.memory_space<hbm>> -> memref<100000x16xf32, #tpu.memory_space<hbm>>
    tpu.enqueue_indirect_dma source(%dma_start3A_262 : memref<100000x16xf32, #tpu.memory_space<hbm>>) target(%dma_start3A_256 : memref<32x16xf32, #tpu.memory_space<vmem>>) offsets(%dma_start3A_259 : memref<32xi32, #tpu.memory_space<vmem>>) semaphore(%arg18 : memref<!tpu.dma_semaphore, #tpu.memory_space<semaphore_mem>>)
    %dma_start3A_263 = arith.constant 10 : i32
    %dma_start3A_264 = arith.constant 320 : i32
    %dma_start3A_265 = arith.constant 0 : i32
    %dma_start3A_266 = tpu.memref_slice %arg12[%dma_start3A_264, %dma_start3A_265] : memref<640x32xf32, #tpu.memory_space<vmem>> -> memref<32x32xf32, #tpu.memory_space<vmem>>
    %dma_start3A_267 = arith.constant 0 : i32
    %dma_start3A_268 = tpu.memref_slice %arg8[%dma_start3A_263, %dma_start3A_267] : memref<20x32xi32, #tpu.memory_space<vmem>> -> memref<1x32xi32, #tpu.memory_space<vmem>>
    %dma_start3A_269 = tpu.memref_squeeze %dma_start3A_268 : memref<1x32xi32, #tpu.memory_space<vmem>> -> memref<32xi32, #tpu.memory_space<vmem>>
    %dma_start3A_270 = arith.constant 0 : i32
    %dma_start3A_271 = arith.constant 0 : i32
    %dma_start3A_272 = tpu.memref_slice %arg5[%dma_start3A_270, %dma_start3A_271] : memref<100000x32xf32, #tpu.memory_space<hbm>> -> memref<100000x32xf32, #tpu.memory_space<hbm>>
    tpu.enqueue_indirect_dma source(%dma_start3A_272 : memref<100000x32xf32, #tpu.memory_space<hbm>>) target(%dma_start3A_266 : memref<32x32xf32, #tpu.memory_space<vmem>>) offsets(%dma_start3A_269 : memref<32xi32, #tpu.memory_space<vmem>>) semaphore(%arg18 : memref<!tpu.dma_semaphore, #tpu.memory_space<semaphore_mem>>)
    %dma_start3A_273 = arith.constant 11 : i32
    %dma_start3A_274 = arith.constant 352 : i32
    %dma_start3A_275 = arith.constant 0 : i32
    %dma_start3A_276 = tpu.memref_slice %arg10[%dma_start3A_274, %dma_start3A_275] : memref<640x16xf32, #tpu.memory_space<vmem>> -> memref<32x16xf32, #tpu.memory_space<vmem>>
    %dma_start3A_277 = arith.constant 0 : i32
    %dma_start3A_278 = tpu.memref_slice %arg8[%dma_start3A_273, %dma_start3A_277] : memref<20x32xi32, #tpu.memory_space<vmem>> -> memref<1x32xi32, #tpu.memory_space<vmem>>
    %dma_start3A_279 = tpu.memref_squeeze %dma_start3A_278 : memref<1x32xi32, #tpu.memory_space<vmem>> -> memref<32xi32, #tpu.memory_space<vmem>>
    %dma_start3A_280 = arith.constant 0 : i32
    %dma_start3A_281 = arith.constant 0 : i32
    %dma_start3A_282 = tpu.memref_slice %arg4[%dma_start3A_280, %dma_start3A_281] : memref<100000x16xf32, #tpu.memory_space<hbm>> -> memref<100000x16xf32, #tpu.memory_space<hbm>>
    tpu.enqueue_indirect_dma source(%dma_start3A_282 : memref<100000x16xf32, #tpu.memory_space<hbm>>) target(%dma_start3A_276 : memref<32x16xf32, #tpu.memory_space<vmem>>) offsets(%dma_start3A_279 : memref<32xi32, #tpu.memory_space<vmem>>) semaphore(%arg18 : memref<!tpu.dma_semaphore, #tpu.memory_space<semaphore_mem>>)
    %dma_start3A_283 = arith.constant 11 : i32
    %dma_start3A_284 = arith.constant 352 : i32
    %dma_start3A_285 = arith.constant 0 : i32
    %dma_start3A_286 = tpu.memref_slice %arg12[%dma_start3A_284, %dma_start3A_285] : memref<640x32xf32, #tpu.memory_space<vmem>> -> memref<32x32xf32, #tpu.memory_space<vmem>>
    %dma_start3A_287 = arith.constant 0 : i32
    %dma_start3A_288 = tpu.memref_slice %arg8[%dma_start3A_283, %dma_start3A_287] : memref<20x32xi32, #tpu.memory_space<vmem>> -> memref<1x32xi32, #tpu.memory_space<vmem>>
    %dma_start3A_289 = tpu.memref_squeeze %dma_start3A_288 : memref<1x32xi32, #tpu.memory_space<vmem>> -> memref<32xi32, #tpu.memory_space<vmem>>
    %dma_start3A_290 = arith.constant 0 : i32
    %dma_start3A_291 = arith.constant 0 : i32
    %dma_start3A_292 = tpu.memref_slice %arg5[%dma_start3A_290, %dma_start3A_291] : memref<100000x32xf32, #tpu.memory_space<hbm>> -> memref<100000x32xf32, #tpu.memory_space<hbm>>
    tpu.enqueue_indirect_dma source(%dma_start3A_292 : memref<100000x32xf32, #tpu.memory_space<hbm>>) target(%dma_start3A_286 : memref<32x32xf32, #tpu.memory_space<vmem>>) offsets(%dma_start3A_289 : memref<32xi32, #tpu.memory_space<vmem>>) semaphore(%arg18 : memref<!tpu.dma_semaphore, #tpu.memory_space<semaphore_mem>>)
    %dma_start3A_293 = arith.constant 12 : i32
    %dma_start3A_294 = arith.constant 384 : i32
    %dma_start3A_295 = arith.constant 0 : i32
    %dma_start3A_296 = tpu.memref_slice %arg10[%dma_start3A_294, %dma_start3A_295] : memref<640x16xf32, #tpu.memory_space<vmem>> -> memref<32x16xf32, #tpu.memory_space<vmem>>
    %dma_start3A_297 = arith.constant 0 : i32
    %dma_start3A_298 = tpu.memref_slice %arg8[%dma_start3A_293, %dma_start3A_297] : memref<20x32xi32, #tpu.memory_space<vmem>> -> memref<1x32xi32, #tpu.memory_space<vmem>>
    %dma_start3A_299 = tpu.memref_squeeze %dma_start3A_298 : memref<1x32xi32, #tpu.memory_space<vmem>> -> memref<32xi32, #tpu.memory_space<vmem>>
    %dma_start3A_300 = arith.constant 0 : i32
    %dma_start3A_301 = arith.constant 0 : i32
    %dma_start3A_302 = tpu.memref_slice %arg4[%dma_start3A_300, %dma_start3A_301] : memref<100000x16xf32, #tpu.memory_space<hbm>> -> memref<100000x16xf32, #tpu.memory_space<hbm>>
    tpu.enqueue_indirect_dma source(%dma_start3A_302 : memref<100000x16xf32, #tpu.memory_space<hbm>>) target(%dma_start3A_296 : memref<32x16xf32, #tpu.memory_space<vmem>>) offsets(%dma_start3A_299 : memref<32xi32, #tpu.memory_space<vmem>>) semaphore(%arg18 : memref<!tpu.dma_semaphore, #tpu.memory_space<semaphore_mem>>)
    %dma_start3A_303 = arith.constant 12 : i32
    %dma_start3A_304 = arith.constant 384 : i32
    %dma_start3A_305 = arith.constant 0 : i32
    %dma_start3A_306 = tpu.memref_slice %arg12[%dma_start3A_304, %dma_start3A_305] : memref<640x32xf32, #tpu.memory_space<vmem>> -> memref<32x32xf32, #tpu.memory_space<vmem>>
    %dma_start3A_307 = arith.constant 0 : i32
    %dma_start3A_308 = tpu.memref_slice %arg8[%dma_start3A_303, %dma_start3A_307] : memref<20x32xi32, #tpu.memory_space<vmem>> -> memref<1x32xi32, #tpu.memory_space<vmem>>
    %dma_start3A_309 = tpu.memref_squeeze %dma_start3A_308 : memref<1x32xi32, #tpu.memory_space<vmem>> -> memref<32xi32, #tpu.memory_space<vmem>>
    %dma_start3A_310 = arith.constant 0 : i32
    %dma_start3A_311 = arith.constant 0 : i32
    %dma_start3A_312 = tpu.memref_slice %arg5[%dma_start3A_310, %dma_start3A_311] : memref<100000x32xf32, #tpu.memory_space<hbm>> -> memref<100000x32xf32, #tpu.memory_space<hbm>>
    tpu.enqueue_indirect_dma source(%dma_start3A_312 : memref<100000x32xf32, #tpu.memory_space<hbm>>) target(%dma_start3A_306 : memref<32x32xf32, #tpu.memory_space<vmem>>) offsets(%dma_start3A_309 : memref<32xi32, #tpu.memory_space<vmem>>) semaphore(%arg18 : memref<!tpu.dma_semaphore, #tpu.memory_space<semaphore_mem>>)
    %dma_start3A_313 = arith.constant 13 : i32
    %dma_start3A_314 = arith.constant 416 : i32
    %dma_start3A_315 = arith.constant 0 : i32
    %dma_start3A_316 = tpu.memref_slice %arg10[%dma_start3A_314, %dma_start3A_315] : memref<640x16xf32, #tpu.memory_space<vmem>> -> memref<32x16xf32, #tpu.memory_space<vmem>>
    %dma_start3A_317 = arith.constant 0 : i32
    %dma_start3A_318 = tpu.memref_slice %arg8[%dma_start3A_313, %dma_start3A_317] : memref<20x32xi32, #tpu.memory_space<vmem>> -> memref<1x32xi32, #tpu.memory_space<vmem>>
    %dma_start3A_319 = tpu.memref_squeeze %dma_start3A_318 : memref<1x32xi32, #tpu.memory_space<vmem>> -> memref<32xi32, #tpu.memory_space<vmem>>
    %dma_start3A_320 = arith.constant 0 : i32
    %dma_start3A_321 = arith.constant 0 : i32
    %dma_start3A_322 = tpu.memref_slice %arg4[%dma_start3A_320, %dma_start3A_321] : memref<100000x16xf32, #tpu.memory_space<hbm>> -> memref<100000x16xf32, #tpu.memory_space<hbm>>
    tpu.enqueue_indirect_dma source(%dma_start3A_322 : memref<100000x16xf32, #tpu.memory_space<hbm>>) target(%dma_start3A_316 : memref<32x16xf32, #tpu.memory_space<vmem>>) offsets(%dma_start3A_319 : memref<32xi32, #tpu.memory_space<vmem>>) semaphore(%arg18 : memref<!tpu.dma_semaphore, #tpu.memory_space<semaphore_mem>>)
    %dma_start3A_323 = arith.constant 13 : i32
    %dma_start3A_324 = arith.constant 416 : i32
    %dma_start3A_325 = arith.constant 0 : i32
    %dma_start3A_326 = tpu.memref_slice %arg12[%dma_start3A_324, %dma_start3A_325] : memref<640x32xf32, #tpu.memory_space<vmem>> -> memref<32x32xf32, #tpu.memory_space<vmem>>
    %dma_start3A_327 = arith.constant 0 : i32
    %dma_start3A_328 = tpu.memref_slice %arg8[%dma_start3A_323, %dma_start3A_327] : memref<20x32xi32, #tpu.memory_space<vmem>> -> memref<1x32xi32, #tpu.memory_space<vmem>>
    %dma_start3A_329 = tpu.memref_squeeze %dma_start3A_328 : memref<1x32xi32, #tpu.memory_space<vmem>> -> memref<32xi32, #tpu.memory_space<vmem>>
    %dma_start3A_330 = arith.constant 0 : i32
    %dma_start3A_331 = arith.constant 0 : i32
    %dma_start3A_332 = tpu.memref_slice %arg5[%dma_start3A_330, %dma_start3A_331] : memref<100000x32xf32, #tpu.memory_space<hbm>> -> memref<100000x32xf32, #tpu.memory_space<hbm>>
    tpu.enqueue_indirect_dma source(%dma_start3A_332 : memref<100000x32xf32, #tpu.memory_space<hbm>>) target(%dma_start3A_326 : memref<32x32xf32, #tpu.memory_space<vmem>>) offsets(%dma_start3A_329 : memref<32xi32, #tpu.memory_space<vmem>>) semaphore(%arg18 : memref<!tpu.dma_semaphore, #tpu.memory_space<semaphore_mem>>)
    %dma_start3A_333 = arith.constant 14 : i32
    %dma_start3A_334 = arith.constant 448 : i32
    %dma_start3A_335 = arith.constant 0 : i32
    %dma_start3A_336 = tpu.memref_slice %arg10[%dma_start3A_334, %dma_start3A_335] : memref<640x16xf32, #tpu.memory_space<vmem>> -> memref<32x16xf32, #tpu.memory_space<vmem>>
    %dma_start3A_337 = arith.constant 0 : i32
    %dma_start3A_338 = tpu.memref_slice %arg8[%dma_start3A_333, %dma_start3A_337] : memref<20x32xi32, #tpu.memory_space<vmem>> -> memref<1x32xi32, #tpu.memory_space<vmem>>
    %dma_start3A_339 = tpu.memref_squeeze %dma_start3A_338 : memref<1x32xi32, #tpu.memory_space<vmem>> -> memref<32xi32, #tpu.memory_space<vmem>>
    %dma_start3A_340 = arith.constant 0 : i32
    %dma_start3A_341 = arith.constant 0 : i32
    %dma_start3A_342 = tpu.memref_slice %arg4[%dma_start3A_340, %dma_start3A_341] : memref<100000x16xf32, #tpu.memory_space<hbm>> -> memref<100000x16xf32, #tpu.memory_space<hbm>>
    tpu.enqueue_indirect_dma source(%dma_start3A_342 : memref<100000x16xf32, #tpu.memory_space<hbm>>) target(%dma_start3A_336 : memref<32x16xf32, #tpu.memory_space<vmem>>) offsets(%dma_start3A_339 : memref<32xi32, #tpu.memory_space<vmem>>) semaphore(%arg18 : memref<!tpu.dma_semaphore, #tpu.memory_space<semaphore_mem>>)
    %dma_start3A_343 = arith.constant 14 : i32
    %dma_start3A_344 = arith.constant 448 : i32
    %dma_start3A_345 = arith.constant 0 : i32
    %dma_start3A_346 = tpu.memref_slice %arg12[%dma_start3A_344, %dma_start3A_345] : memref<640x32xf32, #tpu.memory_space<vmem>> -> memref<32x32xf32, #tpu.memory_space<vmem>>
    %dma_start3A_347 = arith.constant 0 : i32
    %dma_start3A_348 = tpu.memref_slice %arg8[%dma_start3A_343, %dma_start3A_347] : memref<20x32xi32, #tpu.memory_space<vmem>> -> memref<1x32xi32, #tpu.memory_space<vmem>>
    %dma_start3A_349 = tpu.memref_squeeze %dma_start3A_348 : memref<1x32xi32, #tpu.memory_space<vmem>> -> memref<32xi32, #tpu.memory_space<vmem>>
    %dma_start3A_350 = arith.constant 0 : i32
    %dma_start3A_351 = arith.constant 0 : i32
    %dma_start3A_352 = tpu.memref_slice %arg5[%dma_start3A_350, %dma_start3A_351] : memref<100000x32xf32, #tpu.memory_space<hbm>> -> memref<100000x32xf32, #tpu.memory_space<hbm>>
    tpu.enqueue_indirect_dma source(%dma_start3A_352 : memref<100000x32xf32, #tpu.memory_space<hbm>>) target(%dma_start3A_346 : memref<32x32xf32, #tpu.memory_space<vmem>>) offsets(%dma_start3A_349 : memref<32xi32, #tpu.memory_space<vmem>>) semaphore(%arg18 : memref<!tpu.dma_semaphore, #tpu.memory_space<semaphore_mem>>)
    %dma_start3A_353 = arith.constant 15 : i32
    %dma_start3A_354 = arith.constant 480 : i32
    %dma_start3A_355 = arith.constant 0 : i32
    %dma_start3A_356 = tpu.memref_slice %arg10[%dma_start3A_354, %dma_start3A_355] : memref<640x16xf32, #tpu.memory_space<vmem>> -> memref<32x16xf32, #tpu.memory_space<vmem>>
    %dma_start3A_357 = arith.constant 0 : i32
    %dma_start3A_358 = tpu.memref_slice %arg8[%dma_start3A_353, %dma_start3A_357] : memref<20x32xi32, #tpu.memory_space<vmem>> -> memref<1x32xi32, #tpu.memory_space<vmem>>
    %dma_start3A_359 = tpu.memref_squeeze %dma_start3A_358 : memref<1x32xi32, #tpu.memory_space<vmem>> -> memref<32xi32, #tpu.memory_space<vmem>>
    %dma_start3A_360 = arith.constant 0 : i32
    %dma_start3A_361 = arith.constant 0 : i32
    %dma_start3A_362 = tpu.memref_slice %arg4[%dma_start3A_360, %dma_start3A_361] : memref<100000x16xf32, #tpu.memory_space<hbm>> -> memref<100000x16xf32, #tpu.memory_space<hbm>>
    tpu.enqueue_indirect_dma source(%dma_start3A_362 : memref<100000x16xf32, #tpu.memory_space<hbm>>) target(%dma_start3A_356 : memref<32x16xf32, #tpu.memory_space<vmem>>) offsets(%dma_start3A_359 : memref<32xi32, #tpu.memory_space<vmem>>) semaphore(%arg18 : memref<!tpu.dma_semaphore, #tpu.memory_space<semaphore_mem>>)
    %dma_start3A_363 = arith.constant 15 : i32
    %dma_start3A_364 = arith.constant 480 : i32
    %dma_start3A_365 = arith.constant 0 : i32
    %dma_start3A_366 = tpu.memref_slice %arg12[%dma_start3A_364, %dma_start3A_365] : memref<640x32xf32, #tpu.memory_space<vmem>> -> memref<32x32xf32, #tpu.memory_space<vmem>>
    %dma_start3A_367 = arith.constant 0 : i32
    %dma_start3A_368 = tpu.memref_slice %arg8[%dma_start3A_363, %dma_start3A_367] : memref<20x32xi32, #tpu.memory_space<vmem>> -> memref<1x32xi32, #tpu.memory_space<vmem>>
    %dma_start3A_369 = tpu.memref_squeeze %dma_start3A_368 : memref<1x32xi32, #tpu.memory_space<vmem>> -> memref<32xi32, #tpu.memory_space<vmem>>
    %dma_start3A_370 = arith.constant 0 : i32
    %dma_start3A_371 = arith.constant 0 : i32
    %dma_start3A_372 = tpu.memref_slice %arg5[%dma_start3A_370, %dma_start3A_371] : memref<100000x32xf32, #tpu.memory_space<hbm>> -> memref<100000x32xf32, #tpu.memory_space<hbm>>
    tpu.enqueue_indirect_dma source(%dma_start3A_372 : memref<100000x32xf32, #tpu.memory_space<hbm>>) target(%dma_start3A_366 : memref<32x32xf32, #tpu.memory_space<vmem>>) offsets(%dma_start3A_369 : memref<32xi32, #tpu.memory_space<vmem>>) semaphore(%arg18 : memref<!tpu.dma_semaphore, #tpu.memory_space<semaphore_mem>>)
    %dma_start3A_373 = arith.constant 16 : i32
    %dma_start3A_374 = arith.constant 512 : i32
    %dma_start3A_375 = arith.constant 0 : i32
    %dma_start3A_376 = tpu.memref_slice %arg10[%dma_start3A_374, %dma_start3A_375] : memref<640x16xf32, #tpu.memory_space<vmem>> -> memref<32x16xf32, #tpu.memory_space<vmem>>
    %dma_start3A_377 = arith.constant 0 : i32
    %dma_start3A_378 = tpu.memref_slice %arg8[%dma_start3A_373, %dma_start3A_377] : memref<20x32xi32, #tpu.memory_space<vmem>> -> memref<1x32xi32, #tpu.memory_space<vmem>>
    %dma_start3A_379 = tpu.memref_squeeze %dma_start3A_378 : memref<1x32xi32, #tpu.memory_space<vmem>> -> memref<32xi32, #tpu.memory_space<vmem>>
    %dma_start3A_380 = arith.constant 0 : i32
    %dma_start3A_381 = arith.constant 0 : i32
    %dma_start3A_382 = tpu.memref_slice %arg4[%dma_start3A_380, %dma_start3A_381] : memref<100000x16xf32, #tpu.memory_space<hbm>> -> memref<100000x16xf32, #tpu.memory_space<hbm>>
    tpu.enqueue_indirect_dma source(%dma_start3A_382 : memref<100000x16xf32, #tpu.memory_space<hbm>>) target(%dma_start3A_376 : memref<32x16xf32, #tpu.memory_space<vmem>>) offsets(%dma_start3A_379 : memref<32xi32, #tpu.memory_space<vmem>>) semaphore(%arg18 : memref<!tpu.dma_semaphore, #tpu.memory_space<semaphore_mem>>)
    %dma_start3A_383 = arith.constant 16 : i32
    %dma_start3A_384 = arith.constant 512 : i32
    %dma_start3A_385 = arith.constant 0 : i32
    %dma_start3A_386 = tpu.memref_slice %arg12[%dma_start3A_384, %dma_start3A_385] : memref<640x32xf32, #tpu.memory_space<vmem>> -> memref<32x32xf32, #tpu.memory_space<vmem>>
    %dma_start3A_387 = arith.constant 0 : i32
    %dma_start3A_388 = tpu.memref_slice %arg8[%dma_start3A_383, %dma_start3A_387] : memref<20x32xi32, #tpu.memory_space<vmem>> -> memref<1x32xi32, #tpu.memory_space<vmem>>
    %dma_start3A_389 = tpu.memref_squeeze %dma_start3A_388 : memref<1x32xi32, #tpu.memory_space<vmem>> -> memref<32xi32, #tpu.memory_space<vmem>>
    %dma_start3A_390 = arith.constant 0 : i32
    %dma_start3A_391 = arith.constant 0 : i32
    %dma_start3A_392 = tpu.memref_slice %arg5[%dma_start3A_390, %dma_start3A_391] : memref<100000x32xf32, #tpu.memory_space<hbm>> -> memref<100000x32xf32, #tpu.memory_space<hbm>>
    tpu.enqueue_indirect_dma source(%dma_start3A_392 : memref<100000x32xf32, #tpu.memory_space<hbm>>) target(%dma_start3A_386 : memref<32x32xf32, #tpu.memory_space<vmem>>) offsets(%dma_start3A_389 : memref<32xi32, #tpu.memory_space<vmem>>) semaphore(%arg18 : memref<!tpu.dma_semaphore, #tpu.memory_space<semaphore_mem>>)
    %dma_start3A_393 = arith.constant 17 : i32
    %dma_start3A_394 = arith.constant 544 : i32
    %dma_start3A_395 = arith.constant 0 : i32
    %dma_start3A_396 = tpu.memref_slice %arg10[%dma_start3A_394, %dma_start3A_395] : memref<640x16xf32, #tpu.memory_space<vmem>> -> memref<32x16xf32, #tpu.memory_space<vmem>>
    %dma_start3A_397 = arith.constant 0 : i32
    %dma_start3A_398 = tpu.memref_slice %arg8[%dma_start3A_393, %dma_start3A_397] : memref<20x32xi32, #tpu.memory_space<vmem>> -> memref<1x32xi32, #tpu.memory_space<vmem>>
    %dma_start3A_399 = tpu.memref_squeeze %dma_start3A_398 : memref<1x32xi32, #tpu.memory_space<vmem>> -> memref<32xi32, #tpu.memory_space<vmem>>
    %dma_start3A_400 = arith.constant 0 : i32
    %dma_start3A_401 = arith.constant 0 : i32
    %dma_start3A_402 = tpu.memref_slice %arg4[%dma_start3A_400, %dma_start3A_401] : memref<100000x16xf32, #tpu.memory_space<hbm>> -> memref<100000x16xf32, #tpu.memory_space<hbm>>
    tpu.enqueue_indirect_dma source(%dma_start3A_402 : memref<100000x16xf32, #tpu.memory_space<hbm>>) target(%dma_start3A_396 : memref<32x16xf32, #tpu.memory_space<vmem>>) offsets(%dma_start3A_399 : memref<32xi32, #tpu.memory_space<vmem>>) semaphore(%arg18 : memref<!tpu.dma_semaphore, #tpu.memory_space<semaphore_mem>>)
    %dma_start3A_403 = arith.constant 17 : i32
    %dma_start3A_404 = arith.constant 544 : i32
    %dma_start3A_405 = arith.constant 0 : i32
    %dma_start3A_406 = tpu.memref_slice %arg12[%dma_start3A_404, %dma_start3A_405] : memref<640x32xf32, #tpu.memory_space<vmem>> -> memref<32x32xf32, #tpu.memory_space<vmem>>
    %dma_start3A_407 = arith.constant 0 : i32
    %dma_start3A_408 = tpu.memref_slice %arg8[%dma_start3A_403, %dma_start3A_407] : memref<20x32xi32, #tpu.memory_space<vmem>> -> memref<1x32xi32, #tpu.memory_space<vmem>>
    %dma_start3A_409 = tpu.memref_squeeze %dma_start3A_408 : memref<1x32xi32, #tpu.memory_space<vmem>> -> memref<32xi32, #tpu.memory_space<vmem>>
    %dma_start3A_410 = arith.constant 0 : i32
    %dma_start3A_411 = arith.constant 0 : i32
    %dma_start3A_412 = tpu.memref_slice %arg5[%dma_start3A_410, %dma_start3A_411] : memref<100000x32xf32, #tpu.memory_space<hbm>> -> memref<100000x32xf32, #tpu.memory_space<hbm>>
    tpu.enqueue_indirect_dma source(%dma_start3A_412 : memref<100000x32xf32, #tpu.memory_space<hbm>>) target(%dma_start3A_406 : memref<32x32xf32, #tpu.memory_space<vmem>>) offsets(%dma_start3A_409 : memref<32xi32, #tpu.memory_space<vmem>>) semaphore(%arg18 : memref<!tpu.dma_semaphore, #tpu.memory_space<semaphore_mem>>)
    %dma_start3A_413 = arith.constant 18 : i32
    %dma_start3A_414 = arith.constant 576 : i32
    %dma_start3A_415 = arith.constant 0 : i32
    %dma_start3A_416 = tpu.memref_slice %arg10[%dma_start3A_414, %dma_start3A_415] : memref<640x16xf32, #tpu.memory_space<vmem>> -> memref<32x16xf32, #tpu.memory_space<vmem>>
    %dma_start3A_417 = arith.constant 0 : i32
    %dma_start3A_418 = tpu.memref_slice %arg8[%dma_start3A_413, %dma_start3A_417] : memref<20x32xi32, #tpu.memory_space<vmem>> -> memref<1x32xi32, #tpu.memory_space<vmem>>
    %dma_start3A_419 = tpu.memref_squeeze %dma_start3A_418 : memref<1x32xi32, #tpu.memory_space<vmem>> -> memref<32xi32, #tpu.memory_space<vmem>>
    %dma_start3A_420 = arith.constant 0 : i32
    %dma_start3A_421 = arith.constant 0 : i32
    %dma_start3A_422 = tpu.memref_slice %arg4[%dma_start3A_420, %dma_start3A_421] : memref<100000x16xf32, #tpu.memory_space<hbm>> -> memref<100000x16xf32, #tpu.memory_space<hbm>>
    tpu.enqueue_indirect_dma source(%dma_start3A_422 : memref<100000x16xf32, #tpu.memory_space<hbm>>) target(%dma_start3A_416 : memref<32x16xf32, #tpu.memory_space<vmem>>) offsets(%dma_start3A_419 : memref<32xi32, #tpu.memory_space<vmem>>) semaphore(%arg18 : memref<!tpu.dma_semaphore, #tpu.memory_space<semaphore_mem>>)
    %dma_start3A_423 = arith.constant 18 : i32
    %dma_start3A_424 = arith.constant 576 : i32
    %dma_start3A_425 = arith.constant 0 : i32
    %dma_start3A_426 = tpu.memref_slice %arg12[%dma_start3A_424, %dma_start3A_425] : memref<640x32xf32, #tpu.memory_space<vmem>> -> memref<32x32xf32, #tpu.memory_space<vmem>>
    %dma_start3A_427 = arith.constant 0 : i32
    %dma_start3A_428 = tpu.memref_slice %arg8[%dma_start3A_423, %dma_start3A_427] : memref<20x32xi32, #tpu.memory_space<vmem>> -> memref<1x32xi32, #tpu.memory_space<vmem>>
    %dma_start3A_429 = tpu.memref_squeeze %dma_start3A_428 : memref<1x32xi32, #tpu.memory_space<vmem>> -> memref<32xi32, #tpu.memory_space<vmem>>
    %dma_start3A_430 = arith.constant 0 : i32
    %dma_start3A_431 = arith.constant 0 : i32
    %dma_start3A_432 = tpu.memref_slice %arg5[%dma_start3A_430, %dma_start3A_431] : memref<100000x32xf32, #tpu.memory_space<hbm>> -> memref<100000x32xf32, #tpu.memory_space<hbm>>
    tpu.enqueue_indirect_dma source(%dma_start3A_432 : memref<100000x32xf32, #tpu.memory_space<hbm>>) target(%dma_start3A_426 : memref<32x32xf32, #tpu.memory_space<vmem>>) offsets(%dma_start3A_429 : memref<32xi32, #tpu.memory_space<vmem>>) semaphore(%arg18 : memref<!tpu.dma_semaphore, #tpu.memory_space<semaphore_mem>>)
    %dma_start3A_433 = arith.constant 19 : i32
    %dma_start3A_434 = arith.constant 608 : i32
    %dma_start3A_435 = arith.constant 0 : i32
    %dma_start3A_436 = tpu.memref_slice %arg10[%dma_start3A_434, %dma_start3A_435] : memref<640x16xf32, #tpu.memory_space<vmem>> -> memref<32x16xf32, #tpu.memory_space<vmem>>
    %dma_start3A_437 = arith.constant 0 : i32
    %dma_start3A_438 = tpu.memref_slice %arg8[%dma_start3A_433, %dma_start3A_437] : memref<20x32xi32, #tpu.memory_space<vmem>> -> memref<1x32xi32, #tpu.memory_space<vmem>>
    %dma_start3A_439 = tpu.memref_squeeze %dma_start3A_438 : memref<1x32xi32, #tpu.memory_space<vmem>> -> memref<32xi32, #tpu.memory_space<vmem>>
    %dma_start3A_440 = arith.constant 0 : i32
    %dma_start3A_441 = arith.constant 0 : i32
    %dma_start3A_442 = tpu.memref_slice %arg4[%dma_start3A_440, %dma_start3A_441] : memref<100000x16xf32, #tpu.memory_space<hbm>> -> memref<100000x16xf32, #tpu.memory_space<hbm>>
    tpu.enqueue_indirect_dma source(%dma_start3A_442 : memref<100000x16xf32, #tpu.memory_space<hbm>>) target(%dma_start3A_436 : memref<32x16xf32, #tpu.memory_space<vmem>>) offsets(%dma_start3A_439 : memref<32xi32, #tpu.memory_space<vmem>>) semaphore(%arg18 : memref<!tpu.dma_semaphore, #tpu.memory_space<semaphore_mem>>)
    %dma_start3A_443 = arith.constant 19 : i32
    %dma_start3A_444 = arith.constant 608 : i32
    %dma_start3A_445 = arith.constant 0 : i32
    %dma_start3A_446 = tpu.memref_slice %arg12[%dma_start3A_444, %dma_start3A_445] : memref<640x32xf32, #tpu.memory_space<vmem>> -> memref<32x32xf32, #tpu.memory_space<vmem>>
    %dma_start3A_447 = arith.constant 0 : i32
    %dma_start3A_448 = tpu.memref_slice %arg8[%dma_start3A_443, %dma_start3A_447] : memref<20x32xi32, #tpu.memory_space<vmem>> -> memref<1x32xi32, #tpu.memory_space<vmem>>
    %dma_start3A_449 = tpu.memref_squeeze %dma_start3A_448 : memref<1x32xi32, #tpu.memory_space<vmem>> -> memref<32xi32, #tpu.memory_space<vmem>>
    %dma_start3A_450 = arith.constant 0 : i32
    %dma_start3A_451 = arith.constant 0 : i32
    %dma_start3A_452 = tpu.memref_slice %arg5[%dma_start3A_450, %dma_start3A_451] : memref<100000x32xf32, #tpu.memory_space<hbm>> -> memref<100000x32xf32, #tpu.memory_space<hbm>>
    tpu.enqueue_indirect_dma source(%dma_start3A_452 : memref<100000x32xf32, #tpu.memory_space<hbm>>) target(%dma_start3A_446 : memref<32x32xf32, #tpu.memory_space<vmem>>) offsets(%dma_start3A_449 : memref<32xi32, #tpu.memory_space<vmem>>) semaphore(%arg18 : memref<!tpu.dma_semaphore, #tpu.memory_space<semaphore_mem>>)
    %dma_wait3A_453 = arith.constant 0 : i32
    %dma_wait3A_454 = arith.constant 0 : i32
    %dma_wait3A_455 = tpu.memref_slice %arg17[%dma_wait3A_453, %dma_wait3A_454] : memref<512x16xf32, #tpu.memory_space<vmem>> -> memref<128x16xf32, #tpu.memory_space<vmem>>
    %dma_wait3A_456 = arith.constant 0 : i32
    %dma_wait3A_457 = tpu.memref_slice %arg16[%dma_wait3A_456] : memref<512xi32, #tpu.memory_space<vmem>> -> memref<128xi32, #tpu.memory_space<vmem>>
    %dma_wait3A_458 = arith.constant 0 : i32
    %dma_wait3A_459 = arith.constant 0 : i32
    %dma_wait3A_460 = tpu.memref_slice %arg6[%dma_wait3A_458, %dma_wait3A_459] : memref<1000x16xf32, #tpu.memory_space<hbm>> -> memref<1000x16xf32, #tpu.memory_space<hbm>>
    tpu.wait_indirect_dma semaphore(%arg24 : memref<!tpu.dma_semaphore, #tpu.memory_space<semaphore_mem>>) src(%dma_wait3A_460 : memref<1000x16xf32, #tpu.memory_space<hbm>>) dst(%dma_wait3A_455 : memref<128x16xf32, #tpu.memory_space<vmem>>)
    %dma_wait3A_461 = arith.constant 128 : i32
    %dma_wait3A_462 = arith.constant 0 : i32
    %dma_wait3A_463 = tpu.memref_slice %arg17[%dma_wait3A_461, %dma_wait3A_462] : memref<512x16xf32, #tpu.memory_space<vmem>> -> memref<128x16xf32, #tpu.memory_space<vmem>>
    %dma_wait3A_464 = arith.constant 128 : i32
    %dma_wait3A_465 = tpu.memref_slice %arg16[%dma_wait3A_464] : memref<512xi32, #tpu.memory_space<vmem>> -> memref<128xi32, #tpu.memory_space<vmem>>
    %dma_wait3A_466 = arith.constant 0 : i32
    %dma_wait3A_467 = arith.constant 0 : i32
    %dma_wait3A_468 = tpu.memref_slice %arg6[%dma_wait3A_466, %dma_wait3A_467] : memref<1000x16xf32, #tpu.memory_space<hbm>> -> memref<1000x16xf32, #tpu.memory_space<hbm>>
    tpu.wait_indirect_dma semaphore(%arg24 : memref<!tpu.dma_semaphore, #tpu.memory_space<semaphore_mem>>) src(%dma_wait3A_468 : memref<1000x16xf32, #tpu.memory_space<hbm>>) dst(%dma_wait3A_463 : memref<128x16xf32, #tpu.memory_space<vmem>>)
    %dma_wait3A_469 = arith.constant 256 : i32
    %dma_wait3A_470 = arith.constant 0 : i32
    %dma_wait3A_471 = tpu.memref_slice %arg17[%dma_wait3A_469, %dma_wait3A_470] : memref<512x16xf32, #tpu.memory_space<vmem>> -> memref<128x16xf32, #tpu.memory_space<vmem>>
    %dma_wait3A_472 = arith.constant 256 : i32
    %dma_wait3A_473 = tpu.memref_slice %arg16[%dma_wait3A_472] : memref<512xi32, #tpu.memory_space<vmem>> -> memref<128xi32, #tpu.memory_space<vmem>>
    %dma_wait3A_474 = arith.constant 0 : i32
    %dma_wait3A_475 = arith.constant 0 : i32
    %dma_wait3A_476 = tpu.memref_slice %arg6[%dma_wait3A_474, %dma_wait3A_475] : memref<1000x16xf32, #tpu.memory_space<hbm>> -> memref<1000x16xf32, #tpu.memory_space<hbm>>
    tpu.wait_indirect_dma semaphore(%arg24 : memref<!tpu.dma_semaphore, #tpu.memory_space<semaphore_mem>>) src(%dma_wait3A_476 : memref<1000x16xf32, #tpu.memory_space<hbm>>) dst(%dma_wait3A_471 : memref<128x16xf32, #tpu.memory_space<vmem>>)
    %dma_wait3A_477 = arith.constant 384 : i32
    %dma_wait3A_478 = arith.constant 0 : i32
    %dma_wait3A_479 = tpu.memref_slice %arg17[%dma_wait3A_477, %dma_wait3A_478] : memref<512x16xf32, #tpu.memory_space<vmem>> -> memref<128x16xf32, #tpu.memory_space<vmem>>
    %dma_wait3A_480 = arith.constant 384 : i32
    %dma_wait3A_481 = tpu.memref_slice %arg16[%dma_wait3A_480] : memref<512xi32, #tpu.memory_space<vmem>> -> memref<128xi32, #tpu.memory_space<vmem>>
    %dma_wait3A_482 = arith.constant 0 : i32
    %dma_wait3A_483 = arith.constant 0 : i32
    %dma_wait3A_484 = tpu.memref_slice %arg6[%dma_wait3A_482, %dma_wait3A_483] : memref<1000x16xf32, #tpu.memory_space<hbm>> -> memref<1000x16xf32, #tpu.memory_space<hbm>>
    tpu.wait_indirect_dma semaphore(%arg24 : memref<!tpu.dma_semaphore, #tpu.memory_space<semaphore_mem>>) src(%dma_wait3A_484 : memref<1000x16xf32, #tpu.memory_space<hbm>>) dst(%dma_wait3A_479 : memref<128x16xf32, #tpu.memory_space<vmem>>)
    %scan3A_485 = arith.constant 0 : i32
    %scan3A_486 = arith.constant 0 : i32
    %scan3A_487 = arith.constant 8 : i32
    %scan3A_488 = arith.addi %scan3A_486, %scan3A_487 : i32
    %scan3A_489 = arith.constant 1 : i32
    scf.for %scan3A_499 = %scan3A_486 to %scan3A_488 step %scan3A_489  : i32 {
      %mul3A_500 = arith.constant 2 : i32
      %mul3A_501 = arith.muli %mul3A_500, %scan3A_499 : i32
      %mul3A_502 = arith.constant 32 : i32
      %mul3A_503 = arith.muli %mul3A_501, %mul3A_502 : i32
      %add3A_504 = arith.addi %mul3A_2, %mul3A_503 : i32
      %add3A_505 = arith.constant 32 : i32
      %add3A_506 = arith.addi %add3A_504, %add3A_505 : i32
      %lt3A = arith.constant 7 : i32
      %lt3A_507 = arith.cmpi slt, %scan3A_499, %lt3A : i32
      %dma_wait3A_508 = arith.constant 0 : i32
      %dma_wait3A_509 = tpu.memref_slice %arg2[%dma_wait3A_508, %add3A_506] : memref<20x16384xi32, #tpu.memory_space<hbm>> -> memref<20x32xi32, #tpu.memory_space<hbm>>
      %dma_wait3A_510 = arith.constant 0 : i32
      %dma_wait3A_511 = tpu.memref_slice %arg2[%dma_wait3A_510, %add3A_506] : memref<20x16384xi32, #tpu.memory_space<hbm>> -> memref<20x32xi32, #tpu.memory_space<hbm>>
      tpu.wait_dma2 semaphore(%arg21 : memref<!tpu.dma_semaphore, #tpu.memory_space<semaphore_mem>>) src(%dma_wait3A_511 : memref<20x32xi32, #tpu.memory_space<hbm>>) dst(%arg9 : memref<20x32xi32, #tpu.memory_space<vmem>>)
      %dma_wait3A_512 = arith.constant 0 : i32
      %dma_wait3A_513 = arith.constant 0 : i32
      %dma_wait3A_514 = arith.constant 0 : i32
      %dma_wait3A_515 = tpu.memref_slice %arg10[%dma_wait3A_513, %dma_wait3A_514] : memref<640x16xf32, #tpu.memory_space<vmem>> -> memref<32x16xf32, #tpu.memory_space<vmem>>
      %dma_wait3A_516 = arith.constant 0 : i32
      %dma_wait3A_517 = tpu.memref_slice %arg8[%dma_wait3A_512, %dma_wait3A_516] : memref<20x32xi32, #tpu.memory_space<vmem>> -> memref<1x32xi32, #tpu.memory_space<vmem>>
      %dma_wait3A_518 = tpu.memref_squeeze %dma_wait3A_517 : memref<1x32xi32, #tpu.memory_space<vmem>> -> memref<32xi32, #tpu.memory_space<vmem>>
      %dma_wait3A_519 = arith.constant 0 : i32
      %dma_wait3A_520 = arith.constant 0 : i32
      %dma_wait3A_521 = tpu.memref_slice %arg4[%dma_wait3A_519, %dma_wait3A_520] : memref<100000x16xf32, #tpu.memory_space<hbm>> -> memref<100000x16xf32, #tpu.memory_space<hbm>>
      tpu.wait_indirect_dma semaphore(%arg18 : memref<!tpu.dma_semaphore, #tpu.memory_space<semaphore_mem>>) src(%dma_wait3A_521 : memref<100000x16xf32, #tpu.memory_space<hbm>>) dst(%dma_wait3A_515 : memref<32x16xf32, #tpu.memory_space<vmem>>)
      %dma_wait3A_522 = arith.constant 0 : i32
      %dma_wait3A_523 = arith.constant 0 : i32
      %dma_wait3A_524 = arith.constant 0 : i32
      %dma_wait3A_525 = tpu.memref_slice %arg12[%dma_wait3A_523, %dma_wait3A_524] : memref<640x32xf32, #tpu.memory_space<vmem>> -> memref<32x32xf32, #tpu.memory_space<vmem>>
      %dma_wait3A_526 = arith.constant 0 : i32
      %dma_wait3A_527 = tpu.memref_slice %arg8[%dma_wait3A_522, %dma_wait3A_526] : memref<20x32xi32, #tpu.memory_space<vmem>> -> memref<1x32xi32, #tpu.memory_space<vmem>>
      %dma_wait3A_528 = tpu.memref_squeeze %dma_wait3A_527 : memref<1x32xi32, #tpu.memory_space<vmem>> -> memref<32xi32, #tpu.memory_space<vmem>>
      %dma_wait3A_529 = arith.constant 0 : i32
      %dma_wait3A_530 = arith.constant 0 : i32
      %dma_wait3A_531 = tpu.memref_slice %arg5[%dma_wait3A_529, %dma_wait3A_530] : memref<100000x32xf32, #tpu.memory_space<hbm>> -> memref<100000x32xf32, #tpu.memory_space<hbm>>
      tpu.wait_indirect_dma semaphore(%arg18 : memref<!tpu.dma_semaphore, #tpu.memory_space<semaphore_mem>>) src(%dma_wait3A_531 : memref<100000x32xf32, #tpu.memory_space<hbm>>) dst(%dma_wait3A_525 : memref<32x32xf32, #tpu.memory_space<vmem>>)
      %dma_wait3A_532 = arith.constant 1 : i32
      %dma_wait3A_533 = arith.constant 32 : i32
      %dma_wait3A_534 = arith.constant 0 : i32
      %dma_wait3A_535 = tpu.memref_slice %arg10[%dma_wait3A_533, %dma_wait3A_534] : memref<640x16xf32, #tpu.memory_space<vmem>> -> memref<32x16xf32, #tpu.memory_space<vmem>>
      %dma_wait3A_536 = arith.constant 0 : i32
      %dma_wait3A_537 = tpu.memref_slice %arg8[%dma_wait3A_532, %dma_wait3A_536] : memref<20x32xi32, #tpu.memory_space<vmem>> -> memref<1x32xi32, #tpu.memory_space<vmem>>
      %dma_wait3A_538 = tpu.memref_squeeze %dma_wait3A_537 : memref<1x32xi32, #tpu.memory_space<vmem>> -> memref<32xi32, #tpu.memory_space<vmem>>
      %dma_wait3A_539 = arith.constant 0 : i32
      %dma_wait3A_540 = arith.constant 0 : i32
      %dma_wait3A_541 = tpu.memref_slice %arg4[%dma_wait3A_539, %dma_wait3A_540] : memref<100000x16xf32, #tpu.memory_space<hbm>> -> memref<100000x16xf32, #tpu.memory_space<hbm>>
      tpu.wait_indirect_dma semaphore(%arg18 : memref<!tpu.dma_semaphore, #tpu.memory_space<semaphore_mem>>) src(%dma_wait3A_541 : memref<100000x16xf32, #tpu.memory_space<hbm>>) dst(%dma_wait3A_535 : memref<32x16xf32, #tpu.memory_space<vmem>>)
      %dma_wait3A_542 = arith.constant 1 : i32
      %dma_wait3A_543 = arith.constant 32 : i32
      %dma_wait3A_544 = arith.constant 0 : i32
      %dma_wait3A_545 = tpu.memref_slice %arg12[%dma_wait3A_543, %dma_wait3A_544] : memref<640x32xf32, #tpu.memory_space<vmem>> -> memref<32x32xf32, #tpu.memory_space<vmem>>
      %dma_wait3A_546 = arith.constant 0 : i32
      %dma_wait3A_547 = tpu.memref_slice %arg8[%dma_wait3A_542, %dma_wait3A_546] : memref<20x32xi32, #tpu.memory_space<vmem>> -> memref<1x32xi32, #tpu.memory_space<vmem>>
      %dma_wait3A_548 = tpu.memref_squeeze %dma_wait3A_547 : memref<1x32xi32, #tpu.memory_space<vmem>> -> memref<32xi32, #tpu.memory_space<vmem>>
      %dma_wait3A_549 = arith.constant 0 : i32
      %dma_wait3A_550 = arith.constant 0 : i32
      %dma_wait3A_551 = tpu.memref_slice %arg5[%dma_wait3A_549, %dma_wait3A_550] : memref<100000x32xf32, #tpu.memory_space<hbm>> -> memref<100000x32xf32, #tpu.memory_space<hbm>>
      tpu.wait_indirect_dma semaphore(%arg18 : memref<!tpu.dma_semaphore, #tpu.memory_space<semaphore_mem>>) src(%dma_wait3A_551 : memref<100000x32xf32, #tpu.memory_space<hbm>>) dst(%dma_wait3A_545 : memref<32x32xf32, #tpu.memory_space<vmem>>)
      %dma_wait3A_552 = arith.constant 2 : i32
      %dma_wait3A_553 = arith.constant 64 : i32
      %dma_wait3A_554 = arith.constant 0 : i32
      %dma_wait3A_555 = tpu.memref_slice %arg10[%dma_wait3A_553, %dma_wait3A_554] : memref<640x16xf32, #tpu.memory_space<vmem>> -> memref<32x16xf32, #tpu.memory_space<vmem>>
      %dma_wait3A_556 = arith.constant 0 : i32
      %dma_wait3A_557 = tpu.memref_slice %arg8[%dma_wait3A_552, %dma_wait3A_556] : memref<20x32xi32, #tpu.memory_space<vmem>> -> memref<1x32xi32, #tpu.memory_space<vmem>>
      %dma_wait3A_558 = tpu.memref_squeeze %dma_wait3A_557 : memref<1x32xi32, #tpu.memory_space<vmem>> -> memref<32xi32, #tpu.memory_space<vmem>>
      %dma_wait3A_559 = arith.constant 0 : i32
      %dma_wait3A_560 = arith.constant 0 : i32
      %dma_wait3A_561 = tpu.memref_slice %arg4[%dma_wait3A_559, %dma_wait3A_560] : memref<100000x16xf32, #tpu.memory_space<hbm>> -> memref<100000x16xf32, #tpu.memory_space<hbm>>
      tpu.wait_indirect_dma semaphore(%arg18 : memref<!tpu.dma_semaphore, #tpu.memory_space<semaphore_mem>>) src(%dma_wait3A_561 : memref<100000x16xf32, #tpu.memory_space<hbm>>) dst(%dma_wait3A_555 : memref<32x16xf32, #tpu.memory_space<vmem>>)
      %dma_wait3A_562 = arith.constant 2 : i32
      %dma_wait3A_563 = arith.constant 64 : i32
      %dma_wait3A_564 = arith.constant 0 : i32
      %dma_wait3A_565 = tpu.memref_slice %arg12[%dma_wait3A_563, %dma_wait3A_564] : memref<640x32xf32, #tpu.memory_space<vmem>> -> memref<32x32xf32, #tpu.memory_space<vmem>>
      %dma_wait3A_566 = arith.constant 0 : i32
      %dma_wait3A_567 = tpu.memref_slice %arg8[%dma_wait3A_562, %dma_wait3A_566] : memref<20x32xi32, #tpu.memory_space<vmem>> -> memref<1x32xi32, #tpu.memory_space<vmem>>
      %dma_wait3A_568 = tpu.memref_squeeze %dma_wait3A_567 : memref<1x32xi32, #tpu.memory_space<vmem>> -> memref<32xi32, #tpu.memory_space<vmem>>
      %dma_wait3A_569 = arith.constant 0 : i32
      %dma_wait3A_570 = arith.constant 0 : i32
      %dma_wait3A_571 = tpu.memref_slice %arg5[%dma_wait3A_569, %dma_wait3A_570] : memref<100000x32xf32, #tpu.memory_space<hbm>> -> memref<100000x32xf32, #tpu.memory_space<hbm>>
      tpu.wait_indirect_dma semaphore(%arg18 : memref<!tpu.dma_semaphore, #tpu.memory_space<semaphore_mem>>) src(%dma_wait3A_571 : memref<100000x32xf32, #tpu.memory_space<hbm>>) dst(%dma_wait3A_565 : memref<32x32xf32, #tpu.memory_space<vmem>>)
      %dma_wait3A_572 = arith.constant 3 : i32
      %dma_wait3A_573 = arith.constant 96 : i32
      %dma_wait3A_574 = arith.constant 0 : i32
      %dma_wait3A_575 = tpu.memref_slice %arg10[%dma_wait3A_573, %dma_wait3A_574] : memref<640x16xf32, #tpu.memory_space<vmem>> -> memref<32x16xf32, #tpu.memory_space<vmem>>
      %dma_wait3A_576 = arith.constant 0 : i32
      %dma_wait3A_577 = tpu.memref_slice %arg8[%dma_wait3A_572, %dma_wait3A_576] : memref<20x32xi32, #tpu.memory_space<vmem>> -> memref<1x32xi32, #tpu.memory_space<vmem>>
      %dma_wait3A_578 = tpu.memref_squeeze %dma_wait3A_577 : memref<1x32xi32, #tpu.memory_space<vmem>> -> memref<32xi32, #tpu.memory_space<vmem>>
      %dma_wait3A_579 = arith.constant 0 : i32
      %dma_wait3A_580 = arith.constant 0 : i32
      %dma_wait3A_581 = tpu.memref_slice %arg4[%dma_wait3A_579, %dma_wait3A_580] : memref<100000x16xf32, #tpu.memory_space<hbm>> -> memref<100000x16xf32, #tpu.memory_space<hbm>>
      tpu.wait_indirect_dma semaphore(%arg18 : memref<!tpu.dma_semaphore, #tpu.memory_space<semaphore_mem>>) src(%dma_wait3A_581 : memref<100000x16xf32, #tpu.memory_space<hbm>>) dst(%dma_wait3A_575 : memref<32x16xf32, #tpu.memory_space<vmem>>)
      %dma_wait3A_582 = arith.constant 3 : i32
      %dma_wait3A_583 = arith.constant 96 : i32
      %dma_wait3A_584 = arith.constant 0 : i32
      %dma_wait3A_585 = tpu.memref_slice %arg12[%dma_wait3A_583, %dma_wait3A_584] : memref<640x32xf32, #tpu.memory_space<vmem>> -> memref<32x32xf32, #tpu.memory_space<vmem>>
      %dma_wait3A_586 = arith.constant 0 : i32
      %dma_wait3A_587 = tpu.memref_slice %arg8[%dma_wait3A_582, %dma_wait3A_586] : memref<20x32xi32, #tpu.memory_space<vmem>> -> memref<1x32xi32, #tpu.memory_space<vmem>>
      %dma_wait3A_588 = tpu.memref_squeeze %dma_wait3A_587 : memref<1x32xi32, #tpu.memory_space<vmem>> -> memref<32xi32, #tpu.memory_space<vmem>>
      %dma_wait3A_589 = arith.constant 0 : i32
      %dma_wait3A_590 = arith.constant 0 : i32
      %dma_wait3A_591 = tpu.memref_slice %arg5[%dma_wait3A_589, %dma_wait3A_590] : memref<100000x32xf32, #tpu.memory_space<hbm>> -> memref<100000x32xf32, #tpu.memory_space<hbm>>
      tpu.wait_indirect_dma semaphore(%arg18 : memref<!tpu.dma_semaphore, #tpu.memory_space<semaphore_mem>>) src(%dma_wait3A_591 : memref<100000x32xf32, #tpu.memory_space<hbm>>) dst(%dma_wait3A_585 : memref<32x32xf32, #tpu.memory_space<vmem>>)
      %dma_wait3A_592 = arith.constant 4 : i32
      %dma_wait3A_593 = arith.constant 128 : i32
      %dma_wait3A_594 = arith.constant 0 : i32
      %dma_wait3A_595 = tpu.memref_slice %arg10[%dma_wait3A_593, %dma_wait3A_594] : memref<640x16xf32, #tpu.memory_space<vmem>> -> memref<32x16xf32, #tpu.memory_space<vmem>>
      %dma_wait3A_596 = arith.constant 0 : i32
      %dma_wait3A_597 = tpu.memref_slice %arg8[%dma_wait3A_592, %dma_wait3A_596] : memref<20x32xi32, #tpu.memory_space<vmem>> -> memref<1x32xi32, #tpu.memory_space<vmem>>
      %dma_wait3A_598 = tpu.memref_squeeze %dma_wait3A_597 : memref<1x32xi32, #tpu.memory_space<vmem>> -> memref<32xi32, #tpu.memory_space<vmem>>
      %dma_wait3A_599 = arith.constant 0 : i32
      %dma_wait3A_600 = arith.constant 0 : i32
      %dma_wait3A_601 = tpu.memref_slice %arg4[%dma_wait3A_599, %dma_wait3A_600] : memref<100000x16xf32, #tpu.memory_space<hbm>> -> memref<100000x16xf32, #tpu.memory_space<hbm>>
      tpu.wait_indirect_dma semaphore(%arg18 : memref<!tpu.dma_semaphore, #tpu.memory_space<semaphore_mem>>) src(%dma_wait3A_601 : memref<100000x16xf32, #tpu.memory_space<hbm>>) dst(%dma_wait3A_595 : memref<32x16xf32, #tpu.memory_space<vmem>>)
      %dma_wait3A_602 = arith.constant 4 : i32
      %dma_wait3A_603 = arith.constant 128 : i32
      %dma_wait3A_604 = arith.constant 0 : i32
      %dma_wait3A_605 = tpu.memref_slice %arg12[%dma_wait3A_603, %dma_wait3A_604] : memref<640x32xf32, #tpu.memory_space<vmem>> -> memref<32x32xf32, #tpu.memory_space<vmem>>
      %dma_wait3A_606 = arith.constant 0 : i32
      %dma_wait3A_607 = tpu.memref_slice %arg8[%dma_wait3A_602, %dma_wait3A_606] : memref<20x32xi32, #tpu.memory_space<vmem>> -> memref<1x32xi32, #tpu.memory_space<vmem>>
      %dma_wait3A_608 = tpu.memref_squeeze %dma_wait3A_607 : memref<1x32xi32, #tpu.memory_space<vmem>> -> memref<32xi32, #tpu.memory_space<vmem>>
      %dma_wait3A_609 = arith.constant 0 : i32
      %dma_wait3A_610 = arith.constant 0 : i32
      %dma_wait3A_611 = tpu.memref_slice %arg5[%dma_wait3A_609, %dma_wait3A_610] : memref<100000x32xf32, #tpu.memory_space<hbm>> -> memref<100000x32xf32, #tpu.memory_space<hbm>>
      tpu.wait_indirect_dma semaphore(%arg18 : memref<!tpu.dma_semaphore, #tpu.memory_space<semaphore_mem>>) src(%dma_wait3A_611 : memref<100000x32xf32, #tpu.memory_space<hbm>>) dst(%dma_wait3A_605 : memref<32x32xf32, #tpu.memory_space<vmem>>)
      %dma_wait3A_612 = arith.constant 5 : i32
      %dma_wait3A_613 = arith.constant 160 : i32
      %dma_wait3A_614 = arith.constant 0 : i32
      %dma_wait3A_615 = tpu.memref_slice %arg10[%dma_wait3A_613, %dma_wait3A_614] : memref<640x16xf32, #tpu.memory_space<vmem>> -> memref<32x16xf32, #tpu.memory_space<vmem>>
      %dma_wait3A_616 = arith.constant 0 : i32
      %dma_wait3A_617 = tpu.memref_slice %arg8[%dma_wait3A_612, %dma_wait3A_616] : memref<20x32xi32, #tpu.memory_space<vmem>> -> memref<1x32xi32, #tpu.memory_space<vmem>>
      %dma_wait3A_618 = tpu.memref_squeeze %dma_wait3A_617 : memref<1x32xi32, #tpu.memory_space<vmem>> -> memref<32xi32, #tpu.memory_space<vmem>>
      %dma_wait3A_619 = arith.constant 0 : i32
      %dma_wait3A_620 = arith.constant 0 : i32
      %dma_wait3A_621 = tpu.memref_slice %arg4[%dma_wait3A_619, %dma_wait3A_620] : memref<100000x16xf32, #tpu.memory_space<hbm>> -> memref<100000x16xf32, #tpu.memory_space<hbm>>
      tpu.wait_indirect_dma semaphore(%arg18 : memref<!tpu.dma_semaphore, #tpu.memory_space<semaphore_mem>>) src(%dma_wait3A_621 : memref<100000x16xf32, #tpu.memory_space<hbm>>) dst(%dma_wait3A_615 : memref<32x16xf32, #tpu.memory_space<vmem>>)
      %dma_wait3A_622 = arith.constant 5 : i32
      %dma_wait3A_623 = arith.constant 160 : i32
      %dma_wait3A_624 = arith.constant 0 : i32
      %dma_wait3A_625 = tpu.memref_slice %arg12[%dma_wait3A_623, %dma_wait3A_624] : memref<640x32xf32, #tpu.memory_space<vmem>> -> memref<32x32xf32, #tpu.memory_space<vmem>>
      %dma_wait3A_626 = arith.constant 0 : i32
      %dma_wait3A_627 = tpu.memref_slice %arg8[%dma_wait3A_622, %dma_wait3A_626] : memref<20x32xi32, #tpu.memory_space<vmem>> -> memref<1x32xi32, #tpu.memory_space<vmem>>
      %dma_wait3A_628 = tpu.memref_squeeze %dma_wait3A_627 : memref<1x32xi32, #tpu.memory_space<vmem>> -> memref<32xi32, #tpu.memory_space<vmem>>
      %dma_wait3A_629 = arith.constant 0 : i32
      %dma_wait3A_630 = arith.constant 0 : i32
      %dma_wait3A_631 = tpu.memref_slice %arg5[%dma_wait3A_629, %dma_wait3A_630] : memref<100000x32xf32, #tpu.memory_space<hbm>> -> memref<100000x32xf32, #tpu.memory_space<hbm>>
      tpu.wait_indirect_dma semaphore(%arg18 : memref<!tpu.dma_semaphore, #tpu.memory_space<semaphore_mem>>) src(%dma_wait3A_631 : memref<100000x32xf32, #tpu.memory_space<hbm>>) dst(%dma_wait3A_625 : memref<32x32xf32, #tpu.memory_space<vmem>>)
      %dma_wait3A_632 = arith.constant 6 : i32
      %dma_wait3A_633 = arith.constant 192 : i32
      %dma_wait3A_634 = arith.constant 0 : i32
      %dma_wait3A_635 = tpu.memref_slice %arg10[%dma_wait3A_633, %dma_wait3A_634] : memref<640x16xf32, #tpu.memory_space<vmem>> -> memref<32x16xf32, #tpu.memory_space<vmem>>
      %dma_wait3A_636 = arith.constant 0 : i32
      %dma_wait3A_637 = tpu.memref_slice %arg8[%dma_wait3A_632, %dma_wait3A_636] : memref<20x32xi32, #tpu.memory_space<vmem>> -> memref<1x32xi32, #tpu.memory_space<vmem>>
      %dma_wait3A_638 = tpu.memref_squeeze %dma_wait3A_637 : memref<1x32xi32, #tpu.memory_space<vmem>> -> memref<32xi32, #tpu.memory_space<vmem>>
      %dma_wait3A_639 = arith.constant 0 : i32
      %dma_wait3A_640 = arith.constant 0 : i32
      %dma_wait3A_641 = tpu.memref_slice %arg4[%dma_wait3A_639, %dma_wait3A_640] : memref<100000x16xf32, #tpu.memory_space<hbm>> -> memref<100000x16xf32, #tpu.memory_space<hbm>>
      tpu.wait_indirect_dma semaphore(%arg18 : memref<!tpu.dma_semaphore, #tpu.memory_space<semaphore_mem>>) src(%dma_wait3A_641 : memref<100000x16xf32, #tpu.memory_space<hbm>>) dst(%dma_wait3A_635 : memref<32x16xf32, #tpu.memory_space<vmem>>)
      %dma_wait3A_642 = arith.constant 6 : i32
      %dma_wait3A_643 = arith.constant 192 : i32
      %dma_wait3A_644 = arith.constant 0 : i32
      %dma_wait3A_645 = tpu.memref_slice %arg12[%dma_wait3A_643, %dma_wait3A_644] : memref<640x32xf32, #tpu.memory_space<vmem>> -> memref<32x32xf32, #tpu.memory_space<vmem>>
      %dma_wait3A_646 = arith.constant 0 : i32
      %dma_wait3A_647 = tpu.memref_slice %arg8[%dma_wait3A_642, %dma_wait3A_646] : memref<20x32xi32, #tpu.memory_space<vmem>> -> memref<1x32xi32, #tpu.memory_space<vmem>>
      %dma_wait3A_648 = tpu.memref_squeeze %dma_wait3A_647 : memref<1x32xi32, #tpu.memory_space<vmem>> -> memref<32xi32, #tpu.memory_space<vmem>>
      %dma_wait3A_649 = arith.constant 0 : i32
      %dma_wait3A_650 = arith.constant 0 : i32
      %dma_wait3A_651 = tpu.memref_slice %arg5[%dma_wait3A_649, %dma_wait3A_650] : memref<100000x32xf32, #tpu.memory_space<hbm>> -> memref<100000x32xf32, #tpu.memory_space<hbm>>
      tpu.wait_indirect_dma semaphore(%arg18 : memref<!tpu.dma_semaphore, #tpu.memory_space<semaphore_mem>>) src(%dma_wait3A_651 : memref<100000x32xf32, #tpu.memory_space<hbm>>) dst(%dma_wait3A_645 : memref<32x32xf32, #tpu.memory_space<vmem>>)
      %dma_wait3A_652 = arith.constant 7 : i32
      %dma_wait3A_653 = arith.constant 224 : i32
      %dma_wait3A_654 = arith.constant 0 : i32
      %dma_wait3A_655 = tpu.memref_slice %arg10[%dma_wait3A_653, %dma_wait3A_654] : memref<640x16xf32, #tpu.memory_space<vmem>> -> memref<32x16xf32, #tpu.memory_space<vmem>>
      %dma_wait3A_656 = arith.constant 0 : i32
      %dma_wait3A_657 = tpu.memref_slice %arg8[%dma_wait3A_652, %dma_wait3A_656] : memref<20x32xi32, #tpu.memory_space<vmem>> -> memref<1x32xi32, #tpu.memory_space<vmem>>
      %dma_wait3A_658 = tpu.memref_squeeze %dma_wait3A_657 : memref<1x32xi32, #tpu.memory_space<vmem>> -> memref<32xi32, #tpu.memory_space<vmem>>
      %dma_wait3A_659 = arith.constant 0 : i32
      %dma_wait3A_660 = arith.constant 0 : i32
      %dma_wait3A_661 = tpu.memref_slice %arg4[%dma_wait3A_659, %dma_wait3A_660] : memref<100000x16xf32, #tpu.memory_space<hbm>> -> memref<100000x16xf32, #tpu.memory_space<hbm>>
      tpu.wait_indirect_dma semaphore(%arg18 : memref<!tpu.dma_semaphore, #tpu.memory_space<semaphore_mem>>) src(%dma_wait3A_661 : memref<100000x16xf32, #tpu.memory_space<hbm>>) dst(%dma_wait3A_655 : memref<32x16xf32, #tpu.memory_space<vmem>>)
      %dma_wait3A_662 = arith.constant 7 : i32
      %dma_wait3A_663 = arith.constant 224 : i32
      %dma_wait3A_664 = arith.constant 0 : i32
      %dma_wait3A_665 = tpu.memref_slice %arg12[%dma_wait3A_663, %dma_wait3A_664] : memref<640x32xf32, #tpu.memory_space<vmem>> -> memref<32x32xf32, #tpu.memory_space<vmem>>
      %dma_wait3A_666 = arith.constant 0 : i32
      %dma_wait3A_667 = tpu.memref_slice %arg8[%dma_wait3A_662, %dma_wait3A_666] : memref<20x32xi32, #tpu.memory_space<vmem>> -> memref<1x32xi32, #tpu.memory_space<vmem>>
      %dma_wait3A_668 = tpu.memref_squeeze %dma_wait3A_667 : memref<1x32xi32, #tpu.memory_space<vmem>> -> memref<32xi32, #tpu.memory_space<vmem>>
      %dma_wait3A_669 = arith.constant 0 : i32
      %dma_wait3A_670 = arith.constant 0 : i32
      %dma_wait3A_671 = tpu.memref_slice %arg5[%dma_wait3A_669, %dma_wait3A_670] : memref<100000x32xf32, #tpu.memory_space<hbm>> -> memref<100000x32xf32, #tpu.memory_space<hbm>>
      tpu.wait_indirect_dma semaphore(%arg18 : memref<!tpu.dma_semaphore, #tpu.memory_space<semaphore_mem>>) src(%dma_wait3A_671 : memref<100000x32xf32, #tpu.memory_space<hbm>>) dst(%dma_wait3A_665 : memref<32x32xf32, #tpu.memory_space<vmem>>)
      %dma_wait3A_672 = arith.constant 8 : i32
      %dma_wait3A_673 = arith.constant 256 : i32
      %dma_wait3A_674 = arith.constant 0 : i32
      %dma_wait3A_675 = tpu.memref_slice %arg10[%dma_wait3A_673, %dma_wait3A_674] : memref<640x16xf32, #tpu.memory_space<vmem>> -> memref<32x16xf32, #tpu.memory_space<vmem>>
      %dma_wait3A_676 = arith.constant 0 : i32
      %dma_wait3A_677 = tpu.memref_slice %arg8[%dma_wait3A_672, %dma_wait3A_676] : memref<20x32xi32, #tpu.memory_space<vmem>> -> memref<1x32xi32, #tpu.memory_space<vmem>>
      %dma_wait3A_678 = tpu.memref_squeeze %dma_wait3A_677 : memref<1x32xi32, #tpu.memory_space<vmem>> -> memref<32xi32, #tpu.memory_space<vmem>>
      %dma_wait3A_679 = arith.constant 0 : i32
      %dma_wait3A_680 = arith.constant 0 : i32
      %dma_wait3A_681 = tpu.memref_slice %arg4[%dma_wait3A_679, %dma_wait3A_680] : memref<100000x16xf32, #tpu.memory_space<hbm>> -> memref<100000x16xf32, #tpu.memory_space<hbm>>
      tpu.wait_indirect_dma semaphore(%arg18 : memref<!tpu.dma_semaphore, #tpu.memory_space<semaphore_mem>>) src(%dma_wait3A_681 : memref<100000x16xf32, #tpu.memory_space<hbm>>) dst(%dma_wait3A_675 : memref<32x16xf32, #tpu.memory_space<vmem>>)
      %dma_wait3A_682 = arith.constant 8 : i32
      %dma_wait3A_683 = arith.constant 256 : i32
      %dma_wait3A_684 = arith.constant 0 : i32
      %dma_wait3A_685 = tpu.memref_slice %arg12[%dma_wait3A_683, %dma_wait3A_684] : memref<640x32xf32, #tpu.memory_space<vmem>> -> memref<32x32xf32, #tpu.memory_space<vmem>>
      %dma_wait3A_686 = arith.constant 0 : i32
      %dma_wait3A_687 = tpu.memref_slice %arg8[%dma_wait3A_682, %dma_wait3A_686] : memref<20x32xi32, #tpu.memory_space<vmem>> -> memref<1x32xi32, #tpu.memory_space<vmem>>
      %dma_wait3A_688 = tpu.memref_squeeze %dma_wait3A_687 : memref<1x32xi32, #tpu.memory_space<vmem>> -> memref<32xi32, #tpu.memory_space<vmem>>
      %dma_wait3A_689 = arith.constant 0 : i32
      %dma_wait3A_690 = arith.constant 0 : i32
      %dma_wait3A_691 = tpu.memref_slice %arg5[%dma_wait3A_689, %dma_wait3A_690] : memref<100000x32xf32, #tpu.memory_space<hbm>> -> memref<100000x32xf32, #tpu.memory_space<hbm>>
      tpu.wait_indirect_dma semaphore(%arg18 : memref<!tpu.dma_semaphore, #tpu.memory_space<semaphore_mem>>) src(%dma_wait3A_691 : memref<100000x32xf32, #tpu.memory_space<hbm>>) dst(%dma_wait3A_685 : memref<32x32xf32, #tpu.memory_space<vmem>>)
      %dma_wait3A_692 = arith.constant 9 : i32
      %dma_wait3A_693 = arith.constant 288 : i32
      %dma_wait3A_694 = arith.constant 0 : i32
      %dma_wait3A_695 = tpu.memref_slice %arg10[%dma_wait3A_693, %dma_wait3A_694] : memref<640x16xf32, #tpu.memory_space<vmem>> -> memref<32x16xf32, #tpu.memory_space<vmem>>
      %dma_wait3A_696 = arith.constant 0 : i32
      %dma_wait3A_697 = tpu.memref_slice %arg8[%dma_wait3A_692, %dma_wait3A_696] : memref<20x32xi32, #tpu.memory_space<vmem>> -> memref<1x32xi32, #tpu.memory_space<vmem>>
      %dma_wait3A_698 = tpu.memref_squeeze %dma_wait3A_697 : memref<1x32xi32, #tpu.memory_space<vmem>> -> memref<32xi32, #tpu.memory_space<vmem>>
      %dma_wait3A_699 = arith.constant 0 : i32
      %dma_wait3A_700 = arith.constant 0 : i32
      %dma_wait3A_701 = tpu.memref_slice %arg4[%dma_wait3A_699, %dma_wait3A_700] : memref<100000x16xf32, #tpu.memory_space<hbm>> -> memref<100000x16xf32, #tpu.memory_space<hbm>>
      tpu.wait_indirect_dma semaphore(%arg18 : memref<!tpu.dma_semaphore, #tpu.memory_space<semaphore_mem>>) src(%dma_wait3A_701 : memref<100000x16xf32, #tpu.memory_space<hbm>>) dst(%dma_wait3A_695 : memref<32x16xf32, #tpu.memory_space<vmem>>)
      %dma_wait3A_702 = arith.constant 9 : i32
      %dma_wait3A_703 = arith.constant 288 : i32
      %dma_wait3A_704 = arith.constant 0 : i32
      %dma_wait3A_705 = tpu.memref_slice %arg12[%dma_wait3A_703, %dma_wait3A_704] : memref<640x32xf32, #tpu.memory_space<vmem>> -> memref<32x32xf32, #tpu.memory_space<vmem>>
      %dma_wait3A_706 = arith.constant 0 : i32
      %dma_wait3A_707 = tpu.memref_slice %arg8[%dma_wait3A_702, %dma_wait3A_706] : memref<20x32xi32, #tpu.memory_space<vmem>> -> memref<1x32xi32, #tpu.memory_space<vmem>>
      %dma_wait3A_708 = tpu.memref_squeeze %dma_wait3A_707 : memref<1x32xi32, #tpu.memory_space<vmem>> -> memref<32xi32, #tpu.memory_space<vmem>>
      %dma_wait3A_709 = arith.constant 0 : i32
      %dma_wait3A_710 = arith.constant 0 : i32
      %dma_wait3A_711 = tpu.memref_slice %arg5[%dma_wait3A_709, %dma_wait3A_710] : memref<100000x32xf32, #tpu.memory_space<hbm>> -> memref<100000x32xf32, #tpu.memory_space<hbm>>
      tpu.wait_indirect_dma semaphore(%arg18 : memref<!tpu.dma_semaphore, #tpu.memory_space<semaphore_mem>>) src(%dma_wait3A_711 : memref<100000x32xf32, #tpu.memory_space<hbm>>) dst(%dma_wait3A_705 : memref<32x32xf32, #tpu.memory_space<vmem>>)
      %dma_wait3A_712 = arith.constant 10 : i32
      %dma_wait3A_713 = arith.constant 320 : i32
      %dma_wait3A_714 = arith.constant 0 : i32
      %dma_wait3A_715 = tpu.memref_slice %arg10[%dma_wait3A_713, %dma_wait3A_714] : memref<640x16xf32, #tpu.memory_space<vmem>> -> memref<32x16xf32, #tpu.memory_space<vmem>>
      %dma_wait3A_716 = arith.constant 0 : i32
      %dma_wait3A_717 = tpu.memref_slice %arg8[%dma_wait3A_712, %dma_wait3A_716] : memref<20x32xi32, #tpu.memory_space<vmem>> -> memref<1x32xi32, #tpu.memory_space<vmem>>
      %dma_wait3A_718 = tpu.memref_squeeze %dma_wait3A_717 : memref<1x32xi32, #tpu.memory_space<vmem>> -> memref<32xi32, #tpu.memory_space<vmem>>
      %dma_wait3A_719 = arith.constant 0 : i32
      %dma_wait3A_720 = arith.constant 0 : i32
      %dma_wait3A_721 = tpu.memref_slice %arg4[%dma_wait3A_719, %dma_wait3A_720] : memref<100000x16xf32, #tpu.memory_space<hbm>> -> memref<100000x16xf32, #tpu.memory_space<hbm>>
      tpu.wait_indirect_dma semaphore(%arg18 : memref<!tpu.dma_semaphore, #tpu.memory_space<semaphore_mem>>) src(%dma_wait3A_721 : memref<100000x16xf32, #tpu.memory_space<hbm>>) dst(%dma_wait3A_715 : memref<32x16xf32, #tpu.memory_space<vmem>>)
      %dma_wait3A_722 = arith.constant 10 : i32
      %dma_wait3A_723 = arith.constant 320 : i32
      %dma_wait3A_724 = arith.constant 0 : i32
      %dma_wait3A_725 = tpu.memref_slice %arg12[%dma_wait3A_723, %dma_wait3A_724] : memref<640x32xf32, #tpu.memory_space<vmem>> -> memref<32x32xf32, #tpu.memory_space<vmem>>
      %dma_wait3A_726 = arith.constant 0 : i32
      %dma_wait3A_727 = tpu.memref_slice %arg8[%dma_wait3A_722, %dma_wait3A_726] : memref<20x32xi32, #tpu.memory_space<vmem>> -> memref<1x32xi32, #tpu.memory_space<vmem>>
      %dma_wait3A_728 = tpu.memref_squeeze %dma_wait3A_727 : memref<1x32xi32, #tpu.memory_space<vmem>> -> memref<32xi32, #tpu.memory_space<vmem>>
      %dma_wait3A_729 = arith.constant 0 : i32
      %dma_wait3A_730 = arith.constant 0 : i32
      %dma_wait3A_731 = tpu.memref_slice %arg5[%dma_wait3A_729, %dma_wait3A_730] : memref<100000x32xf32, #tpu.memory_space<hbm>> -> memref<100000x32xf32, #tpu.memory_space<hbm>>
      tpu.wait_indirect_dma semaphore(%arg18 : memref<!tpu.dma_semaphore, #tpu.memory_space<semaphore_mem>>) src(%dma_wait3A_731 : memref<100000x32xf32, #tpu.memory_space<hbm>>) dst(%dma_wait3A_725 : memref<32x32xf32, #tpu.memory_space<vmem>>)
      %dma_wait3A_732 = arith.constant 11 : i32
      %dma_wait3A_733 = arith.constant 352 : i32
      %dma_wait3A_734 = arith.constant 0 : i32
      %dma_wait3A_735 = tpu.memref_slice %arg10[%dma_wait3A_733, %dma_wait3A_734] : memref<640x16xf32, #tpu.memory_space<vmem>> -> memref<32x16xf32, #tpu.memory_space<vmem>>
      %dma_wait3A_736 = arith.constant 0 : i32
      %dma_wait3A_737 = tpu.memref_slice %arg8[%dma_wait3A_732, %dma_wait3A_736] : memref<20x32xi32, #tpu.memory_space<vmem>> -> memref<1x32xi32, #tpu.memory_space<vmem>>
      %dma_wait3A_738 = tpu.memref_squeeze %dma_wait3A_737 : memref<1x32xi32, #tpu.memory_space<vmem>> -> memref<32xi32, #tpu.memory_space<vmem>>
      %dma_wait3A_739 = arith.constant 0 : i32
      %dma_wait3A_740 = arith.constant 0 : i32
      %dma_wait3A_741 = tpu.memref_slice %arg4[%dma_wait3A_739, %dma_wait3A_740] : memref<100000x16xf32, #tpu.memory_space<hbm>> -> memref<100000x16xf32, #tpu.memory_space<hbm>>
      tpu.wait_indirect_dma semaphore(%arg18 : memref<!tpu.dma_semaphore, #tpu.memory_space<semaphore_mem>>) src(%dma_wait3A_741 : memref<100000x16xf32, #tpu.memory_space<hbm>>) dst(%dma_wait3A_735 : memref<32x16xf32, #tpu.memory_space<vmem>>)
      %dma_wait3A_742 = arith.constant 11 : i32
      %dma_wait3A_743 = arith.constant 352 : i32
      %dma_wait3A_744 = arith.constant 0 : i32
      %dma_wait3A_745 = tpu.memref_slice %arg12[%dma_wait3A_743, %dma_wait3A_744] : memref<640x32xf32, #tpu.memory_space<vmem>> -> memref<32x32xf32, #tpu.memory_space<vmem>>
      %dma_wait3A_746 = arith.constant 0 : i32
      %dma_wait3A_747 = tpu.memref_slice %arg8[%dma_wait3A_742, %dma_wait3A_746] : memref<20x32xi32, #tpu.memory_space<vmem>> -> memref<1x32xi32, #tpu.memory_space<vmem>>
      %dma_wait3A_748 = tpu.memref_squeeze %dma_wait3A_747 : memref<1x32xi32, #tpu.memory_space<vmem>> -> memref<32xi32, #tpu.memory_space<vmem>>
      %dma_wait3A_749 = arith.constant 0 : i32
      %dma_wait3A_750 = arith.constant 0 : i32
      %dma_wait3A_751 = tpu.memref_slice %arg5[%dma_wait3A_749, %dma_wait3A_750] : memref<100000x32xf32, #tpu.memory_space<hbm>> -> memref<100000x32xf32, #tpu.memory_space<hbm>>
      tpu.wait_indirect_dma semaphore(%arg18 : memref<!tpu.dma_semaphore, #tpu.memory_space<semaphore_mem>>) src(%dma_wait3A_751 : memref<100000x32xf32, #tpu.memory_space<hbm>>) dst(%dma_wait3A_745 : memref<32x32xf32, #tpu.memory_space<vmem>>)
      %dma_wait3A_752 = arith.constant 12 : i32
      %dma_wait3A_753 = arith.constant 384 : i32
      %dma_wait3A_754 = arith.constant 0 : i32
      %dma_wait3A_755 = tpu.memref_slice %arg10[%dma_wait3A_753, %dma_wait3A_754] : memref<640x16xf32, #tpu.memory_space<vmem>> -> memref<32x16xf32, #tpu.memory_space<vmem>>
      %dma_wait3A_756 = arith.constant 0 : i32
      %dma_wait3A_757 = tpu.memref_slice %arg8[%dma_wait3A_752, %dma_wait3A_756] : memref<20x32xi32, #tpu.memory_space<vmem>> -> memref<1x32xi32, #tpu.memory_space<vmem>>
      %dma_wait3A_758 = tpu.memref_squeeze %dma_wait3A_757 : memref<1x32xi32, #tpu.memory_space<vmem>> -> memref<32xi32, #tpu.memory_space<vmem>>
      %dma_wait3A_759 = arith.constant 0 : i32
      %dma_wait3A_760 = arith.constant 0 : i32
      %dma_wait3A_761 = tpu.memref_slice %arg4[%dma_wait3A_759, %dma_wait3A_760] : memref<100000x16xf32, #tpu.memory_space<hbm>> -> memref<100000x16xf32, #tpu.memory_space<hbm>>
      tpu.wait_indirect_dma semaphore(%arg18 : memref<!tpu.dma_semaphore, #tpu.memory_space<semaphore_mem>>) src(%dma_wait3A_761 : memref<100000x16xf32, #tpu.memory_space<hbm>>) dst(%dma_wait3A_755 : memref<32x16xf32, #tpu.memory_space<vmem>>)
      %dma_wait3A_762 = arith.constant 12 : i32
      %dma_wait3A_763 = arith.constant 384 : i32
      %dma_wait3A_764 = arith.constant 0 : i32
      %dma_wait3A_765 = tpu.memref_slice %arg12[%dma_wait3A_763, %dma_wait3A_764] : memref<640x32xf32, #tpu.memory_space<vmem>> -> memref<32x32xf32, #tpu.memory_space<vmem>>
      %dma_wait3A_766 = arith.constant 0 : i32
      %dma_wait3A_767 = tpu.memref_slice %arg8[%dma_wait3A_762, %dma_wait3A_766] : memref<20x32xi32, #tpu.memory_space<vmem>> -> memref<1x32xi32, #tpu.memory_space<vmem>>
      %dma_wait3A_768 = tpu.memref_squeeze %dma_wait3A_767 : memref<1x32xi32, #tpu.memory_space<vmem>> -> memref<32xi32, #tpu.memory_space<vmem>>
      %dma_wait3A_769 = arith.constant 0 : i32
      %dma_wait3A_770 = arith.constant 0 : i32
      %dma_wait3A_771 = tpu.memref_slice %arg5[%dma_wait3A_769, %dma_wait3A_770] : memref<100000x32xf32, #tpu.memory_space<hbm>> -> memref<100000x32xf32, #tpu.memory_space<hbm>>
      tpu.wait_indirect_dma semaphore(%arg18 : memref<!tpu.dma_semaphore, #tpu.memory_space<semaphore_mem>>) src(%dma_wait3A_771 : memref<100000x32xf32, #tpu.memory_space<hbm>>) dst(%dma_wait3A_765 : memref<32x32xf32, #tpu.memory_space<vmem>>)
      %dma_wait3A_772 = arith.constant 13 : i32
      %dma_wait3A_773 = arith.constant 416 : i32
      %dma_wait3A_774 = arith.constant 0 : i32
      %dma_wait3A_775 = tpu.memref_slice %arg10[%dma_wait3A_773, %dma_wait3A_774] : memref<640x16xf32, #tpu.memory_space<vmem>> -> memref<32x16xf32, #tpu.memory_space<vmem>>
      %dma_wait3A_776 = arith.constant 0 : i32
      %dma_wait3A_777 = tpu.memref_slice %arg8[%dma_wait3A_772, %dma_wait3A_776] : memref<20x32xi32, #tpu.memory_space<vmem>> -> memref<1x32xi32, #tpu.memory_space<vmem>>
      %dma_wait3A_778 = tpu.memref_squeeze %dma_wait3A_777 : memref<1x32xi32, #tpu.memory_space<vmem>> -> memref<32xi32, #tpu.memory_space<vmem>>
      %dma_wait3A_779 = arith.constant 0 : i32
      %dma_wait3A_780 = arith.constant 0 : i32
      %dma_wait3A_781 = tpu.memref_slice %arg4[%dma_wait3A_779, %dma_wait3A_780] : memref<100000x16xf32, #tpu.memory_space<hbm>> -> memref<100000x16xf32, #tpu.memory_space<hbm>>
      tpu.wait_indirect_dma semaphore(%arg18 : memref<!tpu.dma_semaphore, #tpu.memory_space<semaphore_mem>>) src(%dma_wait3A_781 : memref<100000x16xf32, #tpu.memory_space<hbm>>) dst(%dma_wait3A_775 : memref<32x16xf32, #tpu.memory_space<vmem>>)
      %dma_wait3A_782 = arith.constant 13 : i32
      %dma_wait3A_783 = arith.constant 416 : i32
      %dma_wait3A_784 = arith.constant 0 : i32
      %dma_wait3A_785 = tpu.memref_slice %arg12[%dma_wait3A_783, %dma_wait3A_784] : memref<640x32xf32, #tpu.memory_space<vmem>> -> memref<32x32xf32, #tpu.memory_space<vmem>>
      %dma_wait3A_786 = arith.constant 0 : i32
      %dma_wait3A_787 = tpu.memref_slice %arg8[%dma_wait3A_782, %dma_wait3A_786] : memref<20x32xi32, #tpu.memory_space<vmem>> -> memref<1x32xi32, #tpu.memory_space<vmem>>
      %dma_wait3A_788 = tpu.memref_squeeze %dma_wait3A_787 : memref<1x32xi32, #tpu.memory_space<vmem>> -> memref<32xi32, #tpu.memory_space<vmem>>
      %dma_wait3A_789 = arith.constant 0 : i32
      %dma_wait3A_790 = arith.constant 0 : i32
      %dma_wait3A_791 = tpu.memref_slice %arg5[%dma_wait3A_789, %dma_wait3A_790] : memref<100000x32xf32, #tpu.memory_space<hbm>> -> memref<100000x32xf32, #tpu.memory_space<hbm>>
      tpu.wait_indirect_dma semaphore(%arg18 : memref<!tpu.dma_semaphore, #tpu.memory_space<semaphore_mem>>) src(%dma_wait3A_791 : memref<100000x32xf32, #tpu.memory_space<hbm>>) dst(%dma_wait3A_785 : memref<32x32xf32, #tpu.memory_space<vmem>>)
      %dma_wait3A_792 = arith.constant 14 : i32
      %dma_wait3A_793 = arith.constant 448 : i32
      %dma_wait3A_794 = arith.constant 0 : i32
      %dma_wait3A_795 = tpu.memref_slice %arg10[%dma_wait3A_793, %dma_wait3A_794] : memref<640x16xf32, #tpu.memory_space<vmem>> -> memref<32x16xf32, #tpu.memory_space<vmem>>
      %dma_wait3A_796 = arith.constant 0 : i32
      %dma_wait3A_797 = tpu.memref_slice %arg8[%dma_wait3A_792, %dma_wait3A_796] : memref<20x32xi32, #tpu.memory_space<vmem>> -> memref<1x32xi32, #tpu.memory_space<vmem>>
      %dma_wait3A_798 = tpu.memref_squeeze %dma_wait3A_797 : memref<1x32xi32, #tpu.memory_space<vmem>> -> memref<32xi32, #tpu.memory_space<vmem>>
      %dma_wait3A_799 = arith.constant 0 : i32
      %dma_wait3A_800 = arith.constant 0 : i32
      %dma_wait3A_801 = tpu.memref_slice %arg4[%dma_wait3A_799, %dma_wait3A_800] : memref<100000x16xf32, #tpu.memory_space<hbm>> -> memref<100000x16xf32, #tpu.memory_space<hbm>>
      tpu.wait_indirect_dma semaphore(%arg18 : memref<!tpu.dma_semaphore, #tpu.memory_space<semaphore_mem>>) src(%dma_wait3A_801 : memref<100000x16xf32, #tpu.memory_space<hbm>>) dst(%dma_wait3A_795 : memref<32x16xf32, #tpu.memory_space<vmem>>)
      %dma_wait3A_802 = arith.constant 14 : i32
      %dma_wait3A_803 = arith.constant 448 : i32
      %dma_wait3A_804 = arith.constant 0 : i32
      %dma_wait3A_805 = tpu.memref_slice %arg12[%dma_wait3A_803, %dma_wait3A_804] : memref<640x32xf32, #tpu.memory_space<vmem>> -> memref<32x32xf32, #tpu.memory_space<vmem>>
      %dma_wait3A_806 = arith.constant 0 : i32
      %dma_wait3A_807 = tpu.memref_slice %arg8[%dma_wait3A_802, %dma_wait3A_806] : memref<20x32xi32, #tpu.memory_space<vmem>> -> memref<1x32xi32, #tpu.memory_space<vmem>>
      %dma_wait3A_808 = tpu.memref_squeeze %dma_wait3A_807 : memref<1x32xi32, #tpu.memory_space<vmem>> -> memref<32xi32, #tpu.memory_space<vmem>>
      %dma_wait3A_809 = arith.constant 0 : i32
      %dma_wait3A_810 = arith.constant 0 : i32
      %dma_wait3A_811 = tpu.memref_slice %arg5[%dma_wait3A_809, %dma_wait3A_810] : memref<100000x32xf32, #tpu.memory_space<hbm>> -> memref<100000x32xf32, #tpu.memory_space<hbm>>
      tpu.wait_indirect_dma semaphore(%arg18 : memref<!tpu.dma_semaphore, #tpu.memory_space<semaphore_mem>>) src(%dma_wait3A_811 : memref<100000x32xf32, #tpu.memory_space<hbm>>) dst(%dma_wait3A_805 : memref<32x32xf32, #tpu.memory_space<vmem>>)
      %dma_wait3A_812 = arith.constant 15 : i32
      %dma_wait3A_813 = arith.constant 480 : i32
      %dma_wait3A_814 = arith.constant 0 : i32
      %dma_wait3A_815 = tpu.memref_slice %arg10[%dma_wait3A_813, %dma_wait3A_814] : memref<640x16xf32, #tpu.memory_space<vmem>> -> memref<32x16xf32, #tpu.memory_space<vmem>>
      %dma_wait3A_816 = arith.constant 0 : i32
      %dma_wait3A_817 = tpu.memref_slice %arg8[%dma_wait3A_812, %dma_wait3A_816] : memref<20x32xi32, #tpu.memory_space<vmem>> -> memref<1x32xi32, #tpu.memory_space<vmem>>
      %dma_wait3A_818 = tpu.memref_squeeze %dma_wait3A_817 : memref<1x32xi32, #tpu.memory_space<vmem>> -> memref<32xi32, #tpu.memory_space<vmem>>
      %dma_wait3A_819 = arith.constant 0 : i32
      %dma_wait3A_820 = arith.constant 0 : i32
      %dma_wait3A_821 = tpu.memref_slice %arg4[%dma_wait3A_819, %dma_wait3A_820] : memref<100000x16xf32, #tpu.memory_space<hbm>> -> memref<100000x16xf32, #tpu.memory_space<hbm>>
      tpu.wait_indirect_dma semaphore(%arg18 : memref<!tpu.dma_semaphore, #tpu.memory_space<semaphore_mem>>) src(%dma_wait3A_821 : memref<100000x16xf32, #tpu.memory_space<hbm>>) dst(%dma_wait3A_815 : memref<32x16xf32, #tpu.memory_space<vmem>>)
      %dma_wait3A_822 = arith.constant 15 : i32
      %dma_wait3A_823 = arith.constant 480 : i32
      %dma_wait3A_824 = arith.constant 0 : i32
      %dma_wait3A_825 = tpu.memref_slice %arg12[%dma_wait3A_823, %dma_wait3A_824] : memref<640x32xf32, #tpu.memory_space<vmem>> -> memref<32x32xf32, #tpu.memory_space<vmem>>
      %dma_wait3A_826 = arith.constant 0 : i32
      %dma_wait3A_827 = tpu.memref_slice %arg8[%dma_wait3A_822, %dma_wait3A_826] : memref<20x32xi32, #tpu.memory_space<vmem>> -> memref<1x32xi32, #tpu.memory_space<vmem>>
      %dma_wait3A_828 = tpu.memref_squeeze %dma_wait3A_827 : memref<1x32xi32, #tpu.memory_space<vmem>> -> memref<32xi32, #tpu.memory_space<vmem>>
      %dma_wait3A_829 = arith.constant 0 : i32
      %dma_wait3A_830 = arith.constant 0 : i32
      %dma_wait3A_831 = tpu.memref_slice %arg5[%dma_wait3A_829, %dma_wait3A_830] : memref<100000x32xf32, #tpu.memory_space<hbm>> -> memref<100000x32xf32, #tpu.memory_space<hbm>>
      tpu.wait_indirect_dma semaphore(%arg18 : memref<!tpu.dma_semaphore, #tpu.memory_space<semaphore_mem>>) src(%dma_wait3A_831 : memref<100000x32xf32, #tpu.memory_space<hbm>>) dst(%dma_wait3A_825 : memref<32x32xf32, #tpu.memory_space<vmem>>)
      %dma_wait3A_832 = arith.constant 16 : i32
      %dma_wait3A_833 = arith.constant 512 : i32
      %dma_wait3A_834 = arith.constant 0 : i32
      %dma_wait3A_835 = tpu.memref_slice %arg10[%dma_wait3A_833, %dma_wait3A_834] : memref<640x16xf32, #tpu.memory_space<vmem>> -> memref<32x16xf32, #tpu.memory_space<vmem>>
      %dma_wait3A_836 = arith.constant 0 : i32
      %dma_wait3A_837 = tpu.memref_slice %arg8[%dma_wait3A_832, %dma_wait3A_836] : memref<20x32xi32, #tpu.memory_space<vmem>> -> memref<1x32xi32, #tpu.memory_space<vmem>>
      %dma_wait3A_838 = tpu.memref_squeeze %dma_wait3A_837 : memref<1x32xi32, #tpu.memory_space<vmem>> -> memref<32xi32, #tpu.memory_space<vmem>>
      %dma_wait3A_839 = arith.constant 0 : i32
      %dma_wait3A_840 = arith.constant 0 : i32
      %dma_wait3A_841 = tpu.memref_slice %arg4[%dma_wait3A_839, %dma_wait3A_840] : memref<100000x16xf32, #tpu.memory_space<hbm>> -> memref<100000x16xf32, #tpu.memory_space<hbm>>
      tpu.wait_indirect_dma semaphore(%arg18 : memref<!tpu.dma_semaphore, #tpu.memory_space<semaphore_mem>>) src(%dma_wait3A_841 : memref<100000x16xf32, #tpu.memory_space<hbm>>) dst(%dma_wait3A_835 : memref<32x16xf32, #tpu.memory_space<vmem>>)
      %dma_wait3A_842 = arith.constant 16 : i32
      %dma_wait3A_843 = arith.constant 512 : i32
      %dma_wait3A_844 = arith.constant 0 : i32
      %dma_wait3A_845 = tpu.memref_slice %arg12[%dma_wait3A_843, %dma_wait3A_844] : memref<640x32xf32, #tpu.memory_space<vmem>> -> memref<32x32xf32, #tpu.memory_space<vmem>>
      %dma_wait3A_846 = arith.constant 0 : i32
      %dma_wait3A_847 = tpu.memref_slice %arg8[%dma_wait3A_842, %dma_wait3A_846] : memref<20x32xi32, #tpu.memory_space<vmem>> -> memref<1x32xi32, #tpu.memory_space<vmem>>
      %dma_wait3A_848 = tpu.memref_squeeze %dma_wait3A_847 : memref<1x32xi32, #tpu.memory_space<vmem>> -> memref<32xi32, #tpu.memory_space<vmem>>
      %dma_wait3A_849 = arith.constant 0 : i32
      %dma_wait3A_850 = arith.constant 0 : i32
      %dma_wait3A_851 = tpu.memref_slice %arg5[%dma_wait3A_849, %dma_wait3A_850] : memref<100000x32xf32, #tpu.memory_space<hbm>> -> memref<100000x32xf32, #tpu.memory_space<hbm>>
      tpu.wait_indirect_dma semaphore(%arg18 : memref<!tpu.dma_semaphore, #tpu.memory_space<semaphore_mem>>) src(%dma_wait3A_851 : memref<100000x32xf32, #tpu.memory_space<hbm>>) dst(%dma_wait3A_845 : memref<32x32xf32, #tpu.memory_space<vmem>>)
      %dma_wait3A_852 = arith.constant 17 : i32
      %dma_wait3A_853 = arith.constant 544 : i32
      %dma_wait3A_854 = arith.constant 0 : i32
      %dma_wait3A_855 = tpu.memref_slice %arg10[%dma_wait3A_853, %dma_wait3A_854] : memref<640x16xf32, #tpu.memory_space<vmem>> -> memref<32x16xf32, #tpu.memory_space<vmem>>
      %dma_wait3A_856 = arith.constant 0 : i32
      %dma_wait3A_857 = tpu.memref_slice %arg8[%dma_wait3A_852, %dma_wait3A_856] : memref<20x32xi32, #tpu.memory_space<vmem>> -> memref<1x32xi32, #tpu.memory_space<vmem>>
      %dma_wait3A_858 = tpu.memref_squeeze %dma_wait3A_857 : memref<1x32xi32, #tpu.memory_space<vmem>> -> memref<32xi32, #tpu.memory_space<vmem>>
      %dma_wait3A_859 = arith.constant 0 : i32
      %dma_wait3A_860 = arith.constant 0 : i32
      %dma_wait3A_861 = tpu.memref_slice %arg4[%dma_wait3A_859, %dma_wait3A_860] : memref<100000x16xf32, #tpu.memory_space<hbm>> -> memref<100000x16xf32, #tpu.memory_space<hbm>>
      tpu.wait_indirect_dma semaphore(%arg18 : memref<!tpu.dma_semaphore, #tpu.memory_space<semaphore_mem>>) src(%dma_wait3A_861 : memref<100000x16xf32, #tpu.memory_space<hbm>>) dst(%dma_wait3A_855 : memref<32x16xf32, #tpu.memory_space<vmem>>)
      %dma_wait3A_862 = arith.constant 17 : i32
      %dma_wait3A_863 = arith.constant 544 : i32
      %dma_wait3A_864 = arith.constant 0 : i32
      %dma_wait3A_865 = tpu.memref_slice %arg12[%dma_wait3A_863, %dma_wait3A_864] : memref<640x32xf32, #tpu.memory_space<vmem>> -> memref<32x32xf32, #tpu.memory_space<vmem>>
      %dma_wait3A_866 = arith.constant 0 : i32
      %dma_wait3A_867 = tpu.memref_slice %arg8[%dma_wait3A_862, %dma_wait3A_866] : memref<20x32xi32, #tpu.memory_space<vmem>> -> memref<1x32xi32, #tpu.memory_space<vmem>>
      %dma_wait3A_868 = tpu.memref_squeeze %dma_wait3A_867 : memref<1x32xi32, #tpu.memory_space<vmem>> -> memref<32xi32, #tpu.memory_space<vmem>>
      %dma_wait3A_869 = arith.constant 0 : i32
      %dma_wait3A_870 = arith.constant 0 : i32
      %dma_wait3A_871 = tpu.memref_slice %arg5[%dma_wait3A_869, %dma_wait3A_870] : memref<100000x32xf32, #tpu.memory_space<hbm>> -> memref<100000x32xf32, #tpu.memory_space<hbm>>
      tpu.wait_indirect_dma semaphore(%arg18 : memref<!tpu.dma_semaphore, #tpu.memory_space<semaphore_mem>>) src(%dma_wait3A_871 : memref<100000x32xf32, #tpu.memory_space<hbm>>) dst(%dma_wait3A_865 : memref<32x32xf32, #tpu.memory_space<vmem>>)
      %dma_wait3A_872 = arith.constant 18 : i32
      %dma_wait3A_873 = arith.constant 576 : i32
      %dma_wait3A_874 = arith.constant 0 : i32
      %dma_wait3A_875 = tpu.memref_slice %arg10[%dma_wait3A_873, %dma_wait3A_874] : memref<640x16xf32, #tpu.memory_space<vmem>> -> memref<32x16xf32, #tpu.memory_space<vmem>>
      %dma_wait3A_876 = arith.constant 0 : i32
      %dma_wait3A_877 = tpu.memref_slice %arg8[%dma_wait3A_872, %dma_wait3A_876] : memref<20x32xi32, #tpu.memory_space<vmem>> -> memref<1x32xi32, #tpu.memory_space<vmem>>
      %dma_wait3A_878 = tpu.memref_squeeze %dma_wait3A_877 : memref<1x32xi32, #tpu.memory_space<vmem>> -> memref<32xi32, #tpu.memory_space<vmem>>
      %dma_wait3A_879 = arith.constant 0 : i32
      %dma_wait3A_880 = arith.constant 0 : i32
      %dma_wait3A_881 = tpu.memref_slice %arg4[%dma_wait3A_879, %dma_wait3A_880] : memref<100000x16xf32, #tpu.memory_space<hbm>> -> memref<100000x16xf32, #tpu.memory_space<hbm>>
      tpu.wait_indirect_dma semaphore(%arg18 : memref<!tpu.dma_semaphore, #tpu.memory_space<semaphore_mem>>) src(%dma_wait3A_881 : memref<100000x16xf32, #tpu.memory_space<hbm>>) dst(%dma_wait3A_875 : memref<32x16xf32, #tpu.memory_space<vmem>>)
      %dma_wait3A_882 = arith.constant 18 : i32
      %dma_wait3A_883 = arith.constant 576 : i32
      %dma_wait3A_884 = arith.constant 0 : i32
      %dma_wait3A_885 = tpu.memref_slice %arg12[%dma_wait3A_883, %dma_wait3A_884] : memref<640x32xf32, #tpu.memory_space<vmem>> -> memref<32x32xf32, #tpu.memory_space<vmem>>
      %dma_wait3A_886 = arith.constant 0 : i32
      %dma_wait3A_887 = tpu.memref_slice %arg8[%dma_wait3A_882, %dma_wait3A_886] : memref<20x32xi32, #tpu.memory_space<vmem>> -> memref<1x32xi32, #tpu.memory_space<vmem>>
      %dma_wait3A_888 = tpu.memref_squeeze %dma_wait3A_887 : memref<1x32xi32, #tpu.memory_space<vmem>> -> memref<32xi32, #tpu.memory_space<vmem>>
      %dma_wait3A_889 = arith.constant 0 : i32
      %dma_wait3A_890 = arith.constant 0 : i32
      %dma_wait3A_891 = tpu.memref_slice %arg5[%dma_wait3A_889, %dma_wait3A_890] : memref<100000x32xf32, #tpu.memory_space<hbm>> -> memref<100000x32xf32, #tpu.memory_space<hbm>>
      tpu.wait_indirect_dma semaphore(%arg18 : memref<!tpu.dma_semaphore, #tpu.memory_space<semaphore_mem>>) src(%dma_wait3A_891 : memref<100000x32xf32, #tpu.memory_space<hbm>>) dst(%dma_wait3A_885 : memref<32x32xf32, #tpu.memory_space<vmem>>)
      %dma_wait3A_892 = arith.constant 19 : i32
      %dma_wait3A_893 = arith.constant 608 : i32
      %dma_wait3A_894 = arith.constant 0 : i32
      %dma_wait3A_895 = tpu.memref_slice %arg10[%dma_wait3A_893, %dma_wait3A_894] : memref<640x16xf32, #tpu.memory_space<vmem>> -> memref<32x16xf32, #tpu.memory_space<vmem>>
      %dma_wait3A_896 = arith.constant 0 : i32
      %dma_wait3A_897 = tpu.memref_slice %arg8[%dma_wait3A_892, %dma_wait3A_896] : memref<20x32xi32, #tpu.memory_space<vmem>> -> memref<1x32xi32, #tpu.memory_space<vmem>>
      %dma_wait3A_898 = tpu.memref_squeeze %dma_wait3A_897 : memref<1x32xi32, #tpu.memory_space<vmem>> -> memref<32xi32, #tpu.memory_space<vmem>>
      %dma_wait3A_899 = arith.constant 0 : i32
      %dma_wait3A_900 = arith.constant 0 : i32
      %dma_wait3A_901 = tpu.memref_slice %arg4[%dma_wait3A_899, %dma_wait3A_900] : memref<100000x16xf32, #tpu.memory_space<hbm>> -> memref<100000x16xf32, #tpu.memory_space<hbm>>
      tpu.wait_indirect_dma semaphore(%arg18 : memref<!tpu.dma_semaphore, #tpu.memory_space<semaphore_mem>>) src(%dma_wait3A_901 : memref<100000x16xf32, #tpu.memory_space<hbm>>) dst(%dma_wait3A_895 : memref<32x16xf32, #tpu.memory_space<vmem>>)
      %dma_wait3A_902 = arith.constant 19 : i32
      %dma_wait3A_903 = arith.constant 608 : i32
      %dma_wait3A_904 = arith.constant 0 : i32
      %dma_wait3A_905 = tpu.memref_slice %arg12[%dma_wait3A_903, %dma_wait3A_904] : memref<640x32xf32, #tpu.memory_space<vmem>> -> memref<32x32xf32, #tpu.memory_space<vmem>>
      %dma_wait3A_906 = arith.constant 0 : i32
      %dma_wait3A_907 = tpu.memref_slice %arg8[%dma_wait3A_902, %dma_wait3A_906] : memref<20x32xi32, #tpu.memory_space<vmem>> -> memref<1x32xi32, #tpu.memory_space<vmem>>
      %dma_wait3A_908 = tpu.memref_squeeze %dma_wait3A_907 : memref<1x32xi32, #tpu.memory_space<vmem>> -> memref<32xi32, #tpu.memory_space<vmem>>
      %dma_wait3A_909 = arith.constant 0 : i32
      %dma_wait3A_910 = arith.constant 0 : i32
      %dma_wait3A_911 = tpu.memref_slice %arg5[%dma_wait3A_909, %dma_wait3A_910] : memref<100000x32xf32, #tpu.memory_space<hbm>> -> memref<100000x32xf32, #tpu.memory_space<hbm>>
      tpu.wait_indirect_dma semaphore(%arg18 : memref<!tpu.dma_semaphore, #tpu.memory_space<semaphore_mem>>) src(%dma_wait3A_911 : memref<100000x32xf32, #tpu.memory_space<hbm>>) dst(%dma_wait3A_905 : memref<32x32xf32, #tpu.memory_space<vmem>>)
      %dma_start3A_912 = arith.constant 0 : i32
      %dma_start3A_913 = arith.constant 0 : i32
      %dma_start3A_914 = arith.constant 0 : i32
      %dma_start3A_915 = tpu.memref_slice %arg11[%dma_start3A_913, %dma_start3A_914] : memref<640x16xf32, #tpu.memory_space<vmem>> -> memref<32x16xf32, #tpu.memory_space<vmem>>
      %dma_start3A_916 = arith.constant 0 : i32
      %dma_start3A_917 = tpu.memref_slice %arg9[%dma_start3A_912, %dma_start3A_916] : memref<20x32xi32, #tpu.memory_space<vmem>> -> memref<1x32xi32, #tpu.memory_space<vmem>>
      %dma_start3A_918 = tpu.memref_squeeze %dma_start3A_917 : memref<1x32xi32, #tpu.memory_space<vmem>> -> memref<32xi32, #tpu.memory_space<vmem>>
      %dma_start3A_919 = arith.constant 0 : i32
      %dma_start3A_920 = arith.constant 0 : i32
      %dma_start3A_921 = tpu.memref_slice %arg4[%dma_start3A_919, %dma_start3A_920] : memref<100000x16xf32, #tpu.memory_space<hbm>> -> memref<100000x16xf32, #tpu.memory_space<hbm>>
      tpu.enqueue_indirect_dma source(%dma_start3A_921 : memref<100000x16xf32, #tpu.memory_space<hbm>>) target(%dma_start3A_915 : memref<32x16xf32, #tpu.memory_space<vmem>>) offsets(%dma_start3A_918 : memref<32xi32, #tpu.memory_space<vmem>>) semaphore(%arg19 : memref<!tpu.dma_semaphore, #tpu.memory_space<semaphore_mem>>)
      %dma_start3A_922 = arith.constant 0 : i32
      %dma_start3A_923 = arith.constant 0 : i32
      %dma_start3A_924 = arith.constant 0 : i32
      %dma_start3A_925 = tpu.memref_slice %arg13[%dma_start3A_923, %dma_start3A_924] : memref<640x32xf32, #tpu.memory_space<vmem>> -> memref<32x32xf32, #tpu.memory_space<vmem>>
      %dma_start3A_926 = arith.constant 0 : i32
      %dma_start3A_927 = tpu.memref_slice %arg9[%dma_start3A_922, %dma_start3A_926] : memref<20x32xi32, #tpu.memory_space<vmem>> -> memref<1x32xi32, #tpu.memory_space<vmem>>
      %dma_start3A_928 = tpu.memref_squeeze %dma_start3A_927 : memref<1x32xi32, #tpu.memory_space<vmem>> -> memref<32xi32, #tpu.memory_space<vmem>>
      %dma_start3A_929 = arith.constant 0 : i32
      %dma_start3A_930 = arith.constant 0 : i32
      %dma_start3A_931 = tpu.memref_slice %arg5[%dma_start3A_929, %dma_start3A_930] : memref<100000x32xf32, #tpu.memory_space<hbm>> -> memref<100000x32xf32, #tpu.memory_space<hbm>>
      tpu.enqueue_indirect_dma source(%dma_start3A_931 : memref<100000x32xf32, #tpu.memory_space<hbm>>) target(%dma_start3A_925 : memref<32x32xf32, #tpu.memory_space<vmem>>) offsets(%dma_start3A_928 : memref<32xi32, #tpu.memory_space<vmem>>) semaphore(%arg19 : memref<!tpu.dma_semaphore, #tpu.memory_space<semaphore_mem>>)
      %dma_start3A_932 = arith.constant 1 : i32
      %dma_start3A_933 = arith.constant 32 : i32
      %dma_start3A_934 = arith.constant 0 : i32
      %dma_start3A_935 = tpu.memref_slice %arg11[%dma_start3A_933, %dma_start3A_934] : memref<640x16xf32, #tpu.memory_space<vmem>> -> memref<32x16xf32, #tpu.memory_space<vmem>>
      %dma_start3A_936 = arith.constant 0 : i32
      %dma_start3A_937 = tpu.memref_slice %arg9[%dma_start3A_932, %dma_start3A_936] : memref<20x32xi32, #tpu.memory_space<vmem>> -> memref<1x32xi32, #tpu.memory_space<vmem>>
      %dma_start3A_938 = tpu.memref_squeeze %dma_start3A_937 : memref<1x32xi32, #tpu.memory_space<vmem>> -> memref<32xi32, #tpu.memory_space<vmem>>
      %dma_start3A_939 = arith.constant 0 : i32
      %dma_start3A_940 = arith.constant 0 : i32
      %dma_start3A_941 = tpu.memref_slice %arg4[%dma_start3A_939, %dma_start3A_940] : memref<100000x16xf32, #tpu.memory_space<hbm>> -> memref<100000x16xf32, #tpu.memory_space<hbm>>
      tpu.enqueue_indirect_dma source(%dma_start3A_941 : memref<100000x16xf32, #tpu.memory_space<hbm>>) target(%dma_start3A_935 : memref<32x16xf32, #tpu.memory_space<vmem>>) offsets(%dma_start3A_938 : memref<32xi32, #tpu.memory_space<vmem>>) semaphore(%arg19 : memref<!tpu.dma_semaphore, #tpu.memory_space<semaphore_mem>>)
      %dma_start3A_942 = arith.constant 1 : i32
      %dma_start3A_943 = arith.constant 32 : i32
      %dma_start3A_944 = arith.constant 0 : i32
      %dma_start3A_945 = tpu.memref_slice %arg13[%dma_start3A_943, %dma_start3A_944] : memref<640x32xf32, #tpu.memory_space<vmem>> -> memref<32x32xf32, #tpu.memory_space<vmem>>
      %dma_start3A_946 = arith.constant 0 : i32
      %dma_start3A_947 = tpu.memref_slice %arg9[%dma_start3A_942, %dma_start3A_946] : memref<20x32xi32, #tpu.memory_space<vmem>> -> memref<1x32xi32, #tpu.memory_space<vmem>>
      %dma_start3A_948 = tpu.memref_squeeze %dma_start3A_947 : memref<1x32xi32, #tpu.memory_space<vmem>> -> memref<32xi32, #tpu.memory_space<vmem>>
      %dma_start3A_949 = arith.constant 0 : i32
      %dma_start3A_950 = arith.constant 0 : i32
      %dma_start3A_951 = tpu.memref_slice %arg5[%dma_start3A_949, %dma_start3A_950] : memref<100000x32xf32, #tpu.memory_space<hbm>> -> memref<100000x32xf32, #tpu.memory_space<hbm>>
      tpu.enqueue_indirect_dma source(%dma_start3A_951 : memref<100000x32xf32, #tpu.memory_space<hbm>>) target(%dma_start3A_945 : memref<32x32xf32, #tpu.memory_space<vmem>>) offsets(%dma_start3A_948 : memref<32xi32, #tpu.memory_space<vmem>>) semaphore(%arg19 : memref<!tpu.dma_semaphore, #tpu.memory_space<semaphore_mem>>)
      %dma_start3A_952 = arith.constant 2 : i32
      %dma_start3A_953 = arith.constant 64 : i32
      %dma_start3A_954 = arith.constant 0 : i32
      %dma_start3A_955 = tpu.memref_slice %arg11[%dma_start3A_953, %dma_start3A_954] : memref<640x16xf32, #tpu.memory_space<vmem>> -> memref<32x16xf32, #tpu.memory_space<vmem>>
      %dma_start3A_956 = arith.constant 0 : i32
      %dma_start3A_957 = tpu.memref_slice %arg9[%dma_start3A_952, %dma_start3A_956] : memref<20x32xi32, #tpu.memory_space<vmem>> -> memref<1x32xi32, #tpu.memory_space<vmem>>
      %dma_start3A_958 = tpu.memref_squeeze %dma_start3A_957 : memref<1x32xi32, #tpu.memory_space<vmem>> -> memref<32xi32, #tpu.memory_space<vmem>>
      %dma_start3A_959 = arith.constant 0 : i32
      %dma_start3A_960 = arith.constant 0 : i32
      %dma_start3A_961 = tpu.memref_slice %arg4[%dma_start3A_959, %dma_start3A_960] : memref<100000x16xf32, #tpu.memory_space<hbm>> -> memref<100000x16xf32, #tpu.memory_space<hbm>>
      tpu.enqueue_indirect_dma source(%dma_start3A_961 : memref<100000x16xf32, #tpu.memory_space<hbm>>) target(%dma_start3A_955 : memref<32x16xf32, #tpu.memory_space<vmem>>) offsets(%dma_start3A_958 : memref<32xi32, #tpu.memory_space<vmem>>) semaphore(%arg19 : memref<!tpu.dma_semaphore, #tpu.memory_space<semaphore_mem>>)
      %dma_start3A_962 = arith.constant 2 : i32
      %dma_start3A_963 = arith.constant 64 : i32
      %dma_start3A_964 = arith.constant 0 : i32
      %dma_start3A_965 = tpu.memref_slice %arg13[%dma_start3A_963, %dma_start3A_964] : memref<640x32xf32, #tpu.memory_space<vmem>> -> memref<32x32xf32, #tpu.memory_space<vmem>>
      %dma_start3A_966 = arith.constant 0 : i32
      %dma_start3A_967 = tpu.memref_slice %arg9[%dma_start3A_962, %dma_start3A_966] : memref<20x32xi32, #tpu.memory_space<vmem>> -> memref<1x32xi32, #tpu.memory_space<vmem>>
      %dma_start3A_968 = tpu.memref_squeeze %dma_start3A_967 : memref<1x32xi32, #tpu.memory_space<vmem>> -> memref<32xi32, #tpu.memory_space<vmem>>
      %dma_start3A_969 = arith.constant 0 : i32
      %dma_start3A_970 = arith.constant 0 : i32
      %dma_start3A_971 = tpu.memref_slice %arg5[%dma_start3A_969, %dma_start3A_970] : memref<100000x32xf32, #tpu.memory_space<hbm>> -> memref<100000x32xf32, #tpu.memory_space<hbm>>
      tpu.enqueue_indirect_dma source(%dma_start3A_971 : memref<100000x32xf32, #tpu.memory_space<hbm>>) target(%dma_start3A_965 : memref<32x32xf32, #tpu.memory_space<vmem>>) offsets(%dma_start3A_968 : memref<32xi32, #tpu.memory_space<vmem>>) semaphore(%arg19 : memref<!tpu.dma_semaphore, #tpu.memory_space<semaphore_mem>>)
      %dma_start3A_972 = arith.constant 3 : i32
      %dma_start3A_973 = arith.constant 96 : i32
      %dma_start3A_974 = arith.constant 0 : i32
      %dma_start3A_975 = tpu.memref_slice %arg11[%dma_start3A_973, %dma_start3A_974] : memref<640x16xf32, #tpu.memory_space<vmem>> -> memref<32x16xf32, #tpu.memory_space<vmem>>
      %dma_start3A_976 = arith.constant 0 : i32
      %dma_start3A_977 = tpu.memref_slice %arg9[%dma_start3A_972, %dma_start3A_976] : memref<20x32xi32, #tpu.memory_space<vmem>> -> memref<1x32xi32, #tpu.memory_space<vmem>>
      %dma_start3A_978 = tpu.memref_squeeze %dma_start3A_977 : memref<1x32xi32, #tpu.memory_space<vmem>> -> memref<32xi32, #tpu.memory_space<vmem>>
      %dma_start3A_979 = arith.constant 0 : i32
      %dma_start3A_980 = arith.constant 0 : i32
      %dma_start3A_981 = tpu.memref_slice %arg4[%dma_start3A_979, %dma_start3A_980] : memref<100000x16xf32, #tpu.memory_space<hbm>> -> memref<100000x16xf32, #tpu.memory_space<hbm>>
      tpu.enqueue_indirect_dma source(%dma_start3A_981 : memref<100000x16xf32, #tpu.memory_space<hbm>>) target(%dma_start3A_975 : memref<32x16xf32, #tpu.memory_space<vmem>>) offsets(%dma_start3A_978 : memref<32xi32, #tpu.memory_space<vmem>>) semaphore(%arg19 : memref<!tpu.dma_semaphore, #tpu.memory_space<semaphore_mem>>)
      %dma_start3A_982 = arith.constant 3 : i32
      %dma_start3A_983 = arith.constant 96 : i32
      %dma_start3A_984 = arith.constant 0 : i32
      %dma_start3A_985 = tpu.memref_slice %arg13[%dma_start3A_983, %dma_start3A_984] : memref<640x32xf32, #tpu.memory_space<vmem>> -> memref<32x32xf32, #tpu.memory_space<vmem>>
      %dma_start3A_986 = arith.constant 0 : i32
      %dma_start3A_987 = tpu.memref_slice %arg9[%dma_start3A_982, %dma_start3A_986] : memref<20x32xi32, #tpu.memory_space<vmem>> -> memref<1x32xi32, #tpu.memory_space<vmem>>
      %dma_start3A_988 = tpu.memref_squeeze %dma_start3A_987 : memref<1x32xi32, #tpu.memory_space<vmem>> -> memref<32xi32, #tpu.memory_space<vmem>>
      %dma_start3A_989 = arith.constant 0 : i32
      %dma_start3A_990 = arith.constant 0 : i32
      %dma_start3A_991 = tpu.memref_slice %arg5[%dma_start3A_989, %dma_start3A_990] : memref<100000x32xf32, #tpu.memory_space<hbm>> -> memref<100000x32xf32, #tpu.memory_space<hbm>>
      tpu.enqueue_indirect_dma source(%dma_start3A_991 : memref<100000x32xf32, #tpu.memory_space<hbm>>) target(%dma_start3A_985 : memref<32x32xf32, #tpu.memory_space<vmem>>) offsets(%dma_start3A_988 : memref<32xi32, #tpu.memory_space<vmem>>) semaphore(%arg19 : memref<!tpu.dma_semaphore, #tpu.memory_space<semaphore_mem>>)
      %dma_start3A_992 = arith.constant 4 : i32
      %dma_start3A_993 = arith.constant 128 : i32
      %dma_start3A_994 = arith.constant 0 : i32
      %dma_start3A_995 = tpu.memref_slice %arg11[%dma_start3A_993, %dma_start3A_994] : memref<640x16xf32, #tpu.memory_space<vmem>> -> memref<32x16xf32, #tpu.memory_space<vmem>>
      %dma_start3A_996 = arith.constant 0 : i32
      %dma_start3A_997 = tpu.memref_slice %arg9[%dma_start3A_992, %dma_start3A_996] : memref<20x32xi32, #tpu.memory_space<vmem>> -> memref<1x32xi32, #tpu.memory_space<vmem>>
      %dma_start3A_998 = tpu.memref_squeeze %dma_start3A_997 : memref<1x32xi32, #tpu.memory_space<vmem>> -> memref<32xi32, #tpu.memory_space<vmem>>
      %dma_start3A_999 = arith.constant 0 : i32
      %dma_start3A_1000 = arith.constant 0 : i32
      %dma_start3A_1001 = tpu.memref_slice %arg4[%dma_start3A_999, %dma_start3A_1000] : memref<100000x16xf32, #tpu.memory_space<hbm>> -> memref<100000x16xf32, #tpu.memory_space<hbm>>
      tpu.enqueue_indirect_dma source(%dma_start3A_1001 : memref<100000x16xf32, #tpu.memory_space<hbm>>) target(%dma_start3A_995 : memref<32x16xf32, #tpu.memory_space<vmem>>) offsets(%dma_start3A_998 : memref<32xi32, #tpu.memory_space<vmem>>) semaphore(%arg19 : memref<!tpu.dma_semaphore, #tpu.memory_space<semaphore_mem>>)
      %dma_start3A_1002 = arith.constant 4 : i32
      %dma_start3A_1003 = arith.constant 128 : i32
      %dma_start3A_1004 = arith.constant 0 : i32
      %dma_start3A_1005 = tpu.memref_slice %arg13[%dma_start3A_1003, %dma_start3A_1004] : memref<640x32xf32, #tpu.memory_space<vmem>> -> memref<32x32xf32, #tpu.memory_space<vmem>>
      %dma_start3A_1006 = arith.constant 0 : i32
      %dma_start3A_1007 = tpu.memref_slice %arg9[%dma_start3A_1002, %dma_start3A_1006] : memref<20x32xi32, #tpu.memory_space<vmem>> -> memref<1x32xi32, #tpu.memory_space<vmem>>
      %dma_start3A_1008 = tpu.memref_squeeze %dma_start3A_1007 : memref<1x32xi32, #tpu.memory_space<vmem>> -> memref<32xi32, #tpu.memory_space<vmem>>
      %dma_start3A_1009 = arith.constant 0 : i32
      %dma_start3A_1010 = arith.constant 0 : i32
      %dma_start3A_1011 = tpu.memref_slice %arg5[%dma_start3A_1009, %dma_start3A_1010] : memref<100000x32xf32, #tpu.memory_space<hbm>> -> memref<100000x32xf32, #tpu.memory_space<hbm>>
      tpu.enqueue_indirect_dma source(%dma_start3A_1011 : memref<100000x32xf32, #tpu.memory_space<hbm>>) target(%dma_start3A_1005 : memref<32x32xf32, #tpu.memory_space<vmem>>) offsets(%dma_start3A_1008 : memref<32xi32, #tpu.memory_space<vmem>>) semaphore(%arg19 : memref<!tpu.dma_semaphore, #tpu.memory_space<semaphore_mem>>)
      %dma_start3A_1012 = arith.constant 5 : i32
      %dma_start3A_1013 = arith.constant 160 : i32
      %dma_start3A_1014 = arith.constant 0 : i32
      %dma_start3A_1015 = tpu.memref_slice %arg11[%dma_start3A_1013, %dma_start3A_1014] : memref<640x16xf32, #tpu.memory_space<vmem>> -> memref<32x16xf32, #tpu.memory_space<vmem>>
      %dma_start3A_1016 = arith.constant 0 : i32
      %dma_start3A_1017 = tpu.memref_slice %arg9[%dma_start3A_1012, %dma_start3A_1016] : memref<20x32xi32, #tpu.memory_space<vmem>> -> memref<1x32xi32, #tpu.memory_space<vmem>>
      %dma_start3A_1018 = tpu.memref_squeeze %dma_start3A_1017 : memref<1x32xi32, #tpu.memory_space<vmem>> -> memref<32xi32, #tpu.memory_space<vmem>>
      %dma_start3A_1019 = arith.constant 0 : i32
      %dma_start3A_1020 = arith.constant 0 : i32
      %dma_start3A_1021 = tpu.memref_slice %arg4[%dma_start3A_1019, %dma_start3A_1020] : memref<100000x16xf32, #tpu.memory_space<hbm>> -> memref<100000x16xf32, #tpu.memory_space<hbm>>
      tpu.enqueue_indirect_dma source(%dma_start3A_1021 : memref<100000x16xf32, #tpu.memory_space<hbm>>) target(%dma_start3A_1015 : memref<32x16xf32, #tpu.memory_space<vmem>>) offsets(%dma_start3A_1018 : memref<32xi32, #tpu.memory_space<vmem>>) semaphore(%arg19 : memref<!tpu.dma_semaphore, #tpu.memory_space<semaphore_mem>>)
      %dma_start3A_1022 = arith.constant 5 : i32
      %dma_start3A_1023 = arith.constant 160 : i32
      %dma_start3A_1024 = arith.constant 0 : i32
      %dma_start3A_1025 = tpu.memref_slice %arg13[%dma_start3A_1023, %dma_start3A_1024] : memref<640x32xf32, #tpu.memory_space<vmem>> -> memref<32x32xf32, #tpu.memory_space<vmem>>
      %dma_start3A_1026 = arith.constant 0 : i32
      %dma_start3A_1027 = tpu.memref_slice %arg9[%dma_start3A_1022, %dma_start3A_1026] : memref<20x32xi32, #tpu.memory_space<vmem>> -> memref<1x32xi32, #tpu.memory_space<vmem>>
      %dma_start3A_1028 = tpu.memref_squeeze %dma_start3A_1027 : memref<1x32xi32, #tpu.memory_space<vmem>> -> memref<32xi32, #tpu.memory_space<vmem>>
      %dma_start3A_1029 = arith.constant 0 : i32
      %dma_start3A_1030 = arith.constant 0 : i32
      %dma_start3A_1031 = tpu.memref_slice %arg5[%dma_start3A_1029, %dma_start3A_1030] : memref<100000x32xf32, #tpu.memory_space<hbm>> -> memref<100000x32xf32, #tpu.memory_space<hbm>>
      tpu.enqueue_indirect_dma source(%dma_start3A_1031 : memref<100000x32xf32, #tpu.memory_space<hbm>>) target(%dma_start3A_1025 : memref<32x32xf32, #tpu.memory_space<vmem>>) offsets(%dma_start3A_1028 : memref<32xi32, #tpu.memory_space<vmem>>) semaphore(%arg19 : memref<!tpu.dma_semaphore, #tpu.memory_space<semaphore_mem>>)
      %dma_start3A_1032 = arith.constant 6 : i32
      %dma_start3A_1033 = arith.constant 192 : i32
      %dma_start3A_1034 = arith.constant 0 : i32
      %dma_start3A_1035 = tpu.memref_slice %arg11[%dma_start3A_1033, %dma_start3A_1034] : memref<640x16xf32, #tpu.memory_space<vmem>> -> memref<32x16xf32, #tpu.memory_space<vmem>>
      %dma_start3A_1036 = arith.constant 0 : i32
      %dma_start3A_1037 = tpu.memref_slice %arg9[%dma_start3A_1032, %dma_start3A_1036] : memref<20x32xi32, #tpu.memory_space<vmem>> -> memref<1x32xi32, #tpu.memory_space<vmem>>
      %dma_start3A_1038 = tpu.memref_squeeze %dma_start3A_1037 : memref<1x32xi32, #tpu.memory_space<vmem>> -> memref<32xi32, #tpu.memory_space<vmem>>
      %dma_start3A_1039 = arith.constant 0 : i32
      %dma_start3A_1040 = arith.constant 0 : i32
      %dma_start3A_1041 = tpu.memref_slice %arg4[%dma_start3A_1039, %dma_start3A_1040] : memref<100000x16xf32, #tpu.memory_space<hbm>> -> memref<100000x16xf32, #tpu.memory_space<hbm>>
      tpu.enqueue_indirect_dma source(%dma_start3A_1041 : memref<100000x16xf32, #tpu.memory_space<hbm>>) target(%dma_start3A_1035 : memref<32x16xf32, #tpu.memory_space<vmem>>) offsets(%dma_start3A_1038 : memref<32xi32, #tpu.memory_space<vmem>>) semaphore(%arg19 : memref<!tpu.dma_semaphore, #tpu.memory_space<semaphore_mem>>)
      %dma_start3A_1042 = arith.constant 6 : i32
      %dma_start3A_1043 = arith.constant 192 : i32
      %dma_start3A_1044 = arith.constant 0 : i32
      %dma_start3A_1045 = tpu.memref_slice %arg13[%dma_start3A_1043, %dma_start3A_1044] : memref<640x32xf32, #tpu.memory_space<vmem>> -> memref<32x32xf32, #tpu.memory_space<vmem>>
      %dma_start3A_1046 = arith.constant 0 : i32
      %dma_start3A_1047 = tpu.memref_slice %arg9[%dma_start3A_1042, %dma_start3A_1046] : memref<20x32xi32, #tpu.memory_space<vmem>> -> memref<1x32xi32, #tpu.memory_space<vmem>>
      %dma_start3A_1048 = tpu.memref_squeeze %dma_start3A_1047 : memref<1x32xi32, #tpu.memory_space<vmem>> -> memref<32xi32, #tpu.memory_space<vmem>>
      %dma_start3A_1049 = arith.constant 0 : i32
      %dma_start3A_1050 = arith.constant 0 : i32
      %dma_start3A_1051 = tpu.memref_slice %arg5[%dma_start3A_1049, %dma_start3A_1050] : memref<100000x32xf32, #tpu.memory_space<hbm>> -> memref<100000x32xf32, #tpu.memory_space<hbm>>
      tpu.enqueue_indirect_dma source(%dma_start3A_1051 : memref<100000x32xf32, #tpu.memory_space<hbm>>) target(%dma_start3A_1045 : memref<32x32xf32, #tpu.memory_space<vmem>>) offsets(%dma_start3A_1048 : memref<32xi32, #tpu.memory_space<vmem>>) semaphore(%arg19 : memref<!tpu.dma_semaphore, #tpu.memory_space<semaphore_mem>>)
      %dma_start3A_1052 = arith.constant 7 : i32
      %dma_start3A_1053 = arith.constant 224 : i32
      %dma_start3A_1054 = arith.constant 0 : i32
      %dma_start3A_1055 = tpu.memref_slice %arg11[%dma_start3A_1053, %dma_start3A_1054] : memref<640x16xf32, #tpu.memory_space<vmem>> -> memref<32x16xf32, #tpu.memory_space<vmem>>
      %dma_start3A_1056 = arith.constant 0 : i32
      %dma_start3A_1057 = tpu.memref_slice %arg9[%dma_start3A_1052, %dma_start3A_1056] : memref<20x32xi32, #tpu.memory_space<vmem>> -> memref<1x32xi32, #tpu.memory_space<vmem>>
      %dma_start3A_1058 = tpu.memref_squeeze %dma_start3A_1057 : memref<1x32xi32, #tpu.memory_space<vmem>> -> memref<32xi32, #tpu.memory_space<vmem>>
      %dma_start3A_1059 = arith.constant 0 : i32
      %dma_start3A_1060 = arith.constant 0 : i32
      %dma_start3A_1061 = tpu.memref_slice %arg4[%dma_start3A_1059, %dma_start3A_1060] : memref<100000x16xf32, #tpu.memory_space<hbm>> -> memref<100000x16xf32, #tpu.memory_space<hbm>>
      tpu.enqueue_indirect_dma source(%dma_start3A_1061 : memref<100000x16xf32, #tpu.memory_space<hbm>>) target(%dma_start3A_1055 : memref<32x16xf32, #tpu.memory_space<vmem>>) offsets(%dma_start3A_1058 : memref<32xi32, #tpu.memory_space<vmem>>) semaphore(%arg19 : memref<!tpu.dma_semaphore, #tpu.memory_space<semaphore_mem>>)
      %dma_start3A_1062 = arith.constant 7 : i32
      %dma_start3A_1063 = arith.constant 224 : i32
      %dma_start3A_1064 = arith.constant 0 : i32
      %dma_start3A_1065 = tpu.memref_slice %arg13[%dma_start3A_1063, %dma_start3A_1064] : memref<640x32xf32, #tpu.memory_space<vmem>> -> memref<32x32xf32, #tpu.memory_space<vmem>>
      %dma_start3A_1066 = arith.constant 0 : i32
      %dma_start3A_1067 = tpu.memref_slice %arg9[%dma_start3A_1062, %dma_start3A_1066] : memref<20x32xi32, #tpu.memory_space<vmem>> -> memref<1x32xi32, #tpu.memory_space<vmem>>
      %dma_start3A_1068 = tpu.memref_squeeze %dma_start3A_1067 : memref<1x32xi32, #tpu.memory_space<vmem>> -> memref<32xi32, #tpu.memory_space<vmem>>
      %dma_start3A_1069 = arith.constant 0 : i32
      %dma_start3A_1070 = arith.constant 0 : i32
      %dma_start3A_1071 = tpu.memref_slice %arg5[%dma_start3A_1069, %dma_start3A_1070] : memref<100000x32xf32, #tpu.memory_space<hbm>> -> memref<100000x32xf32, #tpu.memory_space<hbm>>
      tpu.enqueue_indirect_dma source(%dma_start3A_1071 : memref<100000x32xf32, #tpu.memory_space<hbm>>) target(%dma_start3A_1065 : memref<32x32xf32, #tpu.memory_space<vmem>>) offsets(%dma_start3A_1068 : memref<32xi32, #tpu.memory_space<vmem>>) semaphore(%arg19 : memref<!tpu.dma_semaphore, #tpu.memory_space<semaphore_mem>>)
      %dma_start3A_1072 = arith.constant 8 : i32
      %dma_start3A_1073 = arith.constant 256 : i32
      %dma_start3A_1074 = arith.constant 0 : i32
      %dma_start3A_1075 = tpu.memref_slice %arg11[%dma_start3A_1073, %dma_start3A_1074] : memref<640x16xf32, #tpu.memory_space<vmem>> -> memref<32x16xf32, #tpu.memory_space<vmem>>
      %dma_start3A_1076 = arith.constant 0 : i32
      %dma_start3A_1077 = tpu.memref_slice %arg9[%dma_start3A_1072, %dma_start3A_1076] : memref<20x32xi32, #tpu.memory_space<vmem>> -> memref<1x32xi32, #tpu.memory_space<vmem>>
      %dma_start3A_1078 = tpu.memref_squeeze %dma_start3A_1077 : memref<1x32xi32, #tpu.memory_space<vmem>> -> memref<32xi32, #tpu.memory_space<vmem>>
      %dma_start3A_1079 = arith.constant 0 : i32
      %dma_start3A_1080 = arith.constant 0 : i32
      %dma_start3A_1081 = tpu.memref_slice %arg4[%dma_start3A_1079, %dma_start3A_1080] : memref<100000x16xf32, #tpu.memory_space<hbm>> -> memref<100000x16xf32, #tpu.memory_space<hbm>>
      tpu.enqueue_indirect_dma source(%dma_start3A_1081 : memref<100000x16xf32, #tpu.memory_space<hbm>>) target(%dma_start3A_1075 : memref<32x16xf32, #tpu.memory_space<vmem>>) offsets(%dma_start3A_1078 : memref<32xi32, #tpu.memory_space<vmem>>) semaphore(%arg19 : memref<!tpu.dma_semaphore, #tpu.memory_space<semaphore_mem>>)
      %dma_start3A_1082 = arith.constant 8 : i32
      %dma_start3A_1083 = arith.constant 256 : i32
      %dma_start3A_1084 = arith.constant 0 : i32
      %dma_start3A_1085 = tpu.memref_slice %arg13[%dma_start3A_1083, %dma_start3A_1084] : memref<640x32xf32, #tpu.memory_space<vmem>> -> memref<32x32xf32, #tpu.memory_space<vmem>>
      %dma_start3A_1086 = arith.constant 0 : i32
      %dma_start3A_1087 = tpu.memref_slice %arg9[%dma_start3A_1082, %dma_start3A_1086] : memref<20x32xi32, #tpu.memory_space<vmem>> -> memref<1x32xi32, #tpu.memory_space<vmem>>
      %dma_start3A_1088 = tpu.memref_squeeze %dma_start3A_1087 : memref<1x32xi32, #tpu.memory_space<vmem>> -> memref<32xi32, #tpu.memory_space<vmem>>
      %dma_start3A_1089 = arith.constant 0 : i32
      %dma_start3A_1090 = arith.constant 0 : i32
      %dma_start3A_1091 = tpu.memref_slice %arg5[%dma_start3A_1089, %dma_start3A_1090] : memref<100000x32xf32, #tpu.memory_space<hbm>> -> memref<100000x32xf32, #tpu.memory_space<hbm>>
      tpu.enqueue_indirect_dma source(%dma_start3A_1091 : memref<100000x32xf32, #tpu.memory_space<hbm>>) target(%dma_start3A_1085 : memref<32x32xf32, #tpu.memory_space<vmem>>) offsets(%dma_start3A_1088 : memref<32xi32, #tpu.memory_space<vmem>>) semaphore(%arg19 : memref<!tpu.dma_semaphore, #tpu.memory_space<semaphore_mem>>)
      %dma_start3A_1092 = arith.constant 9 : i32
      %dma_start3A_1093 = arith.constant 288 : i32
      %dma_start3A_1094 = arith.constant 0 : i32
      %dma_start3A_1095 = tpu.memref_slice %arg11[%dma_start3A_1093, %dma_start3A_1094] : memref<640x16xf32, #tpu.memory_space<vmem>> -> memref<32x16xf32, #tpu.memory_space<vmem>>
      %dma_start3A_1096 = arith.constant 0 : i32
      %dma_start3A_1097 = tpu.memref_slice %arg9[%dma_start3A_1092, %dma_start3A_1096] : memref<20x32xi32, #tpu.memory_space<vmem>> -> memref<1x32xi32, #tpu.memory_space<vmem>>
      %dma_start3A_1098 = tpu.memref_squeeze %dma_start3A_1097 : memref<1x32xi32, #tpu.memory_space<vmem>> -> memref<32xi32, #tpu.memory_space<vmem>>
      %dma_start3A_1099 = arith.constant 0 : i32
      %dma_start3A_1100 = arith.constant 0 : i32
      %dma_start3A_1101 = tpu.memref_slice %arg4[%dma_start3A_1099, %dma_start3A_1100] : memref<100000x16xf32, #tpu.memory_space<hbm>> -> memref<100000x16xf32, #tpu.memory_space<hbm>>
      tpu.enqueue_indirect_dma source(%dma_start3A_1101 : memref<100000x16xf32, #tpu.memory_space<hbm>>) target(%dma_start3A_1095 : memref<32x16xf32, #tpu.memory_space<vmem>>) offsets(%dma_start3A_1098 : memref<32xi32, #tpu.memory_space<vmem>>) semaphore(%arg19 : memref<!tpu.dma_semaphore, #tpu.memory_space<semaphore_mem>>)
      %dma_start3A_1102 = arith.constant 9 : i32
      %dma_start3A_1103 = arith.constant 288 : i32
      %dma_start3A_1104 = arith.constant 0 : i32
      %dma_start3A_1105 = tpu.memref_slice %arg13[%dma_start3A_1103, %dma_start3A_1104] : memref<640x32xf32, #tpu.memory_space<vmem>> -> memref<32x32xf32, #tpu.memory_space<vmem>>
      %dma_start3A_1106 = arith.constant 0 : i32
      %dma_start3A_1107 = tpu.memref_slice %arg9[%dma_start3A_1102, %dma_start3A_1106] : memref<20x32xi32, #tpu.memory_space<vmem>> -> memref<1x32xi32, #tpu.memory_space<vmem>>
      %dma_start3A_1108 = tpu.memref_squeeze %dma_start3A_1107 : memref<1x32xi32, #tpu.memory_space<vmem>> -> memref<32xi32, #tpu.memory_space<vmem>>
      %dma_start3A_1109 = arith.constant 0 : i32
      %dma_start3A_1110 = arith.constant 0 : i32
      %dma_start3A_1111 = tpu.memref_slice %arg5[%dma_start3A_1109, %dma_start3A_1110] : memref<100000x32xf32, #tpu.memory_space<hbm>> -> memref<100000x32xf32, #tpu.memory_space<hbm>>
      tpu.enqueue_indirect_dma source(%dma_start3A_1111 : memref<100000x32xf32, #tpu.memory_space<hbm>>) target(%dma_start3A_1105 : memref<32x32xf32, #tpu.memory_space<vmem>>) offsets(%dma_start3A_1108 : memref<32xi32, #tpu.memory_space<vmem>>) semaphore(%arg19 : memref<!tpu.dma_semaphore, #tpu.memory_space<semaphore_mem>>)
      %dma_start3A_1112 = arith.constant 10 : i32
      %dma_start3A_1113 = arith.constant 320 : i32
      %dma_start3A_1114 = arith.constant 0 : i32
      %dma_start3A_1115 = tpu.memref_slice %arg11[%dma_start3A_1113, %dma_start3A_1114] : memref<640x16xf32, #tpu.memory_space<vmem>> -> memref<32x16xf32, #tpu.memory_space<vmem>>
      %dma_start3A_1116 = arith.constant 0 : i32
      %dma_start3A_1117 = tpu.memref_slice %arg9[%dma_start3A_1112, %dma_start3A_1116] : memref<20x32xi32, #tpu.memory_space<vmem>> -> memref<1x32xi32, #tpu.memory_space<vmem>>
      %dma_start3A_1118 = tpu.memref_squeeze %dma_start3A_1117 : memref<1x32xi32, #tpu.memory_space<vmem>> -> memref<32xi32, #tpu.memory_space<vmem>>
      %dma_start3A_1119 = arith.constant 0 : i32
      %dma_start3A_1120 = arith.constant 0 : i32
      %dma_start3A_1121 = tpu.memref_slice %arg4[%dma_start3A_1119, %dma_start3A_1120] : memref<100000x16xf32, #tpu.memory_space<hbm>> -> memref<100000x16xf32, #tpu.memory_space<hbm>>
      tpu.enqueue_indirect_dma source(%dma_start3A_1121 : memref<100000x16xf32, #tpu.memory_space<hbm>>) target(%dma_start3A_1115 : memref<32x16xf32, #tpu.memory_space<vmem>>) offsets(%dma_start3A_1118 : memref<32xi32, #tpu.memory_space<vmem>>) semaphore(%arg19 : memref<!tpu.dma_semaphore, #tpu.memory_space<semaphore_mem>>)
      %dma_start3A_1122 = arith.constant 10 : i32
      %dma_start3A_1123 = arith.constant 320 : i32
      %dma_start3A_1124 = arith.constant 0 : i32
      %dma_start3A_1125 = tpu.memref_slice %arg13[%dma_start3A_1123, %dma_start3A_1124] : memref<640x32xf32, #tpu.memory_space<vmem>> -> memref<32x32xf32, #tpu.memory_space<vmem>>
      %dma_start3A_1126 = arith.constant 0 : i32
      %dma_start3A_1127 = tpu.memref_slice %arg9[%dma_start3A_1122, %dma_start3A_1126] : memref<20x32xi32, #tpu.memory_space<vmem>> -> memref<1x32xi32, #tpu.memory_space<vmem>>
      %dma_start3A_1128 = tpu.memref_squeeze %dma_start3A_1127 : memref<1x32xi32, #tpu.memory_space<vmem>> -> memref<32xi32, #tpu.memory_space<vmem>>
      %dma_start3A_1129 = arith.constant 0 : i32
      %dma_start3A_1130 = arith.constant 0 : i32
      %dma_start3A_1131 = tpu.memref_slice %arg5[%dma_start3A_1129, %dma_start3A_1130] : memref<100000x32xf32, #tpu.memory_space<hbm>> -> memref<100000x32xf32, #tpu.memory_space<hbm>>
      tpu.enqueue_indirect_dma source(%dma_start3A_1131 : memref<100000x32xf32, #tpu.memory_space<hbm>>) target(%dma_start3A_1125 : memref<32x32xf32, #tpu.memory_space<vmem>>) offsets(%dma_start3A_1128 : memref<32xi32, #tpu.memory_space<vmem>>) semaphore(%arg19 : memref<!tpu.dma_semaphore, #tpu.memory_space<semaphore_mem>>)
      %dma_start3A_1132 = arith.constant 11 : i32
      %dma_start3A_1133 = arith.constant 352 : i32
      %dma_start3A_1134 = arith.constant 0 : i32
      %dma_start3A_1135 = tpu.memref_slice %arg11[%dma_start3A_1133, %dma_start3A_1134] : memref<640x16xf32, #tpu.memory_space<vmem>> -> memref<32x16xf32, #tpu.memory_space<vmem>>
      %dma_start3A_1136 = arith.constant 0 : i32
      %dma_start3A_1137 = tpu.memref_slice %arg9[%dma_start3A_1132, %dma_start3A_1136] : memref<20x32xi32, #tpu.memory_space<vmem>> -> memref<1x32xi32, #tpu.memory_space<vmem>>
      %dma_start3A_1138 = tpu.memref_squeeze %dma_start3A_1137 : memref<1x32xi32, #tpu.memory_space<vmem>> -> memref<32xi32, #tpu.memory_space<vmem>>
      %dma_start3A_1139 = arith.constant 0 : i32
      %dma_start3A_1140 = arith.constant 0 : i32
      %dma_start3A_1141 = tpu.memref_slice %arg4[%dma_start3A_1139, %dma_start3A_1140] : memref<100000x16xf32, #tpu.memory_space<hbm>> -> memref<100000x16xf32, #tpu.memory_space<hbm>>
      tpu.enqueue_indirect_dma source(%dma_start3A_1141 : memref<100000x16xf32, #tpu.memory_space<hbm>>) target(%dma_start3A_1135 : memref<32x16xf32, #tpu.memory_space<vmem>>) offsets(%dma_start3A_1138 : memref<32xi32, #tpu.memory_space<vmem>>) semaphore(%arg19 : memref<!tpu.dma_semaphore, #tpu.memory_space<semaphore_mem>>)
      %dma_start3A_1142 = arith.constant 11 : i32
      %dma_start3A_1143 = arith.constant 352 : i32
      %dma_start3A_1144 = arith.constant 0 : i32
      %dma_start3A_1145 = tpu.memref_slice %arg13[%dma_start3A_1143, %dma_start3A_1144] : memref<640x32xf32, #tpu.memory_space<vmem>> -> memref<32x32xf32, #tpu.memory_space<vmem>>
      %dma_start3A_1146 = arith.constant 0 : i32
      %dma_start3A_1147 = tpu.memref_slice %arg9[%dma_start3A_1142, %dma_start3A_1146] : memref<20x32xi32, #tpu.memory_space<vmem>> -> memref<1x32xi32, #tpu.memory_space<vmem>>
      %dma_start3A_1148 = tpu.memref_squeeze %dma_start3A_1147 : memref<1x32xi32, #tpu.memory_space<vmem>> -> memref<32xi32, #tpu.memory_space<vmem>>
      %dma_start3A_1149 = arith.constant 0 : i32
      %dma_start3A_1150 = arith.constant 0 : i32
      %dma_start3A_1151 = tpu.memref_slice %arg5[%dma_start3A_1149, %dma_start3A_1150] : memref<100000x32xf32, #tpu.memory_space<hbm>> -> memref<100000x32xf32, #tpu.memory_space<hbm>>
      tpu.enqueue_indirect_dma source(%dma_start3A_1151 : memref<100000x32xf32, #tpu.memory_space<hbm>>) target(%dma_start3A_1145 : memref<32x32xf32, #tpu.memory_space<vmem>>) offsets(%dma_start3A_1148 : memref<32xi32, #tpu.memory_space<vmem>>) semaphore(%arg19 : memref<!tpu.dma_semaphore, #tpu.memory_space<semaphore_mem>>)
      %dma_start3A_1152 = arith.constant 12 : i32
      %dma_start3A_1153 = arith.constant 384 : i32
      %dma_start3A_1154 = arith.constant 0 : i32
      %dma_start3A_1155 = tpu.memref_slice %arg11[%dma_start3A_1153, %dma_start3A_1154] : memref<640x16xf32, #tpu.memory_space<vmem>> -> memref<32x16xf32, #tpu.memory_space<vmem>>
      %dma_start3A_1156 = arith.constant 0 : i32
      %dma_start3A_1157 = tpu.memref_slice %arg9[%dma_start3A_1152, %dma_start3A_1156] : memref<20x32xi32, #tpu.memory_space<vmem>> -> memref<1x32xi32, #tpu.memory_space<vmem>>
      %dma_start3A_1158 = tpu.memref_squeeze %dma_start3A_1157 : memref<1x32xi32, #tpu.memory_space<vmem>> -> memref<32xi32, #tpu.memory_space<vmem>>
      %dma_start3A_1159 = arith.constant 0 : i32
      %dma_start3A_1160 = arith.constant 0 : i32
      %dma_start3A_1161 = tpu.memref_slice %arg4[%dma_start3A_1159, %dma_start3A_1160] : memref<100000x16xf32, #tpu.memory_space<hbm>> -> memref<100000x16xf32, #tpu.memory_space<hbm>>
      tpu.enqueue_indirect_dma source(%dma_start3A_1161 : memref<100000x16xf32, #tpu.memory_space<hbm>>) target(%dma_start3A_1155 : memref<32x16xf32, #tpu.memory_space<vmem>>) offsets(%dma_start3A_1158 : memref<32xi32, #tpu.memory_space<vmem>>) semaphore(%arg19 : memref<!tpu.dma_semaphore, #tpu.memory_space<semaphore_mem>>)
      %dma_start3A_1162 = arith.constant 12 : i32
      %dma_start3A_1163 = arith.constant 384 : i32
      %dma_start3A_1164 = arith.constant 0 : i32
      %dma_start3A_1165 = tpu.memref_slice %arg13[%dma_start3A_1163, %dma_start3A_1164] : memref<640x32xf32, #tpu.memory_space<vmem>> -> memref<32x32xf32, #tpu.memory_space<vmem>>
      %dma_start3A_1166 = arith.constant 0 : i32
      %dma_start3A_1167 = tpu.memref_slice %arg9[%dma_start3A_1162, %dma_start3A_1166] : memref<20x32xi32, #tpu.memory_space<vmem>> -> memref<1x32xi32, #tpu.memory_space<vmem>>
      %dma_start3A_1168 = tpu.memref_squeeze %dma_start3A_1167 : memref<1x32xi32, #tpu.memory_space<vmem>> -> memref<32xi32, #tpu.memory_space<vmem>>
      %dma_start3A_1169 = arith.constant 0 : i32
      %dma_start3A_1170 = arith.constant 0 : i32
      %dma_start3A_1171 = tpu.memref_slice %arg5[%dma_start3A_1169, %dma_start3A_1170] : memref<100000x32xf32, #tpu.memory_space<hbm>> -> memref<100000x32xf32, #tpu.memory_space<hbm>>
      tpu.enqueue_indirect_dma source(%dma_start3A_1171 : memref<100000x32xf32, #tpu.memory_space<hbm>>) target(%dma_start3A_1165 : memref<32x32xf32, #tpu.memory_space<vmem>>) offsets(%dma_start3A_1168 : memref<32xi32, #tpu.memory_space<vmem>>) semaphore(%arg19 : memref<!tpu.dma_semaphore, #tpu.memory_space<semaphore_mem>>)
      %dma_start3A_1172 = arith.constant 13 : i32
      %dma_start3A_1173 = arith.constant 416 : i32
      %dma_start3A_1174 = arith.constant 0 : i32
      %dma_start3A_1175 = tpu.memref_slice %arg11[%dma_start3A_1173, %dma_start3A_1174] : memref<640x16xf32, #tpu.memory_space<vmem>> -> memref<32x16xf32, #tpu.memory_space<vmem>>
      %dma_start3A_1176 = arith.constant 0 : i32
      %dma_start3A_1177 = tpu.memref_slice %arg9[%dma_start3A_1172, %dma_start3A_1176] : memref<20x32xi32, #tpu.memory_space<vmem>> -> memref<1x32xi32, #tpu.memory_space<vmem>>
      %dma_start3A_1178 = tpu.memref_squeeze %dma_start3A_1177 : memref<1x32xi32, #tpu.memory_space<vmem>> -> memref<32xi32, #tpu.memory_space<vmem>>
      %dma_start3A_1179 = arith.constant 0 : i32
      %dma_start3A_1180 = arith.constant 0 : i32
      %dma_start3A_1181 = tpu.memref_slice %arg4[%dma_start3A_1179, %dma_start3A_1180] : memref<100000x16xf32, #tpu.memory_space<hbm>> -> memref<100000x16xf32, #tpu.memory_space<hbm>>
      tpu.enqueue_indirect_dma source(%dma_start3A_1181 : memref<100000x16xf32, #tpu.memory_space<hbm>>) target(%dma_start3A_1175 : memref<32x16xf32, #tpu.memory_space<vmem>>) offsets(%dma_start3A_1178 : memref<32xi32, #tpu.memory_space<vmem>>) semaphore(%arg19 : memref<!tpu.dma_semaphore, #tpu.memory_space<semaphore_mem>>)
      %dma_start3A_1182 = arith.constant 13 : i32
      %dma_start3A_1183 = arith.constant 416 : i32
      %dma_start3A_1184 = arith.constant 0 : i32
      %dma_start3A_1185 = tpu.memref_slice %arg13[%dma_start3A_1183, %dma_start3A_1184] : memref<640x32xf32, #tpu.memory_space<vmem>> -> memref<32x32xf32, #tpu.memory_space<vmem>>
      %dma_start3A_1186 = arith.constant 0 : i32
      %dma_start3A_1187 = tpu.memref_slice %arg9[%dma_start3A_1182, %dma_start3A_1186] : memref<20x32xi32, #tpu.memory_space<vmem>> -> memref<1x32xi32, #tpu.memory_space<vmem>>
      %dma_start3A_1188 = tpu.memref_squeeze %dma_start3A_1187 : memref<1x32xi32, #tpu.memory_space<vmem>> -> memref<32xi32, #tpu.memory_space<vmem>>
      %dma_start3A_1189 = arith.constant 0 : i32
      %dma_start3A_1190 = arith.constant 0 : i32
      %dma_start3A_1191 = tpu.memref_slice %arg5[%dma_start3A_1189, %dma_start3A_1190] : memref<100000x32xf32, #tpu.memory_space<hbm>> -> memref<100000x32xf32, #tpu.memory_space<hbm>>
      tpu.enqueue_indirect_dma source(%dma_start3A_1191 : memref<100000x32xf32, #tpu.memory_space<hbm>>) target(%dma_start3A_1185 : memref<32x32xf32, #tpu.memory_space<vmem>>) offsets(%dma_start3A_1188 : memref<32xi32, #tpu.memory_space<vmem>>) semaphore(%arg19 : memref<!tpu.dma_semaphore, #tpu.memory_space<semaphore_mem>>)
      %dma_start3A_1192 = arith.constant 14 : i32
      %dma_start3A_1193 = arith.constant 448 : i32
      %dma_start3A_1194 = arith.constant 0 : i32
      %dma_start3A_1195 = tpu.memref_slice %arg11[%dma_start3A_1193, %dma_start3A_1194] : memref<640x16xf32, #tpu.memory_space<vmem>> -> memref<32x16xf32, #tpu.memory_space<vmem>>
      %dma_start3A_1196 = arith.constant 0 : i32
      %dma_start3A_1197 = tpu.memref_slice %arg9[%dma_start3A_1192, %dma_start3A_1196] : memref<20x32xi32, #tpu.memory_space<vmem>> -> memref<1x32xi32, #tpu.memory_space<vmem>>
      %dma_start3A_1198 = tpu.memref_squeeze %dma_start3A_1197 : memref<1x32xi32, #tpu.memory_space<vmem>> -> memref<32xi32, #tpu.memory_space<vmem>>
      %dma_start3A_1199 = arith.constant 0 : i32
      %dma_start3A_1200 = arith.constant 0 : i32
      %dma_start3A_1201 = tpu.memref_slice %arg4[%dma_start3A_1199, %dma_start3A_1200] : memref<100000x16xf32, #tpu.memory_space<hbm>> -> memref<100000x16xf32, #tpu.memory_space<hbm>>
      tpu.enqueue_indirect_dma source(%dma_start3A_1201 : memref<100000x16xf32, #tpu.memory_space<hbm>>) target(%dma_start3A_1195 : memref<32x16xf32, #tpu.memory_space<vmem>>) offsets(%dma_start3A_1198 : memref<32xi32, #tpu.memory_space<vmem>>) semaphore(%arg19 : memref<!tpu.dma_semaphore, #tpu.memory_space<semaphore_mem>>)
      %dma_start3A_1202 = arith.constant 14 : i32
      %dma_start3A_1203 = arith.constant 448 : i32
      %dma_start3A_1204 = arith.constant 0 : i32
      %dma_start3A_1205 = tpu.memref_slice %arg13[%dma_start3A_1203, %dma_start3A_1204] : memref<640x32xf32, #tpu.memory_space<vmem>> -> memref<32x32xf32, #tpu.memory_space<vmem>>
      %dma_start3A_1206 = arith.constant 0 : i32
      %dma_start3A_1207 = tpu.memref_slice %arg9[%dma_start3A_1202, %dma_start3A_1206] : memref<20x32xi32, #tpu.memory_space<vmem>> -> memref<1x32xi32, #tpu.memory_space<vmem>>
      %dma_start3A_1208 = tpu.memref_squeeze %dma_start3A_1207 : memref<1x32xi32, #tpu.memory_space<vmem>> -> memref<32xi32, #tpu.memory_space<vmem>>
      %dma_start3A_1209 = arith.constant 0 : i32
      %dma_start3A_1210 = arith.constant 0 : i32
      %dma_start3A_1211 = tpu.memref_slice %arg5[%dma_start3A_1209, %dma_start3A_1210] : memref<100000x32xf32, #tpu.memory_space<hbm>> -> memref<100000x32xf32, #tpu.memory_space<hbm>>
      tpu.enqueue_indirect_dma source(%dma_start3A_1211 : memref<100000x32xf32, #tpu.memory_space<hbm>>) target(%dma_start3A_1205 : memref<32x32xf32, #tpu.memory_space<vmem>>) offsets(%dma_start3A_1208 : memref<32xi32, #tpu.memory_space<vmem>>) semaphore(%arg19 : memref<!tpu.dma_semaphore, #tpu.memory_space<semaphore_mem>>)
      %dma_start3A_1212 = arith.constant 15 : i32
      %dma_start3A_1213 = arith.constant 480 : i32
      %dma_start3A_1214 = arith.constant 0 : i32
      %dma_start3A_1215 = tpu.memref_slice %arg11[%dma_start3A_1213, %dma_start3A_1214] : memref<640x16xf32, #tpu.memory_space<vmem>> -> memref<32x16xf32, #tpu.memory_space<vmem>>
      %dma_start3A_1216 = arith.constant 0 : i32
      %dma_start3A_1217 = tpu.memref_slice %arg9[%dma_start3A_1212, %dma_start3A_1216] : memref<20x32xi32, #tpu.memory_space<vmem>> -> memref<1x32xi32, #tpu.memory_space<vmem>>
      %dma_start3A_1218 = tpu.memref_squeeze %dma_start3A_1217 : memref<1x32xi32, #tpu.memory_space<vmem>> -> memref<32xi32, #tpu.memory_space<vmem>>
      %dma_start3A_1219 = arith.constant 0 : i32
      %dma_start3A_1220 = arith.constant 0 : i32
      %dma_start3A_1221 = tpu.memref_slice %arg4[%dma_start3A_1219, %dma_start3A_1220] : memref<100000x16xf32, #tpu.memory_space<hbm>> -> memref<100000x16xf32, #tpu.memory_space<hbm>>
      tpu.enqueue_indirect_dma source(%dma_start3A_1221 : memref<100000x16xf32, #tpu.memory_space<hbm>>) target(%dma_start3A_1215 : memref<32x16xf32, #tpu.memory_space<vmem>>) offsets(%dma_start3A_1218 : memref<32xi32, #tpu.memory_space<vmem>>) semaphore(%arg19 : memref<!tpu.dma_semaphore, #tpu.memory_space<semaphore_mem>>)
      %dma_start3A_1222 = arith.constant 15 : i32
      %dma_start3A_1223 = arith.constant 480 : i32
      %dma_start3A_1224 = arith.constant 0 : i32
      %dma_start3A_1225 = tpu.memref_slice %arg13[%dma_start3A_1223, %dma_start3A_1224] : memref<640x32xf32, #tpu.memory_space<vmem>> -> memref<32x32xf32, #tpu.memory_space<vmem>>
      %dma_start3A_1226 = arith.constant 0 : i32
      %dma_start3A_1227 = tpu.memref_slice %arg9[%dma_start3A_1222, %dma_start3A_1226] : memref<20x32xi32, #tpu.memory_space<vmem>> -> memref<1x32xi32, #tpu.memory_space<vmem>>
      %dma_start3A_1228 = tpu.memref_squeeze %dma_start3A_1227 : memref<1x32xi32, #tpu.memory_space<vmem>> -> memref<32xi32, #tpu.memory_space<vmem>>
      %dma_start3A_1229 = arith.constant 0 : i32
      %dma_start3A_1230 = arith.constant 0 : i32
      %dma_start3A_1231 = tpu.memref_slice %arg5[%dma_start3A_1229, %dma_start3A_1230] : memref<100000x32xf32, #tpu.memory_space<hbm>> -> memref<100000x32xf32, #tpu.memory_space<hbm>>
      tpu.enqueue_indirect_dma source(%dma_start3A_1231 : memref<100000x32xf32, #tpu.memory_space<hbm>>) target(%dma_start3A_1225 : memref<32x32xf32, #tpu.memory_space<vmem>>) offsets(%dma_start3A_1228 : memref<32xi32, #tpu.memory_space<vmem>>) semaphore(%arg19 : memref<!tpu.dma_semaphore, #tpu.memory_space<semaphore_mem>>)
      %dma_start3A_1232 = arith.constant 16 : i32
      %dma_start3A_1233 = arith.constant 512 : i32
      %dma_start3A_1234 = arith.constant 0 : i32
      %dma_start3A_1235 = tpu.memref_slice %arg11[%dma_start3A_1233, %dma_start3A_1234] : memref<640x16xf32, #tpu.memory_space<vmem>> -> memref<32x16xf32, #tpu.memory_space<vmem>>
      %dma_start3A_1236 = arith.constant 0 : i32
      %dma_start3A_1237 = tpu.memref_slice %arg9[%dma_start3A_1232, %dma_start3A_1236] : memref<20x32xi32, #tpu.memory_space<vmem>> -> memref<1x32xi32, #tpu.memory_space<vmem>>
      %dma_start3A_1238 = tpu.memref_squeeze %dma_start3A_1237 : memref<1x32xi32, #tpu.memory_space<vmem>> -> memref<32xi32, #tpu.memory_space<vmem>>
      %dma_start3A_1239 = arith.constant 0 : i32
      %dma_start3A_1240 = arith.constant 0 : i32
      %dma_start3A_1241 = tpu.memref_slice %arg4[%dma_start3A_1239, %dma_start3A_1240] : memref<100000x16xf32, #tpu.memory_space<hbm>> -> memref<100000x16xf32, #tpu.memory_space<hbm>>
      tpu.enqueue_indirect_dma source(%dma_start3A_1241 : memref<100000x16xf32, #tpu.memory_space<hbm>>) target(%dma_start3A_1235 : memref<32x16xf32, #tpu.memory_space<vmem>>) offsets(%dma_start3A_1238 : memref<32xi32, #tpu.memory_space<vmem>>) semaphore(%arg19 : memref<!tpu.dma_semaphore, #tpu.memory_space<semaphore_mem>>)
      %dma_start3A_1242 = arith.constant 16 : i32
      %dma_start3A_1243 = arith.constant 512 : i32
      %dma_start3A_1244 = arith.constant 0 : i32
      %dma_start3A_1245 = tpu.memref_slice %arg13[%dma_start3A_1243, %dma_start3A_1244] : memref<640x32xf32, #tpu.memory_space<vmem>> -> memref<32x32xf32, #tpu.memory_space<vmem>>
      %dma_start3A_1246 = arith.constant 0 : i32
      %dma_start3A_1247 = tpu.memref_slice %arg9[%dma_start3A_1242, %dma_start3A_1246] : memref<20x32xi32, #tpu.memory_space<vmem>> -> memref<1x32xi32, #tpu.memory_space<vmem>>
      %dma_start3A_1248 = tpu.memref_squeeze %dma_start3A_1247 : memref<1x32xi32, #tpu.memory_space<vmem>> -> memref<32xi32, #tpu.memory_space<vmem>>
      %dma_start3A_1249 = arith.constant 0 : i32
      %dma_start3A_1250 = arith.constant 0 : i32
      %dma_start3A_1251 = tpu.memref_slice %arg5[%dma_start3A_1249, %dma_start3A_1250] : memref<100000x32xf32, #tpu.memory_space<hbm>> -> memref<100000x32xf32, #tpu.memory_space<hbm>>
      tpu.enqueue_indirect_dma source(%dma_start3A_1251 : memref<100000x32xf32, #tpu.memory_space<hbm>>) target(%dma_start3A_1245 : memref<32x32xf32, #tpu.memory_space<vmem>>) offsets(%dma_start3A_1248 : memref<32xi32, #tpu.memory_space<vmem>>) semaphore(%arg19 : memref<!tpu.dma_semaphore, #tpu.memory_space<semaphore_mem>>)
      %dma_start3A_1252 = arith.constant 17 : i32
      %dma_start3A_1253 = arith.constant 544 : i32
      %dma_start3A_1254 = arith.constant 0 : i32
      %dma_start3A_1255 = tpu.memref_slice %arg11[%dma_start3A_1253, %dma_start3A_1254] : memref<640x16xf32, #tpu.memory_space<vmem>> -> memref<32x16xf32, #tpu.memory_space<vmem>>
      %dma_start3A_1256 = arith.constant 0 : i32
      %dma_start3A_1257 = tpu.memref_slice %arg9[%dma_start3A_1252, %dma_start3A_1256] : memref<20x32xi32, #tpu.memory_space<vmem>> -> memref<1x32xi32, #tpu.memory_space<vmem>>
      %dma_start3A_1258 = tpu.memref_squeeze %dma_start3A_1257 : memref<1x32xi32, #tpu.memory_space<vmem>> -> memref<32xi32, #tpu.memory_space<vmem>>
      %dma_start3A_1259 = arith.constant 0 : i32
      %dma_start3A_1260 = arith.constant 0 : i32
      %dma_start3A_1261 = tpu.memref_slice %arg4[%dma_start3A_1259, %dma_start3A_1260] : memref<100000x16xf32, #tpu.memory_space<hbm>> -> memref<100000x16xf32, #tpu.memory_space<hbm>>
      tpu.enqueue_indirect_dma source(%dma_start3A_1261 : memref<100000x16xf32, #tpu.memory_space<hbm>>) target(%dma_start3A_1255 : memref<32x16xf32, #tpu.memory_space<vmem>>) offsets(%dma_start3A_1258 : memref<32xi32, #tpu.memory_space<vmem>>) semaphore(%arg19 : memref<!tpu.dma_semaphore, #tpu.memory_space<semaphore_mem>>)
      %dma_start3A_1262 = arith.constant 17 : i32
      %dma_start3A_1263 = arith.constant 544 : i32
      %dma_start3A_1264 = arith.constant 0 : i32
      %dma_start3A_1265 = tpu.memref_slice %arg13[%dma_start3A_1263, %dma_start3A_1264] : memref<640x32xf32, #tpu.memory_space<vmem>> -> memref<32x32xf32, #tpu.memory_space<vmem>>
      %dma_start3A_1266 = arith.constant 0 : i32
      %dma_start3A_1267 = tpu.memref_slice %arg9[%dma_start3A_1262, %dma_start3A_1266] : memref<20x32xi32, #tpu.memory_space<vmem>> -> memref<1x32xi32, #tpu.memory_space<vmem>>
      %dma_start3A_1268 = tpu.memref_squeeze %dma_start3A_1267 : memref<1x32xi32, #tpu.memory_space<vmem>> -> memref<32xi32, #tpu.memory_space<vmem>>
      %dma_start3A_1269 = arith.constant 0 : i32
      %dma_start3A_1270 = arith.constant 0 : i32
      %dma_start3A_1271 = tpu.memref_slice %arg5[%dma_start3A_1269, %dma_start3A_1270] : memref<100000x32xf32, #tpu.memory_space<hbm>> -> memref<100000x32xf32, #tpu.memory_space<hbm>>
      tpu.enqueue_indirect_dma source(%dma_start3A_1271 : memref<100000x32xf32, #tpu.memory_space<hbm>>) target(%dma_start3A_1265 : memref<32x32xf32, #tpu.memory_space<vmem>>) offsets(%dma_start3A_1268 : memref<32xi32, #tpu.memory_space<vmem>>) semaphore(%arg19 : memref<!tpu.dma_semaphore, #tpu.memory_space<semaphore_mem>>)
      %dma_start3A_1272 = arith.constant 18 : i32
      %dma_start3A_1273 = arith.constant 576 : i32
      %dma_start3A_1274 = arith.constant 0 : i32
      %dma_start3A_1275 = tpu.memref_slice %arg11[%dma_start3A_1273, %dma_start3A_1274] : memref<640x16xf32, #tpu.memory_space<vmem>> -> memref<32x16xf32, #tpu.memory_space<vmem>>
      %dma_start3A_1276 = arith.constant 0 : i32
      %dma_start3A_1277 = tpu.memref_slice %arg9[%dma_start3A_1272, %dma_start3A_1276] : memref<20x32xi32, #tpu.memory_space<vmem>> -> memref<1x32xi32, #tpu.memory_space<vmem>>
      %dma_start3A_1278 = tpu.memref_squeeze %dma_start3A_1277 : memref<1x32xi32, #tpu.memory_space<vmem>> -> memref<32xi32, #tpu.memory_space<vmem>>
      %dma_start3A_1279 = arith.constant 0 : i32
      %dma_start3A_1280 = arith.constant 0 : i32
      %dma_start3A_1281 = tpu.memref_slice %arg4[%dma_start3A_1279, %dma_start3A_1280] : memref<100000x16xf32, #tpu.memory_space<hbm>> -> memref<100000x16xf32, #tpu.memory_space<hbm>>
      tpu.enqueue_indirect_dma source(%dma_start3A_1281 : memref<100000x16xf32, #tpu.memory_space<hbm>>) target(%dma_start3A_1275 : memref<32x16xf32, #tpu.memory_space<vmem>>) offsets(%dma_start3A_1278 : memref<32xi32, #tpu.memory_space<vmem>>) semaphore(%arg19 : memref<!tpu.dma_semaphore, #tpu.memory_space<semaphore_mem>>)
      %dma_start3A_1282 = arith.constant 18 : i32
      %dma_start3A_1283 = arith.constant 576 : i32
      %dma_start3A_1284 = arith.constant 0 : i32
      %dma_start3A_1285 = tpu.memref_slice %arg13[%dma_start3A_1283, %dma_start3A_1284] : memref<640x32xf32, #tpu.memory_space<vmem>> -> memref<32x32xf32, #tpu.memory_space<vmem>>
      %dma_start3A_1286 = arith.constant 0 : i32
      %dma_start3A_1287 = tpu.memref_slice %arg9[%dma_start3A_1282, %dma_start3A_1286] : memref<20x32xi32, #tpu.memory_space<vmem>> -> memref<1x32xi32, #tpu.memory_space<vmem>>
      %dma_start3A_1288 = tpu.memref_squeeze %dma_start3A_1287 : memref<1x32xi32, #tpu.memory_space<vmem>> -> memref<32xi32, #tpu.memory_space<vmem>>
      %dma_start3A_1289 = arith.constant 0 : i32
      %dma_start3A_1290 = arith.constant 0 : i32
      %dma_start3A_1291 = tpu.memref_slice %arg5[%dma_start3A_1289, %dma_start3A_1290] : memref<100000x32xf32, #tpu.memory_space<hbm>> -> memref<100000x32xf32, #tpu.memory_space<hbm>>
      tpu.enqueue_indirect_dma source(%dma_start3A_1291 : memref<100000x32xf32, #tpu.memory_space<hbm>>) target(%dma_start3A_1285 : memref<32x32xf32, #tpu.memory_space<vmem>>) offsets(%dma_start3A_1288 : memref<32xi32, #tpu.memory_space<vmem>>) semaphore(%arg19 : memref<!tpu.dma_semaphore, #tpu.memory_space<semaphore_mem>>)
      %dma_start3A_1292 = arith.constant 19 : i32
      %dma_start3A_1293 = arith.constant 608 : i32
      %dma_start3A_1294 = arith.constant 0 : i32
      %dma_start3A_1295 = tpu.memref_slice %arg11[%dma_start3A_1293, %dma_start3A_1294] : memref<640x16xf32, #tpu.memory_space<vmem>> -> memref<32x16xf32, #tpu.memory_space<vmem>>
      %dma_start3A_1296 = arith.constant 0 : i32
      %dma_start3A_1297 = tpu.memref_slice %arg9[%dma_start3A_1292, %dma_start3A_1296] : memref<20x32xi32, #tpu.memory_space<vmem>> -> memref<1x32xi32, #tpu.memory_space<vmem>>
      %dma_start3A_1298 = tpu.memref_squeeze %dma_start3A_1297 : memref<1x32xi32, #tpu.memory_space<vmem>> -> memref<32xi32, #tpu.memory_space<vmem>>
      %dma_start3A_1299 = arith.constant 0 : i32
      %dma_start3A_1300 = arith.constant 0 : i32
      %dma_start3A_1301 = tpu.memref_slice %arg4[%dma_start3A_1299, %dma_start3A_1300] : memref<100000x16xf32, #tpu.memory_space<hbm>> -> memref<100000x16xf32, #tpu.memory_space<hbm>>
      tpu.enqueue_indirect_dma source(%dma_start3A_1301 : memref<100000x16xf32, #tpu.memory_space<hbm>>) target(%dma_start3A_1295 : memref<32x16xf32, #tpu.memory_space<vmem>>) offsets(%dma_start3A_1298 : memref<32xi32, #tpu.memory_space<vmem>>) semaphore(%arg19 : memref<!tpu.dma_semaphore, #tpu.memory_space<semaphore_mem>>)
      %dma_start3A_1302 = arith.constant 19 : i32
      %dma_start3A_1303 = arith.constant 608 : i32
      %dma_start3A_1304 = arith.constant 0 : i32
      %dma_start3A_1305 = tpu.memref_slice %arg13[%dma_start3A_1303, %dma_start3A_1304] : memref<640x32xf32, #tpu.memory_space<vmem>> -> memref<32x32xf32, #tpu.memory_space<vmem>>
      %dma_start3A_1306 = arith.constant 0 : i32
      %dma_start3A_1307 = tpu.memref_slice %arg9[%dma_start3A_1302, %dma_start3A_1306] : memref<20x32xi32, #tpu.memory_space<vmem>> -> memref<1x32xi32, #tpu.memory_space<vmem>>
      %dma_start3A_1308 = tpu.memref_squeeze %dma_start3A_1307 : memref<1x32xi32, #tpu.memory_space<vmem>> -> memref<32xi32, #tpu.memory_space<vmem>>
      %dma_start3A_1309 = arith.constant 0 : i32
      %dma_start3A_1310 = arith.constant 0 : i32
      %dma_start3A_1311 = tpu.memref_slice %arg5[%dma_start3A_1309, %dma_start3A_1310] : memref<100000x32xf32, #tpu.memory_space<hbm>> -> memref<100000x32xf32, #tpu.memory_space<hbm>>
      tpu.enqueue_indirect_dma source(%dma_start3A_1311 : memref<100000x32xf32, #tpu.memory_space<hbm>>) target(%dma_start3A_1305 : memref<32x32xf32, #tpu.memory_space<vmem>>) offsets(%dma_start3A_1308 : memref<32xi32, #tpu.memory_space<vmem>>) semaphore(%arg19 : memref<!tpu.dma_semaphore, #tpu.memory_space<semaphore_mem>>)
      %gt3A = arith.constant 0 : i32
      %gt3A_1312 = arith.cmpi sgt, %scan3A_499, %gt3A : i32
      %convert_element_type3A = arith.extui %gt3A_1312 : i1 to i32
      %cond3A = arith.constant 0 : i32
      %cond3A_1313 = arith.cmpi ne, %convert_element_type3A, %cond3A : i32
      scf.if %cond3A_1313 {
        %dma_wait3A_1751 = arith.constant 0 : i32
        %dma_wait3A_1752 = tpu.memref_slice %arg7[%mul3A_2, %dma_wait3A_1751] : memref<16384x128xf32, #tpu.memory_space<hbm>> -> memref<32x128xf32, #tpu.memory_space<hbm>>
        %dma_wait3A_1753 = arith.constant 0 : i32
        %dma_wait3A_1754 = tpu.memref_slice %arg7[%mul3A_2, %dma_wait3A_1753] : memref<16384x128xf32, #tpu.memory_space<hbm>> -> memref<32x128xf32, #tpu.memory_space<hbm>>
        tpu.wait_dma2 semaphore(%arg22 : memref<!tpu.dma_semaphore, #tpu.memory_space<semaphore_mem>>) src(%arg14 : memref<32x128xf32, #tpu.memory_space<vmem>>) dst(%dma_wait3A_1754 : memref<32x128xf32, #tpu.memory_space<hbm>>)
      } else {
      }
      %mul3A_1314 = arith.constant 2 : i32
      %mul3A_1315 = arith.muli %mul3A_1314, %scan3A_499 : i32
      %scan3A_1316 = arith.constant 0 : i32
      %scan3A_1317 = arith.constant 0 : i32
      %scan3A_1318 = arith.constant 32 : i32
      %scan3A_1319 = arith.addi %scan3A_1317, %scan3A_1318 : i32
      %scan3A_1320 = arith.constant 1 : i32
      scf.for %scan3A_1751 = %scan3A_1317 to %scan3A_1319 step %scan3A_1320  : i32 {
        %get3A = arith.index_cast %scan3A_1751 : i32 to index
        %get3A_1752 = arith.constant 0 : index
        %get3A_1753 = tpu.vector_load %arg10[%get3A, %get3A_1752] {strides = array<i32>} : memref<640x16xf32, #tpu.memory_space<vmem>>, vector<1x16xf32>,
        %get3A_1754 = vector.shape_cast %get3A_1753 : vector<1x16xf32> to vector<16xf32>
        %get3A_1755 = arith.index_cast %scan3A_1751 : i32 to index
        %get3A_1756 = arith.constant 0 : index
        %get3A_1757 = tpu.vector_load %arg12[%get3A_1755, %get3A_1756] {strides = array<i32>} : memref<640x32xf32, #tpu.memory_space<vmem>>, vector<1x16xf32>,
        %get3A_1758 = vector.shape_cast %get3A_1757 : vector<1x16xf32> to vector<16xf32>
        %get3A_1759 = arith.index_cast %scan3A_1751 : i32 to index
        %get3A_1760 = arith.constant 16 : index
        %get3A_1761 = tpu.vector_load %arg12[%get3A_1759, %get3A_1760] {strides = array<i32>} : memref<640x32xf32, #tpu.memory_space<vmem>>, vector<1x16xf32>,
        %get3A_1762 = vector.shape_cast %get3A_1761 : vector<1x16xf32> to vector<16xf32>
        %add3A_1763 = arith.constant 32 : i32
        %add3A_1764 = arith.addi %add3A_1763, %scan3A_1751 : i32
        %get3A_1765 = arith.index_cast %add3A_1764 : i32 to index
        %get3A_1766 = arith.constant 0 : index
        %get3A_1767 = tpu.vector_load %arg10[%get3A_1765, %get3A_1766] {strides = array<i32>} : memref<640x16xf32, #tpu.memory_space<vmem>>, vector<1x16xf32>,
        %get3A_1768 = vector.shape_cast %get3A_1767 : vector<1x16xf32> to vector<16xf32>
        %add3A_1769 = arith.addf %get3A_1754, %get3A_1768 : vector<16xf32>
        %add3A_1770 = arith.constant 32 : i32
        %add3A_1771 = arith.addi %add3A_1770, %scan3A_1751 : i32
        %get3A_1772 = arith.index_cast %add3A_1771 : i32 to index
        %get3A_1773 = arith.constant 0 : index
        %get3A_1774 = tpu.vector_load %arg12[%get3A_1772, %get3A_1773] {strides = array<i32>} : memref<640x32xf32, #tpu.memory_space<vmem>>, vector<1x16xf32>,
        %get3A_1775 = vector.shape_cast %get3A_1774 : vector<1x16xf32> to vector<16xf32>
        %add3A_1776 = arith.addf %get3A_1758, %get3A_1775 : vector<16xf32>
        %add3A_1777 = arith.constant 32 : i32
        %add3A_1778 = arith.addi %add3A_1777, %scan3A_1751 : i32
        %get3A_1779 = arith.index_cast %add3A_1778 : i32 to index
        %get3A_1780 = arith.constant 16 : index
        %get3A_1781 = tpu.vector_load %arg12[%get3A_1779, %get3A_1780] {strides = array<i32>} : memref<640x32xf32, #tpu.memory_space<vmem>>, vector<1x16xf32>,
        %get3A_1782 = vector.shape_cast %get3A_1781 : vector<1x16xf32> to vector<16xf32>
        %add3A_1783 = arith.addf %get3A_1762, %get3A_1782 : vector<16xf32>
        %add3A_1784 = arith.constant 64 : i32
        %add3A_1785 = arith.addi %add3A_1784, %scan3A_1751 : i32
        %get3A_1786 = arith.index_cast %add3A_1785 : i32 to index
        %get3A_1787 = arith.constant 0 : index
        %get3A_1788 = tpu.vector_load %arg10[%get3A_1786, %get3A_1787] {strides = array<i32>} : memref<640x16xf32, #tpu.memory_space<vmem>>, vector<1x16xf32>,
        %get3A_1789 = vector.shape_cast %get3A_1788 : vector<1x16xf32> to vector<16xf32>
        %add3A_1790 = arith.addf %add3A_1769, %get3A_1789 : vector<16xf32>
        %add3A_1791 = arith.constant 64 : i32
        %add3A_1792 = arith.addi %add3A_1791, %scan3A_1751 : i32
        %get3A_1793 = arith.index_cast %add3A_1792 : i32 to index
        %get3A_1794 = arith.constant 0 : index
        %get3A_1795 = tpu.vector_load %arg12[%get3A_1793, %get3A_1794] {strides = array<i32>} : memref<640x32xf32, #tpu.memory_space<vmem>>, vector<1x16xf32>,
        %get3A_1796 = vector.shape_cast %get3A_1795 : vector<1x16xf32> to vector<16xf32>
        %add3A_1797 = arith.addf %add3A_1776, %get3A_1796 : vector<16xf32>
        %add3A_1798 = arith.constant 64 : i32
        %add3A_1799 = arith.addi %add3A_1798, %scan3A_1751 : i32
        %get3A_1800 = arith.index_cast %add3A_1799 : i32 to index
        %get3A_1801 = arith.constant 16 : index
        %get3A_1802 = tpu.vector_load %arg12[%get3A_1800, %get3A_1801] {strides = array<i32>} : memref<640x32xf32, #tpu.memory_space<vmem>>, vector<1x16xf32>,
        %get3A_1803 = vector.shape_cast %get3A_1802 : vector<1x16xf32> to vector<16xf32>
        %add3A_1804 = arith.addf %add3A_1783, %get3A_1803 : vector<16xf32>
        %add3A_1805 = arith.constant 96 : i32
        %add3A_1806 = arith.addi %add3A_1805, %scan3A_1751 : i32
        %get3A_1807 = arith.index_cast %add3A_1806 : i32 to index
        %get3A_1808 = arith.constant 0 : index
        %get3A_1809 = tpu.vector_load %arg10[%get3A_1807, %get3A_1808] {strides = array<i32>} : memref<640x16xf32, #tpu.memory_space<vmem>>, vector<1x16xf32>,
        %get3A_1810 = vector.shape_cast %get3A_1809 : vector<1x16xf32> to vector<16xf32>
        %add3A_1811 = arith.addf %add3A_1790, %get3A_1810 : vector<16xf32>
        %add3A_1812 = arith.constant 96 : i32
        %add3A_1813 = arith.addi %add3A_1812, %scan3A_1751 : i32
        %get3A_1814 = arith.index_cast %add3A_1813 : i32 to index
        %get3A_1815 = arith.constant 0 : index
        %get3A_1816 = tpu.vector_load %arg12[%get3A_1814, %get3A_1815] {strides = array<i32>} : memref<640x32xf32, #tpu.memory_space<vmem>>, vector<1x16xf32>,
        %get3A_1817 = vector.shape_cast %get3A_1816 : vector<1x16xf32> to vector<16xf32>
        %add3A_1818 = arith.addf %add3A_1797, %get3A_1817 : vector<16xf32>
        %add3A_1819 = arith.constant 96 : i32
        %add3A_1820 = arith.addi %add3A_1819, %scan3A_1751 : i32
        %get3A_1821 = arith.index_cast %add3A_1820 : i32 to index
        %get3A_1822 = arith.constant 16 : index
        %get3A_1823 = tpu.vector_load %arg12[%get3A_1821, %get3A_1822] {strides = array<i32>} : memref<640x32xf32, #tpu.memory_space<vmem>>, vector<1x16xf32>,
        %get3A_1824 = vector.shape_cast %get3A_1823 : vector<1x16xf32> to vector<16xf32>
        %add3A_1825 = arith.addf %add3A_1804, %get3A_1824 : vector<16xf32>
        %add3A_1826 = arith.constant 128 : i32
        %add3A_1827 = arith.addi %add3A_1826, %scan3A_1751 : i32
        %get3A_1828 = arith.index_cast %add3A_1827 : i32 to index
        %get3A_1829 = arith.constant 0 : index
        %get3A_1830 = tpu.vector_load %arg10[%get3A_1828, %get3A_1829] {strides = array<i32>} : memref<640x16xf32, #tpu.memory_space<vmem>>, vector<1x16xf32>,
        %get3A_1831 = vector.shape_cast %get3A_1830 : vector<1x16xf32> to vector<16xf32>
        %add3A_1832 = arith.addf %add3A_1811, %get3A_1831 : vector<16xf32>
        %add3A_1833 = arith.constant 128 : i32
        %add3A_1834 = arith.addi %add3A_1833, %scan3A_1751 : i32
        %get3A_1835 = arith.index_cast %add3A_1834 : i32 to index
        %get3A_1836 = arith.constant 0 : index
        %get3A_1837 = tpu.vector_load %arg12[%get3A_1835, %get3A_1836] {strides = array<i32>} : memref<640x32xf32, #tpu.memory_space<vmem>>, vector<1x16xf32>,
        %get3A_1838 = vector.shape_cast %get3A_1837 : vector<1x16xf32> to vector<16xf32>
        %add3A_1839 = arith.addf %add3A_1818, %get3A_1838 : vector<16xf32>
        %add3A_1840 = arith.constant 128 : i32
        %add3A_1841 = arith.addi %add3A_1840, %scan3A_1751 : i32
        %get3A_1842 = arith.index_cast %add3A_1841 : i32 to index
        %get3A_1843 = arith.constant 16 : index
        %get3A_1844 = tpu.vector_load %arg12[%get3A_1842, %get3A_1843] {strides = array<i32>} : memref<640x32xf32, #tpu.memory_space<vmem>>, vector<1x16xf32>,
        %get3A_1845 = vector.shape_cast %get3A_1844 : vector<1x16xf32> to vector<16xf32>
        %add3A_1846 = arith.addf %add3A_1825, %get3A_1845 : vector<16xf32>
        %add3A_1847 = arith.constant 160 : i32
        %add3A_1848 = arith.addi %add3A_1847, %scan3A_1751 : i32
        %get3A_1849 = arith.index_cast %add3A_1848 : i32 to index
        %get3A_1850 = arith.constant 0 : index
        %get3A_1851 = tpu.vector_load %arg10[%get3A_1849, %get3A_1850] {strides = array<i32>} : memref<640x16xf32, #tpu.memory_space<vmem>>, vector<1x16xf32>,
        %get3A_1852 = vector.shape_cast %get3A_1851 : vector<1x16xf32> to vector<16xf32>
        %add3A_1853 = arith.addf %add3A_1832, %get3A_1852 : vector<16xf32>
        %add3A_1854 = arith.constant 160 : i32
        %add3A_1855 = arith.addi %add3A_1854, %scan3A_1751 : i32
        %get3A_1856 = arith.index_cast %add3A_1855 : i32 to index
        %get3A_1857 = arith.constant 0 : index
        %get3A_1858 = tpu.vector_load %arg12[%get3A_1856, %get3A_1857] {strides = array<i32>} : memref<640x32xf32, #tpu.memory_space<vmem>>, vector<1x16xf32>,
        %get3A_1859 = vector.shape_cast %get3A_1858 : vector<1x16xf32> to vector<16xf32>
        %add3A_1860 = arith.addf %add3A_1839, %get3A_1859 : vector<16xf32>
        %add3A_1861 = arith.constant 160 : i32
        %add3A_1862 = arith.addi %add3A_1861, %scan3A_1751 : i32
        %get3A_1863 = arith.index_cast %add3A_1862 : i32 to index
        %get3A_1864 = arith.constant 16 : index
        %get3A_1865 = tpu.vector_load %arg12[%get3A_1863, %get3A_1864] {strides = array<i32>} : memref<640x32xf32, #tpu.memory_space<vmem>>, vector<1x16xf32>,
        %get3A_1866 = vector.shape_cast %get3A_1865 : vector<1x16xf32> to vector<16xf32>
        %add3A_1867 = arith.addf %add3A_1846, %get3A_1866 : vector<16xf32>
        %add3A_1868 = arith.constant 192 : i32
        %add3A_1869 = arith.addi %add3A_1868, %scan3A_1751 : i32
        %get3A_1870 = arith.index_cast %add3A_1869 : i32 to index
        %get3A_1871 = arith.constant 0 : index
        %get3A_1872 = tpu.vector_load %arg10[%get3A_1870, %get3A_1871] {strides = array<i32>} : memref<640x16xf32, #tpu.memory_space<vmem>>, vector<1x16xf32>,
        %get3A_1873 = vector.shape_cast %get3A_1872 : vector<1x16xf32> to vector<16xf32>
        %add3A_1874 = arith.addf %add3A_1853, %get3A_1873 : vector<16xf32>
        %add3A_1875 = arith.constant 192 : i32
        %add3A_1876 = arith.addi %add3A_1875, %scan3A_1751 : i32
        %get3A_1877 = arith.index_cast %add3A_1876 : i32 to index
        %get3A_1878 = arith.constant 0 : index
        %get3A_1879 = tpu.vector_load %arg12[%get3A_1877, %get3A_1878] {strides = array<i32>} : memref<640x32xf32, #tpu.memory_space<vmem>>, vector<1x16xf32>,
        %get3A_1880 = vector.shape_cast %get3A_1879 : vector<1x16xf32> to vector<16xf32>
        %add3A_1881 = arith.addf %add3A_1860, %get3A_1880 : vector<16xf32>
        %add3A_1882 = arith.constant 192 : i32
        %add3A_1883 = arith.addi %add3A_1882, %scan3A_1751 : i32
        %get3A_1884 = arith.index_cast %add3A_1883 : i32 to index
        %get3A_1885 = arith.constant 16 : index
        %get3A_1886 = tpu.vector_load %arg12[%get3A_1884, %get3A_1885] {strides = array<i32>} : memref<640x32xf32, #tpu.memory_space<vmem>>, vector<1x16xf32>,
        %get3A_1887 = vector.shape_cast %get3A_1886 : vector<1x16xf32> to vector<16xf32>
        %add3A_1888 = arith.addf %add3A_1867, %get3A_1887 : vector<16xf32>
        %add3A_1889 = arith.constant 224 : i32
        %add3A_1890 = arith.addi %add3A_1889, %scan3A_1751 : i32
        %get3A_1891 = arith.index_cast %add3A_1890 : i32 to index
        %get3A_1892 = arith.constant 0 : index
        %get3A_1893 = tpu.vector_load %arg10[%get3A_1891, %get3A_1892] {strides = array<i32>} : memref<640x16xf32, #tpu.memory_space<vmem>>, vector<1x16xf32>,
        %get3A_1894 = vector.shape_cast %get3A_1893 : vector<1x16xf32> to vector<16xf32>
        %add3A_1895 = arith.addf %add3A_1874, %get3A_1894 : vector<16xf32>
        %add3A_1896 = arith.constant 224 : i32
        %add3A_1897 = arith.addi %add3A_1896, %scan3A_1751 : i32
        %get3A_1898 = arith.index_cast %add3A_1897 : i32 to index
        %get3A_1899 = arith.constant 0 : index
        %get3A_1900 = tpu.vector_load %arg12[%get3A_1898, %get3A_1899] {strides = array<i32>} : memref<640x32xf32, #tpu.memory_space<vmem>>, vector<1x16xf32>,
        %get3A_1901 = vector.shape_cast %get3A_1900 : vector<1x16xf32> to vector<16xf32>
        %add3A_1902 = arith.addf %add3A_1881, %get3A_1901 : vector<16xf32>
        %add3A_1903 = arith.constant 224 : i32
        %add3A_1904 = arith.addi %add3A_1903, %scan3A_1751 : i32
        %get3A_1905 = arith.index_cast %add3A_1904 : i32 to index
        %get3A_1906 = arith.constant 16 : index
        %get3A_1907 = tpu.vector_load %arg12[%get3A_1905, %get3A_1906] {strides = array<i32>} : memref<640x32xf32, #tpu.memory_space<vmem>>, vector<1x16xf32>,
        %get3A_1908 = vector.shape_cast %get3A_1907 : vector<1x16xf32> to vector<16xf32>
        %add3A_1909 = arith.addf %add3A_1888, %get3A_1908 : vector<16xf32>
        %add3A_1910 = arith.constant 256 : i32
        %add3A_1911 = arith.addi %add3A_1910, %scan3A_1751 : i32
        %get3A_1912 = arith.index_cast %add3A_1911 : i32 to index
        %get3A_1913 = arith.constant 0 : index
        %get3A_1914 = tpu.vector_load %arg10[%get3A_1912, %get3A_1913] {strides = array<i32>} : memref<640x16xf32, #tpu.memory_space<vmem>>, vector<1x16xf32>,
        %get3A_1915 = vector.shape_cast %get3A_1914 : vector<1x16xf32> to vector<16xf32>
        %add3A_1916 = arith.addf %add3A_1895, %get3A_1915 : vector<16xf32>
        %add3A_1917 = arith.constant 256 : i32
        %add3A_1918 = arith.addi %add3A_1917, %scan3A_1751 : i32
        %get3A_1919 = arith.index_cast %add3A_1918 : i32 to index
        %get3A_1920 = arith.constant 0 : index
        %get3A_1921 = tpu.vector_load %arg12[%get3A_1919, %get3A_1920] {strides = array<i32>} : memref<640x32xf32, #tpu.memory_space<vmem>>, vector<1x16xf32>,
        %get3A_1922 = vector.shape_cast %get3A_1921 : vector<1x16xf32> to vector<16xf32>
        %add3A_1923 = arith.addf %add3A_1902, %get3A_1922 : vector<16xf32>
        %add3A_1924 = arith.constant 256 : i32
        %add3A_1925 = arith.addi %add3A_1924, %scan3A_1751 : i32
        %get3A_1926 = arith.index_cast %add3A_1925 : i32 to index
        %get3A_1927 = arith.constant 16 : index
        %get3A_1928 = tpu.vector_load %arg12[%get3A_1926, %get3A_1927] {strides = array<i32>} : memref<640x32xf32, #tpu.memory_space<vmem>>, vector<1x16xf32>,
        %get3A_1929 = vector.shape_cast %get3A_1928 : vector<1x16xf32> to vector<16xf32>
        %add3A_1930 = arith.addf %add3A_1909, %get3A_1929 : vector<16xf32>
        %add3A_1931 = arith.constant 288 : i32
        %add3A_1932 = arith.addi %add3A_1931, %scan3A_1751 : i32
        %get3A_1933 = arith.index_cast %add3A_1932 : i32 to index
        %get3A_1934 = arith.constant 0 : index
        %get3A_1935 = tpu.vector_load %arg10[%get3A_1933, %get3A_1934] {strides = array<i32>} : memref<640x16xf32, #tpu.memory_space<vmem>>, vector<1x16xf32>,
        %get3A_1936 = vector.shape_cast %get3A_1935 : vector<1x16xf32> to vector<16xf32>
        %add3A_1937 = arith.addf %add3A_1916, %get3A_1936 : vector<16xf32>
        %add3A_1938 = arith.constant 288 : i32
        %add3A_1939 = arith.addi %add3A_1938, %scan3A_1751 : i32
        %get3A_1940 = arith.index_cast %add3A_1939 : i32 to index
        %get3A_1941 = arith.constant 0 : index
        %get3A_1942 = tpu.vector_load %arg12[%get3A_1940, %get3A_1941] {strides = array<i32>} : memref<640x32xf32, #tpu.memory_space<vmem>>, vector<1x16xf32>,
        %get3A_1943 = vector.shape_cast %get3A_1942 : vector<1x16xf32> to vector<16xf32>
        %add3A_1944 = arith.addf %add3A_1923, %get3A_1943 : vector<16xf32>
        %add3A_1945 = arith.constant 288 : i32
        %add3A_1946 = arith.addi %add3A_1945, %scan3A_1751 : i32
        %get3A_1947 = arith.index_cast %add3A_1946 : i32 to index
        %get3A_1948 = arith.constant 16 : index
        %get3A_1949 = tpu.vector_load %arg12[%get3A_1947, %get3A_1948] {strides = array<i32>} : memref<640x32xf32, #tpu.memory_space<vmem>>, vector<1x16xf32>,
        %get3A_1950 = vector.shape_cast %get3A_1949 : vector<1x16xf32> to vector<16xf32>
        %add3A_1951 = arith.addf %add3A_1930, %get3A_1950 : vector<16xf32>
        %add3A_1952 = arith.constant 320 : i32
        %add3A_1953 = arith.addi %add3A_1952, %scan3A_1751 : i32
        %get3A_1954 = arith.index_cast %add3A_1953 : i32 to index
        %get3A_1955 = arith.constant 0 : index
        %get3A_1956 = tpu.vector_load %arg10[%get3A_1954, %get3A_1955] {strides = array<i32>} : memref<640x16xf32, #tpu.memory_space<vmem>>, vector<1x16xf32>,
        %get3A_1957 = vector.shape_cast %get3A_1956 : vector<1x16xf32> to vector<16xf32>
        %add3A_1958 = arith.addf %add3A_1937, %get3A_1957 : vector<16xf32>
        %add3A_1959 = arith.constant 320 : i32
        %add3A_1960 = arith.addi %add3A_1959, %scan3A_1751 : i32
        %get3A_1961 = arith.index_cast %add3A_1960 : i32 to index
        %get3A_1962 = arith.constant 0 : index
        %get3A_1963 = tpu.vector_load %arg12[%get3A_1961, %get3A_1962] {strides = array<i32>} : memref<640x32xf32, #tpu.memory_space<vmem>>, vector<1x16xf32>,
        %get3A_1964 = vector.shape_cast %get3A_1963 : vector<1x16xf32> to vector<16xf32>
        %add3A_1965 = arith.addf %add3A_1944, %get3A_1964 : vector<16xf32>
        %add3A_1966 = arith.constant 320 : i32
        %add3A_1967 = arith.addi %add3A_1966, %scan3A_1751 : i32
        %get3A_1968 = arith.index_cast %add3A_1967 : i32 to index
        %get3A_1969 = arith.constant 16 : index
        %get3A_1970 = tpu.vector_load %arg12[%get3A_1968, %get3A_1969] {strides = array<i32>} : memref<640x32xf32, #tpu.memory_space<vmem>>, vector<1x16xf32>,
        %get3A_1971 = vector.shape_cast %get3A_1970 : vector<1x16xf32> to vector<16xf32>
        %add3A_1972 = arith.addf %add3A_1951, %get3A_1971 : vector<16xf32>
        %add3A_1973 = arith.constant 352 : i32
        %add3A_1974 = arith.addi %add3A_1973, %scan3A_1751 : i32
        %get3A_1975 = arith.index_cast %add3A_1974 : i32 to index
        %get3A_1976 = arith.constant 0 : index
        %get3A_1977 = tpu.vector_load %arg10[%get3A_1975, %get3A_1976] {strides = array<i32>} : memref<640x16xf32, #tpu.memory_space<vmem>>, vector<1x16xf32>,
        %get3A_1978 = vector.shape_cast %get3A_1977 : vector<1x16xf32> to vector<16xf32>
        %add3A_1979 = arith.addf %add3A_1958, %get3A_1978 : vector<16xf32>
        %add3A_1980 = arith.constant 352 : i32
        %add3A_1981 = arith.addi %add3A_1980, %scan3A_1751 : i32
        %get3A_1982 = arith.index_cast %add3A_1981 : i32 to index
        %get3A_1983 = arith.constant 0 : index
        %get3A_1984 = tpu.vector_load %arg12[%get3A_1982, %get3A_1983] {strides = array<i32>} : memref<640x32xf32, #tpu.memory_space<vmem>>, vector<1x16xf32>,
        %get3A_1985 = vector.shape_cast %get3A_1984 : vector<1x16xf32> to vector<16xf32>
        %add3A_1986 = arith.addf %add3A_1965, %get3A_1985 : vector<16xf32>
        %add3A_1987 = arith.constant 352 : i32
        %add3A_1988 = arith.addi %add3A_1987, %scan3A_1751 : i32
        %get3A_1989 = arith.index_cast %add3A_1988 : i32 to index
        %get3A_1990 = arith.constant 16 : index
        %get3A_1991 = tpu.vector_load %arg12[%get3A_1989, %get3A_1990] {strides = array<i32>} : memref<640x32xf32, #tpu.memory_space<vmem>>, vector<1x16xf32>,
        %get3A_1992 = vector.shape_cast %get3A_1991 : vector<1x16xf32> to vector<16xf32>
        %add3A_1993 = arith.addf %add3A_1972, %get3A_1992 : vector<16xf32>
        %add3A_1994 = arith.constant 384 : i32
        %add3A_1995 = arith.addi %add3A_1994, %scan3A_1751 : i32
        %get3A_1996 = arith.index_cast %add3A_1995 : i32 to index
        %get3A_1997 = arith.constant 0 : index
        %get3A_1998 = tpu.vector_load %arg10[%get3A_1996, %get3A_1997] {strides = array<i32>} : memref<640x16xf32, #tpu.memory_space<vmem>>, vector<1x16xf32>,
        %get3A_1999 = vector.shape_cast %get3A_1998 : vector<1x16xf32> to vector<16xf32>
        %add3A_2000 = arith.addf %add3A_1979, %get3A_1999 : vector<16xf32>
        %add3A_2001 = arith.constant 384 : i32
        %add3A_2002 = arith.addi %add3A_2001, %scan3A_1751 : i32
        %get3A_2003 = arith.index_cast %add3A_2002 : i32 to index
        %get3A_2004 = arith.constant 0 : index
        %get3A_2005 = tpu.vector_load %arg12[%get3A_2003, %get3A_2004] {strides = array<i32>} : memref<640x32xf32, #tpu.memory_space<vmem>>, vector<1x16xf32>,
        %get3A_2006 = vector.shape_cast %get3A_2005 : vector<1x16xf32> to vector<16xf32>
        %add3A_2007 = arith.addf %add3A_1986, %get3A_2006 : vector<16xf32>
        %add3A_2008 = arith.constant 384 : i32
        %add3A_2009 = arith.addi %add3A_2008, %scan3A_1751 : i32
        %get3A_2010 = arith.index_cast %add3A_2009 : i32 to index
        %get3A_2011 = arith.constant 16 : index
        %get3A_2012 = tpu.vector_load %arg12[%get3A_2010, %get3A_2011] {strides = array<i32>} : memref<640x32xf32, #tpu.memory_space<vmem>>, vector<1x16xf32>,
        %get3A_2013 = vector.shape_cast %get3A_2012 : vector<1x16xf32> to vector<16xf32>
        %add3A_2014 = arith.addf %add3A_1993, %get3A_2013 : vector<16xf32>
        %add3A_2015 = arith.constant 416 : i32
        %add3A_2016 = arith.addi %add3A_2015, %scan3A_1751 : i32
        %get3A_2017 = arith.index_cast %add3A_2016 : i32 to index
        %get3A_2018 = arith.constant 0 : index
        %get3A_2019 = tpu.vector_load %arg10[%get3A_2017, %get3A_2018] {strides = array<i32>} : memref<640x16xf32, #tpu.memory_space<vmem>>, vector<1x16xf32>,
        %get3A_2020 = vector.shape_cast %get3A_2019 : vector<1x16xf32> to vector<16xf32>
        %add3A_2021 = arith.addf %add3A_2000, %get3A_2020 : vector<16xf32>
        %add3A_2022 = arith.constant 416 : i32
        %add3A_2023 = arith.addi %add3A_2022, %scan3A_1751 : i32
        %get3A_2024 = arith.index_cast %add3A_2023 : i32 to index
        %get3A_2025 = arith.constant 0 : index
        %get3A_2026 = tpu.vector_load %arg12[%get3A_2024, %get3A_2025] {strides = array<i32>} : memref<640x32xf32, #tpu.memory_space<vmem>>, vector<1x16xf32>,
        %get3A_2027 = vector.shape_cast %get3A_2026 : vector<1x16xf32> to vector<16xf32>
        %add3A_2028 = arith.addf %add3A_2007, %get3A_2027 : vector<16xf32>
        %add3A_2029 = arith.constant 416 : i32
        %add3A_2030 = arith.addi %add3A_2029, %scan3A_1751 : i32
        %get3A_2031 = arith.index_cast %add3A_2030 : i32 to index
        %get3A_2032 = arith.constant 16 : index
        %get3A_2033 = tpu.vector_load %arg12[%get3A_2031, %get3A_2032] {strides = array<i32>} : memref<640x32xf32, #tpu.memory_space<vmem>>, vector<1x16xf32>,
        %get3A_2034 = vector.shape_cast %get3A_2033 : vector<1x16xf32> to vector<16xf32>
        %add3A_2035 = arith.addf %add3A_2014, %get3A_2034 : vector<16xf32>
        %add3A_2036 = arith.constant 448 : i32
        %add3A_2037 = arith.addi %add3A_2036, %scan3A_1751 : i32
        %get3A_2038 = arith.index_cast %add3A_2037 : i32 to index
        %get3A_2039 = arith.constant 0 : index
        %get3A_2040 = tpu.vector_load %arg10[%get3A_2038, %get3A_2039] {strides = array<i32>} : memref<640x16xf32, #tpu.memory_space<vmem>>, vector<1x16xf32>,
        %get3A_2041 = vector.shape_cast %get3A_2040 : vector<1x16xf32> to vector<16xf32>
        %add3A_2042 = arith.addf %add3A_2021, %get3A_2041 : vector<16xf32>
        %add3A_2043 = arith.constant 448 : i32
        %add3A_2044 = arith.addi %add3A_2043, %scan3A_1751 : i32
        %get3A_2045 = arith.index_cast %add3A_2044 : i32 to index
        %get3A_2046 = arith.constant 0 : index
        %get3A_2047 = tpu.vector_load %arg12[%get3A_2045, %get3A_2046] {strides = array<i32>} : memref<640x32xf32, #tpu.memory_space<vmem>>, vector<1x16xf32>,
        %get3A_2048 = vector.shape_cast %get3A_2047 : vector<1x16xf32> to vector<16xf32>
        %add3A_2049 = arith.addf %add3A_2028, %get3A_2048 : vector<16xf32>
        %add3A_2050 = arith.constant 448 : i32
        %add3A_2051 = arith.addi %add3A_2050, %scan3A_1751 : i32
        %get3A_2052 = arith.index_cast %add3A_2051 : i32 to index
        %get3A_2053 = arith.constant 16 : index
        %get3A_2054 = tpu.vector_load %arg12[%get3A_2052, %get3A_2053] {strides = array<i32>} : memref<640x32xf32, #tpu.memory_space<vmem>>, vector<1x16xf32>,
        %get3A_2055 = vector.shape_cast %get3A_2054 : vector<1x16xf32> to vector<16xf32>
        %add3A_2056 = arith.addf %add3A_2035, %get3A_2055 : vector<16xf32>
        %add3A_2057 = arith.constant 480 : i32
        %add3A_2058 = arith.addi %add3A_2057, %scan3A_1751 : i32
        %get3A_2059 = arith.index_cast %add3A_2058 : i32 to index
        %get3A_2060 = arith.constant 0 : index
        %get3A_2061 = tpu.vector_load %arg10[%get3A_2059, %get3A_2060] {strides = array<i32>} : memref<640x16xf32, #tpu.memory_space<vmem>>, vector<1x16xf32>,
        %get3A_2062 = vector.shape_cast %get3A_2061 : vector<1x16xf32> to vector<16xf32>
        %add3A_2063 = arith.addf %add3A_2042, %get3A_2062 : vector<16xf32>
        %add3A_2064 = arith.constant 480 : i32
        %add3A_2065 = arith.addi %add3A_2064, %scan3A_1751 : i32
        %get3A_2066 = arith.index_cast %add3A_2065 : i32 to index
        %get3A_2067 = arith.constant 0 : index
        %get3A_2068 = tpu.vector_load %arg12[%get3A_2066, %get3A_2067] {strides = array<i32>} : memref<640x32xf32, #tpu.memory_space<vmem>>, vector<1x16xf32>,
        %get3A_2069 = vector.shape_cast %get3A_2068 : vector<1x16xf32> to vector<16xf32>
        %add3A_2070 = arith.addf %add3A_2049, %get3A_2069 : vector<16xf32>
        %add3A_2071 = arith.constant 480 : i32
        %add3A_2072 = arith.addi %add3A_2071, %scan3A_1751 : i32
        %get3A_2073 = arith.index_cast %add3A_2072 : i32 to index
        %get3A_2074 = arith.constant 16 : index
        %get3A_2075 = tpu.vector_load %arg12[%get3A_2073, %get3A_2074] {strides = array<i32>} : memref<640x32xf32, #tpu.memory_space<vmem>>, vector<1x16xf32>,
        %get3A_2076 = vector.shape_cast %get3A_2075 : vector<1x16xf32> to vector<16xf32>
        %add3A_2077 = arith.addf %add3A_2056, %get3A_2076 : vector<16xf32>
        %add3A_2078 = arith.constant 512 : i32
        %add3A_2079 = arith.addi %add3A_2078, %scan3A_1751 : i32
        %get3A_2080 = arith.index_cast %add3A_2079 : i32 to index
        %get3A_2081 = arith.constant 0 : index
        %get3A_2082 = tpu.vector_load %arg10[%get3A_2080, %get3A_2081] {strides = array<i32>} : memref<640x16xf32, #tpu.memory_space<vmem>>, vector<1x16xf32>,
        %get3A_2083 = vector.shape_cast %get3A_2082 : vector<1x16xf32> to vector<16xf32>
        %add3A_2084 = arith.addf %add3A_2063, %get3A_2083 : vector<16xf32>
        %add3A_2085 = arith.constant 512 : i32
        %add3A_2086 = arith.addi %add3A_2085, %scan3A_1751 : i32
        %get3A_2087 = arith.index_cast %add3A_2086 : i32 to index
        %get3A_2088 = arith.constant 0 : index
        %get3A_2089 = tpu.vector_load %arg12[%get3A_2087, %get3A_2088] {strides = array<i32>} : memref<640x32xf32, #tpu.memory_space<vmem>>, vector<1x16xf32>,
        %get3A_2090 = vector.shape_cast %get3A_2089 : vector<1x16xf32> to vector<16xf32>
        %add3A_2091 = arith.addf %add3A_2070, %get3A_2090 : vector<16xf32>
        %add3A_2092 = arith.constant 512 : i32
        %add3A_2093 = arith.addi %add3A_2092, %scan3A_1751 : i32
        %get3A_2094 = arith.index_cast %add3A_2093 : i32 to index
        %get3A_2095 = arith.constant 16 : index
        %get3A_2096 = tpu.vector_load %arg12[%get3A_2094, %get3A_2095] {strides = array<i32>} : memref<640x32xf32, #tpu.memory_space<vmem>>, vector<1x16xf32>,
        %get3A_2097 = vector.shape_cast %get3A_2096 : vector<1x16xf32> to vector<16xf32>
        %add3A_2098 = arith.addf %add3A_2077, %get3A_2097 : vector<16xf32>
        %add3A_2099 = arith.constant 544 : i32
        %add3A_2100 = arith.addi %add3A_2099, %scan3A_1751 : i32
        %get3A_2101 = arith.index_cast %add3A_2100 : i32 to index
        %get3A_2102 = arith.constant 0 : index
        %get3A_2103 = tpu.vector_load %arg10[%get3A_2101, %get3A_2102] {strides = array<i32>} : memref<640x16xf32, #tpu.memory_space<vmem>>, vector<1x16xf32>,
        %get3A_2104 = vector.shape_cast %get3A_2103 : vector<1x16xf32> to vector<16xf32>
        %add3A_2105 = arith.addf %add3A_2084, %get3A_2104 : vector<16xf32>
        %add3A_2106 = arith.constant 544 : i32
        %add3A_2107 = arith.addi %add3A_2106, %scan3A_1751 : i32
        %get3A_2108 = arith.index_cast %add3A_2107 : i32 to index
        %get3A_2109 = arith.constant 0 : index
        %get3A_2110 = tpu.vector_load %arg12[%get3A_2108, %get3A_2109] {strides = array<i32>} : memref<640x32xf32, #tpu.memory_space<vmem>>, vector<1x16xf32>,
        %get3A_2111 = vector.shape_cast %get3A_2110 : vector<1x16xf32> to vector<16xf32>
        %add3A_2112 = arith.addf %add3A_2091, %get3A_2111 : vector<16xf32>
        %add3A_2113 = arith.constant 544 : i32
        %add3A_2114 = arith.addi %add3A_2113, %scan3A_1751 : i32
        %get3A_2115 = arith.index_cast %add3A_2114 : i32 to index
        %get3A_2116 = arith.constant 16 : index
        %get3A_2117 = tpu.vector_load %arg12[%get3A_2115, %get3A_2116] {strides = array<i32>} : memref<640x32xf32, #tpu.memory_space<vmem>>, vector<1x16xf32>,
        %get3A_2118 = vector.shape_cast %get3A_2117 : vector<1x16xf32> to vector<16xf32>
        %add3A_2119 = arith.addf %add3A_2098, %get3A_2118 : vector<16xf32>
        %add3A_2120 = arith.constant 576 : i32
        %add3A_2121 = arith.addi %add3A_2120, %scan3A_1751 : i32
        %get3A_2122 = arith.index_cast %add3A_2121 : i32 to index
        %get3A_2123 = arith.constant 0 : index
        %get3A_2124 = tpu.vector_load %arg10[%get3A_2122, %get3A_2123] {strides = array<i32>} : memref<640x16xf32, #tpu.memory_space<vmem>>, vector<1x16xf32>,
        %get3A_2125 = vector.shape_cast %get3A_2124 : vector<1x16xf32> to vector<16xf32>
        %add3A_2126 = arith.addf %add3A_2105, %get3A_2125 : vector<16xf32>
        %add3A_2127 = arith.constant 576 : i32
        %add3A_2128 = arith.addi %add3A_2127, %scan3A_1751 : i32
        %get3A_2129 = arith.index_cast %add3A_2128 : i32 to index
        %get3A_2130 = arith.constant 0 : index
        %get3A_2131 = tpu.vector_load %arg12[%get3A_2129, %get3A_2130] {strides = array<i32>} : memref<640x32xf32, #tpu.memory_space<vmem>>, vector<1x16xf32>,
        %get3A_2132 = vector.shape_cast %get3A_2131 : vector<1x16xf32> to vector<16xf32>
        %add3A_2133 = arith.addf %add3A_2112, %get3A_2132 : vector<16xf32>
        %add3A_2134 = arith.constant 576 : i32
        %add3A_2135 = arith.addi %add3A_2134, %scan3A_1751 : i32
        %get3A_2136 = arith.index_cast %add3A_2135 : i32 to index
        %get3A_2137 = arith.constant 16 : index
        %get3A_2138 = tpu.vector_load %arg12[%get3A_2136, %get3A_2137] {strides = array<i32>} : memref<640x32xf32, #tpu.memory_space<vmem>>, vector<1x16xf32>,
        %get3A_2139 = vector.shape_cast %get3A_2138 : vector<1x16xf32> to vector<16xf32>
        %add3A_2140 = arith.addf %add3A_2119, %get3A_2139 : vector<16xf32>
        %add3A_2141 = arith.constant 608 : i32
        %add3A_2142 = arith.addi %add3A_2141, %scan3A_1751 : i32
        %get3A_2143 = arith.index_cast %add3A_2142 : i32 to index
        %get3A_2144 = arith.constant 0 : index
        %get3A_2145 = tpu.vector_load %arg10[%get3A_2143, %get3A_2144] {strides = array<i32>} : memref<640x16xf32, #tpu.memory_space<vmem>>, vector<1x16xf32>,
        %get3A_2146 = vector.shape_cast %get3A_2145 : vector<1x16xf32> to vector<16xf32>
        %add3A_2147 = arith.addf %add3A_2126, %get3A_2146 : vector<16xf32>
        %add3A_2148 = arith.constant 608 : i32
        %add3A_2149 = arith.addi %add3A_2148, %scan3A_1751 : i32
        %get3A_2150 = arith.index_cast %add3A_2149 : i32 to index
        %get3A_2151 = arith.constant 0 : index
        %get3A_2152 = tpu.vector_load %arg12[%get3A_2150, %get3A_2151] {strides = array<i32>} : memref<640x32xf32, #tpu.memory_space<vmem>>, vector<1x16xf32>,
        %get3A_2153 = vector.shape_cast %get3A_2152 : vector<1x16xf32> to vector<16xf32>
        %add3A_2154 = arith.addf %add3A_2133, %get3A_2153 : vector<16xf32>
        %add3A_2155 = arith.constant 608 : i32
        %add3A_2156 = arith.addi %add3A_2155, %scan3A_1751 : i32
        %get3A_2157 = arith.index_cast %add3A_2156 : i32 to index
        %get3A_2158 = arith.constant 16 : index
        %get3A_2159 = tpu.vector_load %arg12[%get3A_2157, %get3A_2158] {strides = array<i32>} : memref<640x32xf32, #tpu.memory_space<vmem>>, vector<1x16xf32>,
        %get3A_2160 = vector.shape_cast %get3A_2159 : vector<1x16xf32> to vector<16xf32>
        %add3A_2161 = arith.addf %add3A_2140, %get3A_2160 : vector<16xf32>
        %swap3A = arith.index_cast %scan3A_1751 : i32 to index
        %swap3A_2162 = arith.constant 0 : index
        %swap3A_2163 = tpu.vector_load %arg14[%swap3A, %swap3A_2162] {strides = array<i32>} : memref<32x128xf32, #tpu.memory_space<vmem>>, vector<1x16xf32>,
        %swap3A_2164 = vector.shape_cast %swap3A_2163 : vector<1x16xf32> to vector<16xf32>
        %swap3A_2165 = vector.shape_cast %add3A_2147 : vector<16xf32> to vector<1x16xf32>
        tpu.vector_store %arg14[%swap3A, %swap3A_2162], %swap3A_2165 {strides = array<i32>} : memref<32x128xf32, #tpu.memory_space<vmem>>, vector<1x16xf32>,
        %swap3A_2166 = arith.index_cast %scan3A_1751 : i32 to index
        %swap3A_2167 = arith.constant 16 : index
        %swap3A_2168 = tpu.vector_load %arg14[%swap3A_2166, %swap3A_2167] {strides = array<i32>} : memref<32x128xf32, #tpu.memory_space<vmem>>, vector<1x16xf32>,
        %swap3A_2169 = vector.shape_cast %swap3A_2168 : vector<1x16xf32> to vector<16xf32>
        %swap3A_2170 = vector.shape_cast %add3A_2154 : vector<16xf32> to vector<1x16xf32>
        tpu.vector_store %arg14[%swap3A_2166, %swap3A_2167], %swap3A_2170 {strides = array<i32>} : memref<32x128xf32, #tpu.memory_space<vmem>>, vector<1x16xf32>,
        %swap3A_2171 = arith.index_cast %scan3A_1751 : i32 to index
        %swap3A_2172 = arith.constant 32 : index
        %swap3A_2173 = tpu.vector_load %arg14[%swap3A_2171, %swap3A_2172] {strides = array<i32>} : memref<32x128xf32, #tpu.memory_space<vmem>>, vector<1x16xf32>,
        %swap3A_2174 = vector.shape_cast %swap3A_2173 : vector<1x16xf32> to vector<16xf32>
        %swap3A_2175 = vector.shape_cast %add3A_2161 : vector<16xf32> to vector<1x16xf32>
        tpu.vector_store %arg14[%swap3A_2171, %swap3A_2172], %swap3A_2175 {strides = array<i32>} : memref<32x128xf32, #tpu.memory_space<vmem>>, vector<1x16xf32>,
        %mul3A_2176 = arith.constant 32 : i32
        %mul3A_2177 = arith.muli %mul3A_1315, %mul3A_2176 : i32
        %add3A_2178 = arith.addi %mul3A_2177, %scan3A_1751 : i32
        %get3A_2179 = arith.index_cast %add3A_2178 : i32 to index
        %get3A_2180 = arith.constant 0 : index
        %get3A_2181 = tpu.vector_load %arg17[%get3A_2179, %get3A_2180] {strides = array<i32>} : memref<512x16xf32, #tpu.memory_space<vmem>>, vector<1x16xf32>,
        %get3A_2182 = vector.shape_cast %get3A_2181 : vector<1x16xf32> to vector<16xf32>
        %swap3A_2183 = arith.index_cast %scan3A_1751 : i32 to index
        %swap3A_2184 = arith.constant 96 : index
        %swap3A_2185 = tpu.vector_load %arg14[%swap3A_2183, %swap3A_2184] {strides = array<i32>} : memref<32x128xf32, #tpu.memory_space<vmem>>, vector<1x16xf32>,
        %swap3A_2186 = vector.shape_cast %swap3A_2185 : vector<1x16xf32> to vector<16xf32>
        %swap3A_2187 = vector.shape_cast %get3A_2182 : vector<16xf32> to vector<1x16xf32>
        tpu.vector_store %arg14[%swap3A_2183, %swap3A_2184], %swap3A_2187 {strides = array<i32>} : memref<32x128xf32, #tpu.memory_space<vmem>>, vector<1x16xf32>,
      }
      %scan3A_1321 = arith.constant 32 : i32
      %convert_element_type3A_1322 = arith.extui %lt3A_507 : i1 to i32
      %cond3A_1323 = arith.constant 0 : i32
      %cond3A_1324 = arith.cmpi ne, %convert_element_type3A_1322, %cond3A_1323 : i32
      scf.if %cond3A_1324 {
        %add3A_1751 = arith.constant 32 : i32
        %add3A_1752 = arith.addi %add3A_506, %add3A_1751 : i32
        %dma_start3A_1753 = arith.constant 0 : i32
        %dma_start3A_1754 = tpu.memref_slice %arg2[%dma_start3A_1753, %add3A_1752] : memref<20x16384xi32, #tpu.memory_space<hbm>> -> memref<20x32xi32, #tpu.memory_space<hbm>>
        %dma_start3A_1755 = arith.constant 0 : i32
        %dma_start3A_1756 = tpu.memref_slice %arg2[%dma_start3A_1755, %add3A_1752] : memref<20x16384xi32, #tpu.memory_space<hbm>> -> memref<20x32xi32, #tpu.memory_space<hbm>>
        tpu.enqueue_dma source(%dma_start3A_1756 : memref<20x32xi32, #tpu.memory_space<hbm>>) target(%arg8 : memref<20x32xi32, #tpu.memory_space<vmem>>) target_semaphore(%arg20 : memref<!tpu.dma_semaphore, #tpu.memory_space<semaphore_mem>>)
      } else {
      }
      %dma_start3A_1325 = arith.constant 0 : i32
      %dma_start3A_1326 = tpu.memref_slice %arg7[%add3A_504, %dma_start3A_1325] : memref<16384x128xf32, #tpu.memory_space<hbm>> -> memref<32x128xf32, #tpu.memory_space<hbm>>
      %dma_start3A_1327 = arith.constant 0 : i32
      %dma_start3A_1328 = tpu.memref_slice %arg7[%add3A_504, %dma_start3A_1327] : memref<16384x128xf32, #tpu.memory_space<hbm>> -> memref<32x128xf32, #tpu.memory_space<hbm>>
      tpu.enqueue_dma source(%arg14 : memref<32x128xf32, #tpu.memory_space<vmem>>) target(%dma_start3A_1328 : memref<32x128xf32, #tpu.memory_space<hbm>>) target_semaphore(%arg22 : memref<!tpu.dma_semaphore, #tpu.memory_space<semaphore_mem>>)
      %dma_wait3A_1329 = arith.constant 0 : i32
      %dma_wait3A_1330 = arith.constant 0 : i32
      %dma_wait3A_1331 = arith.constant 0 : i32
      %dma_wait3A_1332 = tpu.memref_slice %arg11[%dma_wait3A_1330, %dma_wait3A_1331] : memref<640x16xf32, #tpu.memory_space<vmem>> -> memref<32x16xf32, #tpu.memory_space<vmem>>
      %dma_wait3A_1333 = arith.constant 0 : i32
      %dma_wait3A_1334 = tpu.memref_slice %arg9[%dma_wait3A_1329, %dma_wait3A_1333] : memref<20x32xi32, #tpu.memory_space<vmem>> -> memref<1x32xi32, #tpu.memory_space<vmem>>
      %dma_wait3A_1335 = tpu.memref_squeeze %dma_wait3A_1334 : memref<1x32xi32, #tpu.memory_space<vmem>> -> memref<32xi32, #tpu.memory_space<vmem>>
      %dma_wait3A_1336 = arith.constant 0 : i32
      %dma_wait3A_1337 = arith.constant 0 : i32
      %dma_wait3A_1338 = tpu.memref_slice %arg4[%dma_wait3A_1336, %dma_wait3A_1337] : memref<100000x16xf32, #tpu.memory_space<hbm>> -> memref<100000x16xf32, #tpu.memory_space<hbm>>
      tpu.wait_indirect_dma semaphore(%arg19 : memref<!tpu.dma_semaphore, #tpu.memory_space<semaphore_mem>>) src(%dma_wait3A_1338 : memref<100000x16xf32, #tpu.memory_space<hbm>>) dst(%dma_wait3A_1332 : memref<32x16xf32, #tpu.memory_space<vmem>>)
      %dma_wait3A_1339 = arith.constant 0 : i32
      %dma_wait3A_1340 = arith.constant 0 : i32
      %dma_wait3A_1341 = arith.constant 0 : i32
      %dma_wait3A_1342 = tpu.memref_slice %arg13[%dma_wait3A_1340, %dma_wait3A_1341] : memref<640x32xf32, #tpu.memory_space<vmem>> -> memref<32x32xf32, #tpu.memory_space<vmem>>
      %dma_wait3A_1343 = arith.constant 0 : i32
      %dma_wait3A_1344 = tpu.memref_slice %arg9[%dma_wait3A_1339, %dma_wait3A_1343] : memref<20x32xi32, #tpu.memory_space<vmem>> -> memref<1x32xi32, #tpu.memory_space<vmem>>
      %dma_wait3A_1345 = tpu.memref_squeeze %dma_wait3A_1344 : memref<1x32xi32, #tpu.memory_space<vmem>> -> memref<32xi32, #tpu.memory_space<vmem>>
      %dma_wait3A_1346 = arith.constant 0 : i32
      %dma_wait3A_1347 = arith.constant 0 : i32
      %dma_wait3A_1348 = tpu.memref_slice %arg5[%dma_wait3A_1346, %dma_wait3A_1347] : memref<100000x32xf32, #tpu.memory_space<hbm>> -> memref<100000x32xf32, #tpu.memory_space<hbm>>
      tpu.wait_indirect_dma semaphore(%arg19 : memref<!tpu.dma_semaphore, #tpu.memory_space<semaphore_mem>>) src(%dma_wait3A_1348 : memref<100000x32xf32, #tpu.memory_space<hbm>>) dst(%dma_wait3A_1342 : memref<32x32xf32, #tpu.memory_space<vmem>>)
      %dma_wait3A_1349 = arith.constant 1 : i32
      %dma_wait3A_1350 = arith.constant 32 : i32
      %dma_wait3A_1351 = arith.constant 0 : i32
      %dma_wait3A_1352 = tpu.memref_slice %arg11[%dma_wait3A_1350, %dma_wait3A_1351] : memref<640x16xf32, #tpu.memory_space<vmem>> -> memref<32x16xf32, #tpu.memory_space<vmem>>
      %dma_wait3A_1353 = arith.constant 0 : i32
      %dma_wait3A_1354 = tpu.memref_slice %arg9[%dma_wait3A_1349, %dma_wait3A_1353] : memref<20x32xi32, #tpu.memory_space<vmem>> -> memref<1x32xi32, #tpu.memory_space<vmem>>
      %dma_wait3A_1355 = tpu.memref_squeeze %dma_wait3A_1354 : memref<1x32xi32, #tpu.memory_space<vmem>> -> memref<32xi32, #tpu.memory_space<vmem>>
      %dma_wait3A_1356 = arith.constant 0 : i32
      %dma_wait3A_1357 = arith.constant 0 : i32
      %dma_wait3A_1358 = tpu.memref_slice %arg4[%dma_wait3A_1356, %dma_wait3A_1357] : memref<100000x16xf32, #tpu.memory_space<hbm>> -> memref<100000x16xf32, #tpu.memory_space<hbm>>
      tpu.wait_indirect_dma semaphore(%arg19 : memref<!tpu.dma_semaphore, #tpu.memory_space<semaphore_mem>>) src(%dma_wait3A_1358 : memref<100000x16xf32, #tpu.memory_space<hbm>>) dst(%dma_wait3A_1352 : memref<32x16xf32, #tpu.memory_space<vmem>>)
      %dma_wait3A_1359 = arith.constant 1 : i32
      %dma_wait3A_1360 = arith.constant 32 : i32
      %dma_wait3A_1361 = arith.constant 0 : i32
      %dma_wait3A_1362 = tpu.memref_slice %arg13[%dma_wait3A_1360, %dma_wait3A_1361] : memref<640x32xf32, #tpu.memory_space<vmem>> -> memref<32x32xf32, #tpu.memory_space<vmem>>
      %dma_wait3A_1363 = arith.constant 0 : i32
      %dma_wait3A_1364 = tpu.memref_slice %arg9[%dma_wait3A_1359, %dma_wait3A_1363] : memref<20x32xi32, #tpu.memory_space<vmem>> -> memref<1x32xi32, #tpu.memory_space<vmem>>
      %dma_wait3A_1365 = tpu.memref_squeeze %dma_wait3A_1364 : memref<1x32xi32, #tpu.memory_space<vmem>> -> memref<32xi32, #tpu.memory_space<vmem>>
      %dma_wait3A_1366 = arith.constant 0 : i32
      %dma_wait3A_1367 = arith.constant 0 : i32
      %dma_wait3A_1368 = tpu.memref_slice %arg5[%dma_wait3A_1366, %dma_wait3A_1367] : memref<100000x32xf32, #tpu.memory_space<hbm>> -> memref<100000x32xf32, #tpu.memory_space<hbm>>
      tpu.wait_indirect_dma semaphore(%arg19 : memref<!tpu.dma_semaphore, #tpu.memory_space<semaphore_mem>>) src(%dma_wait3A_1368 : memref<100000x32xf32, #tpu.memory_space<hbm>>) dst(%dma_wait3A_1362 : memref<32x32xf32, #tpu.memory_space<vmem>>)
      %dma_wait3A_1369 = arith.constant 2 : i32
      %dma_wait3A_1370 = arith.constant 64 : i32
      %dma_wait3A_1371 = arith.constant 0 : i32
      %dma_wait3A_1372 = tpu.memref_slice %arg11[%dma_wait3A_1370, %dma_wait3A_1371] : memref<640x16xf32, #tpu.memory_space<vmem>> -> memref<32x16xf32, #tpu.memory_space<vmem>>
      %dma_wait3A_1373 = arith.constant 0 : i32
      %dma_wait3A_1374 = tpu.memref_slice %arg9[%dma_wait3A_1369, %dma_wait3A_1373] : memref<20x32xi32, #tpu.memory_space<vmem>> -> memref<1x32xi32, #tpu.memory_space<vmem>>
      %dma_wait3A_1375 = tpu.memref_squeeze %dma_wait3A_1374 : memref<1x32xi32, #tpu.memory_space<vmem>> -> memref<32xi32, #tpu.memory_space<vmem>>
      %dma_wait3A_1376 = arith.constant 0 : i32
      %dma_wait3A_1377 = arith.constant 0 : i32
      %dma_wait3A_1378 = tpu.memref_slice %arg4[%dma_wait3A_1376, %dma_wait3A_1377] : memref<100000x16xf32, #tpu.memory_space<hbm>> -> memref<100000x16xf32, #tpu.memory_space<hbm>>
      tpu.wait_indirect_dma semaphore(%arg19 : memref<!tpu.dma_semaphore, #tpu.memory_space<semaphore_mem>>) src(%dma_wait3A_1378 : memref<100000x16xf32, #tpu.memory_space<hbm>>) dst(%dma_wait3A_1372 : memref<32x16xf32, #tpu.memory_space<vmem>>)
      %dma_wait3A_1379 = arith.constant 2 : i32
      %dma_wait3A_1380 = arith.constant 64 : i32
      %dma_wait3A_1381 = arith.constant 0 : i32
      %dma_wait3A_1382 = tpu.memref_slice %arg13[%dma_wait3A_1380, %dma_wait3A_1381] : memref<640x32xf32, #tpu.memory_space<vmem>> -> memref<32x32xf32, #tpu.memory_space<vmem>>
      %dma_wait3A_1383 = arith.constant 0 : i32
      %dma_wait3A_1384 = tpu.memref_slice %arg9[%dma_wait3A_1379, %dma_wait3A_1383] : memref<20x32xi32, #tpu.memory_space<vmem>> -> memref<1x32xi32, #tpu.memory_space<vmem>>
      %dma_wait3A_1385 = tpu.memref_squeeze %dma_wait3A_1384 : memref<1x32xi32, #tpu.memory_space<vmem>> -> memref<32xi32, #tpu.memory_space<vmem>>
      %dma_wait3A_1386 = arith.constant 0 : i32
      %dma_wait3A_1387 = arith.constant 0 : i32
      %dma_wait3A_1388 = tpu.memref_slice %arg5[%dma_wait3A_1386, %dma_wait3A_1387] : memref<100000x32xf32, #tpu.memory_space<hbm>> -> memref<100000x32xf32, #tpu.memory_space<hbm>>
      tpu.wait_indirect_dma semaphore(%arg19 : memref<!tpu.dma_semaphore, #tpu.memory_space<semaphore_mem>>) src(%dma_wait3A_1388 : memref<100000x32xf32, #tpu.memory_space<hbm>>) dst(%dma_wait3A_1382 : memref<32x32xf32, #tpu.memory_space<vmem>>)
      %dma_wait3A_1389 = arith.constant 3 : i32
      %dma_wait3A_1390 = arith.constant 96 : i32
      %dma_wait3A_1391 = arith.constant 0 : i32
      %dma_wait3A_1392 = tpu.memref_slice %arg11[%dma_wait3A_1390, %dma_wait3A_1391] : memref<640x16xf32, #tpu.memory_space<vmem>> -> memref<32x16xf32, #tpu.memory_space<vmem>>
      %dma_wait3A_1393 = arith.constant 0 : i32
      %dma_wait3A_1394 = tpu.memref_slice %arg9[%dma_wait3A_1389, %dma_wait3A_1393] : memref<20x32xi32, #tpu.memory_space<vmem>> -> memref<1x32xi32, #tpu.memory_space<vmem>>
      %dma_wait3A_1395 = tpu.memref_squeeze %dma_wait3A_1394 : memref<1x32xi32, #tpu.memory_space<vmem>> -> memref<32xi32, #tpu.memory_space<vmem>>
      %dma_wait3A_1396 = arith.constant 0 : i32
      %dma_wait3A_1397 = arith.constant 0 : i32
      %dma_wait3A_1398 = tpu.memref_slice %arg4[%dma_wait3A_1396, %dma_wait3A_1397] : memref<100000x16xf32, #tpu.memory_space<hbm>> -> memref<100000x16xf32, #tpu.memory_space<hbm>>
      tpu.wait_indirect_dma semaphore(%arg19 : memref<!tpu.dma_semaphore, #tpu.memory_space<semaphore_mem>>) src(%dma_wait3A_1398 : memref<100000x16xf32, #tpu.memory_space<hbm>>) dst(%dma_wait3A_1392 : memref<32x16xf32, #tpu.memory_space<vmem>>)
      %dma_wait3A_1399 = arith.constant 3 : i32
      %dma_wait3A_1400 = arith.constant 96 : i32
      %dma_wait3A_1401 = arith.constant 0 : i32
      %dma_wait3A_1402 = tpu.memref_slice %arg13[%dma_wait3A_1400, %dma_wait3A_1401] : memref<640x32xf32, #tpu.memory_space<vmem>> -> memref<32x32xf32, #tpu.memory_space<vmem>>
      %dma_wait3A_1403 = arith.constant 0 : i32
      %dma_wait3A_1404 = tpu.memref_slice %arg9[%dma_wait3A_1399, %dma_wait3A_1403] : memref<20x32xi32, #tpu.memory_space<vmem>> -> memref<1x32xi32, #tpu.memory_space<vmem>>
      %dma_wait3A_1405 = tpu.memref_squeeze %dma_wait3A_1404 : memref<1x32xi32, #tpu.memory_space<vmem>> -> memref<32xi32, #tpu.memory_space<vmem>>
      %dma_wait3A_1406 = arith.constant 0 : i32
      %dma_wait3A_1407 = arith.constant 0 : i32
      %dma_wait3A_1408 = tpu.memref_slice %arg5[%dma_wait3A_1406, %dma_wait3A_1407] : memref<100000x32xf32, #tpu.memory_space<hbm>> -> memref<100000x32xf32, #tpu.memory_space<hbm>>
      tpu.wait_indirect_dma semaphore(%arg19 : memref<!tpu.dma_semaphore, #tpu.memory_space<semaphore_mem>>) src(%dma_wait3A_1408 : memref<100000x32xf32, #tpu.memory_space<hbm>>) dst(%dma_wait3A_1402 : memref<32x32xf32, #tpu.memory_space<vmem>>)
      %dma_wait3A_1409 = arith.constant 4 : i32
      %dma_wait3A_1410 = arith.constant 128 : i32
      %dma_wait3A_1411 = arith.constant 0 : i32
      %dma_wait3A_1412 = tpu.memref_slice %arg11[%dma_wait3A_1410, %dma_wait3A_1411] : memref<640x16xf32, #tpu.memory_space<vmem>> -> memref<32x16xf32, #tpu.memory_space<vmem>>
      %dma_wait3A_1413 = arith.constant 0 : i32
      %dma_wait3A_1414 = tpu.memref_slice %arg9[%dma_wait3A_1409, %dma_wait3A_1413] : memref<20x32xi32, #tpu.memory_space<vmem>> -> memref<1x32xi32, #tpu.memory_space<vmem>>
      %dma_wait3A_1415 = tpu.memref_squeeze %dma_wait3A_1414 : memref<1x32xi32, #tpu.memory_space<vmem>> -> memref<32xi32, #tpu.memory_space<vmem>>
      %dma_wait3A_1416 = arith.constant 0 : i32
      %dma_wait3A_1417 = arith.constant 0 : i32
      %dma_wait3A_1418 = tpu.memref_slice %arg4[%dma_wait3A_1416, %dma_wait3A_1417] : memref<100000x16xf32, #tpu.memory_space<hbm>> -> memref<100000x16xf32, #tpu.memory_space<hbm>>
      tpu.wait_indirect_dma semaphore(%arg19 : memref<!tpu.dma_semaphore, #tpu.memory_space<semaphore_mem>>) src(%dma_wait3A_1418 : memref<100000x16xf32, #tpu.memory_space<hbm>>) dst(%dma_wait3A_1412 : memref<32x16xf32, #tpu.memory_space<vmem>>)
      %dma_wait3A_1419 = arith.constant 4 : i32
      %dma_wait3A_1420 = arith.constant 128 : i32
      %dma_wait3A_1421 = arith.constant 0 : i32
      %dma_wait3A_1422 = tpu.memref_slice %arg13[%dma_wait3A_1420, %dma_wait3A_1421] : memref<640x32xf32, #tpu.memory_space<vmem>> -> memref<32x32xf32, #tpu.memory_space<vmem>>
      %dma_wait3A_1423 = arith.constant 0 : i32
      %dma_wait3A_1424 = tpu.memref_slice %arg9[%dma_wait3A_1419, %dma_wait3A_1423] : memref<20x32xi32, #tpu.memory_space<vmem>> -> memref<1x32xi32, #tpu.memory_space<vmem>>
      %dma_wait3A_1425 = tpu.memref_squeeze %dma_wait3A_1424 : memref<1x32xi32, #tpu.memory_space<vmem>> -> memref<32xi32, #tpu.memory_space<vmem>>
      %dma_wait3A_1426 = arith.constant 0 : i32
      %dma_wait3A_1427 = arith.constant 0 : i32
      %dma_wait3A_1428 = tpu.memref_slice %arg5[%dma_wait3A_1426, %dma_wait3A_1427] : memref<100000x32xf32, #tpu.memory_space<hbm>> -> memref<100000x32xf32, #tpu.memory_space<hbm>>
      tpu.wait_indirect_dma semaphore(%arg19 : memref<!tpu.dma_semaphore, #tpu.memory_space<semaphore_mem>>) src(%dma_wait3A_1428 : memref<100000x32xf32, #tpu.memory_space<hbm>>) dst(%dma_wait3A_1422 : memref<32x32xf32, #tpu.memory_space<vmem>>)
      %dma_wait3A_1429 = arith.constant 5 : i32
      %dma_wait3A_1430 = arith.constant 160 : i32
      %dma_wait3A_1431 = arith.constant 0 : i32
      %dma_wait3A_1432 = tpu.memref_slice %arg11[%dma_wait3A_1430, %dma_wait3A_1431] : memref<640x16xf32, #tpu.memory_space<vmem>> -> memref<32x16xf32, #tpu.memory_space<vmem>>
      %dma_wait3A_1433 = arith.constant 0 : i32
      %dma_wait3A_1434 = tpu.memref_slice %arg9[%dma_wait3A_1429, %dma_wait3A_1433] : memref<20x32xi32, #tpu.memory_space<vmem>> -> memref<1x32xi32, #tpu.memory_space<vmem>>
      %dma_wait3A_1435 = tpu.memref_squeeze %dma_wait3A_1434 : memref<1x32xi32, #tpu.memory_space<vmem>> -> memref<32xi32, #tpu.memory_space<vmem>>
      %dma_wait3A_1436 = arith.constant 0 : i32
      %dma_wait3A_1437 = arith.constant 0 : i32
      %dma_wait3A_1438 = tpu.memref_slice %arg4[%dma_wait3A_1436, %dma_wait3A_1437] : memref<100000x16xf32, #tpu.memory_space<hbm>> -> memref<100000x16xf32, #tpu.memory_space<hbm>>
      tpu.wait_indirect_dma semaphore(%arg19 : memref<!tpu.dma_semaphore, #tpu.memory_space<semaphore_mem>>) src(%dma_wait3A_1438 : memref<100000x16xf32, #tpu.memory_space<hbm>>) dst(%dma_wait3A_1432 : memref<32x16xf32, #tpu.memory_space<vmem>>)
      %dma_wait3A_1439 = arith.constant 5 : i32
      %dma_wait3A_1440 = arith.constant 160 : i32
      %dma_wait3A_1441 = arith.constant 0 : i32
      %dma_wait3A_1442 = tpu.memref_slice %arg13[%dma_wait3A_1440, %dma_wait3A_1441] : memref<640x32xf32, #tpu.memory_space<vmem>> -> memref<32x32xf32, #tpu.memory_space<vmem>>
      %dma_wait3A_1443 = arith.constant 0 : i32
      %dma_wait3A_1444 = tpu.memref_slice %arg9[%dma_wait3A_1439, %dma_wait3A_1443] : memref<20x32xi32, #tpu.memory_space<vmem>> -> memref<1x32xi32, #tpu.memory_space<vmem>>
      %dma_wait3A_1445 = tpu.memref_squeeze %dma_wait3A_1444 : memref<1x32xi32, #tpu.memory_space<vmem>> -> memref<32xi32, #tpu.memory_space<vmem>>
      %dma_wait3A_1446 = arith.constant 0 : i32
      %dma_wait3A_1447 = arith.constant 0 : i32
      %dma_wait3A_1448 = tpu.memref_slice %arg5[%dma_wait3A_1446, %dma_wait3A_1447] : memref<100000x32xf32, #tpu.memory_space<hbm>> -> memref<100000x32xf32, #tpu.memory_space<hbm>>
      tpu.wait_indirect_dma semaphore(%arg19 : memref<!tpu.dma_semaphore, #tpu.memory_space<semaphore_mem>>) src(%dma_wait3A_1448 : memref<100000x32xf32, #tpu.memory_space<hbm>>) dst(%dma_wait3A_1442 : memref<32x32xf32, #tpu.memory_space<vmem>>)
      %dma_wait3A_1449 = arith.constant 6 : i32
      %dma_wait3A_1450 = arith.constant 192 : i32
      %dma_wait3A_1451 = arith.constant 0 : i32
      %dma_wait3A_1452 = tpu.memref_slice %arg11[%dma_wait3A_1450, %dma_wait3A_1451] : memref<640x16xf32, #tpu.memory_space<vmem>> -> memref<32x16xf32, #tpu.memory_space<vmem>>
      %dma_wait3A_1453 = arith.constant 0 : i32
      %dma_wait3A_1454 = tpu.memref_slice %arg9[%dma_wait3A_1449, %dma_wait3A_1453] : memref<20x32xi32, #tpu.memory_space<vmem>> -> memref<1x32xi32, #tpu.memory_space<vmem>>
      %dma_wait3A_1455 = tpu.memref_squeeze %dma_wait3A_1454 : memref<1x32xi32, #tpu.memory_space<vmem>> -> memref<32xi32, #tpu.memory_space<vmem>>
      %dma_wait3A_1456 = arith.constant 0 : i32
      %dma_wait3A_1457 = arith.constant 0 : i32
      %dma_wait3A_1458 = tpu.memref_slice %arg4[%dma_wait3A_1456, %dma_wait3A_1457] : memref<100000x16xf32, #tpu.memory_space<hbm>> -> memref<100000x16xf32, #tpu.memory_space<hbm>>
      tpu.wait_indirect_dma semaphore(%arg19 : memref<!tpu.dma_semaphore, #tpu.memory_space<semaphore_mem>>) src(%dma_wait3A_1458 : memref<100000x16xf32, #tpu.memory_space<hbm>>) dst(%dma_wait3A_1452 : memref<32x16xf32, #tpu.memory_space<vmem>>)
      %dma_wait3A_1459 = arith.constant 6 : i32
      %dma_wait3A_1460 = arith.constant 192 : i32
      %dma_wait3A_1461 = arith.constant 0 : i32
      %dma_wait3A_1462 = tpu.memref_slice %arg13[%dma_wait3A_1460, %dma_wait3A_1461] : memref<640x32xf32, #tpu.memory_space<vmem>> -> memref<32x32xf32, #tpu.memory_space<vmem>>
      %dma_wait3A_1463 = arith.constant 0 : i32
      %dma_wait3A_1464 = tpu.memref_slice %arg9[%dma_wait3A_1459, %dma_wait3A_1463] : memref<20x32xi32, #tpu.memory_space<vmem>> -> memref<1x32xi32, #tpu.memory_space<vmem>>
      %dma_wait3A_1465 = tpu.memref_squeeze %dma_wait3A_1464 : memref<1x32xi32, #tpu.memory_space<vmem>> -> memref<32xi32, #tpu.memory_space<vmem>>
      %dma_wait3A_1466 = arith.constant 0 : i32
      %dma_wait3A_1467 = arith.constant 0 : i32
      %dma_wait3A_1468 = tpu.memref_slice %arg5[%dma_wait3A_1466, %dma_wait3A_1467] : memref<100000x32xf32, #tpu.memory_space<hbm>> -> memref<100000x32xf32, #tpu.memory_space<hbm>>
      tpu.wait_indirect_dma semaphore(%arg19 : memref<!tpu.dma_semaphore, #tpu.memory_space<semaphore_mem>>) src(%dma_wait3A_1468 : memref<100000x32xf32, #tpu.memory_space<hbm>>) dst(%dma_wait3A_1462 : memref<32x32xf32, #tpu.memory_space<vmem>>)
      %dma_wait3A_1469 = arith.constant 7 : i32
      %dma_wait3A_1470 = arith.constant 224 : i32
      %dma_wait3A_1471 = arith.constant 0 : i32
      %dma_wait3A_1472 = tpu.memref_slice %arg11[%dma_wait3A_1470, %dma_wait3A_1471] : memref<640x16xf32, #tpu.memory_space<vmem>> -> memref<32x16xf32, #tpu.memory_space<vmem>>
      %dma_wait3A_1473 = arith.constant 0 : i32
      %dma_wait3A_1474 = tpu.memref_slice %arg9[%dma_wait3A_1469, %dma_wait3A_1473] : memref<20x32xi32, #tpu.memory_space<vmem>> -> memref<1x32xi32, #tpu.memory_space<vmem>>
      %dma_wait3A_1475 = tpu.memref_squeeze %dma_wait3A_1474 : memref<1x32xi32, #tpu.memory_space<vmem>> -> memref<32xi32, #tpu.memory_space<vmem>>
      %dma_wait3A_1476 = arith.constant 0 : i32
      %dma_wait3A_1477 = arith.constant 0 : i32
      %dma_wait3A_1478 = tpu.memref_slice %arg4[%dma_wait3A_1476, %dma_wait3A_1477] : memref<100000x16xf32, #tpu.memory_space<hbm>> -> memref<100000x16xf32, #tpu.memory_space<hbm>>
      tpu.wait_indirect_dma semaphore(%arg19 : memref<!tpu.dma_semaphore, #tpu.memory_space<semaphore_mem>>) src(%dma_wait3A_1478 : memref<100000x16xf32, #tpu.memory_space<hbm>>) dst(%dma_wait3A_1472 : memref<32x16xf32, #tpu.memory_space<vmem>>)
      %dma_wait3A_1479 = arith.constant 7 : i32
      %dma_wait3A_1480 = arith.constant 224 : i32
      %dma_wait3A_1481 = arith.constant 0 : i32
      %dma_wait3A_1482 = tpu.memref_slice %arg13[%dma_wait3A_1480, %dma_wait3A_1481] : memref<640x32xf32, #tpu.memory_space<vmem>> -> memref<32x32xf32, #tpu.memory_space<vmem>>
      %dma_wait3A_1483 = arith.constant 0 : i32
      %dma_wait3A_1484 = tpu.memref_slice %arg9[%dma_wait3A_1479, %dma_wait3A_1483] : memref<20x32xi32, #tpu.memory_space<vmem>> -> memref<1x32xi32, #tpu.memory_space<vmem>>
      %dma_wait3A_1485 = tpu.memref_squeeze %dma_wait3A_1484 : memref<1x32xi32, #tpu.memory_space<vmem>> -> memref<32xi32, #tpu.memory_space<vmem>>
      %dma_wait3A_1486 = arith.constant 0 : i32
      %dma_wait3A_1487 = arith.constant 0 : i32
      %dma_wait3A_1488 = tpu.memref_slice %arg5[%dma_wait3A_1486, %dma_wait3A_1487] : memref<100000x32xf32, #tpu.memory_space<hbm>> -> memref<100000x32xf32, #tpu.memory_space<hbm>>
      tpu.wait_indirect_dma semaphore(%arg19 : memref<!tpu.dma_semaphore, #tpu.memory_space<semaphore_mem>>) src(%dma_wait3A_1488 : memref<100000x32xf32, #tpu.memory_space<hbm>>) dst(%dma_wait3A_1482 : memref<32x32xf32, #tpu.memory_space<vmem>>)
      %dma_wait3A_1489 = arith.constant 8 : i32
      %dma_wait3A_1490 = arith.constant 256 : i32
      %dma_wait3A_1491 = arith.constant 0 : i32
      %dma_wait3A_1492 = tpu.memref_slice %arg11[%dma_wait3A_1490, %dma_wait3A_1491] : memref<640x16xf32, #tpu.memory_space<vmem>> -> memref<32x16xf32, #tpu.memory_space<vmem>>
      %dma_wait3A_1493 = arith.constant 0 : i32
      %dma_wait3A_1494 = tpu.memref_slice %arg9[%dma_wait3A_1489, %dma_wait3A_1493] : memref<20x32xi32, #tpu.memory_space<vmem>> -> memref<1x32xi32, #tpu.memory_space<vmem>>
      %dma_wait3A_1495 = tpu.memref_squeeze %dma_wait3A_1494 : memref<1x32xi32, #tpu.memory_space<vmem>> -> memref<32xi32, #tpu.memory_space<vmem>>
      %dma_wait3A_1496 = arith.constant 0 : i32
      %dma_wait3A_1497 = arith.constant 0 : i32
      %dma_wait3A_1498 = tpu.memref_slice %arg4[%dma_wait3A_1496, %dma_wait3A_1497] : memref<100000x16xf32, #tpu.memory_space<hbm>> -> memref<100000x16xf32, #tpu.memory_space<hbm>>
      tpu.wait_indirect_dma semaphore(%arg19 : memref<!tpu.dma_semaphore, #tpu.memory_space<semaphore_mem>>) src(%dma_wait3A_1498 : memref<100000x16xf32, #tpu.memory_space<hbm>>) dst(%dma_wait3A_1492 : memref<32x16xf32, #tpu.memory_space<vmem>>)
      %dma_wait3A_1499 = arith.constant 8 : i32
      %dma_wait3A_1500 = arith.constant 256 : i32
      %dma_wait3A_1501 = arith.constant 0 : i32
      %dma_wait3A_1502 = tpu.memref_slice %arg13[%dma_wait3A_1500, %dma_wait3A_1501] : memref<640x32xf32, #tpu.memory_space<vmem>> -> memref<32x32xf32, #tpu.memory_space<vmem>>
      %dma_wait3A_1503 = arith.constant 0 : i32
      %dma_wait3A_1504 = tpu.memref_slice %arg9[%dma_wait3A_1499, %dma_wait3A_1503] : memref<20x32xi32, #tpu.memory_space<vmem>> -> memref<1x32xi32, #tpu.memory_space<vmem>>
      %dma_wait3A_1505 = tpu.memref_squeeze %dma_wait3A_1504 : memref<1x32xi32, #tpu.memory_space<vmem>> -> memref<32xi32, #tpu.memory_space<vmem>>
      %dma_wait3A_1506 = arith.constant 0 : i32
      %dma_wait3A_1507 = arith.constant 0 : i32
      %dma_wait3A_1508 = tpu.memref_slice %arg5[%dma_wait3A_1506, %dma_wait3A_1507] : memref<100000x32xf32, #tpu.memory_space<hbm>> -> memref<100000x32xf32, #tpu.memory_space<hbm>>
      tpu.wait_indirect_dma semaphore(%arg19 : memref<!tpu.dma_semaphore, #tpu.memory_space<semaphore_mem>>) src(%dma_wait3A_1508 : memref<100000x32xf32, #tpu.memory_space<hbm>>) dst(%dma_wait3A_1502 : memref<32x32xf32, #tpu.memory_space<vmem>>)
      %dma_wait3A_1509 = arith.constant 9 : i32
      %dma_wait3A_1510 = arith.constant 288 : i32
      %dma_wait3A_1511 = arith.constant 0 : i32
      %dma_wait3A_1512 = tpu.memref_slice %arg11[%dma_wait3A_1510, %dma_wait3A_1511] : memref<640x16xf32, #tpu.memory_space<vmem>> -> memref<32x16xf32, #tpu.memory_space<vmem>>
      %dma_wait3A_1513 = arith.constant 0 : i32
      %dma_wait3A_1514 = tpu.memref_slice %arg9[%dma_wait3A_1509, %dma_wait3A_1513] : memref<20x32xi32, #tpu.memory_space<vmem>> -> memref<1x32xi32, #tpu.memory_space<vmem>>
      %dma_wait3A_1515 = tpu.memref_squeeze %dma_wait3A_1514 : memref<1x32xi32, #tpu.memory_space<vmem>> -> memref<32xi32, #tpu.memory_space<vmem>>
      %dma_wait3A_1516 = arith.constant 0 : i32
      %dma_wait3A_1517 = arith.constant 0 : i32
      %dma_wait3A_1518 = tpu.memref_slice %arg4[%dma_wait3A_1516, %dma_wait3A_1517] : memref<100000x16xf32, #tpu.memory_space<hbm>> -> memref<100000x16xf32, #tpu.memory_space<hbm>>
      tpu.wait_indirect_dma semaphore(%arg19 : memref<!tpu.dma_semaphore, #tpu.memory_space<semaphore_mem>>) src(%dma_wait3A_1518 : memref<100000x16xf32, #tpu.memory_space<hbm>>) dst(%dma_wait3A_1512 : memref<32x16xf32, #tpu.memory_space<vmem>>)
      %dma_wait3A_1519 = arith.constant 9 : i32
      %dma_wait3A_1520 = arith.constant 288 : i32
      %dma_wait3A_1521 = arith.constant 0 : i32
      %dma_wait3A_1522 = tpu.memref_slice %arg13[%dma_wait3A_1520, %dma_wait3A_1521] : memref<640x32xf32, #tpu.memory_space<vmem>> -> memref<32x32xf32, #tpu.memory_space<vmem>>
      %dma_wait3A_1523 = arith.constant 0 : i32
      %dma_wait3A_1524 = tpu.memref_slice %arg9[%dma_wait3A_1519, %dma_wait3A_1523] : memref<20x32xi32, #tpu.memory_space<vmem>> -> memref<1x32xi32, #tpu.memory_space<vmem>>
      %dma_wait3A_1525 = tpu.memref_squeeze %dma_wait3A_1524 : memref<1x32xi32, #tpu.memory_space<vmem>> -> memref<32xi32, #tpu.memory_space<vmem>>
      %dma_wait3A_1526 = arith.constant 0 : i32
      %dma_wait3A_1527 = arith.constant 0 : i32
      %dma_wait3A_1528 = tpu.memref_slice %arg5[%dma_wait3A_1526, %dma_wait3A_1527] : memref<100000x32xf32, #tpu.memory_space<hbm>> -> memref<100000x32xf32, #tpu.memory_space<hbm>>
      tpu.wait_indirect_dma semaphore(%arg19 : memref<!tpu.dma_semaphore, #tpu.memory_space<semaphore_mem>>) src(%dma_wait3A_1528 : memref<100000x32xf32, #tpu.memory_space<hbm>>) dst(%dma_wait3A_1522 : memref<32x32xf32, #tpu.memory_space<vmem>>)
      %dma_wait3A_1529 = arith.constant 10 : i32
      %dma_wait3A_1530 = arith.constant 320 : i32
      %dma_wait3A_1531 = arith.constant 0 : i32
      %dma_wait3A_1532 = tpu.memref_slice %arg11[%dma_wait3A_1530, %dma_wait3A_1531] : memref<640x16xf32, #tpu.memory_space<vmem>> -> memref<32x16xf32, #tpu.memory_space<vmem>>
      %dma_wait3A_1533 = arith.constant 0 : i32
      %dma_wait3A_1534 = tpu.memref_slice %arg9[%dma_wait3A_1529, %dma_wait3A_1533] : memref<20x32xi32, #tpu.memory_space<vmem>> -> memref<1x32xi32, #tpu.memory_space<vmem>>
      %dma_wait3A_1535 = tpu.memref_squeeze %dma_wait3A_1534 : memref<1x32xi32, #tpu.memory_space<vmem>> -> memref<32xi32, #tpu.memory_space<vmem>>
      %dma_wait3A_1536 = arith.constant 0 : i32
      %dma_wait3A_1537 = arith.constant 0 : i32
      %dma_wait3A_1538 = tpu.memref_slice %arg4[%dma_wait3A_1536, %dma_wait3A_1537] : memref<100000x16xf32, #tpu.memory_space<hbm>> -> memref<100000x16xf32, #tpu.memory_space<hbm>>
      tpu.wait_indirect_dma semaphore(%arg19 : memref<!tpu.dma_semaphore, #tpu.memory_space<semaphore_mem>>) src(%dma_wait3A_1538 : memref<100000x16xf32, #tpu.memory_space<hbm>>) dst(%dma_wait3A_1532 : memref<32x16xf32, #tpu.memory_space<vmem>>)
      %dma_wait3A_1539 = arith.constant 10 : i32
      %dma_wait3A_1540 = arith.constant 320 : i32
      %dma_wait3A_1541 = arith.constant 0 : i32
      %dma_wait3A_1542 = tpu.memref_slice %arg13[%dma_wait3A_1540, %dma_wait3A_1541] : memref<640x32xf32, #tpu.memory_space<vmem>> -> memref<32x32xf32, #tpu.memory_space<vmem>>
      %dma_wait3A_1543 = arith.constant 0 : i32
      %dma_wait3A_1544 = tpu.memref_slice %arg9[%dma_wait3A_1539, %dma_wait3A_1543] : memref<20x32xi32, #tpu.memory_space<vmem>> -> memref<1x32xi32, #tpu.memory_space<vmem>>
      %dma_wait3A_1545 = tpu.memref_squeeze %dma_wait3A_1544 : memref<1x32xi32, #tpu.memory_space<vmem>> -> memref<32xi32, #tpu.memory_space<vmem>>
      %dma_wait3A_1546 = arith.constant 0 : i32
      %dma_wait3A_1547 = arith.constant 0 : i32
      %dma_wait3A_1548 = tpu.memref_slice %arg5[%dma_wait3A_1546, %dma_wait3A_1547] : memref<100000x32xf32, #tpu.memory_space<hbm>> -> memref<100000x32xf32, #tpu.memory_space<hbm>>
      tpu.wait_indirect_dma semaphore(%arg19 : memref<!tpu.dma_semaphore, #tpu.memory_space<semaphore_mem>>) src(%dma_wait3A_1548 : memref<100000x32xf32, #tpu.memory_space<hbm>>) dst(%dma_wait3A_1542 : memref<32x32xf32, #tpu.memory_space<vmem>>)
      %dma_wait3A_1549 = arith.constant 11 : i32
      %dma_wait3A_1550 = arith.constant 352 : i32
      %dma_wait3A_1551 = arith.constant 0 : i32
      %dma_wait3A_1552 = tpu.memref_slice %arg11[%dma_wait3A_1550, %dma_wait3A_1551] : memref<640x16xf32, #tpu.memory_space<vmem>> -> memref<32x16xf32, #tpu.memory_space<vmem>>
      %dma_wait3A_1553 = arith.constant 0 : i32
      %dma_wait3A_1554 = tpu.memref_slice %arg9[%dma_wait3A_1549, %dma_wait3A_1553] : memref<20x32xi32, #tpu.memory_space<vmem>> -> memref<1x32xi32, #tpu.memory_space<vmem>>
      %dma_wait3A_1555 = tpu.memref_squeeze %dma_wait3A_1554 : memref<1x32xi32, #tpu.memory_space<vmem>> -> memref<32xi32, #tpu.memory_space<vmem>>
      %dma_wait3A_1556 = arith.constant 0 : i32
      %dma_wait3A_1557 = arith.constant 0 : i32
      %dma_wait3A_1558 = tpu.memref_slice %arg4[%dma_wait3A_1556, %dma_wait3A_1557] : memref<100000x16xf32, #tpu.memory_space<hbm>> -> memref<100000x16xf32, #tpu.memory_space<hbm>>
      tpu.wait_indirect_dma semaphore(%arg19 : memref<!tpu.dma_semaphore, #tpu.memory_space<semaphore_mem>>) src(%dma_wait3A_1558 : memref<100000x16xf32, #tpu.memory_space<hbm>>) dst(%dma_wait3A_1552 : memref<32x16xf32, #tpu.memory_space<vmem>>)
      %dma_wait3A_1559 = arith.constant 11 : i32
      %dma_wait3A_1560 = arith.constant 352 : i32
      %dma_wait3A_1561 = arith.constant 0 : i32
      %dma_wait3A_1562 = tpu.memref_slice %arg13[%dma_wait3A_1560, %dma_wait3A_1561] : memref<640x32xf32, #tpu.memory_space<vmem>> -> memref<32x32xf32, #tpu.memory_space<vmem>>
      %dma_wait3A_1563 = arith.constant 0 : i32
      %dma_wait3A_1564 = tpu.memref_slice %arg9[%dma_wait3A_1559, %dma_wait3A_1563] : memref<20x32xi32, #tpu.memory_space<vmem>> -> memref<1x32xi32, #tpu.memory_space<vmem>>
      %dma_wait3A_1565 = tpu.memref_squeeze %dma_wait3A_1564 : memref<1x32xi32, #tpu.memory_space<vmem>> -> memref<32xi32, #tpu.memory_space<vmem>>
      %dma_wait3A_1566 = arith.constant 0 : i32
      %dma_wait3A_1567 = arith.constant 0 : i32
      %dma_wait3A_1568 = tpu.memref_slice %arg5[%dma_wait3A_1566, %dma_wait3A_1567] : memref<100000x32xf32, #tpu.memory_space<hbm>> -> memref<100000x32xf32, #tpu.memory_space<hbm>>
      tpu.wait_indirect_dma semaphore(%arg19 : memref<!tpu.dma_semaphore, #tpu.memory_space<semaphore_mem>>) src(%dma_wait3A_1568 : memref<100000x32xf32, #tpu.memory_space<hbm>>) dst(%dma_wait3A_1562 : memref<32x32xf32, #tpu.memory_space<vmem>>)
      %dma_wait3A_1569 = arith.constant 12 : i32
      %dma_wait3A_1570 = arith.constant 384 : i32
      %dma_wait3A_1571 = arith.constant 0 : i32
      %dma_wait3A_1572 = tpu.memref_slice %arg11[%dma_wait3A_1570, %dma_wait3A_1571] : memref<640x16xf32, #tpu.memory_space<vmem>> -> memref<32x16xf32, #tpu.memory_space<vmem>>
      %dma_wait3A_1573 = arith.constant 0 : i32
      %dma_wait3A_1574 = tpu.memref_slice %arg9[%dma_wait3A_1569, %dma_wait3A_1573] : memref<20x32xi32, #tpu.memory_space<vmem>> -> memref<1x32xi32, #tpu.memory_space<vmem>>
      %dma_wait3A_1575 = tpu.memref_squeeze %dma_wait3A_1574 : memref<1x32xi32, #tpu.memory_space<vmem>> -> memref<32xi32, #tpu.memory_space<vmem>>
      %dma_wait3A_1576 = arith.constant 0 : i32
      %dma_wait3A_1577 = arith.constant 0 : i32
      %dma_wait3A_1578 = tpu.memref_slice %arg4[%dma_wait3A_1576, %dma_wait3A_1577] : memref<100000x16xf32, #tpu.memory_space<hbm>> -> memref<100000x16xf32, #tpu.memory_space<hbm>>
      tpu.wait_indirect_dma semaphore(%arg19 : memref<!tpu.dma_semaphore, #tpu.memory_space<semaphore_mem>>) src(%dma_wait3A_1578 : memref<100000x16xf32, #tpu.memory_space<hbm>>) dst(%dma_wait3A_1572 : memref<32x16xf32, #tpu.memory_space<vmem>>)
      %dma_wait3A_1579 = arith.constant 12 : i32
      %dma_wait3A_1580 = arith.constant 384 : i32
      %dma_wait3A_1581 = arith.constant 0 : i32
      %dma_wait3A_1582 = tpu.memref_slice %arg13[%dma_wait3A_1580, %dma_wait3A_1581] : memref<640x32xf32, #tpu.memory_space<vmem>> -> memref<32x32xf32, #tpu.memory_space<vmem>>
      %dma_wait3A_1583 = arith.constant 0 : i32
      %dma_wait3A_1584 = tpu.memref_slice %arg9[%dma_wait3A_1579, %dma_wait3A_1583] : memref<20x32xi32, #tpu.memory_space<vmem>> -> memref<1x32xi32, #tpu.memory_space<vmem>>
      %dma_wait3A_1585 = tpu.memref_squeeze %dma_wait3A_1584 : memref<1x32xi32, #tpu.memory_space<vmem>> -> memref<32xi32, #tpu.memory_space<vmem>>
      %dma_wait3A_1586 = arith.constant 0 : i32
      %dma_wait3A_1587 = arith.constant 0 : i32
      %dma_wait3A_1588 = tpu.memref_slice %arg5[%dma_wait3A_1586, %dma_wait3A_1587] : memref<100000x32xf32, #tpu.memory_space<hbm>> -> memref<100000x32xf32, #tpu.memory_space<hbm>>
      tpu.wait_indirect_dma semaphore(%arg19 : memref<!tpu.dma_semaphore, #tpu.memory_space<semaphore_mem>>) src(%dma_wait3A_1588 : memref<100000x32xf32, #tpu.memory_space<hbm>>) dst(%dma_wait3A_1582 : memref<32x32xf32, #tpu.memory_space<vmem>>)
      %dma_wait3A_1589 = arith.constant 13 : i32
      %dma_wait3A_1590 = arith.constant 416 : i32
      %dma_wait3A_1591 = arith.constant 0 : i32
      %dma_wait3A_1592 = tpu.memref_slice %arg11[%dma_wait3A_1590, %dma_wait3A_1591] : memref<640x16xf32, #tpu.memory_space<vmem>> -> memref<32x16xf32, #tpu.memory_space<vmem>>
      %dma_wait3A_1593 = arith.constant 0 : i32
      %dma_wait3A_1594 = tpu.memref_slice %arg9[%dma_wait3A_1589, %dma_wait3A_1593] : memref<20x32xi32, #tpu.memory_space<vmem>> -> memref<1x32xi32, #tpu.memory_space<vmem>>
      %dma_wait3A_1595 = tpu.memref_squeeze %dma_wait3A_1594 : memref<1x32xi32, #tpu.memory_space<vmem>> -> memref<32xi32, #tpu.memory_space<vmem>>
      %dma_wait3A_1596 = arith.constant 0 : i32
      %dma_wait3A_1597 = arith.constant 0 : i32
      %dma_wait3A_1598 = tpu.memref_slice %arg4[%dma_wait3A_1596, %dma_wait3A_1597] : memref<100000x16xf32, #tpu.memory_space<hbm>> -> memref<100000x16xf32, #tpu.memory_space<hbm>>
      tpu.wait_indirect_dma semaphore(%arg19 : memref<!tpu.dma_semaphore, #tpu.memory_space<semaphore_mem>>) src(%dma_wait3A_1598 : memref<100000x16xf32, #tpu.memory_space<hbm>>) dst(%dma_wait3A_1592 : memref<32x16xf32, #tpu.memory_space<vmem>>)
      %dma_wait3A_1599 = arith.constant 13 : i32
      %dma_wait3A_1600 = arith.constant 416 : i32
      %dma_wait3A_1601 = arith.constant 0 : i32
      %dma_wait3A_1602 = tpu.memref_slice %arg13[%dma_wait3A_1600, %dma_wait3A_1601] : memref<640x32xf32, #tpu.memory_space<vmem>> -> memref<32x32xf32, #tpu.memory_space<vmem>>
      %dma_wait3A_1603 = arith.constant 0 : i32
      %dma_wait3A_1604 = tpu.memref_slice %arg9[%dma_wait3A_1599, %dma_wait3A_1603] : memref<20x32xi32, #tpu.memory_space<vmem>> -> memref<1x32xi32, #tpu.memory_space<vmem>>
      %dma_wait3A_1605 = tpu.memref_squeeze %dma_wait3A_1604 : memref<1x32xi32, #tpu.memory_space<vmem>> -> memref<32xi32, #tpu.memory_space<vmem>>
      %dma_wait3A_1606 = arith.constant 0 : i32
      %dma_wait3A_1607 = arith.constant 0 : i32
      %dma_wait3A_1608 = tpu.memref_slice %arg5[%dma_wait3A_1606, %dma_wait3A_1607] : memref<100000x32xf32, #tpu.memory_space<hbm>> -> memref<100000x32xf32, #tpu.memory_space<hbm>>
      tpu.wait_indirect_dma semaphore(%arg19 : memref<!tpu.dma_semaphore, #tpu.memory_space<semaphore_mem>>) src(%dma_wait3A_1608 : memref<100000x32xf32, #tpu.memory_space<hbm>>) dst(%dma_wait3A_1602 : memref<32x32xf32, #tpu.memory_space<vmem>>)
      %dma_wait3A_1609 = arith.constant 14 : i32
      %dma_wait3A_1610 = arith.constant 448 : i32
      %dma_wait3A_1611 = arith.constant 0 : i32
      %dma_wait3A_1612 = tpu.memref_slice %arg11[%dma_wait3A_1610, %dma_wait3A_1611] : memref<640x16xf32, #tpu.memory_space<vmem>> -> memref<32x16xf32, #tpu.memory_space<vmem>>
      %dma_wait3A_1613 = arith.constant 0 : i32
      %dma_wait3A_1614 = tpu.memref_slice %arg9[%dma_wait3A_1609, %dma_wait3A_1613] : memref<20x32xi32, #tpu.memory_space<vmem>> -> memref<1x32xi32, #tpu.memory_space<vmem>>
      %dma_wait3A_1615 = tpu.memref_squeeze %dma_wait3A_1614 : memref<1x32xi32, #tpu.memory_space<vmem>> -> memref<32xi32, #tpu.memory_space<vmem>>
      %dma_wait3A_1616 = arith.constant 0 : i32
      %dma_wait3A_1617 = arith.constant 0 : i32
      %dma_wait3A_1618 = tpu.memref_slice %arg4[%dma_wait3A_1616, %dma_wait3A_1617] : memref<100000x16xf32, #tpu.memory_space<hbm>> -> memref<100000x16xf32, #tpu.memory_space<hbm>>
      tpu.wait_indirect_dma semaphore(%arg19 : memref<!tpu.dma_semaphore, #tpu.memory_space<semaphore_mem>>) src(%dma_wait3A_1618 : memref<100000x16xf32, #tpu.memory_space<hbm>>) dst(%dma_wait3A_1612 : memref<32x16xf32, #tpu.memory_space<vmem>>)
      %dma_wait3A_1619 = arith.constant 14 : i32
      %dma_wait3A_1620 = arith.constant 448 : i32
      %dma_wait3A_1621 = arith.constant 0 : i32
      %dma_wait3A_1622 = tpu.memref_slice %arg13[%dma_wait3A_1620, %dma_wait3A_1621] : memref<640x32xf32, #tpu.memory_space<vmem>> -> memref<32x32xf32, #tpu.memory_space<vmem>>
      %dma_wait3A_1623 = arith.constant 0 : i32
      %dma_wait3A_1624 = tpu.memref_slice %arg9[%dma_wait3A_1619, %dma_wait3A_1623] : memref<20x32xi32, #tpu.memory_space<vmem>> -> memref<1x32xi32, #tpu.memory_space<vmem>>
      %dma_wait3A_1625 = tpu.memref_squeeze %dma_wait3A_1624 : memref<1x32xi32, #tpu.memory_space<vmem>> -> memref<32xi32, #tpu.memory_space<vmem>>
      %dma_wait3A_1626 = arith.constant 0 : i32
      %dma_wait3A_1627 = arith.constant 0 : i32
      %dma_wait3A_1628 = tpu.memref_slice %arg5[%dma_wait3A_1626, %dma_wait3A_1627] : memref<100000x32xf32, #tpu.memory_space<hbm>> -> memref<100000x32xf32, #tpu.memory_space<hbm>>
      tpu.wait_indirect_dma semaphore(%arg19 : memref<!tpu.dma_semaphore, #tpu.memory_space<semaphore_mem>>) src(%dma_wait3A_1628 : memref<100000x32xf32, #tpu.memory_space<hbm>>) dst(%dma_wait3A_1622 : memref<32x32xf32, #tpu.memory_space<vmem>>)
      %dma_wait3A_1629 = arith.constant 15 : i32
      %dma_wait3A_1630 = arith.constant 480 : i32
      %dma_wait3A_1631 = arith.constant 0 : i32
      %dma_wait3A_1632 = tpu.memref_slice %arg11[%dma_wait3A_1630, %dma_wait3A_1631] : memref<640x16xf32, #tpu.memory_space<vmem>> -> memref<32x16xf32, #tpu.memory_space<vmem>>
      %dma_wait3A_1633 = arith.constant 0 : i32
      %dma_wait3A_1634 = tpu.memref_slice %arg9[%dma_wait3A_1629, %dma_wait3A_1633] : memref<20x32xi32, #tpu.memory_space<vmem>> -> memref<1x32xi32, #tpu.memory_space<vmem>>
      %dma_wait3A_1635 = tpu.memref_squeeze %dma_wait3A_1634 : memref<1x32xi32, #tpu.memory_space<vmem>> -> memref<32xi32, #tpu.memory_space<vmem>>
      %dma_wait3A_1636 = arith.constant 0 : i32
      %dma_wait3A_1637 = arith.constant 0 : i32
      %dma_wait3A_1638 = tpu.memref_slice %arg4[%dma_wait3A_1636, %dma_wait3A_1637] : memref<100000x16xf32, #tpu.memory_space<hbm>> -> memref<100000x16xf32, #tpu.memory_space<hbm>>
      tpu.wait_indirect_dma semaphore(%arg19 : memref<!tpu.dma_semaphore, #tpu.memory_space<semaphore_mem>>) src(%dma_wait3A_1638 : memref<100000x16xf32, #tpu.memory_space<hbm>>) dst(%dma_wait3A_1632 : memref<32x16xf32, #tpu.memory_space<vmem>>)
      %dma_wait3A_1639 = arith.constant 15 : i32
      %dma_wait3A_1640 = arith.constant 480 : i32
      %dma_wait3A_1641 = arith.constant 0 : i32
      %dma_wait3A_1642 = tpu.memref_slice %arg13[%dma_wait3A_1640, %dma_wait3A_1641] : memref<640x32xf32, #tpu.memory_space<vmem>> -> memref<32x32xf32, #tpu.memory_space<vmem>>
      %dma_wait3A_1643 = arith.constant 0 : i32
      %dma_wait3A_1644 = tpu.memref_slice %arg9[%dma_wait3A_1639, %dma_wait3A_1643] : memref<20x32xi32, #tpu.memory_space<vmem>> -> memref<1x32xi32, #tpu.memory_space<vmem>>
      %dma_wait3A_1645 = tpu.memref_squeeze %dma_wait3A_1644 : memref<1x32xi32, #tpu.memory_space<vmem>> -> memref<32xi32, #tpu.memory_space<vmem>>
      %dma_wait3A_1646 = arith.constant 0 : i32
      %dma_wait3A_1647 = arith.constant 0 : i32
      %dma_wait3A_1648 = tpu.memref_slice %arg5[%dma_wait3A_1646, %dma_wait3A_1647] : memref<100000x32xf32, #tpu.memory_space<hbm>> -> memref<100000x32xf32, #tpu.memory_space<hbm>>
      tpu.wait_indirect_dma semaphore(%arg19 : memref<!tpu.dma_semaphore, #tpu.memory_space<semaphore_mem>>) src(%dma_wait3A_1648 : memref<100000x32xf32, #tpu.memory_space<hbm>>) dst(%dma_wait3A_1642 : memref<32x32xf32, #tpu.memory_space<vmem>>)
      %dma_wait3A_1649 = arith.constant 16 : i32
      %dma_wait3A_1650 = arith.constant 512 : i32
      %dma_wait3A_1651 = arith.constant 0 : i32
      %dma_wait3A_1652 = tpu.memref_slice %arg11[%dma_wait3A_1650, %dma_wait3A_1651] : memref<640x16xf32, #tpu.memory_space<vmem>> -> memref<32x16xf32, #tpu.memory_space<vmem>>
      %dma_wait3A_1653 = arith.constant 0 : i32
      %dma_wait3A_1654 = tpu.memref_slice %arg9[%dma_wait3A_1649, %dma_wait3A_1653] : memref<20x32xi32, #tpu.memory_space<vmem>> -> memref<1x32xi32, #tpu.memory_space<vmem>>
      %dma_wait3A_1655 = tpu.memref_squeeze %dma_wait3A_1654 : memref<1x32xi32, #tpu.memory_space<vmem>> -> memref<32xi32, #tpu.memory_space<vmem>>
      %dma_wait3A_1656 = arith.constant 0 : i32
      %dma_wait3A_1657 = arith.constant 0 : i32
      %dma_wait3A_1658 = tpu.memref_slice %arg4[%dma_wait3A_1656, %dma_wait3A_1657] : memref<100000x16xf32, #tpu.memory_space<hbm>> -> memref<100000x16xf32, #tpu.memory_space<hbm>>
      tpu.wait_indirect_dma semaphore(%arg19 : memref<!tpu.dma_semaphore, #tpu.memory_space<semaphore_mem>>) src(%dma_wait3A_1658 : memref<100000x16xf32, #tpu.memory_space<hbm>>) dst(%dma_wait3A_1652 : memref<32x16xf32, #tpu.memory_space<vmem>>)
      %dma_wait3A_1659 = arith.constant 16 : i32
      %dma_wait3A_1660 = arith.constant 512 : i32
      %dma_wait3A_1661 = arith.constant 0 : i32
      %dma_wait3A_1662 = tpu.memref_slice %arg13[%dma_wait3A_1660, %dma_wait3A_1661] : memref<640x32xf32, #tpu.memory_space<vmem>> -> memref<32x32xf32, #tpu.memory_space<vmem>>
      %dma_wait3A_1663 = arith.constant 0 : i32
      %dma_wait3A_1664 = tpu.memref_slice %arg9[%dma_wait3A_1659, %dma_wait3A_1663] : memref<20x32xi32, #tpu.memory_space<vmem>> -> memref<1x32xi32, #tpu.memory_space<vmem>>
      %dma_wait3A_1665 = tpu.memref_squeeze %dma_wait3A_1664 : memref<1x32xi32, #tpu.memory_space<vmem>> -> memref<32xi32, #tpu.memory_space<vmem>>
      %dma_wait3A_1666 = arith.constant 0 : i32
      %dma_wait3A_1667 = arith.constant 0 : i32
      %dma_wait3A_1668 = tpu.memref_slice %arg5[%dma_wait3A_1666, %dma_wait3A_1667] : memref<100000x32xf32, #tpu.memory_space<hbm>> -> memref<100000x32xf32, #tpu.memory_space<hbm>>
      tpu.wait_indirect_dma semaphore(%arg19 : memref<!tpu.dma_semaphore, #tpu.memory_space<semaphore_mem>>) src(%dma_wait3A_1668 : memref<100000x32xf32, #tpu.memory_space<hbm>>) dst(%dma_wait3A_1662 : memref<32x32xf32, #tpu.memory_space<vmem>>)
      %dma_wait3A_1669 = arith.constant 17 : i32
      %dma_wait3A_1670 = arith.constant 544 : i32
      %dma_wait3A_1671 = arith.constant 0 : i32
      %dma_wait3A_1672 = tpu.memref_slice %arg11[%dma_wait3A_1670, %dma_wait3A_1671] : memref<640x16xf32, #tpu.memory_space<vmem>> -> memref<32x16xf32, #tpu.memory_space<vmem>>
      %dma_wait3A_1673 = arith.constant 0 : i32
      %dma_wait3A_1674 = tpu.memref_slice %arg9[%dma_wait3A_1669, %dma_wait3A_1673] : memref<20x32xi32, #tpu.memory_space<vmem>> -> memref<1x32xi32, #tpu.memory_space<vmem>>
      %dma_wait3A_1675 = tpu.memref_squeeze %dma_wait3A_1674 : memref<1x32xi32, #tpu.memory_space<vmem>> -> memref<32xi32, #tpu.memory_space<vmem>>
      %dma_wait3A_1676 = arith.constant 0 : i32
      %dma_wait3A_1677 = arith.constant 0 : i32
      %dma_wait3A_1678 = tpu.memref_slice %arg4[%dma_wait3A_1676, %dma_wait3A_1677] : memref<100000x16xf32, #tpu.memory_space<hbm>> -> memref<100000x16xf32, #tpu.memory_space<hbm>>
      tpu.wait_indirect_dma semaphore(%arg19 : memref<!tpu.dma_semaphore, #tpu.memory_space<semaphore_mem>>) src(%dma_wait3A_1678 : memref<100000x16xf32, #tpu.memory_space<hbm>>) dst(%dma_wait3A_1672 : memref<32x16xf32, #tpu.memory_space<vmem>>)
      %dma_wait3A_1679 = arith.constant 17 : i32
      %dma_wait3A_1680 = arith.constant 544 : i32
      %dma_wait3A_1681 = arith.constant 0 : i32
      %dma_wait3A_1682 = tpu.memref_slice %arg13[%dma_wait3A_1680, %dma_wait3A_1681] : memref<640x32xf32, #tpu.memory_space<vmem>> -> memref<32x32xf32, #tpu.memory_space<vmem>>
      %dma_wait3A_1683 = arith.constant 0 : i32
      %dma_wait3A_1684 = tpu.memref_slice %arg9[%dma_wait3A_1679, %dma_wait3A_1683] : memref<20x32xi32, #tpu.memory_space<vmem>> -> memref<1x32xi32, #tpu.memory_space<vmem>>
      %dma_wait3A_1685 = tpu.memref_squeeze %dma_wait3A_1684 : memref<1x32xi32, #tpu.memory_space<vmem>> -> memref<32xi32, #tpu.memory_space<vmem>>
      %dma_wait3A_1686 = arith.constant 0 : i32
      %dma_wait3A_1687 = arith.constant 0 : i32
      %dma_wait3A_1688 = tpu.memref_slice %arg5[%dma_wait3A_1686, %dma_wait3A_1687] : memref<100000x32xf32, #tpu.memory_space<hbm>> -> memref<100000x32xf32, #tpu.memory_space<hbm>>
      tpu.wait_indirect_dma semaphore(%arg19 : memref<!tpu.dma_semaphore, #tpu.memory_space<semaphore_mem>>) src(%dma_wait3A_1688 : memref<100000x32xf32, #tpu.memory_space<hbm>>) dst(%dma_wait3A_1682 : memref<32x32xf32, #tpu.memory_space<vmem>>)
      %dma_wait3A_1689 = arith.constant 18 : i32
      %dma_wait3A_1690 = arith.constant 576 : i32
      %dma_wait3A_1691 = arith.constant 0 : i32
      %dma_wait3A_1692 = tpu.memref_slice %arg11[%dma_wait3A_1690, %dma_wait3A_1691] : memref<640x16xf32, #tpu.memory_space<vmem>> -> memref<32x16xf32, #tpu.memory_space<vmem>>
      %dma_wait3A_1693 = arith.constant 0 : i32
      %dma_wait3A_1694 = tpu.memref_slice %arg9[%dma_wait3A_1689, %dma_wait3A_1693] : memref<20x32xi32, #tpu.memory_space<vmem>> -> memref<1x32xi32, #tpu.memory_space<vmem>>
      %dma_wait3A_1695 = tpu.memref_squeeze %dma_wait3A_1694 : memref<1x32xi32, #tpu.memory_space<vmem>> -> memref<32xi32, #tpu.memory_space<vmem>>
      %dma_wait3A_1696 = arith.constant 0 : i32
      %dma_wait3A_1697 = arith.constant 0 : i32
      %dma_wait3A_1698 = tpu.memref_slice %arg4[%dma_wait3A_1696, %dma_wait3A_1697] : memref<100000x16xf32, #tpu.memory_space<hbm>> -> memref<100000x16xf32, #tpu.memory_space<hbm>>
      tpu.wait_indirect_dma semaphore(%arg19 : memref<!tpu.dma_semaphore, #tpu.memory_space<semaphore_mem>>) src(%dma_wait3A_1698 : memref<100000x16xf32, #tpu.memory_space<hbm>>) dst(%dma_wait3A_1692 : memref<32x16xf32, #tpu.memory_space<vmem>>)
      %dma_wait3A_1699 = arith.constant 18 : i32
      %dma_wait3A_1700 = arith.constant 576 : i32
      %dma_wait3A_1701 = arith.constant 0 : i32
      %dma_wait3A_1702 = tpu.memref_slice %arg13[%dma_wait3A_1700, %dma_wait3A_1701] : memref<640x32xf32, #tpu.memory_space<vmem>> -> memref<32x32xf32, #tpu.memory_space<vmem>>
      %dma_wait3A_1703 = arith.constant 0 : i32
      %dma_wait3A_1704 = tpu.memref_slice %arg9[%dma_wait3A_1699, %dma_wait3A_1703] : memref<20x32xi32, #tpu.memory_space<vmem>> -> memref<1x32xi32, #tpu.memory_space<vmem>>
      %dma_wait3A_1705 = tpu.memref_squeeze %dma_wait3A_1704 : memref<1x32xi32, #tpu.memory_space<vmem>> -> memref<32xi32, #tpu.memory_space<vmem>>
      %dma_wait3A_1706 = arith.constant 0 : i32
      %dma_wait3A_1707 = arith.constant 0 : i32
      %dma_wait3A_1708 = tpu.memref_slice %arg5[%dma_wait3A_1706, %dma_wait3A_1707] : memref<100000x32xf32, #tpu.memory_space<hbm>> -> memref<100000x32xf32, #tpu.memory_space<hbm>>
      tpu.wait_indirect_dma semaphore(%arg19 : memref<!tpu.dma_semaphore, #tpu.memory_space<semaphore_mem>>) src(%dma_wait3A_1708 : memref<100000x32xf32, #tpu.memory_space<hbm>>) dst(%dma_wait3A_1702 : memref<32x32xf32, #tpu.memory_space<vmem>>)
      %dma_wait3A_1709 = arith.constant 19 : i32
      %dma_wait3A_1710 = arith.constant 608 : i32
      %dma_wait3A_1711 = arith.constant 0 : i32
      %dma_wait3A_1712 = tpu.memref_slice %arg11[%dma_wait3A_1710, %dma_wait3A_1711] : memref<640x16xf32, #tpu.memory_space<vmem>> -> memref<32x16xf32, #tpu.memory_space<vmem>>
      %dma_wait3A_1713 = arith.constant 0 : i32
      %dma_wait3A_1714 = tpu.memref_slice %arg9[%dma_wait3A_1709, %dma_wait3A_1713] : memref<20x32xi32, #tpu.memory_space<vmem>> -> memref<1x32xi32, #tpu.memory_space<vmem>>
      %dma_wait3A_1715 = tpu.memref_squeeze %dma_wait3A_1714 : memref<1x32xi32, #tpu.memory_space<vmem>> -> memref<32xi32, #tpu.memory_space<vmem>>
      %dma_wait3A_1716 = arith.constant 0 : i32
      %dma_wait3A_1717 = arith.constant 0 : i32
      %dma_wait3A_1718 = tpu.memref_slice %arg4[%dma_wait3A_1716, %dma_wait3A_1717] : memref<100000x16xf32, #tpu.memory_space<hbm>> -> memref<100000x16xf32, #tpu.memory_space<hbm>>
      tpu.wait_indirect_dma semaphore(%arg19 : memref<!tpu.dma_semaphore, #tpu.memory_space<semaphore_mem>>) src(%dma_wait3A_1718 : memref<100000x16xf32, #tpu.memory_space<hbm>>) dst(%dma_wait3A_1712 : memref<32x16xf32, #tpu.memory_space<vmem>>)
      %dma_wait3A_1719 = arith.constant 19 : i32
      %dma_wait3A_1720 = arith.constant 608 : i32
      %dma_wait3A_1721 = arith.constant 0 : i32
      %dma_wait3A_1722 = tpu.memref_slice %arg13[%dma_wait3A_1720, %dma_wait3A_1721] : memref<640x32xf32, #tpu.memory_space<vmem>> -> memref<32x32xf32, #tpu.memory_space<vmem>>
      %dma_wait3A_1723 = arith.constant 0 : i32
      %dma_wait3A_1724 = tpu.memref_slice %arg9[%dma_wait3A_1719, %dma_wait3A_1723] : memref<20x32xi32, #tpu.memory_space<vmem>> -> memref<1x32xi32, #tpu.memory_space<vmem>>
      %dma_wait3A_1725 = tpu.memref_squeeze %dma_wait3A_1724 : memref<1x32xi32, #tpu.memory_space<vmem>> -> memref<32xi32, #tpu.memory_space<vmem>>
      %dma_wait3A_1726 = arith.constant 0 : i32
      %dma_wait3A_1727 = arith.constant 0 : i32
      %dma_wait3A_1728 = tpu.memref_slice %arg5[%dma_wait3A_1726, %dma_wait3A_1727] : memref<100000x32xf32, #tpu.memory_space<hbm>> -> memref<100000x32xf32, #tpu.memory_space<hbm>>
      tpu.wait_indirect_dma semaphore(%arg19 : memref<!tpu.dma_semaphore, #tpu.memory_space<semaphore_mem>>) src(%dma_wait3A_1728 : memref<100000x32xf32, #tpu.memory_space<hbm>>) dst(%dma_wait3A_1722 : memref<32x32xf32, #tpu.memory_space<vmem>>)
      %convert_element_type3A_1729 = arith.extui %lt3A_507 : i1 to i32
      %cond3A_1730 = arith.constant 0 : i32
      %cond3A_1731 = arith.cmpi ne, %convert_element_type3A_1729, %cond3A_1730 : i32
      scf.if %cond3A_1731 {
        %add3A_1751 = arith.constant 32 : i32
        %add3A_1752 = arith.addi %add3A_506, %add3A_1751 : i32
        %dma_wait3A_1753 = arith.constant 0 : i32
        %dma_wait3A_1754 = tpu.memref_slice %arg2[%dma_wait3A_1753, %add3A_1752] : memref<20x16384xi32, #tpu.memory_space<hbm>> -> memref<20x32xi32, #tpu.memory_space<hbm>>
        %dma_wait3A_1755 = arith.constant 0 : i32
        %dma_wait3A_1756 = tpu.memref_slice %arg2[%dma_wait3A_1755, %add3A_1752] : memref<20x16384xi32, #tpu.memory_space<hbm>> -> memref<20x32xi32, #tpu.memory_space<hbm>>
        tpu.wait_dma2 semaphore(%arg20 : memref<!tpu.dma_semaphore, #tpu.memory_space<semaphore_mem>>) src(%dma_wait3A_1756 : memref<20x32xi32, #tpu.memory_space<hbm>>) dst(%arg8 : memref<20x32xi32, #tpu.memory_space<vmem>>)
        %dma_start3A_1757 = arith.constant 0 : i32
        %dma_start3A_1758 = arith.constant 0 : i32
        %dma_start3A_1759 = arith.constant 0 : i32
        %dma_start3A_1760 = tpu.memref_slice %arg10[%dma_start3A_1758, %dma_start3A_1759] : memref<640x16xf32, #tpu.memory_space<vmem>> -> memref<32x16xf32, #tpu.memory_space<vmem>>
        %dma_start3A_1761 = arith.constant 0 : i32
        %dma_start3A_1762 = tpu.memref_slice %arg8[%dma_start3A_1757, %dma_start3A_1761] : memref<20x32xi32, #tpu.memory_space<vmem>> -> memref<1x32xi32, #tpu.memory_space<vmem>>
        %dma_start3A_1763 = tpu.memref_squeeze %dma_start3A_1762 : memref<1x32xi32, #tpu.memory_space<vmem>> -> memref<32xi32, #tpu.memory_space<vmem>>
        %dma_start3A_1764 = arith.constant 0 : i32
        %dma_start3A_1765 = arith.constant 0 : i32
        %dma_start3A_1766 = tpu.memref_slice %arg4[%dma_start3A_1764, %dma_start3A_1765] : memref<100000x16xf32, #tpu.memory_space<hbm>> -> memref<100000x16xf32, #tpu.memory_space<hbm>>
        tpu.enqueue_indirect_dma source(%dma_start3A_1766 : memref<100000x16xf32, #tpu.memory_space<hbm>>) target(%dma_start3A_1760 : memref<32x16xf32, #tpu.memory_space<vmem>>) offsets(%dma_start3A_1763 : memref<32xi32, #tpu.memory_space<vmem>>) semaphore(%arg18 : memref<!tpu.dma_semaphore, #tpu.memory_space<semaphore_mem>>)
        %dma_start3A_1767 = arith.constant 0 : i32
        %dma_start3A_1768 = arith.constant 0 : i32
        %dma_start3A_1769 = arith.constant 0 : i32
        %dma_start3A_1770 = tpu.memref_slice %arg12[%dma_start3A_1768, %dma_start3A_1769] : memref<640x32xf32, #tpu.memory_space<vmem>> -> memref<32x32xf32, #tpu.memory_space<vmem>>
        %dma_start3A_1771 = arith.constant 0 : i32
        %dma_start3A_1772 = tpu.memref_slice %arg8[%dma_start3A_1767, %dma_start3A_1771] : memref<20x32xi32, #tpu.memory_space<vmem>> -> memref<1x32xi32, #tpu.memory_space<vmem>>
        %dma_start3A_1773 = tpu.memref_squeeze %dma_start3A_1772 : memref<1x32xi32, #tpu.memory_space<vmem>> -> memref<32xi32, #tpu.memory_space<vmem>>
        %dma_start3A_1774 = arith.constant 0 : i32
        %dma_start3A_1775 = arith.constant 0 : i32
        %dma_start3A_1776 = tpu.memref_slice %arg5[%dma_start3A_1774, %dma_start3A_1775] : memref<100000x32xf32, #tpu.memory_space<hbm>> -> memref<100000x32xf32, #tpu.memory_space<hbm>>
        tpu.enqueue_indirect_dma source(%dma_start3A_1776 : memref<100000x32xf32, #tpu.memory_space<hbm>>) target(%dma_start3A_1770 : memref<32x32xf32, #tpu.memory_space<vmem>>) offsets(%dma_start3A_1773 : memref<32xi32, #tpu.memory_space<vmem>>) semaphore(%arg18 : memref<!tpu.dma_semaphore, #tpu.memory_space<semaphore_mem>>)
        %dma_start3A_1777 = arith.constant 1 : i32
        %dma_start3A_1778 = arith.constant 32 : i32
        %dma_start3A_1779 = arith.constant 0 : i32
        %dma_start3A_1780 = tpu.memref_slice %arg10[%dma_start3A_1778, %dma_start3A_1779] : memref<640x16xf32, #tpu.memory_space<vmem>> -> memref<32x16xf32, #tpu.memory_space<vmem>>
        %dma_start3A_1781 = arith.constant 0 : i32
        %dma_start3A_1782 = tpu.memref_slice %arg8[%dma_start3A_1777, %dma_start3A_1781] : memref<20x32xi32, #tpu.memory_space<vmem>> -> memref<1x32xi32, #tpu.memory_space<vmem>>
        %dma_start3A_1783 = tpu.memref_squeeze %dma_start3A_1782 : memref<1x32xi32, #tpu.memory_space<vmem>> -> memref<32xi32, #tpu.memory_space<vmem>>
        %dma_start3A_1784 = arith.constant 0 : i32
        %dma_start3A_1785 = arith.constant 0 : i32
        %dma_start3A_1786 = tpu.memref_slice %arg4[%dma_start3A_1784, %dma_start3A_1785] : memref<100000x16xf32, #tpu.memory_space<hbm>> -> memref<100000x16xf32, #tpu.memory_space<hbm>>
        tpu.enqueue_indirect_dma source(%dma_start3A_1786 : memref<100000x16xf32, #tpu.memory_space<hbm>>) target(%dma_start3A_1780 : memref<32x16xf32, #tpu.memory_space<vmem>>) offsets(%dma_start3A_1783 : memref<32xi32, #tpu.memory_space<vmem>>) semaphore(%arg18 : memref<!tpu.dma_semaphore, #tpu.memory_space<semaphore_mem>>)
        %dma_start3A_1787 = arith.constant 1 : i32
        %dma_start3A_1788 = arith.constant 32 : i32
        %dma_start3A_1789 = arith.constant 0 : i32
        %dma_start3A_1790 = tpu.memref_slice %arg12[%dma_start3A_1788, %dma_start3A_1789] : memref<640x32xf32, #tpu.memory_space<vmem>> -> memref<32x32xf32, #tpu.memory_space<vmem>>
        %dma_start3A_1791 = arith.constant 0 : i32
        %dma_start3A_1792 = tpu.memref_slice %arg8[%dma_start3A_1787, %dma_start3A_1791] : memref<20x32xi32, #tpu.memory_space<vmem>> -> memref<1x32xi32, #tpu.memory_space<vmem>>
        %dma_start3A_1793 = tpu.memref_squeeze %dma_start3A_1792 : memref<1x32xi32, #tpu.memory_space<vmem>> -> memref<32xi32, #tpu.memory_space<vmem>>
        %dma_start3A_1794 = arith.constant 0 : i32
        %dma_start3A_1795 = arith.constant 0 : i32
        %dma_start3A_1796 = tpu.memref_slice %arg5[%dma_start3A_1794, %dma_start3A_1795] : memref<100000x32xf32, #tpu.memory_space<hbm>> -> memref<100000x32xf32, #tpu.memory_space<hbm>>
        tpu.enqueue_indirect_dma source(%dma_start3A_1796 : memref<100000x32xf32, #tpu.memory_space<hbm>>) target(%dma_start3A_1790 : memref<32x32xf32, #tpu.memory_space<vmem>>) offsets(%dma_start3A_1793 : memref<32xi32, #tpu.memory_space<vmem>>) semaphore(%arg18 : memref<!tpu.dma_semaphore, #tpu.memory_space<semaphore_mem>>)
        %dma_start3A_1797 = arith.constant 2 : i32
        %dma_start3A_1798 = arith.constant 64 : i32
        %dma_start3A_1799 = arith.constant 0 : i32
        %dma_start3A_1800 = tpu.memref_slice %arg10[%dma_start3A_1798, %dma_start3A_1799] : memref<640x16xf32, #tpu.memory_space<vmem>> -> memref<32x16xf32, #tpu.memory_space<vmem>>
        %dma_start3A_1801 = arith.constant 0 : i32
        %dma_start3A_1802 = tpu.memref_slice %arg8[%dma_start3A_1797, %dma_start3A_1801] : memref<20x32xi32, #tpu.memory_space<vmem>> -> memref<1x32xi32, #tpu.memory_space<vmem>>
        %dma_start3A_1803 = tpu.memref_squeeze %dma_start3A_1802 : memref<1x32xi32, #tpu.memory_space<vmem>> -> memref<32xi32, #tpu.memory_space<vmem>>
        %dma_start3A_1804 = arith.constant 0 : i32
        %dma_start3A_1805 = arith.constant 0 : i32
        %dma_start3A_1806 = tpu.memref_slice %arg4[%dma_start3A_1804, %dma_start3A_1805] : memref<100000x16xf32, #tpu.memory_space<hbm>> -> memref<100000x16xf32, #tpu.memory_space<hbm>>
        tpu.enqueue_indirect_dma source(%dma_start3A_1806 : memref<100000x16xf32, #tpu.memory_space<hbm>>) target(%dma_start3A_1800 : memref<32x16xf32, #tpu.memory_space<vmem>>) offsets(%dma_start3A_1803 : memref<32xi32, #tpu.memory_space<vmem>>) semaphore(%arg18 : memref<!tpu.dma_semaphore, #tpu.memory_space<semaphore_mem>>)
        %dma_start3A_1807 = arith.constant 2 : i32
        %dma_start3A_1808 = arith.constant 64 : i32
        %dma_start3A_1809 = arith.constant 0 : i32
        %dma_start3A_1810 = tpu.memref_slice %arg12[%dma_start3A_1808, %dma_start3A_1809] : memref<640x32xf32, #tpu.memory_space<vmem>> -> memref<32x32xf32, #tpu.memory_space<vmem>>
        %dma_start3A_1811 = arith.constant 0 : i32
        %dma_start3A_1812 = tpu.memref_slice %arg8[%dma_start3A_1807, %dma_start3A_1811] : memref<20x32xi32, #tpu.memory_space<vmem>> -> memref<1x32xi32, #tpu.memory_space<vmem>>
        %dma_start3A_1813 = tpu.memref_squeeze %dma_start3A_1812 : memref<1x32xi32, #tpu.memory_space<vmem>> -> memref<32xi32, #tpu.memory_space<vmem>>
        %dma_start3A_1814 = arith.constant 0 : i32
        %dma_start3A_1815 = arith.constant 0 : i32
        %dma_start3A_1816 = tpu.memref_slice %arg5[%dma_start3A_1814, %dma_start3A_1815] : memref<100000x32xf32, #tpu.memory_space<hbm>> -> memref<100000x32xf32, #tpu.memory_space<hbm>>
        tpu.enqueue_indirect_dma source(%dma_start3A_1816 : memref<100000x32xf32, #tpu.memory_space<hbm>>) target(%dma_start3A_1810 : memref<32x32xf32, #tpu.memory_space<vmem>>) offsets(%dma_start3A_1813 : memref<32xi32, #tpu.memory_space<vmem>>) semaphore(%arg18 : memref<!tpu.dma_semaphore, #tpu.memory_space<semaphore_mem>>)
        %dma_start3A_1817 = arith.constant 3 : i32
        %dma_start3A_1818 = arith.constant 96 : i32
        %dma_start3A_1819 = arith.constant 0 : i32
        %dma_start3A_1820 = tpu.memref_slice %arg10[%dma_start3A_1818, %dma_start3A_1819] : memref<640x16xf32, #tpu.memory_space<vmem>> -> memref<32x16xf32, #tpu.memory_space<vmem>>
        %dma_start3A_1821 = arith.constant 0 : i32
        %dma_start3A_1822 = tpu.memref_slice %arg8[%dma_start3A_1817, %dma_start3A_1821] : memref<20x32xi32, #tpu.memory_space<vmem>> -> memref<1x32xi32, #tpu.memory_space<vmem>>
        %dma_start3A_1823 = tpu.memref_squeeze %dma_start3A_1822 : memref<1x32xi32, #tpu.memory_space<vmem>> -> memref<32xi32, #tpu.memory_space<vmem>>
        %dma_start3A_1824 = arith.constant 0 : i32
        %dma_start3A_1825 = arith.constant 0 : i32
        %dma_start3A_1826 = tpu.memref_slice %arg4[%dma_start3A_1824, %dma_start3A_1825] : memref<100000x16xf32, #tpu.memory_space<hbm>> -> memref<100000x16xf32, #tpu.memory_space<hbm>>
        tpu.enqueue_indirect_dma source(%dma_start3A_1826 : memref<100000x16xf32, #tpu.memory_space<hbm>>) target(%dma_start3A_1820 : memref<32x16xf32, #tpu.memory_space<vmem>>) offsets(%dma_start3A_1823 : memref<32xi32, #tpu.memory_space<vmem>>) semaphore(%arg18 : memref<!tpu.dma_semaphore, #tpu.memory_space<semaphore_mem>>)
        %dma_start3A_1827 = arith.constant 3 : i32
        %dma_start3A_1828 = arith.constant 96 : i32
        %dma_start3A_1829 = arith.constant 0 : i32
        %dma_start3A_1830 = tpu.memref_slice %arg12[%dma_start3A_1828, %dma_start3A_1829] : memref<640x32xf32, #tpu.memory_space<vmem>> -> memref<32x32xf32, #tpu.memory_space<vmem>>
        %dma_start3A_1831 = arith.constant 0 : i32
        %dma_start3A_1832 = tpu.memref_slice %arg8[%dma_start3A_1827, %dma_start3A_1831] : memref<20x32xi32, #tpu.memory_space<vmem>> -> memref<1x32xi32, #tpu.memory_space<vmem>>
        %dma_start3A_1833 = tpu.memref_squeeze %dma_start3A_1832 : memref<1x32xi32, #tpu.memory_space<vmem>> -> memref<32xi32, #tpu.memory_space<vmem>>
        %dma_start3A_1834 = arith.constant 0 : i32
        %dma_start3A_1835 = arith.constant 0 : i32
        %dma_start3A_1836 = tpu.memref_slice %arg5[%dma_start3A_1834, %dma_start3A_1835] : memref<100000x32xf32, #tpu.memory_space<hbm>> -> memref<100000x32xf32, #tpu.memory_space<hbm>>
        tpu.enqueue_indirect_dma source(%dma_start3A_1836 : memref<100000x32xf32, #tpu.memory_space<hbm>>) target(%dma_start3A_1830 : memref<32x32xf32, #tpu.memory_space<vmem>>) offsets(%dma_start3A_1833 : memref<32xi32, #tpu.memory_space<vmem>>) semaphore(%arg18 : memref<!tpu.dma_semaphore, #tpu.memory_space<semaphore_mem>>)
        %dma_start3A_1837 = arith.constant 4 : i32
        %dma_start3A_1838 = arith.constant 128 : i32
        %dma_start3A_1839 = arith.constant 0 : i32
        %dma_start3A_1840 = tpu.memref_slice %arg10[%dma_start3A_1838, %dma_start3A_1839] : memref<640x16xf32, #tpu.memory_space<vmem>> -> memref<32x16xf32, #tpu.memory_space<vmem>>
        %dma_start3A_1841 = arith.constant 0 : i32
        %dma_start3A_1842 = tpu.memref_slice %arg8[%dma_start3A_1837, %dma_start3A_1841] : memref<20x32xi32, #tpu.memory_space<vmem>> -> memref<1x32xi32, #tpu.memory_space<vmem>>
        %dma_start3A_1843 = tpu.memref_squeeze %dma_start3A_1842 : memref<1x32xi32, #tpu.memory_space<vmem>> -> memref<32xi32, #tpu.memory_space<vmem>>
        %dma_start3A_1844 = arith.constant 0 : i32
        %dma_start3A_1845 = arith.constant 0 : i32
        %dma_start3A_1846 = tpu.memref_slice %arg4[%dma_start3A_1844, %dma_start3A_1845] : memref<100000x16xf32, #tpu.memory_space<hbm>> -> memref<100000x16xf32, #tpu.memory_space<hbm>>
        tpu.enqueue_indirect_dma source(%dma_start3A_1846 : memref<100000x16xf32, #tpu.memory_space<hbm>>) target(%dma_start3A_1840 : memref<32x16xf32, #tpu.memory_space<vmem>>) offsets(%dma_start3A_1843 : memref<32xi32, #tpu.memory_space<vmem>>) semaphore(%arg18 : memref<!tpu.dma_semaphore, #tpu.memory_space<semaphore_mem>>)
        %dma_start3A_1847 = arith.constant 4 : i32
        %dma_start3A_1848 = arith.constant 128 : i32
        %dma_start3A_1849 = arith.constant 0 : i32
        %dma_start3A_1850 = tpu.memref_slice %arg12[%dma_start3A_1848, %dma_start3A_1849] : memref<640x32xf32, #tpu.memory_space<vmem>> -> memref<32x32xf32, #tpu.memory_space<vmem>>
        %dma_start3A_1851 = arith.constant 0 : i32
        %dma_start3A_1852 = tpu.memref_slice %arg8[%dma_start3A_1847, %dma_start3A_1851] : memref<20x32xi32, #tpu.memory_space<vmem>> -> memref<1x32xi32, #tpu.memory_space<vmem>>
        %dma_start3A_1853 = tpu.memref_squeeze %dma_start3A_1852 : memref<1x32xi32, #tpu.memory_space<vmem>> -> memref<32xi32, #tpu.memory_space<vmem>>
        %dma_start3A_1854 = arith.constant 0 : i32
        %dma_start3A_1855 = arith.constant 0 : i32
        %dma_start3A_1856 = tpu.memref_slice %arg5[%dma_start3A_1854, %dma_start3A_1855] : memref<100000x32xf32, #tpu.memory_space<hbm>> -> memref<100000x32xf32, #tpu.memory_space<hbm>>
        tpu.enqueue_indirect_dma source(%dma_start3A_1856 : memref<100000x32xf32, #tpu.memory_space<hbm>>) target(%dma_start3A_1850 : memref<32x32xf32, #tpu.memory_space<vmem>>) offsets(%dma_start3A_1853 : memref<32xi32, #tpu.memory_space<vmem>>) semaphore(%arg18 : memref<!tpu.dma_semaphore, #tpu.memory_space<semaphore_mem>>)
        %dma_start3A_1857 = arith.constant 5 : i32
        %dma_start3A_1858 = arith.constant 160 : i32
        %dma_start3A_1859 = arith.constant 0 : i32
        %dma_start3A_1860 = tpu.memref_slice %arg10[%dma_start3A_1858, %dma_start3A_1859] : memref<640x16xf32, #tpu.memory_space<vmem>> -> memref<32x16xf32, #tpu.memory_space<vmem>>
        %dma_start3A_1861 = arith.constant 0 : i32
        %dma_start3A_1862 = tpu.memref_slice %arg8[%dma_start3A_1857, %dma_start3A_1861] : memref<20x32xi32, #tpu.memory_space<vmem>> -> memref<1x32xi32, #tpu.memory_space<vmem>>
        %dma_start3A_1863 = tpu.memref_squeeze %dma_start3A_1862 : memref<1x32xi32, #tpu.memory_space<vmem>> -> memref<32xi32, #tpu.memory_space<vmem>>
        %dma_start3A_1864 = arith.constant 0 : i32
        %dma_start3A_1865 = arith.constant 0 : i32
        %dma_start3A_1866 = tpu.memref_slice %arg4[%dma_start3A_1864, %dma_start3A_1865] : memref<100000x16xf32, #tpu.memory_space<hbm>> -> memref<100000x16xf32, #tpu.memory_space<hbm>>
        tpu.enqueue_indirect_dma source(%dma_start3A_1866 : memref<100000x16xf32, #tpu.memory_space<hbm>>) target(%dma_start3A_1860 : memref<32x16xf32, #tpu.memory_space<vmem>>) offsets(%dma_start3A_1863 : memref<32xi32, #tpu.memory_space<vmem>>) semaphore(%arg18 : memref<!tpu.dma_semaphore, #tpu.memory_space<semaphore_mem>>)
        %dma_start3A_1867 = arith.constant 5 : i32
        %dma_start3A_1868 = arith.constant 160 : i32
        %dma_start3A_1869 = arith.constant 0 : i32
        %dma_start3A_1870 = tpu.memref_slice %arg12[%dma_start3A_1868, %dma_start3A_1869] : memref<640x32xf32, #tpu.memory_space<vmem>> -> memref<32x32xf32, #tpu.memory_space<vmem>>
        %dma_start3A_1871 = arith.constant 0 : i32
        %dma_start3A_1872 = tpu.memref_slice %arg8[%dma_start3A_1867, %dma_start3A_1871] : memref<20x32xi32, #tpu.memory_space<vmem>> -> memref<1x32xi32, #tpu.memory_space<vmem>>
        %dma_start3A_1873 = tpu.memref_squeeze %dma_start3A_1872 : memref<1x32xi32, #tpu.memory_space<vmem>> -> memref<32xi32, #tpu.memory_space<vmem>>
        %dma_start3A_1874 = arith.constant 0 : i32
        %dma_start3A_1875 = arith.constant 0 : i32
        %dma_start3A_1876 = tpu.memref_slice %arg5[%dma_start3A_1874, %dma_start3A_1875] : memref<100000x32xf32, #tpu.memory_space<hbm>> -> memref<100000x32xf32, #tpu.memory_space<hbm>>
        tpu.enqueue_indirect_dma source(%dma_start3A_1876 : memref<100000x32xf32, #tpu.memory_space<hbm>>) target(%dma_start3A_1870 : memref<32x32xf32, #tpu.memory_space<vmem>>) offsets(%dma_start3A_1873 : memref<32xi32, #tpu.memory_space<vmem>>) semaphore(%arg18 : memref<!tpu.dma_semaphore, #tpu.memory_space<semaphore_mem>>)
        %dma_start3A_1877 = arith.constant 6 : i32
        %dma_start3A_1878 = arith.constant 192 : i32
        %dma_start3A_1879 = arith.constant 0 : i32
        %dma_start3A_1880 = tpu.memref_slice %arg10[%dma_start3A_1878, %dma_start3A_1879] : memref<640x16xf32, #tpu.memory_space<vmem>> -> memref<32x16xf32, #tpu.memory_space<vmem>>
        %dma_start3A_1881 = arith.constant 0 : i32
        %dma_start3A_1882 = tpu.memref_slice %arg8[%dma_start3A_1877, %dma_start3A_1881] : memref<20x32xi32, #tpu.memory_space<vmem>> -> memref<1x32xi32, #tpu.memory_space<vmem>>
        %dma_start3A_1883 = tpu.memref_squeeze %dma_start3A_1882 : memref<1x32xi32, #tpu.memory_space<vmem>> -> memref<32xi32, #tpu.memory_space<vmem>>
        %dma_start3A_1884 = arith.constant 0 : i32
        %dma_start3A_1885 = arith.constant 0 : i32
        %dma_start3A_1886 = tpu.memref_slice %arg4[%dma_start3A_1884, %dma_start3A_1885] : memref<100000x16xf32, #tpu.memory_space<hbm>> -> memref<100000x16xf32, #tpu.memory_space<hbm>>
        tpu.enqueue_indirect_dma source(%dma_start3A_1886 : memref<100000x16xf32, #tpu.memory_space<hbm>>) target(%dma_start3A_1880 : memref<32x16xf32, #tpu.memory_space<vmem>>) offsets(%dma_start3A_1883 : memref<32xi32, #tpu.memory_space<vmem>>) semaphore(%arg18 : memref<!tpu.dma_semaphore, #tpu.memory_space<semaphore_mem>>)
        %dma_start3A_1887 = arith.constant 6 : i32
        %dma_start3A_1888 = arith.constant 192 : i32
        %dma_start3A_1889 = arith.constant 0 : i32
        %dma_start3A_1890 = tpu.memref_slice %arg12[%dma_start3A_1888, %dma_start3A_1889] : memref<640x32xf32, #tpu.memory_space<vmem>> -> memref<32x32xf32, #tpu.memory_space<vmem>>
        %dma_start3A_1891 = arith.constant 0 : i32
        %dma_start3A_1892 = tpu.memref_slice %arg8[%dma_start3A_1887, %dma_start3A_1891] : memref<20x32xi32, #tpu.memory_space<vmem>> -> memref<1x32xi32, #tpu.memory_space<vmem>>
        %dma_start3A_1893 = tpu.memref_squeeze %dma_start3A_1892 : memref<1x32xi32, #tpu.memory_space<vmem>> -> memref<32xi32, #tpu.memory_space<vmem>>
        %dma_start3A_1894 = arith.constant 0 : i32
        %dma_start3A_1895 = arith.constant 0 : i32
        %dma_start3A_1896 = tpu.memref_slice %arg5[%dma_start3A_1894, %dma_start3A_1895] : memref<100000x32xf32, #tpu.memory_space<hbm>> -> memref<100000x32xf32, #tpu.memory_space<hbm>>
        tpu.enqueue_indirect_dma source(%dma_start3A_1896 : memref<100000x32xf32, #tpu.memory_space<hbm>>) target(%dma_start3A_1890 : memref<32x32xf32, #tpu.memory_space<vmem>>) offsets(%dma_start3A_1893 : memref<32xi32, #tpu.memory_space<vmem>>) semaphore(%arg18 : memref<!tpu.dma_semaphore, #tpu.memory_space<semaphore_mem>>)
        %dma_start3A_1897 = arith.constant 7 : i32
        %dma_start3A_1898 = arith.constant 224 : i32
        %dma_start3A_1899 = arith.constant 0 : i32
        %dma_start3A_1900 = tpu.memref_slice %arg10[%dma_start3A_1898, %dma_start3A_1899] : memref<640x16xf32, #tpu.memory_space<vmem>> -> memref<32x16xf32, #tpu.memory_space<vmem>>
        %dma_start3A_1901 = arith.constant 0 : i32
        %dma_start3A_1902 = tpu.memref_slice %arg8[%dma_start3A_1897, %dma_start3A_1901] : memref<20x32xi32, #tpu.memory_space<vmem>> -> memref<1x32xi32, #tpu.memory_space<vmem>>
        %dma_start3A_1903 = tpu.memref_squeeze %dma_start3A_1902 : memref<1x32xi32, #tpu.memory_space<vmem>> -> memref<32xi32, #tpu.memory_space<vmem>>
        %dma_start3A_1904 = arith.constant 0 : i32
        %dma_start3A_1905 = arith.constant 0 : i32
        %dma_start3A_1906 = tpu.memref_slice %arg4[%dma_start3A_1904, %dma_start3A_1905] : memref<100000x16xf32, #tpu.memory_space<hbm>> -> memref<100000x16xf32, #tpu.memory_space<hbm>>
        tpu.enqueue_indirect_dma source(%dma_start3A_1906 : memref<100000x16xf32, #tpu.memory_space<hbm>>) target(%dma_start3A_1900 : memref<32x16xf32, #tpu.memory_space<vmem>>) offsets(%dma_start3A_1903 : memref<32xi32, #tpu.memory_space<vmem>>) semaphore(%arg18 : memref<!tpu.dma_semaphore, #tpu.memory_space<semaphore_mem>>)
        %dma_start3A_1907 = arith.constant 7 : i32
        %dma_start3A_1908 = arith.constant 224 : i32
        %dma_start3A_1909 = arith.constant 0 : i32
        %dma_start3A_1910 = tpu.memref_slice %arg12[%dma_start3A_1908, %dma_start3A_1909] : memref<640x32xf32, #tpu.memory_space<vmem>> -> memref<32x32xf32, #tpu.memory_space<vmem>>
        %dma_start3A_1911 = arith.constant 0 : i32
        %dma_start3A_1912 = tpu.memref_slice %arg8[%dma_start3A_1907, %dma_start3A_1911] : memref<20x32xi32, #tpu.memory_space<vmem>> -> memref<1x32xi32, #tpu.memory_space<vmem>>
        %dma_start3A_1913 = tpu.memref_squeeze %dma_start3A_1912 : memref<1x32xi32, #tpu.memory_space<vmem>> -> memref<32xi32, #tpu.memory_space<vmem>>
        %dma_start3A_1914 = arith.constant 0 : i32
        %dma_start3A_1915 = arith.constant 0 : i32
        %dma_start3A_1916 = tpu.memref_slice %arg5[%dma_start3A_1914, %dma_start3A_1915] : memref<100000x32xf32, #tpu.memory_space<hbm>> -> memref<100000x32xf32, #tpu.memory_space<hbm>>
        tpu.enqueue_indirect_dma source(%dma_start3A_1916 : memref<100000x32xf32, #tpu.memory_space<hbm>>) target(%dma_start3A_1910 : memref<32x32xf32, #tpu.memory_space<vmem>>) offsets(%dma_start3A_1913 : memref<32xi32, #tpu.memory_space<vmem>>) semaphore(%arg18 : memref<!tpu.dma_semaphore, #tpu.memory_space<semaphore_mem>>)
        %dma_start3A_1917 = arith.constant 8 : i32
        %dma_start3A_1918 = arith.constant 256 : i32
        %dma_start3A_1919 = arith.constant 0 : i32
        %dma_start3A_1920 = tpu.memref_slice %arg10[%dma_start3A_1918, %dma_start3A_1919] : memref<640x16xf32, #tpu.memory_space<vmem>> -> memref<32x16xf32, #tpu.memory_space<vmem>>
        %dma_start3A_1921 = arith.constant 0 : i32
        %dma_start3A_1922 = tpu.memref_slice %arg8[%dma_start3A_1917, %dma_start3A_1921] : memref<20x32xi32, #tpu.memory_space<vmem>> -> memref<1x32xi32, #tpu.memory_space<vmem>>
        %dma_start3A_1923 = tpu.memref_squeeze %dma_start3A_1922 : memref<1x32xi32, #tpu.memory_space<vmem>> -> memref<32xi32, #tpu.memory_space<vmem>>
        %dma_start3A_1924 = arith.constant 0 : i32
        %dma_start3A_1925 = arith.constant 0 : i32
        %dma_start3A_1926 = tpu.memref_slice %arg4[%dma_start3A_1924, %dma_start3A_1925] : memref<100000x16xf32, #tpu.memory_space<hbm>> -> memref<100000x16xf32, #tpu.memory_space<hbm>>
        tpu.enqueue_indirect_dma source(%dma_start3A_1926 : memref<100000x16xf32, #tpu.memory_space<hbm>>) target(%dma_start3A_1920 : memref<32x16xf32, #tpu.memory_space<vmem>>) offsets(%dma_start3A_1923 : memref<32xi32, #tpu.memory_space<vmem>>) semaphore(%arg18 : memref<!tpu.dma_semaphore, #tpu.memory_space<semaphore_mem>>)
        %dma_start3A_1927 = arith.constant 8 : i32
        %dma_start3A_1928 = arith.constant 256 : i32
        %dma_start3A_1929 = arith.constant 0 : i32
        %dma_start3A_1930 = tpu.memref_slice %arg12[%dma_start3A_1928, %dma_start3A_1929] : memref<640x32xf32, #tpu.memory_space<vmem>> -> memref<32x32xf32, #tpu.memory_space<vmem>>
        %dma_start3A_1931 = arith.constant 0 : i32
        %dma_start3A_1932 = tpu.memref_slice %arg8[%dma_start3A_1927, %dma_start3A_1931] : memref<20x32xi32, #tpu.memory_space<vmem>> -> memref<1x32xi32, #tpu.memory_space<vmem>>
        %dma_start3A_1933 = tpu.memref_squeeze %dma_start3A_1932 : memref<1x32xi32, #tpu.memory_space<vmem>> -> memref<32xi32, #tpu.memory_space<vmem>>
        %dma_start3A_1934 = arith.constant 0 : i32
        %dma_start3A_1935 = arith.constant 0 : i32
        %dma_start3A_1936 = tpu.memref_slice %arg5[%dma_start3A_1934, %dma_start3A_1935] : memref<100000x32xf32, #tpu.memory_space<hbm>> -> memref<100000x32xf32, #tpu.memory_space<hbm>>
        tpu.enqueue_indirect_dma source(%dma_start3A_1936 : memref<100000x32xf32, #tpu.memory_space<hbm>>) target(%dma_start3A_1930 : memref<32x32xf32, #tpu.memory_space<vmem>>) offsets(%dma_start3A_1933 : memref<32xi32, #tpu.memory_space<vmem>>) semaphore(%arg18 : memref<!tpu.dma_semaphore, #tpu.memory_space<semaphore_mem>>)
        %dma_start3A_1937 = arith.constant 9 : i32
        %dma_start3A_1938 = arith.constant 288 : i32
        %dma_start3A_1939 = arith.constant 0 : i32
        %dma_start3A_1940 = tpu.memref_slice %arg10[%dma_start3A_1938, %dma_start3A_1939] : memref<640x16xf32, #tpu.memory_space<vmem>> -> memref<32x16xf32, #tpu.memory_space<vmem>>
        %dma_start3A_1941 = arith.constant 0 : i32
        %dma_start3A_1942 = tpu.memref_slice %arg8[%dma_start3A_1937, %dma_start3A_1941] : memref<20x32xi32, #tpu.memory_space<vmem>> -> memref<1x32xi32, #tpu.memory_space<vmem>>
        %dma_start3A_1943 = tpu.memref_squeeze %dma_start3A_1942 : memref<1x32xi32, #tpu.memory_space<vmem>> -> memref<32xi32, #tpu.memory_space<vmem>>
        %dma_start3A_1944 = arith.constant 0 : i32
        %dma_start3A_1945 = arith.constant 0 : i32
        %dma_start3A_1946 = tpu.memref_slice %arg4[%dma_start3A_1944, %dma_start3A_1945] : memref<100000x16xf32, #tpu.memory_space<hbm>> -> memref<100000x16xf32, #tpu.memory_space<hbm>>
        tpu.enqueue_indirect_dma source(%dma_start3A_1946 : memref<100000x16xf32, #tpu.memory_space<hbm>>) target(%dma_start3A_1940 : memref<32x16xf32, #tpu.memory_space<vmem>>) offsets(%dma_start3A_1943 : memref<32xi32, #tpu.memory_space<vmem>>) semaphore(%arg18 : memref<!tpu.dma_semaphore, #tpu.memory_space<semaphore_mem>>)
        %dma_start3A_1947 = arith.constant 9 : i32
        %dma_start3A_1948 = arith.constant 288 : i32
        %dma_start3A_1949 = arith.constant 0 : i32
        %dma_start3A_1950 = tpu.memref_slice %arg12[%dma_start3A_1948, %dma_start3A_1949] : memref<640x32xf32, #tpu.memory_space<vmem>> -> memref<32x32xf32, #tpu.memory_space<vmem>>
        %dma_start3A_1951 = arith.constant 0 : i32
        %dma_start3A_1952 = tpu.memref_slice %arg8[%dma_start3A_1947, %dma_start3A_1951] : memref<20x32xi32, #tpu.memory_space<vmem>> -> memref<1x32xi32, #tpu.memory_space<vmem>>
        %dma_start3A_1953 = tpu.memref_squeeze %dma_start3A_1952 : memref<1x32xi32, #tpu.memory_space<vmem>> -> memref<32xi32, #tpu.memory_space<vmem>>
        %dma_start3A_1954 = arith.constant 0 : i32
        %dma_start3A_1955 = arith.constant 0 : i32
        %dma_start3A_1956 = tpu.memref_slice %arg5[%dma_start3A_1954, %dma_start3A_1955] : memref<100000x32xf32, #tpu.memory_space<hbm>> -> memref<100000x32xf32, #tpu.memory_space<hbm>>
        tpu.enqueue_indirect_dma source(%dma_start3A_1956 : memref<100000x32xf32, #tpu.memory_space<hbm>>) target(%dma_start3A_1950 : memref<32x32xf32, #tpu.memory_space<vmem>>) offsets(%dma_start3A_1953 : memref<32xi32, #tpu.memory_space<vmem>>) semaphore(%arg18 : memref<!tpu.dma_semaphore, #tpu.memory_space<semaphore_mem>>)
        %dma_start3A_1957 = arith.constant 10 : i32
        %dma_start3A_1958 = arith.constant 320 : i32
        %dma_start3A_1959 = arith.constant 0 : i32
        %dma_start3A_1960 = tpu.memref_slice %arg10[%dma_start3A_1958, %dma_start3A_1959] : memref<640x16xf32, #tpu.memory_space<vmem>> -> memref<32x16xf32, #tpu.memory_space<vmem>>
        %dma_start3A_1961 = arith.constant 0 : i32
        %dma_start3A_1962 = tpu.memref_slice %arg8[%dma_start3A_1957, %dma_start3A_1961] : memref<20x32xi32, #tpu.memory_space<vmem>> -> memref<1x32xi32, #tpu.memory_space<vmem>>
        %dma_start3A_1963 = tpu.memref_squeeze %dma_start3A_1962 : memref<1x32xi32, #tpu.memory_space<vmem>> -> memref<32xi32, #tpu.memory_space<vmem>>
        %dma_start3A_1964 = arith.constant 0 : i32
        %dma_start3A_1965 = arith.constant 0 : i32
        %dma_start3A_1966 = tpu.memref_slice %arg4[%dma_start3A_1964, %dma_start3A_1965] : memref<100000x16xf32, #tpu.memory_space<hbm>> -> memref<100000x16xf32, #tpu.memory_space<hbm>>
        tpu.enqueue_indirect_dma source(%dma_start3A_1966 : memref<100000x16xf32, #tpu.memory_space<hbm>>) target(%dma_start3A_1960 : memref<32x16xf32, #tpu.memory_space<vmem>>) offsets(%dma_start3A_1963 : memref<32xi32, #tpu.memory_space<vmem>>) semaphore(%arg18 : memref<!tpu.dma_semaphore, #tpu.memory_space<semaphore_mem>>)
        %dma_start3A_1967 = arith.constant 10 : i32
        %dma_start3A_1968 = arith.constant 320 : i32
        %dma_start3A_1969 = arith.constant 0 : i32
        %dma_start3A_1970 = tpu.memref_slice %arg12[%dma_start3A_1968, %dma_start3A_1969] : memref<640x32xf32, #tpu.memory_space<vmem>> -> memref<32x32xf32, #tpu.memory_space<vmem>>
        %dma_start3A_1971 = arith.constant 0 : i32
        %dma_start3A_1972 = tpu.memref_slice %arg8[%dma_start3A_1967, %dma_start3A_1971] : memref<20x32xi32, #tpu.memory_space<vmem>> -> memref<1x32xi32, #tpu.memory_space<vmem>>
        %dma_start3A_1973 = tpu.memref_squeeze %dma_start3A_1972 : memref<1x32xi32, #tpu.memory_space<vmem>> -> memref<32xi32, #tpu.memory_space<vmem>>
        %dma_start3A_1974 = arith.constant 0 : i32
        %dma_start3A_1975 = arith.constant 0 : i32
        %dma_start3A_1976 = tpu.memref_slice %arg5[%dma_start3A_1974, %dma_start3A_1975] : memref<100000x32xf32, #tpu.memory_space<hbm>> -> memref<100000x32xf32, #tpu.memory_space<hbm>>
        tpu.enqueue_indirect_dma source(%dma_start3A_1976 : memref<100000x32xf32, #tpu.memory_space<hbm>>) target(%dma_start3A_1970 : memref<32x32xf32, #tpu.memory_space<vmem>>) offsets(%dma_start3A_1973 : memref<32xi32, #tpu.memory_space<vmem>>) semaphore(%arg18 : memref<!tpu.dma_semaphore, #tpu.memory_space<semaphore_mem>>)
        %dma_start3A_1977 = arith.constant 11 : i32
        %dma_start3A_1978 = arith.constant 352 : i32
        %dma_start3A_1979 = arith.constant 0 : i32
        %dma_start3A_1980 = tpu.memref_slice %arg10[%dma_start3A_1978, %dma_start3A_1979] : memref<640x16xf32, #tpu.memory_space<vmem>> -> memref<32x16xf32, #tpu.memory_space<vmem>>
        %dma_start3A_1981 = arith.constant 0 : i32
        %dma_start3A_1982 = tpu.memref_slice %arg8[%dma_start3A_1977, %dma_start3A_1981] : memref<20x32xi32, #tpu.memory_space<vmem>> -> memref<1x32xi32, #tpu.memory_space<vmem>>
        %dma_start3A_1983 = tpu.memref_squeeze %dma_start3A_1982 : memref<1x32xi32, #tpu.memory_space<vmem>> -> memref<32xi32, #tpu.memory_space<vmem>>
        %dma_start3A_1984 = arith.constant 0 : i32
        %dma_start3A_1985 = arith.constant 0 : i32
        %dma_start3A_1986 = tpu.memref_slice %arg4[%dma_start3A_1984, %dma_start3A_1985] : memref<100000x16xf32, #tpu.memory_space<hbm>> -> memref<100000x16xf32, #tpu.memory_space<hbm>>
        tpu.enqueue_indirect_dma source(%dma_start3A_1986 : memref<100000x16xf32, #tpu.memory_space<hbm>>) target(%dma_start3A_1980 : memref<32x16xf32, #tpu.memory_space<vmem>>) offsets(%dma_start3A_1983 : memref<32xi32, #tpu.memory_space<vmem>>) semaphore(%arg18 : memref<!tpu.dma_semaphore, #tpu.memory_space<semaphore_mem>>)
        %dma_start3A_1987 = arith.constant 11 : i32
        %dma_start3A_1988 = arith.constant 352 : i32
        %dma_start3A_1989 = arith.constant 0 : i32
        %dma_start3A_1990 = tpu.memref_slice %arg12[%dma_start3A_1988, %dma_start3A_1989] : memref<640x32xf32, #tpu.memory_space<vmem>> -> memref<32x32xf32, #tpu.memory_space<vmem>>
        %dma_start3A_1991 = arith.constant 0 : i32
        %dma_start3A_1992 = tpu.memref_slice %arg8[%dma_start3A_1987, %dma_start3A_1991] : memref<20x32xi32, #tpu.memory_space<vmem>> -> memref<1x32xi32, #tpu.memory_space<vmem>>
        %dma_start3A_1993 = tpu.memref_squeeze %dma_start3A_1992 : memref<1x32xi32, #tpu.memory_space<vmem>> -> memref<32xi32, #tpu.memory_space<vmem>>
        %dma_start3A_1994 = arith.constant 0 : i32
        %dma_start3A_1995 = arith.constant 0 : i32
        %dma_start3A_1996 = tpu.memref_slice %arg5[%dma_start3A_1994, %dma_start3A_1995] : memref<100000x32xf32, #tpu.memory_space<hbm>> -> memref<100000x32xf32, #tpu.memory_space<hbm>>
        tpu.enqueue_indirect_dma source(%dma_start3A_1996 : memref<100000x32xf32, #tpu.memory_space<hbm>>) target(%dma_start3A_1990 : memref<32x32xf32, #tpu.memory_space<vmem>>) offsets(%dma_start3A_1993 : memref<32xi32, #tpu.memory_space<vmem>>) semaphore(%arg18 : memref<!tpu.dma_semaphore, #tpu.memory_space<semaphore_mem>>)
        %dma_start3A_1997 = arith.constant 12 : i32
        %dma_start3A_1998 = arith.constant 384 : i32
        %dma_start3A_1999 = arith.constant 0 : i32
        %dma_start3A_2000 = tpu.memref_slice %arg10[%dma_start3A_1998, %dma_start3A_1999] : memref<640x16xf32, #tpu.memory_space<vmem>> -> memref<32x16xf32, #tpu.memory_space<vmem>>
        %dma_start3A_2001 = arith.constant 0 : i32
        %dma_start3A_2002 = tpu.memref_slice %arg8[%dma_start3A_1997, %dma_start3A_2001] : memref<20x32xi32, #tpu.memory_space<vmem>> -> memref<1x32xi32, #tpu.memory_space<vmem>>
        %dma_start3A_2003 = tpu.memref_squeeze %dma_start3A_2002 : memref<1x32xi32, #tpu.memory_space<vmem>> -> memref<32xi32, #tpu.memory_space<vmem>>
        %dma_start3A_2004 = arith.constant 0 : i32
        %dma_start3A_2005 = arith.constant 0 : i32
        %dma_start3A_2006 = tpu.memref_slice %arg4[%dma_start3A_2004, %dma_start3A_2005] : memref<100000x16xf32, #tpu.memory_space<hbm>> -> memref<100000x16xf32, #tpu.memory_space<hbm>>
        tpu.enqueue_indirect_dma source(%dma_start3A_2006 : memref<100000x16xf32, #tpu.memory_space<hbm>>) target(%dma_start3A_2000 : memref<32x16xf32, #tpu.memory_space<vmem>>) offsets(%dma_start3A_2003 : memref<32xi32, #tpu.memory_space<vmem>>) semaphore(%arg18 : memref<!tpu.dma_semaphore, #tpu.memory_space<semaphore_mem>>)
        %dma_start3A_2007 = arith.constant 12 : i32
        %dma_start3A_2008 = arith.constant 384 : i32
        %dma_start3A_2009 = arith.constant 0 : i32
        %dma_start3A_2010 = tpu.memref_slice %arg12[%dma_start3A_2008, %dma_start3A_2009] : memref<640x32xf32, #tpu.memory_space<vmem>> -> memref<32x32xf32, #tpu.memory_space<vmem>>
        %dma_start3A_2011 = arith.constant 0 : i32
        %dma_start3A_2012 = tpu.memref_slice %arg8[%dma_start3A_2007, %dma_start3A_2011] : memref<20x32xi32, #tpu.memory_space<vmem>> -> memref<1x32xi32, #tpu.memory_space<vmem>>
        %dma_start3A_2013 = tpu.memref_squeeze %dma_start3A_2012 : memref<1x32xi32, #tpu.memory_space<vmem>> -> memref<32xi32, #tpu.memory_space<vmem>>
        %dma_start3A_2014 = arith.constant 0 : i32
        %dma_start3A_2015 = arith.constant 0 : i32
        %dma_start3A_2016 = tpu.memref_slice %arg5[%dma_start3A_2014, %dma_start3A_2015] : memref<100000x32xf32, #tpu.memory_space<hbm>> -> memref<100000x32xf32, #tpu.memory_space<hbm>>
        tpu.enqueue_indirect_dma source(%dma_start3A_2016 : memref<100000x32xf32, #tpu.memory_space<hbm>>) target(%dma_start3A_2010 : memref<32x32xf32, #tpu.memory_space<vmem>>) offsets(%dma_start3A_2013 : memref<32xi32, #tpu.memory_space<vmem>>) semaphore(%arg18 : memref<!tpu.dma_semaphore, #tpu.memory_space<semaphore_mem>>)
        %dma_start3A_2017 = arith.constant 13 : i32
        %dma_start3A_2018 = arith.constant 416 : i32
        %dma_start3A_2019 = arith.constant 0 : i32
        %dma_start3A_2020 = tpu.memref_slice %arg10[%dma_start3A_2018, %dma_start3A_2019] : memref<640x16xf32, #tpu.memory_space<vmem>> -> memref<32x16xf32, #tpu.memory_space<vmem>>
        %dma_start3A_2021 = arith.constant 0 : i32
        %dma_start3A_2022 = tpu.memref_slice %arg8[%dma_start3A_2017, %dma_start3A_2021] : memref<20x32xi32, #tpu.memory_space<vmem>> -> memref<1x32xi32, #tpu.memory_space<vmem>>
        %dma_start3A_2023 = tpu.memref_squeeze %dma_start3A_2022 : memref<1x32xi32, #tpu.memory_space<vmem>> -> memref<32xi32, #tpu.memory_space<vmem>>
        %dma_start3A_2024 = arith.constant 0 : i32
        %dma_start3A_2025 = arith.constant 0 : i32
        %dma_start3A_2026 = tpu.memref_slice %arg4[%dma_start3A_2024, %dma_start3A_2025] : memref<100000x16xf32, #tpu.memory_space<hbm>> -> memref<100000x16xf32, #tpu.memory_space<hbm>>
        tpu.enqueue_indirect_dma source(%dma_start3A_2026 : memref<100000x16xf32, #tpu.memory_space<hbm>>) target(%dma_start3A_2020 : memref<32x16xf32, #tpu.memory_space<vmem>>) offsets(%dma_start3A_2023 : memref<32xi32, #tpu.memory_space<vmem>>) semaphore(%arg18 : memref<!tpu.dma_semaphore, #tpu.memory_space<semaphore_mem>>)
        %dma_start3A_2027 = arith.constant 13 : i32
        %dma_start3A_2028 = arith.constant 416 : i32
        %dma_start3A_2029 = arith.constant 0 : i32
        %dma_start3A_2030 = tpu.memref_slice %arg12[%dma_start3A_2028, %dma_start3A_2029] : memref<640x32xf32, #tpu.memory_space<vmem>> -> memref<32x32xf32, #tpu.memory_space<vmem>>
        %dma_start3A_2031 = arith.constant 0 : i32
        %dma_start3A_2032 = tpu.memref_slice %arg8[%dma_start3A_2027, %dma_start3A_2031] : memref<20x32xi32, #tpu.memory_space<vmem>> -> memref<1x32xi32, #tpu.memory_space<vmem>>
        %dma_start3A_2033 = tpu.memref_squeeze %dma_start3A_2032 : memref<1x32xi32, #tpu.memory_space<vmem>> -> memref<32xi32, #tpu.memory_space<vmem>>
        %dma_start3A_2034 = arith.constant 0 : i32
        %dma_start3A_2035 = arith.constant 0 : i32
        %dma_start3A_2036 = tpu.memref_slice %arg5[%dma_start3A_2034, %dma_start3A_2035] : memref<100000x32xf32, #tpu.memory_space<hbm>> -> memref<100000x32xf32, #tpu.memory_space<hbm>>
        tpu.enqueue_indirect_dma source(%dma_start3A_2036 : memref<100000x32xf32, #tpu.memory_space<hbm>>) target(%dma_start3A_2030 : memref<32x32xf32, #tpu.memory_space<vmem>>) offsets(%dma_start3A_2033 : memref<32xi32, #tpu.memory_space<vmem>>) semaphore(%arg18 : memref<!tpu.dma_semaphore, #tpu.memory_space<semaphore_mem>>)
        %dma_start3A_2037 = arith.constant 14 : i32
        %dma_start3A_2038 = arith.constant 448 : i32
        %dma_start3A_2039 = arith.constant 0 : i32
        %dma_start3A_2040 = tpu.memref_slice %arg10[%dma_start3A_2038, %dma_start3A_2039] : memref<640x16xf32, #tpu.memory_space<vmem>> -> memref<32x16xf32, #tpu.memory_space<vmem>>
        %dma_start3A_2041 = arith.constant 0 : i32
        %dma_start3A_2042 = tpu.memref_slice %arg8[%dma_start3A_2037, %dma_start3A_2041] : memref<20x32xi32, #tpu.memory_space<vmem>> -> memref<1x32xi32, #tpu.memory_space<vmem>>
        %dma_start3A_2043 = tpu.memref_squeeze %dma_start3A_2042 : memref<1x32xi32, #tpu.memory_space<vmem>> -> memref<32xi32, #tpu.memory_space<vmem>>
        %dma_start3A_2044 = arith.constant 0 : i32
        %dma_start3A_2045 = arith.constant 0 : i32
        %dma_start3A_2046 = tpu.memref_slice %arg4[%dma_start3A_2044, %dma_start3A_2045] : memref<100000x16xf32, #tpu.memory_space<hbm>> -> memref<100000x16xf32, #tpu.memory_space<hbm>>
        tpu.enqueue_indirect_dma source(%dma_start3A_2046 : memref<100000x16xf32, #tpu.memory_space<hbm>>) target(%dma_start3A_2040 : memref<32x16xf32, #tpu.memory_space<vmem>>) offsets(%dma_start3A_2043 : memref<32xi32, #tpu.memory_space<vmem>>) semaphore(%arg18 : memref<!tpu.dma_semaphore, #tpu.memory_space<semaphore_mem>>)
        %dma_start3A_2047 = arith.constant 14 : i32
        %dma_start3A_2048 = arith.constant 448 : i32
        %dma_start3A_2049 = arith.constant 0 : i32
        %dma_start3A_2050 = tpu.memref_slice %arg12[%dma_start3A_2048, %dma_start3A_2049] : memref<640x32xf32, #tpu.memory_space<vmem>> -> memref<32x32xf32, #tpu.memory_space<vmem>>
        %dma_start3A_2051 = arith.constant 0 : i32
        %dma_start3A_2052 = tpu.memref_slice %arg8[%dma_start3A_2047, %dma_start3A_2051] : memref<20x32xi32, #tpu.memory_space<vmem>> -> memref<1x32xi32, #tpu.memory_space<vmem>>
        %dma_start3A_2053 = tpu.memref_squeeze %dma_start3A_2052 : memref<1x32xi32, #tpu.memory_space<vmem>> -> memref<32xi32, #tpu.memory_space<vmem>>
        %dma_start3A_2054 = arith.constant 0 : i32
        %dma_start3A_2055 = arith.constant 0 : i32
        %dma_start3A_2056 = tpu.memref_slice %arg5[%dma_start3A_2054, %dma_start3A_2055] : memref<100000x32xf32, #tpu.memory_space<hbm>> -> memref<100000x32xf32, #tpu.memory_space<hbm>>
        tpu.enqueue_indirect_dma source(%dma_start3A_2056 : memref<100000x32xf32, #tpu.memory_space<hbm>>) target(%dma_start3A_2050 : memref<32x32xf32, #tpu.memory_space<vmem>>) offsets(%dma_start3A_2053 : memref<32xi32, #tpu.memory_space<vmem>>) semaphore(%arg18 : memref<!tpu.dma_semaphore, #tpu.memory_space<semaphore_mem>>)
        %dma_start3A_2057 = arith.constant 15 : i32
        %dma_start3A_2058 = arith.constant 480 : i32
        %dma_start3A_2059 = arith.constant 0 : i32
        %dma_start3A_2060 = tpu.memref_slice %arg10[%dma_start3A_2058, %dma_start3A_2059] : memref<640x16xf32, #tpu.memory_space<vmem>> -> memref<32x16xf32, #tpu.memory_space<vmem>>
        %dma_start3A_2061 = arith.constant 0 : i32
        %dma_start3A_2062 = tpu.memref_slice %arg8[%dma_start3A_2057, %dma_start3A_2061] : memref<20x32xi32, #tpu.memory_space<vmem>> -> memref<1x32xi32, #tpu.memory_space<vmem>>
        %dma_start3A_2063 = tpu.memref_squeeze %dma_start3A_2062 : memref<1x32xi32, #tpu.memory_space<vmem>> -> memref<32xi32, #tpu.memory_space<vmem>>
        %dma_start3A_2064 = arith.constant 0 : i32
        %dma_start3A_2065 = arith.constant 0 : i32
        %dma_start3A_2066 = tpu.memref_slice %arg4[%dma_start3A_2064, %dma_start3A_2065] : memref<100000x16xf32, #tpu.memory_space<hbm>> -> memref<100000x16xf32, #tpu.memory_space<hbm>>
        tpu.enqueue_indirect_dma source(%dma_start3A_2066 : memref<100000x16xf32, #tpu.memory_space<hbm>>) target(%dma_start3A_2060 : memref<32x16xf32, #tpu.memory_space<vmem>>) offsets(%dma_start3A_2063 : memref<32xi32, #tpu.memory_space<vmem>>) semaphore(%arg18 : memref<!tpu.dma_semaphore, #tpu.memory_space<semaphore_mem>>)
        %dma_start3A_2067 = arith.constant 15 : i32
        %dma_start3A_2068 = arith.constant 480 : i32
        %dma_start3A_2069 = arith.constant 0 : i32
        %dma_start3A_2070 = tpu.memref_slice %arg12[%dma_start3A_2068, %dma_start3A_2069] : memref<640x32xf32, #tpu.memory_space<vmem>> -> memref<32x32xf32, #tpu.memory_space<vmem>>
        %dma_start3A_2071 = arith.constant 0 : i32
        %dma_start3A_2072 = tpu.memref_slice %arg8[%dma_start3A_2067, %dma_start3A_2071] : memref<20x32xi32, #tpu.memory_space<vmem>> -> memref<1x32xi32, #tpu.memory_space<vmem>>
        %dma_start3A_2073 = tpu.memref_squeeze %dma_start3A_2072 : memref<1x32xi32, #tpu.memory_space<vmem>> -> memref<32xi32, #tpu.memory_space<vmem>>
        %dma_start3A_2074 = arith.constant 0 : i32
        %dma_start3A_2075 = arith.constant 0 : i32
        %dma_start3A_2076 = tpu.memref_slice %arg5[%dma_start3A_2074, %dma_start3A_2075] : memref<100000x32xf32, #tpu.memory_space<hbm>> -> memref<100000x32xf32, #tpu.memory_space<hbm>>
        tpu.enqueue_indirect_dma source(%dma_start3A_2076 : memref<100000x32xf32, #tpu.memory_space<hbm>>) target(%dma_start3A_2070 : memref<32x32xf32, #tpu.memory_space<vmem>>) offsets(%dma_start3A_2073 : memref<32xi32, #tpu.memory_space<vmem>>) semaphore(%arg18 : memref<!tpu.dma_semaphore, #tpu.memory_space<semaphore_mem>>)
        %dma_start3A_2077 = arith.constant 16 : i32
        %dma_start3A_2078 = arith.constant 512 : i32
        %dma_start3A_2079 = arith.constant 0 : i32
        %dma_start3A_2080 = tpu.memref_slice %arg10[%dma_start3A_2078, %dma_start3A_2079] : memref<640x16xf32, #tpu.memory_space<vmem>> -> memref<32x16xf32, #tpu.memory_space<vmem>>
        %dma_start3A_2081 = arith.constant 0 : i32
        %dma_start3A_2082 = tpu.memref_slice %arg8[%dma_start3A_2077, %dma_start3A_2081] : memref<20x32xi32, #tpu.memory_space<vmem>> -> memref<1x32xi32, #tpu.memory_space<vmem>>
        %dma_start3A_2083 = tpu.memref_squeeze %dma_start3A_2082 : memref<1x32xi32, #tpu.memory_space<vmem>> -> memref<32xi32, #tpu.memory_space<vmem>>
        %dma_start3A_2084 = arith.constant 0 : i32
        %dma_start3A_2085 = arith.constant 0 : i32
        %dma_start3A_2086 = tpu.memref_slice %arg4[%dma_start3A_2084, %dma_start3A_2085] : memref<100000x16xf32, #tpu.memory_space<hbm>> -> memref<100000x16xf32, #tpu.memory_space<hbm>>
        tpu.enqueue_indirect_dma source(%dma_start3A_2086 : memref<100000x16xf32, #tpu.memory_space<hbm>>) target(%dma_start3A_2080 : memref<32x16xf32, #tpu.memory_space<vmem>>) offsets(%dma_start3A_2083 : memref<32xi32, #tpu.memory_space<vmem>>) semaphore(%arg18 : memref<!tpu.dma_semaphore, #tpu.memory_space<semaphore_mem>>)
        %dma_start3A_2087 = arith.constant 16 : i32
        %dma_start3A_2088 = arith.constant 512 : i32
        %dma_start3A_2089 = arith.constant 0 : i32
        %dma_start3A_2090 = tpu.memref_slice %arg12[%dma_start3A_2088, %dma_start3A_2089] : memref<640x32xf32, #tpu.memory_space<vmem>> -> memref<32x32xf32, #tpu.memory_space<vmem>>
        %dma_start3A_2091 = arith.constant 0 : i32
        %dma_start3A_2092 = tpu.memref_slice %arg8[%dma_start3A_2087, %dma_start3A_2091] : memref<20x32xi32, #tpu.memory_space<vmem>> -> memref<1x32xi32, #tpu.memory_space<vmem>>
        %dma_start3A_2093 = tpu.memref_squeeze %dma_start3A_2092 : memref<1x32xi32, #tpu.memory_space<vmem>> -> memref<32xi32, #tpu.memory_space<vmem>>
        %dma_start3A_2094 = arith.constant 0 : i32
        %dma_start3A_2095 = arith.constant 0 : i32
        %dma_start3A_2096 = tpu.memref_slice %arg5[%dma_start3A_2094, %dma_start3A_2095] : memref<100000x32xf32, #tpu.memory_space<hbm>> -> memref<100000x32xf32, #tpu.memory_space<hbm>>
        tpu.enqueue_indirect_dma source(%dma_start3A_2096 : memref<100000x32xf32, #tpu.memory_space<hbm>>) target(%dma_start3A_2090 : memref<32x32xf32, #tpu.memory_space<vmem>>) offsets(%dma_start3A_2093 : memref<32xi32, #tpu.memory_space<vmem>>) semaphore(%arg18 : memref<!tpu.dma_semaphore, #tpu.memory_space<semaphore_mem>>)
        %dma_start3A_2097 = arith.constant 17 : i32
        %dma_start3A_2098 = arith.constant 544 : i32
        %dma_start3A_2099 = arith.constant 0 : i32
        %dma_start3A_2100 = tpu.memref_slice %arg10[%dma_start3A_2098, %dma_start3A_2099] : memref<640x16xf32, #tpu.memory_space<vmem>> -> memref<32x16xf32, #tpu.memory_space<vmem>>
        %dma_start3A_2101 = arith.constant 0 : i32
        %dma_start3A_2102 = tpu.memref_slice %arg8[%dma_start3A_2097, %dma_start3A_2101] : memref<20x32xi32, #tpu.memory_space<vmem>> -> memref<1x32xi32, #tpu.memory_space<vmem>>
        %dma_start3A_2103 = tpu.memref_squeeze %dma_start3A_2102 : memref<1x32xi32, #tpu.memory_space<vmem>> -> memref<32xi32, #tpu.memory_space<vmem>>
        %dma_start3A_2104 = arith.constant 0 : i32
        %dma_start3A_2105 = arith.constant 0 : i32
        %dma_start3A_2106 = tpu.memref_slice %arg4[%dma_start3A_2104, %dma_start3A_2105] : memref<100000x16xf32, #tpu.memory_space<hbm>> -> memref<100000x16xf32, #tpu.memory_space<hbm>>
        tpu.enqueue_indirect_dma source(%dma_start3A_2106 : memref<100000x16xf32, #tpu.memory_space<hbm>>) target(%dma_start3A_2100 : memref<32x16xf32, #tpu.memory_space<vmem>>) offsets(%dma_start3A_2103 : memref<32xi32, #tpu.memory_space<vmem>>) semaphore(%arg18 : memref<!tpu.dma_semaphore, #tpu.memory_space<semaphore_mem>>)
        %dma_start3A_2107 = arith.constant 17 : i32
        %dma_start3A_2108 = arith.constant 544 : i32
        %dma_start3A_2109 = arith.constant 0 : i32
        %dma_start3A_2110 = tpu.memref_slice %arg12[%dma_start3A_2108, %dma_start3A_2109] : memref<640x32xf32, #tpu.memory_space<vmem>> -> memref<32x32xf32, #tpu.memory_space<vmem>>
        %dma_start3A_2111 = arith.constant 0 : i32
        %dma_start3A_2112 = tpu.memref_slice %arg8[%dma_start3A_2107, %dma_start3A_2111] : memref<20x32xi32, #tpu.memory_space<vmem>> -> memref<1x32xi32, #tpu.memory_space<vmem>>
        %dma_start3A_2113 = tpu.memref_squeeze %dma_start3A_2112 : memref<1x32xi32, #tpu.memory_space<vmem>> -> memref<32xi32, #tpu.memory_space<vmem>>
        %dma_start3A_2114 = arith.constant 0 : i32
        %dma_start3A_2115 = arith.constant 0 : i32
        %dma_start3A_2116 = tpu.memref_slice %arg5[%dma_start3A_2114, %dma_start3A_2115] : memref<100000x32xf32, #tpu.memory_space<hbm>> -> memref<100000x32xf32, #tpu.memory_space<hbm>>
        tpu.enqueue_indirect_dma source(%dma_start3A_2116 : memref<100000x32xf32, #tpu.memory_space<hbm>>) target(%dma_start3A_2110 : memref<32x32xf32, #tpu.memory_space<vmem>>) offsets(%dma_start3A_2113 : memref<32xi32, #tpu.memory_space<vmem>>) semaphore(%arg18 : memref<!tpu.dma_semaphore, #tpu.memory_space<semaphore_mem>>)
        %dma_start3A_2117 = arith.constant 18 : i32
        %dma_start3A_2118 = arith.constant 576 : i32
        %dma_start3A_2119 = arith.constant 0 : i32
        %dma_start3A_2120 = tpu.memref_slice %arg10[%dma_start3A_2118, %dma_start3A_2119] : memref<640x16xf32, #tpu.memory_space<vmem>> -> memref<32x16xf32, #tpu.memory_space<vmem>>
        %dma_start3A_2121 = arith.constant 0 : i32
        %dma_start3A_2122 = tpu.memref_slice %arg8[%dma_start3A_2117, %dma_start3A_2121] : memref<20x32xi32, #tpu.memory_space<vmem>> -> memref<1x32xi32, #tpu.memory_space<vmem>>
        %dma_start3A_2123 = tpu.memref_squeeze %dma_start3A_2122 : memref<1x32xi32, #tpu.memory_space<vmem>> -> memref<32xi32, #tpu.memory_space<vmem>>
        %dma_start3A_2124 = arith.constant 0 : i32
        %dma_start3A_2125 = arith.constant 0 : i32
        %dma_start3A_2126 = tpu.memref_slice %arg4[%dma_start3A_2124, %dma_start3A_2125] : memref<100000x16xf32, #tpu.memory_space<hbm>> -> memref<100000x16xf32, #tpu.memory_space<hbm>>
        tpu.enqueue_indirect_dma source(%dma_start3A_2126 : memref<100000x16xf32, #tpu.memory_space<hbm>>) target(%dma_start3A_2120 : memref<32x16xf32, #tpu.memory_space<vmem>>) offsets(%dma_start3A_2123 : memref<32xi32, #tpu.memory_space<vmem>>) semaphore(%arg18 : memref<!tpu.dma_semaphore, #tpu.memory_space<semaphore_mem>>)
        %dma_start3A_2127 = arith.constant 18 : i32
        %dma_start3A_2128 = arith.constant 576 : i32
        %dma_start3A_2129 = arith.constant 0 : i32
        %dma_start3A_2130 = tpu.memref_slice %arg12[%dma_start3A_2128, %dma_start3A_2129] : memref<640x32xf32, #tpu.memory_space<vmem>> -> memref<32x32xf32, #tpu.memory_space<vmem>>
        %dma_start3A_2131 = arith.constant 0 : i32
        %dma_start3A_2132 = tpu.memref_slice %arg8[%dma_start3A_2127, %dma_start3A_2131] : memref<20x32xi32, #tpu.memory_space<vmem>> -> memref<1x32xi32, #tpu.memory_space<vmem>>
        %dma_start3A_2133 = tpu.memref_squeeze %dma_start3A_2132 : memref<1x32xi32, #tpu.memory_space<vmem>> -> memref<32xi32, #tpu.memory_space<vmem>>
        %dma_start3A_2134 = arith.constant 0 : i32
        %dma_start3A_2135 = arith.constant 0 : i32
        %dma_start3A_2136 = tpu.memref_slice %arg5[%dma_start3A_2134, %dma_start3A_2135] : memref<100000x32xf32, #tpu.memory_space<hbm>> -> memref<100000x32xf32, #tpu.memory_space<hbm>>
        tpu.enqueue_indirect_dma source(%dma_start3A_2136 : memref<100000x32xf32, #tpu.memory_space<hbm>>) target(%dma_start3A_2130 : memref<32x32xf32, #tpu.memory_space<vmem>>) offsets(%dma_start3A_2133 : memref<32xi32, #tpu.memory_space<vmem>>) semaphore(%arg18 : memref<!tpu.dma_semaphore, #tpu.memory_space<semaphore_mem>>)
        %dma_start3A_2137 = arith.constant 19 : i32
        %dma_start3A_2138 = arith.constant 608 : i32
        %dma_start3A_2139 = arith.constant 0 : i32
        %dma_start3A_2140 = tpu.memref_slice %arg10[%dma_start3A_2138, %dma_start3A_2139] : memref<640x16xf32, #tpu.memory_space<vmem>> -> memref<32x16xf32, #tpu.memory_space<vmem>>
        %dma_start3A_2141 = arith.constant 0 : i32
        %dma_start3A_2142 = tpu.memref_slice %arg8[%dma_start3A_2137, %dma_start3A_2141] : memref<20x32xi32, #tpu.memory_space<vmem>> -> memref<1x32xi32, #tpu.memory_space<vmem>>
        %dma_start3A_2143 = tpu.memref_squeeze %dma_start3A_2142 : memref<1x32xi32, #tpu.memory_space<vmem>> -> memref<32xi32, #tpu.memory_space<vmem>>
        %dma_start3A_2144 = arith.constant 0 : i32
        %dma_start3A_2145 = arith.constant 0 : i32
        %dma_start3A_2146 = tpu.memref_slice %arg4[%dma_start3A_2144, %dma_start3A_2145] : memref<100000x16xf32, #tpu.memory_space<hbm>> -> memref<100000x16xf32, #tpu.memory_space<hbm>>
        tpu.enqueue_indirect_dma source(%dma_start3A_2146 : memref<100000x16xf32, #tpu.memory_space<hbm>>) target(%dma_start3A_2140 : memref<32x16xf32, #tpu.memory_space<vmem>>) offsets(%dma_start3A_2143 : memref<32xi32, #tpu.memory_space<vmem>>) semaphore(%arg18 : memref<!tpu.dma_semaphore, #tpu.memory_space<semaphore_mem>>)
        %dma_start3A_2147 = arith.constant 19 : i32
        %dma_start3A_2148 = arith.constant 608 : i32
        %dma_start3A_2149 = arith.constant 0 : i32
        %dma_start3A_2150 = tpu.memref_slice %arg12[%dma_start3A_2148, %dma_start3A_2149] : memref<640x32xf32, #tpu.memory_space<vmem>> -> memref<32x32xf32, #tpu.memory_space<vmem>>
        %dma_start3A_2151 = arith.constant 0 : i32
        %dma_start3A_2152 = tpu.memref_slice %arg8[%dma_start3A_2147, %dma_start3A_2151] : memref<20x32xi32, #tpu.memory_space<vmem>> -> memref<1x32xi32, #tpu.memory_space<vmem>>
        %dma_start3A_2153 = tpu.memref_squeeze %dma_start3A_2152 : memref<1x32xi32, #tpu.memory_space<vmem>> -> memref<32xi32, #tpu.memory_space<vmem>>
        %dma_start3A_2154 = arith.constant 0 : i32
        %dma_start3A_2155 = arith.constant 0 : i32
        %dma_start3A_2156 = tpu.memref_slice %arg5[%dma_start3A_2154, %dma_start3A_2155] : memref<100000x32xf32, #tpu.memory_space<hbm>> -> memref<100000x32xf32, #tpu.memory_space<hbm>>
        tpu.enqueue_indirect_dma source(%dma_start3A_2156 : memref<100000x32xf32, #tpu.memory_space<hbm>>) target(%dma_start3A_2150 : memref<32x32xf32, #tpu.memory_space<vmem>>) offsets(%dma_start3A_2153 : memref<32xi32, #tpu.memory_space<vmem>>) semaphore(%arg18 : memref<!tpu.dma_semaphore, #tpu.memory_space<semaphore_mem>>)
        %add3A_2157 = arith.constant 64 : i32
        %add3A_2158 = arith.addi %add3A_506, %add3A_2157 : i32
        %dma_start3A_2159 = arith.constant 0 : i32
        %dma_start3A_2160 = tpu.memref_slice %arg2[%dma_start3A_2159, %add3A_2158] : memref<20x16384xi32, #tpu.memory_space<hbm>> -> memref<20x32xi32, #tpu.memory_space<hbm>>
        %dma_start3A_2161 = arith.constant 0 : i32
        %dma_start3A_2162 = tpu.memref_slice %arg2[%dma_start3A_2161, %add3A_2158] : memref<20x16384xi32, #tpu.memory_space<hbm>> -> memref<20x32xi32, #tpu.memory_space<hbm>>
        tpu.enqueue_dma source(%dma_start3A_2162 : memref<20x32xi32, #tpu.memory_space<hbm>>) target(%arg9 : memref<20x32xi32, #tpu.memory_space<vmem>>) target_semaphore(%arg21 : memref<!tpu.dma_semaphore, #tpu.memory_space<semaphore_mem>>)
      } else {
      }
      %gt3A_1732 = arith.constant 0 : i32
      %gt3A_1733 = arith.cmpi sgt, %scan3A_499, %gt3A_1732 : i32
      %convert_element_type3A_1734 = arith.extui %gt3A_1733 : i1 to i32
      %cond3A_1735 = arith.constant 0 : i32
      %cond3A_1736 = arith.cmpi ne, %convert_element_type3A_1734, %cond3A_1735 : i32
      scf.if %cond3A_1736 {
        %dma_wait3A_1751 = arith.constant 0 : i32
        %dma_wait3A_1752 = tpu.memref_slice %arg7[%mul3A_2, %dma_wait3A_1751] : memref<16384x128xf32, #tpu.memory_space<hbm>> -> memref<32x128xf32, #tpu.memory_space<hbm>>
        %dma_wait3A_1753 = arith.constant 0 : i32
        %dma_wait3A_1754 = tpu.memref_slice %arg7[%mul3A_2, %dma_wait3A_1753] : memref<16384x128xf32, #tpu.memory_space<hbm>> -> memref<32x128xf32, #tpu.memory_space<hbm>>
        tpu.wait_dma2 semaphore(%arg23 : memref<!tpu.dma_semaphore, #tpu.memory_space<semaphore_mem>>) src(%arg15 : memref<32x128xf32, #tpu.memory_space<vmem>>) dst(%dma_wait3A_1754 : memref<32x128xf32, #tpu.memory_space<hbm>>)
      } else {
      }
      %mul3A_1737 = arith.constant 2 : i32
      %mul3A_1738 = arith.muli %mul3A_1737, %scan3A_499 : i32
      %add3A_1739 = arith.constant 1 : i32
      %add3A_1740 = arith.addi %mul3A_1738, %add3A_1739 : i32
      %scan3A_1741 = arith.constant 0 : i32
      %scan3A_1742 = arith.constant 0 : i32
      %scan3A_1743 = arith.constant 32 : i32
      %scan3A_1744 = arith.addi %scan3A_1742, %scan3A_1743 : i32
      %scan3A_1745 = arith.constant 1 : i32
      scf.for %scan3A_1751 = %scan3A_1742 to %scan3A_1744 step %scan3A_1745  : i32 {
        %get3A = arith.index_cast %scan3A_1751 : i32 to index
        %get3A_1752 = arith.constant 0 : index
        %get3A_1753 = tpu.vector_load %arg11[%get3A, %get3A_1752] {strides = array<i32>} : memref<640x16xf32, #tpu.memory_space<vmem>>, vector<1x16xf32>,
        %get3A_1754 = vector.shape_cast %get3A_1753 : vector<1x16xf32> to vector<16xf32>
        %get3A_1755 = arith.index_cast %scan3A_1751 : i32 to index
        %get3A_1756 = arith.constant 0 : index
        %get3A_1757 = tpu.vector_load %arg13[%get3A_1755, %get3A_1756] {strides = array<i32>} : memref<640x32xf32, #tpu.memory_space<vmem>>, vector<1x16xf32>,
        %get3A_1758 = vector.shape_cast %get3A_1757 : vector<1x16xf32> to vector<16xf32>
        %get3A_1759 = arith.index_cast %scan3A_1751 : i32 to index
        %get3A_1760 = arith.constant 16 : index
        %get3A_1761 = tpu.vector_load %arg13[%get3A_1759, %get3A_1760] {strides = array<i32>} : memref<640x32xf32, #tpu.memory_space<vmem>>, vector<1x16xf32>,
        %get3A_1762 = vector.shape_cast %get3A_1761 : vector<1x16xf32> to vector<16xf32>
        %add3A_1763 = arith.constant 32 : i32
        %add3A_1764 = arith.addi %add3A_1763, %scan3A_1751 : i32
        %get3A_1765 = arith.index_cast %add3A_1764 : i32 to index
        %get3A_1766 = arith.constant 0 : index
        %get3A_1767 = tpu.vector_load %arg11[%get3A_1765, %get3A_1766] {strides = array<i32>} : memref<640x16xf32, #tpu.memory_space<vmem>>, vector<1x16xf32>,
        %get3A_1768 = vector.shape_cast %get3A_1767 : vector<1x16xf32> to vector<16xf32>
        %add3A_1769 = arith.addf %get3A_1754, %get3A_1768 : vector<16xf32>
        %add3A_1770 = arith.constant 32 : i32
        %add3A_1771 = arith.addi %add3A_1770, %scan3A_1751 : i32
        %get3A_1772 = arith.index_cast %add3A_1771 : i32 to index
        %get3A_1773 = arith.constant 0 : index
        %get3A_1774 = tpu.vector_load %arg13[%get3A_1772, %get3A_1773] {strides = array<i32>} : memref<640x32xf32, #tpu.memory_space<vmem>>, vector<1x16xf32>,
        %get3A_1775 = vector.shape_cast %get3A_1774 : vector<1x16xf32> to vector<16xf32>
        %add3A_1776 = arith.addf %get3A_1758, %get3A_1775 : vector<16xf32>
        %add3A_1777 = arith.constant 32 : i32
        %add3A_1778 = arith.addi %add3A_1777, %scan3A_1751 : i32
        %get3A_1779 = arith.index_cast %add3A_1778 : i32 to index
        %get3A_1780 = arith.constant 16 : index
        %get3A_1781 = tpu.vector_load %arg13[%get3A_1779, %get3A_1780] {strides = array<i32>} : memref<640x32xf32, #tpu.memory_space<vmem>>, vector<1x16xf32>,
        %get3A_1782 = vector.shape_cast %get3A_1781 : vector<1x16xf32> to vector<16xf32>
        %add3A_1783 = arith.addf %get3A_1762, %get3A_1782 : vector<16xf32>
        %add3A_1784 = arith.constant 64 : i32
        %add3A_1785 = arith.addi %add3A_1784, %scan3A_1751 : i32
        %get3A_1786 = arith.index_cast %add3A_1785 : i32 to index
        %get3A_1787 = arith.constant 0 : index
        %get3A_1788 = tpu.vector_load %arg11[%get3A_1786, %get3A_1787] {strides = array<i32>} : memref<640x16xf32, #tpu.memory_space<vmem>>, vector<1x16xf32>,
        %get3A_1789 = vector.shape_cast %get3A_1788 : vector<1x16xf32> to vector<16xf32>
        %add3A_1790 = arith.addf %add3A_1769, %get3A_1789 : vector<16xf32>
        %add3A_1791 = arith.constant 64 : i32
        %add3A_1792 = arith.addi %add3A_1791, %scan3A_1751 : i32
        %get3A_1793 = arith.index_cast %add3A_1792 : i32 to index
        %get3A_1794 = arith.constant 0 : index
        %get3A_1795 = tpu.vector_load %arg13[%get3A_1793, %get3A_1794] {strides = array<i32>} : memref<640x32xf32, #tpu.memory_space<vmem>>, vector<1x16xf32>,
        %get3A_1796 = vector.shape_cast %get3A_1795 : vector<1x16xf32> to vector<16xf32>
        %add3A_1797 = arith.addf %add3A_1776, %get3A_1796 : vector<16xf32>
        %add3A_1798 = arith.constant 64 : i32
        %add3A_1799 = arith.addi %add3A_1798, %scan3A_1751 : i32
        %get3A_1800 = arith.index_cast %add3A_1799 : i32 to index
        %get3A_1801 = arith.constant 16 : index
        %get3A_1802 = tpu.vector_load %arg13[%get3A_1800, %get3A_1801] {strides = array<i32>} : memref<640x32xf32, #tpu.memory_space<vmem>>, vector<1x16xf32>,
        %get3A_1803 = vector.shape_cast %get3A_1802 : vector<1x16xf32> to vector<16xf32>
        %add3A_1804 = arith.addf %add3A_1783, %get3A_1803 : vector<16xf32>
        %add3A_1805 = arith.constant 96 : i32
        %add3A_1806 = arith.addi %add3A_1805, %scan3A_1751 : i32
        %get3A_1807 = arith.index_cast %add3A_1806 : i32 to index
        %get3A_1808 = arith.constant 0 : index
        %get3A_1809 = tpu.vector_load %arg11[%get3A_1807, %get3A_1808] {strides = array<i32>} : memref<640x16xf32, #tpu.memory_space<vmem>>, vector<1x16xf32>,
        %get3A_1810 = vector.shape_cast %get3A_1809 : vector<1x16xf32> to vector<16xf32>
        %add3A_1811 = arith.addf %add3A_1790, %get3A_1810 : vector<16xf32>
        %add3A_1812 = arith.constant 96 : i32
        %add3A_1813 = arith.addi %add3A_1812, %scan3A_1751 : i32
        %get3A_1814 = arith.index_cast %add3A_1813 : i32 to index
        %get3A_1815 = arith.constant 0 : index
        %get3A_1816 = tpu.vector_load %arg13[%get3A_1814, %get3A_1815] {strides = array<i32>} : memref<640x32xf32, #tpu.memory_space<vmem>>, vector<1x16xf32>,
        %get3A_1817 = vector.shape_cast %get3A_1816 : vector<1x16xf32> to vector<16xf32>
        %add3A_1818 = arith.addf %add3A_1797, %get3A_1817 : vector<16xf32>
        %add3A_1819 = arith.constant 96 : i32
        %add3A_1820 = arith.addi %add3A_1819, %scan3A_1751 : i32
        %get3A_1821 = arith.index_cast %add3A_1820 : i32 to index
        %get3A_1822 = arith.constant 16 : index
        %get3A_1823 = tpu.vector_load %arg13[%get3A_1821, %get3A_1822] {strides = array<i32>} : memref<640x32xf32, #tpu.memory_space<vmem>>, vector<1x16xf32>,
        %get3A_1824 = vector.shape_cast %get3A_1823 : vector<1x16xf32> to vector<16xf32>
        %add3A_1825 = arith.addf %add3A_1804, %get3A_1824 : vector<16xf32>
        %add3A_1826 = arith.constant 128 : i32
        %add3A_1827 = arith.addi %add3A_1826, %scan3A_1751 : i32
        %get3A_1828 = arith.index_cast %add3A_1827 : i32 to index
        %get3A_1829 = arith.constant 0 : index
        %get3A_1830 = tpu.vector_load %arg11[%get3A_1828, %get3A_1829] {strides = array<i32>} : memref<640x16xf32, #tpu.memory_space<vmem>>, vector<1x16xf32>,
        %get3A_1831 = vector.shape_cast %get3A_1830 : vector<1x16xf32> to vector<16xf32>
        %add3A_1832 = arith.addf %add3A_1811, %get3A_1831 : vector<16xf32>
        %add3A_1833 = arith.constant 128 : i32
        %add3A_1834 = arith.addi %add3A_1833, %scan3A_1751 : i32
        %get3A_1835 = arith.index_cast %add3A_1834 : i32 to index
        %get3A_1836 = arith.constant 0 : index
        %get3A_1837 = tpu.vector_load %arg13[%get3A_1835, %get3A_1836] {strides = array<i32>} : memref<640x32xf32, #tpu.memory_space<vmem>>, vector<1x16xf32>,
        %get3A_1838 = vector.shape_cast %get3A_1837 : vector<1x16xf32> to vector<16xf32>
        %add3A_1839 = arith.addf %add3A_1818, %get3A_1838 : vector<16xf32>
        %add3A_1840 = arith.constant 128 : i32
        %add3A_1841 = arith.addi %add3A_1840, %scan3A_1751 : i32
        %get3A_1842 = arith.index_cast %add3A_1841 : i32 to index
        %get3A_1843 = arith.constant 16 : index
        %get3A_1844 = tpu.vector_load %arg13[%get3A_1842, %get3A_1843] {strides = array<i32>} : memref<640x32xf32, #tpu.memory_space<vmem>>, vector<1x16xf32>,
        %get3A_1845 = vector.shape_cast %get3A_1844 : vector<1x16xf32> to vector<16xf32>
        %add3A_1846 = arith.addf %add3A_1825, %get3A_1845 : vector<16xf32>
        %add3A_1847 = arith.constant 160 : i32
        %add3A_1848 = arith.addi %add3A_1847, %scan3A_1751 : i32
        %get3A_1849 = arith.index_cast %add3A_1848 : i32 to index
        %get3A_1850 = arith.constant 0 : index
        %get3A_1851 = tpu.vector_load %arg11[%get3A_1849, %get3A_1850] {strides = array<i32>} : memref<640x16xf32, #tpu.memory_space<vmem>>, vector<1x16xf32>,
        %get3A_1852 = vector.shape_cast %get3A_1851 : vector<1x16xf32> to vector<16xf32>
        %add3A_1853 = arith.addf %add3A_1832, %get3A_1852 : vector<16xf32>
        %add3A_1854 = arith.constant 160 : i32
        %add3A_1855 = arith.addi %add3A_1854, %scan3A_1751 : i32
        %get3A_1856 = arith.index_cast %add3A_1855 : i32 to index
        %get3A_1857 = arith.constant 0 : index
        %get3A_1858 = tpu.vector_load %arg13[%get3A_1856, %get3A_1857] {strides = array<i32>} : memref<640x32xf32, #tpu.memory_space<vmem>>, vector<1x16xf32>,
        %get3A_1859 = vector.shape_cast %get3A_1858 : vector<1x16xf32> to vector<16xf32>
        %add3A_1860 = arith.addf %add3A_1839, %get3A_1859 : vector<16xf32>
        %add3A_1861 = arith.constant 160 : i32
        %add3A_1862 = arith.addi %add3A_1861, %scan3A_1751 : i32
        %get3A_1863 = arith.index_cast %add3A_1862 : i32 to index
        %get3A_1864 = arith.constant 16 : index
        %get3A_1865 = tpu.vector_load %arg13[%get3A_1863, %get3A_1864] {strides = array<i32>} : memref<640x32xf32, #tpu.memory_space<vmem>>, vector<1x16xf32>,
        %get3A_1866 = vector.shape_cast %get3A_1865 : vector<1x16xf32> to vector<16xf32>
        %add3A_1867 = arith.addf %add3A_1846, %get3A_1866 : vector<16xf32>
        %add3A_1868 = arith.constant 192 : i32
        %add3A_1869 = arith.addi %add3A_1868, %scan3A_1751 : i32
        %get3A_1870 = arith.index_cast %add3A_1869 : i32 to index
        %get3A_1871 = arith.constant 0 : index
        %get3A_1872 = tpu.vector_load %arg11[%get3A_1870, %get3A_1871] {strides = array<i32>} : memref<640x16xf32, #tpu.memory_space<vmem>>, vector<1x16xf32>,
        %get3A_1873 = vector.shape_cast %get3A_1872 : vector<1x16xf32> to vector<16xf32>
        %add3A_1874 = arith.addf %add3A_1853, %get3A_1873 : vector<16xf32>
        %add3A_1875 = arith.constant 192 : i32
        %add3A_1876 = arith.addi %add3A_1875, %scan3A_1751 : i32
        %get3A_1877 = arith.index_cast %add3A_1876 : i32 to index
        %get3A_1878 = arith.constant 0 : index
        %get3A_1879 = tpu.vector_load %arg13[%get3A_1877, %get3A_1878] {strides = array<i32>} : memref<640x32xf32, #tpu.memory_space<vmem>>, vector<1x16xf32>,
        %get3A_1880 = vector.shape_cast %get3A_1879 : vector<1x16xf32> to vector<16xf32>
        %add3A_1881 = arith.addf %add3A_1860, %get3A_1880 : vector<16xf32>
        %add3A_1882 = arith.constant 192 : i32
        %add3A_1883 = arith.addi %add3A_1882, %scan3A_1751 : i32
        %get3A_1884 = arith.index_cast %add3A_1883 : i32 to index
        %get3A_1885 = arith.constant 16 : index
        %get3A_1886 = tpu.vector_load %arg13[%get3A_1884, %get3A_1885] {strides = array<i32>} : memref<640x32xf32, #tpu.memory_space<vmem>>, vector<1x16xf32>,
        %get3A_1887 = vector.shape_cast %get3A_1886 : vector<1x16xf32> to vector<16xf32>
        %add3A_1888 = arith.addf %add3A_1867, %get3A_1887 : vector<16xf32>
        %add3A_1889 = arith.constant 224 : i32
        %add3A_1890 = arith.addi %add3A_1889, %scan3A_1751 : i32
        %get3A_1891 = arith.index_cast %add3A_1890 : i32 to index
        %get3A_1892 = arith.constant 0 : index
        %get3A_1893 = tpu.vector_load %arg11[%get3A_1891, %get3A_1892] {strides = array<i32>} : memref<640x16xf32, #tpu.memory_space<vmem>>, vector<1x16xf32>,
        %get3A_1894 = vector.shape_cast %get3A_1893 : vector<1x16xf32> to vector<16xf32>
        %add3A_1895 = arith.addf %add3A_1874, %get3A_1894 : vector<16xf32>
        %add3A_1896 = arith.constant 224 : i32
        %add3A_1897 = arith.addi %add3A_1896, %scan3A_1751 : i32
        %get3A_1898 = arith.index_cast %add3A_1897 : i32 to index
        %get3A_1899 = arith.constant 0 : index
        %get3A_1900 = tpu.vector_load %arg13[%get3A_1898, %get3A_1899] {strides = array<i32>} : memref<640x32xf32, #tpu.memory_space<vmem>>, vector<1x16xf32>,
        %get3A_1901 = vector.shape_cast %get3A_1900 : vector<1x16xf32> to vector<16xf32>
        %add3A_1902 = arith.addf %add3A_1881, %get3A_1901 : vector<16xf32>
        %add3A_1903 = arith.constant 224 : i32
        %add3A_1904 = arith.addi %add3A_1903, %scan3A_1751 : i32
        %get3A_1905 = arith.index_cast %add3A_1904 : i32 to index
        %get3A_1906 = arith.constant 16 : index
        %get3A_1907 = tpu.vector_load %arg13[%get3A_1905, %get3A_1906] {strides = array<i32>} : memref<640x32xf32, #tpu.memory_space<vmem>>, vector<1x16xf32>,
        %get3A_1908 = vector.shape_cast %get3A_1907 : vector<1x16xf32> to vector<16xf32>
        %add3A_1909 = arith.addf %add3A_1888, %get3A_1908 : vector<16xf32>
        %add3A_1910 = arith.constant 256 : i32
        %add3A_1911 = arith.addi %add3A_1910, %scan3A_1751 : i32
        %get3A_1912 = arith.index_cast %add3A_1911 : i32 to index
        %get3A_1913 = arith.constant 0 : index
        %get3A_1914 = tpu.vector_load %arg11[%get3A_1912, %get3A_1913] {strides = array<i32>} : memref<640x16xf32, #tpu.memory_space<vmem>>, vector<1x16xf32>,
        %get3A_1915 = vector.shape_cast %get3A_1914 : vector<1x16xf32> to vector<16xf32>
        %add3A_1916 = arith.addf %add3A_1895, %get3A_1915 : vector<16xf32>
        %add3A_1917 = arith.constant 256 : i32
        %add3A_1918 = arith.addi %add3A_1917, %scan3A_1751 : i32
        %get3A_1919 = arith.index_cast %add3A_1918 : i32 to index
        %get3A_1920 = arith.constant 0 : index
        %get3A_1921 = tpu.vector_load %arg13[%get3A_1919, %get3A_1920] {strides = array<i32>} : memref<640x32xf32, #tpu.memory_space<vmem>>, vector<1x16xf32>,
        %get3A_1922 = vector.shape_cast %get3A_1921 : vector<1x16xf32> to vector<16xf32>
        %add3A_1923 = arith.addf %add3A_1902, %get3A_1922 : vector<16xf32>
        %add3A_1924 = arith.constant 256 : i32
        %add3A_1925 = arith.addi %add3A_1924, %scan3A_1751 : i32
        %get3A_1926 = arith.index_cast %add3A_1925 : i32 to index
        %get3A_1927 = arith.constant 16 : index
        %get3A_1928 = tpu.vector_load %arg13[%get3A_1926, %get3A_1927] {strides = array<i32>} : memref<640x32xf32, #tpu.memory_space<vmem>>, vector<1x16xf32>,
        %get3A_1929 = vector.shape_cast %get3A_1928 : vector<1x16xf32> to vector<16xf32>
        %add3A_1930 = arith.addf %add3A_1909, %get3A_1929 : vector<16xf32>
        %add3A_1931 = arith.constant 288 : i32
        %add3A_1932 = arith.addi %add3A_1931, %scan3A_1751 : i32
        %get3A_1933 = arith.index_cast %add3A_1932 : i32 to index
        %get3A_1934 = arith.constant 0 : index
        %get3A_1935 = tpu.vector_load %arg11[%get3A_1933, %get3A_1934] {strides = array<i32>} : memref<640x16xf32, #tpu.memory_space<vmem>>, vector<1x16xf32>,
        %get3A_1936 = vector.shape_cast %get3A_1935 : vector<1x16xf32> to vector<16xf32>
        %add3A_1937 = arith.addf %add3A_1916, %get3A_1936 : vector<16xf32>
        %add3A_1938 = arith.constant 288 : i32
        %add3A_1939 = arith.addi %add3A_1938, %scan3A_1751 : i32
        %get3A_1940 = arith.index_cast %add3A_1939 : i32 to index
        %get3A_1941 = arith.constant 0 : index
        %get3A_1942 = tpu.vector_load %arg13[%get3A_1940, %get3A_1941] {strides = array<i32>} : memref<640x32xf32, #tpu.memory_space<vmem>>, vector<1x16xf32>,
        %get3A_1943 = vector.shape_cast %get3A_1942 : vector<1x16xf32> to vector<16xf32>
        %add3A_1944 = arith.addf %add3A_1923, %get3A_1943 : vector<16xf32>
        %add3A_1945 = arith.constant 288 : i32
        %add3A_1946 = arith.addi %add3A_1945, %scan3A_1751 : i32
        %get3A_1947 = arith.index_cast %add3A_1946 : i32 to index
        %get3A_1948 = arith.constant 16 : index
        %get3A_1949 = tpu.vector_load %arg13[%get3A_1947, %get3A_1948] {strides = array<i32>} : memref<640x32xf32, #tpu.memory_space<vmem>>, vector<1x16xf32>,
        %get3A_1950 = vector.shape_cast %get3A_1949 : vector<1x16xf32> to vector<16xf32>
        %add3A_1951 = arith.addf %add3A_1930, %get3A_1950 : vector<16xf32>
        %add3A_1952 = arith.constant 320 : i32
        %add3A_1953 = arith.addi %add3A_1952, %scan3A_1751 : i32
        %get3A_1954 = arith.index_cast %add3A_1953 : i32 to index
        %get3A_1955 = arith.constant 0 : index
        %get3A_1956 = tpu.vector_load %arg11[%get3A_1954, %get3A_1955] {strides = array<i32>} : memref<640x16xf32, #tpu.memory_space<vmem>>, vector<1x16xf32>,
        %get3A_1957 = vector.shape_cast %get3A_1956 : vector<1x16xf32> to vector<16xf32>
        %add3A_1958 = arith.addf %add3A_1937, %get3A_1957 : vector<16xf32>
        %add3A_1959 = arith.constant 320 : i32
        %add3A_1960 = arith.addi %add3A_1959, %scan3A_1751 : i32
        %get3A_1961 = arith.index_cast %add3A_1960 : i32 to index
        %get3A_1962 = arith.constant 0 : index
        %get3A_1963 = tpu.vector_load %arg13[%get3A_1961, %get3A_1962] {strides = array<i32>} : memref<640x32xf32, #tpu.memory_space<vmem>>, vector<1x16xf32>,
        %get3A_1964 = vector.shape_cast %get3A_1963 : vector<1x16xf32> to vector<16xf32>
        %add3A_1965 = arith.addf %add3A_1944, %get3A_1964 : vector<16xf32>
        %add3A_1966 = arith.constant 320 : i32
        %add3A_1967 = arith.addi %add3A_1966, %scan3A_1751 : i32
        %get3A_1968 = arith.index_cast %add3A_1967 : i32 to index
        %get3A_1969 = arith.constant 16 : index
        %get3A_1970 = tpu.vector_load %arg13[%get3A_1968, %get3A_1969] {strides = array<i32>} : memref<640x32xf32, #tpu.memory_space<vmem>>, vector<1x16xf32>,
        %get3A_1971 = vector.shape_cast %get3A_1970 : vector<1x16xf32> to vector<16xf32>
        %add3A_1972 = arith.addf %add3A_1951, %get3A_1971 : vector<16xf32>
        %add3A_1973 = arith.constant 352 : i32
        %add3A_1974 = arith.addi %add3A_1973, %scan3A_1751 : i32
        %get3A_1975 = arith.index_cast %add3A_1974 : i32 to index
        %get3A_1976 = arith.constant 0 : index
        %get3A_1977 = tpu.vector_load %arg11[%get3A_1975, %get3A_1976] {strides = array<i32>} : memref<640x16xf32, #tpu.memory_space<vmem>>, vector<1x16xf32>,
        %get3A_1978 = vector.shape_cast %get3A_1977 : vector<1x16xf32> to vector<16xf32>
        %add3A_1979 = arith.addf %add3A_1958, %get3A_1978 : vector<16xf32>
        %add3A_1980 = arith.constant 352 : i32
        %add3A_1981 = arith.addi %add3A_1980, %scan3A_1751 : i32
        %get3A_1982 = arith.index_cast %add3A_1981 : i32 to index
        %get3A_1983 = arith.constant 0 : index
        %get3A_1984 = tpu.vector_load %arg13[%get3A_1982, %get3A_1983] {strides = array<i32>} : memref<640x32xf32, #tpu.memory_space<vmem>>, vector<1x16xf32>,
        %get3A_1985 = vector.shape_cast %get3A_1984 : vector<1x16xf32> to vector<16xf32>
        %add3A_1986 = arith.addf %add3A_1965, %get3A_1985 : vector<16xf32>
        %add3A_1987 = arith.constant 352 : i32
        %add3A_1988 = arith.addi %add3A_1987, %scan3A_1751 : i32
        %get3A_1989 = arith.index_cast %add3A_1988 : i32 to index
        %get3A_1990 = arith.constant 16 : index
        %get3A_1991 = tpu.vector_load %arg13[%get3A_1989, %get3A_1990] {strides = array<i32>} : memref<640x32xf32, #tpu.memory_space<vmem>>, vector<1x16xf32>,
        %get3A_1992 = vector.shape_cast %get3A_1991 : vector<1x16xf32> to vector<16xf32>
        %add3A_1993 = arith.addf %add3A_1972, %get3A_1992 : vector<16xf32>
        %add3A_1994 = arith.constant 384 : i32
        %add3A_1995 = arith.addi %add3A_1994, %scan3A_1751 : i32
        %get3A_1996 = arith.index_cast %add3A_1995 : i32 to index
        %get3A_1997 = arith.constant 0 : index
        %get3A_1998 = tpu.vector_load %arg11[%get3A_1996, %get3A_1997] {strides = array<i32>} : memref<640x16xf32, #tpu.memory_space<vmem>>, vector<1x16xf32>,
        %get3A_1999 = vector.shape_cast %get3A_1998 : vector<1x16xf32> to vector<16xf32>
        %add3A_2000 = arith.addf %add3A_1979, %get3A_1999 : vector<16xf32>
        %add3A_2001 = arith.constant 384 : i32
        %add3A_2002 = arith.addi %add3A_2001, %scan3A_1751 : i32
        %get3A_2003 = arith.index_cast %add3A_2002 : i32 to index
        %get3A_2004 = arith.constant 0 : index
        %get3A_2005 = tpu.vector_load %arg13[%get3A_2003, %get3A_2004] {strides = array<i32>} : memref<640x32xf32, #tpu.memory_space<vmem>>, vector<1x16xf32>,
        %get3A_2006 = vector.shape_cast %get3A_2005 : vector<1x16xf32> to vector<16xf32>
        %add3A_2007 = arith.addf %add3A_1986, %get3A_2006 : vector<16xf32>
        %add3A_2008 = arith.constant 384 : i32
        %add3A_2009 = arith.addi %add3A_2008, %scan3A_1751 : i32
        %get3A_2010 = arith.index_cast %add3A_2009 : i32 to index
        %get3A_2011 = arith.constant 16 : index
        %get3A_2012 = tpu.vector_load %arg13[%get3A_2010, %get3A_2011] {strides = array<i32>} : memref<640x32xf32, #tpu.memory_space<vmem>>, vector<1x16xf32>,
        %get3A_2013 = vector.shape_cast %get3A_2012 : vector<1x16xf32> to vector<16xf32>
        %add3A_2014 = arith.addf %add3A_1993, %get3A_2013 : vector<16xf32>
        %add3A_2015 = arith.constant 416 : i32
        %add3A_2016 = arith.addi %add3A_2015, %scan3A_1751 : i32
        %get3A_2017 = arith.index_cast %add3A_2016 : i32 to index
        %get3A_2018 = arith.constant 0 : index
        %get3A_2019 = tpu.vector_load %arg11[%get3A_2017, %get3A_2018] {strides = array<i32>} : memref<640x16xf32, #tpu.memory_space<vmem>>, vector<1x16xf32>,
        %get3A_2020 = vector.shape_cast %get3A_2019 : vector<1x16xf32> to vector<16xf32>
        %add3A_2021 = arith.addf %add3A_2000, %get3A_2020 : vector<16xf32>
        %add3A_2022 = arith.constant 416 : i32
        %add3A_2023 = arith.addi %add3A_2022, %scan3A_1751 : i32
        %get3A_2024 = arith.index_cast %add3A_2023 : i32 to index
        %get3A_2025 = arith.constant 0 : index
        %get3A_2026 = tpu.vector_load %arg13[%get3A_2024, %get3A_2025] {strides = array<i32>} : memref<640x32xf32, #tpu.memory_space<vmem>>, vector<1x16xf32>,
        %get3A_2027 = vector.shape_cast %get3A_2026 : vector<1x16xf32> to vector<16xf32>
        %add3A_2028 = arith.addf %add3A_2007, %get3A_2027 : vector<16xf32>
        %add3A_2029 = arith.constant 416 : i32
        %add3A_2030 = arith.addi %add3A_2029, %scan3A_1751 : i32
        %get3A_2031 = arith.index_cast %add3A_2030 : i32 to index
        %get3A_2032 = arith.constant 16 : index
        %get3A_2033 = tpu.vector_load %arg13[%get3A_2031, %get3A_2032] {strides = array<i32>} : memref<640x32xf32, #tpu.memory_space<vmem>>, vector<1x16xf32>,
        %get3A_2034 = vector.shape_cast %get3A_2033 : vector<1x16xf32> to vector<16xf32>
        %add3A_2035 = arith.addf %add3A_2014, %get3A_2034 : vector<16xf32>
        %add3A_2036 = arith.constant 448 : i32
        %add3A_2037 = arith.addi %add3A_2036, %scan3A_1751 : i32
        %get3A_2038 = arith.index_cast %add3A_2037 : i32 to index
        %get3A_2039 = arith.constant 0 : index
        %get3A_2040 = tpu.vector_load %arg11[%get3A_2038, %get3A_2039] {strides = array<i32>} : memref<640x16xf32, #tpu.memory_space<vmem>>, vector<1x16xf32>,
        %get3A_2041 = vector.shape_cast %get3A_2040 : vector<1x16xf32> to vector<16xf32>
        %add3A_2042 = arith.addf %add3A_2021, %get3A_2041 : vector<16xf32>
        %add3A_2043 = arith.constant 448 : i32
        %add3A_2044 = arith.addi %add3A_2043, %scan3A_1751 : i32
        %get3A_2045 = arith.index_cast %add3A_2044 : i32 to index
        %get3A_2046 = arith.constant 0 : index
        %get3A_2047 = tpu.vector_load %arg13[%get3A_2045, %get3A_2046] {strides = array<i32>} : memref<640x32xf32, #tpu.memory_space<vmem>>, vector<1x16xf32>,
        %get3A_2048 = vector.shape_cast %get3A_2047 : vector<1x16xf32> to vector<16xf32>
        %add3A_2049 = arith.addf %add3A_2028, %get3A_2048 : vector<16xf32>
        %add3A_2050 = arith.constant 448 : i32
        %add3A_2051 = arith.addi %add3A_2050, %scan3A_1751 : i32
        %get3A_2052 = arith.index_cast %add3A_2051 : i32 to index
        %get3A_2053 = arith.constant 16 : index
        %get3A_2054 = tpu.vector_load %arg13[%get3A_2052, %get3A_2053] {strides = array<i32>} : memref<640x32xf32, #tpu.memory_space<vmem>>, vector<1x16xf32>,
        %get3A_2055 = vector.shape_cast %get3A_2054 : vector<1x16xf32> to vector<16xf32>
        %add3A_2056 = arith.addf %add3A_2035, %get3A_2055 : vector<16xf32>
        %add3A_2057 = arith.constant 480 : i32
        %add3A_2058 = arith.addi %add3A_2057, %scan3A_1751 : i32
        %get3A_2059 = arith.index_cast %add3A_2058 : i32 to index
        %get3A_2060 = arith.constant 0 : index
        %get3A_2061 = tpu.vector_load %arg11[%get3A_2059, %get3A_2060] {strides = array<i32>} : memref<640x16xf32, #tpu.memory_space<vmem>>, vector<1x16xf32>,
        %get3A_2062 = vector.shape_cast %get3A_2061 : vector<1x16xf32> to vector<16xf32>
        %add3A_2063 = arith.addf %add3A_2042, %get3A_2062 : vector<16xf32>
        %add3A_2064 = arith.constant 480 : i32
        %add3A_2065 = arith.addi %add3A_2064, %scan3A_1751 : i32
        %get3A_2066 = arith.index_cast %add3A_2065 : i32 to index
        %get3A_2067 = arith.constant 0 : index
        %get3A_2068 = tpu.vector_load %arg13[%get3A_2066, %get3A_2067] {strides = array<i32>} : memref<640x32xf32, #tpu.memory_space<vmem>>, vector<1x16xf32>,
        %get3A_2069 = vector.shape_cast %get3A_2068 : vector<1x16xf32> to vector<16xf32>
        %add3A_2070 = arith.addf %add3A_2049, %get3A_2069 : vector<16xf32>
        %add3A_2071 = arith.constant 480 : i32
        %add3A_2072 = arith.addi %add3A_2071, %scan3A_1751 : i32
        %get3A_2073 = arith.index_cast %add3A_2072 : i32 to index
        %get3A_2074 = arith.constant 16 : index
        %get3A_2075 = tpu.vector_load %arg13[%get3A_2073, %get3A_2074] {strides = array<i32>} : memref<640x32xf32, #tpu.memory_space<vmem>>, vector<1x16xf32>,
        %get3A_2076 = vector.shape_cast %get3A_2075 : vector<1x16xf32> to vector<16xf32>
        %add3A_2077 = arith.addf %add3A_2056, %get3A_2076 : vector<16xf32>
        %add3A_2078 = arith.constant 512 : i32
        %add3A_2079 = arith.addi %add3A_2078, %scan3A_1751 : i32
        %get3A_2080 = arith.index_cast %add3A_2079 : i32 to index
        %get3A_2081 = arith.constant 0 : index
        %get3A_2082 = tpu.vector_load %arg11[%get3A_2080, %get3A_2081] {strides = array<i32>} : memref<640x16xf32, #tpu.memory_space<vmem>>, vector<1x16xf32>,
        %get3A_2083 = vector.shape_cast %get3A_2082 : vector<1x16xf32> to vector<16xf32>
        %add3A_2084 = arith.addf %add3A_2063, %get3A_2083 : vector<16xf32>
        %add3A_2085 = arith.constant 512 : i32
        %add3A_2086 = arith.addi %add3A_2085, %scan3A_1751 : i32
        %get3A_2087 = arith.index_cast %add3A_2086 : i32 to index
        %get3A_2088 = arith.constant 0 : index
        %get3A_2089 = tpu.vector_load %arg13[%get3A_2087, %get3A_2088] {strides = array<i32>} : memref<640x32xf32, #tpu.memory_space<vmem>>, vector<1x16xf32>,
        %get3A_2090 = vector.shape_cast %get3A_2089 : vector<1x16xf32> to vector<16xf32>
        %add3A_2091 = arith.addf %add3A_2070, %get3A_2090 : vector<16xf32>
        %add3A_2092 = arith.constant 512 : i32
        %add3A_2093 = arith.addi %add3A_2092, %scan3A_1751 : i32
        %get3A_2094 = arith.index_cast %add3A_2093 : i32 to index
        %get3A_2095 = arith.constant 16 : index
        %get3A_2096 = tpu.vector_load %arg13[%get3A_2094, %get3A_2095] {strides = array<i32>} : memref<640x32xf32, #tpu.memory_space<vmem>>, vector<1x16xf32>,
        %get3A_2097 = vector.shape_cast %get3A_2096 : vector<1x16xf32> to vector<16xf32>
        %add3A_2098 = arith.addf %add3A_2077, %get3A_2097 : vector<16xf32>
        %add3A_2099 = arith.constant 544 : i32
        %add3A_2100 = arith.addi %add3A_2099, %scan3A_1751 : i32
        %get3A_2101 = arith.index_cast %add3A_2100 : i32 to index
        %get3A_2102 = arith.constant 0 : index
        %get3A_2103 = tpu.vector_load %arg11[%get3A_2101, %get3A_2102] {strides = array<i32>} : memref<640x16xf32, #tpu.memory_space<vmem>>, vector<1x16xf32>,
        %get3A_2104 = vector.shape_cast %get3A_2103 : vector<1x16xf32> to vector<16xf32>
        %add3A_2105 = arith.addf %add3A_2084, %get3A_2104 : vector<16xf32>
        %add3A_2106 = arith.constant 544 : i32
        %add3A_2107 = arith.addi %add3A_2106, %scan3A_1751 : i32
        %get3A_2108 = arith.index_cast %add3A_2107 : i32 to index
        %get3A_2109 = arith.constant 0 : index
        %get3A_2110 = tpu.vector_load %arg13[%get3A_2108, %get3A_2109] {strides = array<i32>} : memref<640x32xf32, #tpu.memory_space<vmem>>, vector<1x16xf32>,
        %get3A_2111 = vector.shape_cast %get3A_2110 : vector<1x16xf32> to vector<16xf32>
        %add3A_2112 = arith.addf %add3A_2091, %get3A_2111 : vector<16xf32>
        %add3A_2113 = arith.constant 544 : i32
        %add3A_2114 = arith.addi %add3A_2113, %scan3A_1751 : i32
        %get3A_2115 = arith.index_cast %add3A_2114 : i32 to index
        %get3A_2116 = arith.constant 16 : index
        %get3A_2117 = tpu.vector_load %arg13[%get3A_2115, %get3A_2116] {strides = array<i32>} : memref<640x32xf32, #tpu.memory_space<vmem>>, vector<1x16xf32>,
        %get3A_2118 = vector.shape_cast %get3A_2117 : vector<1x16xf32> to vector<16xf32>
        %add3A_2119 = arith.addf %add3A_2098, %get3A_2118 : vector<16xf32>
        %add3A_2120 = arith.constant 576 : i32
        %add3A_2121 = arith.addi %add3A_2120, %scan3A_1751 : i32
        %get3A_2122 = arith.index_cast %add3A_2121 : i32 to index
        %get3A_2123 = arith.constant 0 : index
        %get3A_2124 = tpu.vector_load %arg11[%get3A_2122, %get3A_2123] {strides = array<i32>} : memref<640x16xf32, #tpu.memory_space<vmem>>, vector<1x16xf32>,
        %get3A_2125 = vector.shape_cast %get3A_2124 : vector<1x16xf32> to vector<16xf32>
        %add3A_2126 = arith.addf %add3A_2105, %get3A_2125 : vector<16xf32>
        %add3A_2127 = arith.constant 576 : i32
        %add3A_2128 = arith.addi %add3A_2127, %scan3A_1751 : i32
        %get3A_2129 = arith.index_cast %add3A_2128 : i32 to index
        %get3A_2130 = arith.constant 0 : index
        %get3A_2131 = tpu.vector_load %arg13[%get3A_2129, %get3A_2130] {strides = array<i32>} : memref<640x32xf32, #tpu.memory_space<vmem>>, vector<1x16xf32>,
        %get3A_2132 = vector.shape_cast %get3A_2131 : vector<1x16xf32> to vector<16xf32>
        %add3A_2133 = arith.addf %add3A_2112, %get3A_2132 : vector<16xf32>
        %add3A_2134 = arith.constant 576 : i32
        %add3A_2135 = arith.addi %add3A_2134, %scan3A_1751 : i32
        %get3A_2136 = arith.index_cast %add3A_2135 : i32 to index
        %get3A_2137 = arith.constant 16 : index
        %get3A_2138 = tpu.vector_load %arg13[%get3A_2136, %get3A_2137] {strides = array<i32>} : memref<640x32xf32, #tpu.memory_space<vmem>>, vector<1x16xf32>,
        %get3A_2139 = vector.shape_cast %get3A_2138 : vector<1x16xf32> to vector<16xf32>
        %add3A_2140 = arith.addf %add3A_2119, %get3A_2139 : vector<16xf32>
        %add3A_2141 = arith.constant 608 : i32
        %add3A_2142 = arith.addi %add3A_2141, %scan3A_1751 : i32
        %get3A_2143 = arith.index_cast %add3A_2142 : i32 to index
        %get3A_2144 = arith.constant 0 : index
        %get3A_2145 = tpu.vector_load %arg11[%get3A_2143, %get3A_2144] {strides = array<i32>} : memref<640x16xf32, #tpu.memory_space<vmem>>, vector<1x16xf32>,
        %get3A_2146 = vector.shape_cast %get3A_2145 : vector<1x16xf32> to vector<16xf32>
        %add3A_2147 = arith.addf %add3A_2126, %get3A_2146 : vector<16xf32>
        %add3A_2148 = arith.constant 608 : i32
        %add3A_2149 = arith.addi %add3A_2148, %scan3A_1751 : i32
        %get3A_2150 = arith.index_cast %add3A_2149 : i32 to index
        %get3A_2151 = arith.constant 0 : index
        %get3A_2152 = tpu.vector_load %arg13[%get3A_2150, %get3A_2151] {strides = array<i32>} : memref<640x32xf32, #tpu.memory_space<vmem>>, vector<1x16xf32>,
        %get3A_2153 = vector.shape_cast %get3A_2152 : vector<1x16xf32> to vector<16xf32>
        %add3A_2154 = arith.addf %add3A_2133, %get3A_2153 : vector<16xf32>
        %add3A_2155 = arith.constant 608 : i32
        %add3A_2156 = arith.addi %add3A_2155, %scan3A_1751 : i32
        %get3A_2157 = arith.index_cast %add3A_2156 : i32 to index
        %get3A_2158 = arith.constant 16 : index
        %get3A_2159 = tpu.vector_load %arg13[%get3A_2157, %get3A_2158] {strides = array<i32>} : memref<640x32xf32, #tpu.memory_space<vmem>>, vector<1x16xf32>,
        %get3A_2160 = vector.shape_cast %get3A_2159 : vector<1x16xf32> to vector<16xf32>
        %add3A_2161 = arith.addf %add3A_2140, %get3A_2160 : vector<16xf32>
        %swap3A = arith.index_cast %scan3A_1751 : i32 to index
        %swap3A_2162 = arith.constant 0 : index
        %swap3A_2163 = tpu.vector_load %arg15[%swap3A, %swap3A_2162] {strides = array<i32>} : memref<32x128xf32, #tpu.memory_space<vmem>>, vector<1x16xf32>,
        %swap3A_2164 = vector.shape_cast %swap3A_2163 : vector<1x16xf32> to vector<16xf32>
        %swap3A_2165 = vector.shape_cast %add3A_2147 : vector<16xf32> to vector<1x16xf32>
        tpu.vector_store %arg15[%swap3A, %swap3A_2162], %swap3A_2165 {strides = array<i32>} : memref<32x128xf32, #tpu.memory_space<vmem>>, vector<1x16xf32>,
        %swap3A_2166 = arith.index_cast %scan3A_1751 : i32 to index
        %swap3A_2167 = arith.constant 16 : index
        %swap3A_2168 = tpu.vector_load %arg15[%swap3A_2166, %swap3A_2167] {strides = array<i32>} : memref<32x128xf32, #tpu.memory_space<vmem>>, vector<1x16xf32>,
        %swap3A_2169 = vector.shape_cast %swap3A_2168 : vector<1x16xf32> to vector<16xf32>
        %swap3A_2170 = vector.shape_cast %add3A_2154 : vector<16xf32> to vector<1x16xf32>
        tpu.vector_store %arg15[%swap3A_2166, %swap3A_2167], %swap3A_2170 {strides = array<i32>} : memref<32x128xf32, #tpu.memory_space<vmem>>, vector<1x16xf32>,
        %swap3A_2171 = arith.index_cast %scan3A_1751 : i32 to index
        %swap3A_2172 = arith.constant 32 : index
        %swap3A_2173 = tpu.vector_load %arg15[%swap3A_2171, %swap3A_2172] {strides = array<i32>} : memref<32x128xf32, #tpu.memory_space<vmem>>, vector<1x16xf32>,
        %swap3A_2174 = vector.shape_cast %swap3A_2173 : vector<1x16xf32> to vector<16xf32>
        %swap3A_2175 = vector.shape_cast %add3A_2161 : vector<16xf32> to vector<1x16xf32>
        tpu.vector_store %arg15[%swap3A_2171, %swap3A_2172], %swap3A_2175 {strides = array<i32>} : memref<32x128xf32, #tpu.memory_space<vmem>>, vector<1x16xf32>,
        %mul3A_2176 = arith.constant 32 : i32
        %mul3A_2177 = arith.muli %add3A_1740, %mul3A_2176 : i32
        %add3A_2178 = arith.addi %mul3A_2177, %scan3A_1751 : i32
        %get3A_2179 = arith.index_cast %add3A_2178 : i32 to index
        %get3A_2180 = arith.constant 0 : index
        %get3A_2181 = tpu.vector_load %arg17[%get3A_2179, %get3A_2180] {strides = array<i32>} : memref<512x16xf32, #tpu.memory_space<vmem>>, vector<1x16xf32>,
        %get3A_2182 = vector.shape_cast %get3A_2181 : vector<1x16xf32> to vector<16xf32>
        %swap3A_2183 = arith.index_cast %scan3A_1751 : i32 to index
        %swap3A_2184 = arith.constant 96 : index
        %swap3A_2185 = tpu.vector_load %arg15[%swap3A_2183, %swap3A_2184] {strides = array<i32>} : memref<32x128xf32, #tpu.memory_space<vmem>>, vector<1x16xf32>,
        %swap3A_2186 = vector.shape_cast %swap3A_2185 : vector<1x16xf32> to vector<16xf32>
        %swap3A_2187 = vector.shape_cast %get3A_2182 : vector<16xf32> to vector<1x16xf32>
        tpu.vector_store %arg15[%swap3A_2183, %swap3A_2184], %swap3A_2187 {strides = array<i32>} : memref<32x128xf32, #tpu.memory_space<vmem>>, vector<1x16xf32>,
      }
      %scan3A_1746 = arith.constant 32 : i32
      %dma_start3A_1747 = arith.constant 0 : i32
      %dma_start3A_1748 = tpu.memref_slice %arg7[%add3A_506, %dma_start3A_1747] : memref<16384x128xf32, #tpu.memory_space<hbm>> -> memref<32x128xf32, #tpu.memory_space<hbm>>
      %dma_start3A_1749 = arith.constant 0 : i32
      %dma_start3A_1750 = tpu.memref_slice %arg7[%add3A_506, %dma_start3A_1749] : memref<16384x128xf32, #tpu.memory_space<hbm>> -> memref<32x128xf32, #tpu.memory_space<hbm>>
      tpu.enqueue_dma source(%arg15 : memref<32x128xf32, #tpu.memory_space<vmem>>) target(%dma_start3A_1750 : memref<32x128xf32, #tpu.memory_space<hbm>>) target_semaphore(%arg23 : memref<!tpu.dma_semaphore, #tpu.memory_space<semaphore_mem>>)
    }
    %scan3A_490 = arith.constant 8 : i32
    %dma_wait3A_491 = arith.constant 0 : i32
    %dma_wait3A_492 = tpu.memref_slice %arg7[%mul3A_2, %dma_wait3A_491] : memref<16384x128xf32, #tpu.memory_space<hbm>> -> memref<32x128xf32, #tpu.memory_space<hbm>>
    %dma_wait3A_493 = arith.constant 0 : i32
    %dma_wait3A_494 = tpu.memref_slice %arg7[%mul3A_2, %dma_wait3A_493] : memref<16384x128xf32, #tpu.memory_space<hbm>> -> memref<32x128xf32, #tpu.memory_space<hbm>>
    tpu.wait_dma2 semaphore(%arg22 : memref<!tpu.dma_semaphore, #tpu.memory_space<semaphore_mem>>) src(%arg14 : memref<32x128xf32, #tpu.memory_space<vmem>>) dst(%dma_wait3A_494 : memref<32x128xf32, #tpu.memory_space<hbm>>)
    %dma_wait3A_495 = arith.constant 0 : i32
    %dma_wait3A_496 = tpu.memref_slice %arg7[%mul3A_2, %dma_wait3A_495] : memref<16384x128xf32, #tpu.memory_space<hbm>> -> memref<32x128xf32, #tpu.memory_space<hbm>>
    %dma_wait3A_497 = arith.constant 0 : i32
    %dma_wait3A_498 = tpu.memref_slice %arg7[%mul3A_2, %dma_wait3A_497] : memref<16384x128xf32, #tpu.memory_space<hbm>> -> memref<32x128xf32, #tpu.memory_space<hbm>>
    tpu.wait_dma2 semaphore(%arg23 : memref<!tpu.dma_semaphore, #tpu.memory_space<semaphore_mem>>) src(%arg15 : memref<32x128xf32, #tpu.memory_space<vmem>>) dst(%dma_wait3A_498 : memref<32x128xf32, #tpu.memory_space<hbm>>)
    return
  }
}

</mosaic_0001>

<sc_bundles>
// kernel: _sc_bat.3.cloned.1.call-start
scs
__scs_entry_jumppad:
0x0: {  	(pc) =	sbr.rel $0x88, $3  }
0x1: {  	(tag) =	ssettag $0x0;
	lr =	simm.s32 $0x1  }
0x2: {  	[smem:$0x3F9C] =	sst lr;
	_ =	strace $0xD0000000  }
0x3: {  	_ = 	snop  }
0x4: {  	_ = 	snop  }
0x5: {  	_ = 	snop  }
0x6: {  	_ = 	snop  }
0x7: {  	_ = 	snop  }
__scs_overlays_trampoline_lowered:
0x8: {  	[smem:$0x3FAB] =	sst s0  }
0x9: {  	[smem:$0x3FAC] =	sst s1  }
0xa: {  	[smem:$0x3FAD] =	sst s2  }
0xb: {  	[smem:$0x3FAE] =	sst s3  }
0xc: {  	[smem:$0x3FAF] =	sst s4  }
0xd: {  	[smem:$0x3FB0] =	sst s5  }
0xe: {  	[smem:$0x3FB1] =	sst s6  }
0xf: {  	[smem:$0x3FB2] =	sst s7  }
0x10: {  	[smem:$0x3FB3] =	sst s8  }
0x11: {  	[smem:$0x3FB4] =	sst s9;
	s0 =	simm.s32 @!p0 $0x0  }
0x12: {  	s1 =	sld [smem:$0x3F9A];
	s0 =	simm.s32 @p0 $0x1  }
0x13: {  	[smem:$0x3FB5] =	sst s0;
	s0 =	simm.s32 @!p1 $0x0  }
0x14: {  	s2 =	sld [smem:$0x3F99];
	s0 =	simm.s32 @p1 $0x1  }
0x15: {  	[smem:$0x3FB6] =	sst s0;
	s0 =	simm.s32 @!p2 $0x0  }
0x16: {  	s3 =	sld [smem:$0x3FDB];
	s0 =	simm.s32 @p2 $0x1  }
0x17: {  	s4 =	simm.s32 $0x1BF5;
	[smem:$0x3FB8] =	sst s0  }
0x18: {  	s0 =	sld [smem:$0x3F9B];
	_ =	swait.ge [sflag:s4], $0x0  }
0x19: {  	s7 =	sld [smem:$0x3F9C]  }
0x1a: {  	s8 =	sadd.s32 $0xFFFFE003, lr  }
0x1b: {  	s9 =	sadd.s32 $0xFFFFFEF7, lr;
	s5 =	simm.s32 $0xFFFFFFFF;
	p2 =	slt.u32 s8, $0xFFFFF086  }
0x1c: {  	p1 =	slt.u32 s9, $0xF7A;
	s5 =	simm.s32 @!p2 $0x0  }
0x1d: {  	s5 =	simm.s32 @p1 $0x1;
	p0 =	seq.s32 s7, s2  }
0x1e: {  	s7 =	smul.u32 @!p0 $0xF7A, s2;
	p2 =	seq.s32 @!p0 s5, $0x0  }
0x1f: {  	s9 =	smul.u32 $0xF7A, s1;
	s8 =	simm.s32 @!p0 $0x1BF5;
	p2 =	por !p2, p0  }
0x20: {  	[sflag:s8] =	ssyncset.s32 @!p0 $0xFFFFF086;
	s6 =	sadd.s32 @!p0 s3, s7;
	s7 =	simm.s32 @!p0 $0x108  }
0x21: {  	s3 =	sadd.s32 s3, s9;
	s6 =	sadd.s32 @!p0 $0x88, s6;
	s7 =	simm.s32 @p2 $0x1082  }
0x22: {  	[simem:s7], [sflag:s8] =	dma.local @!p0 [hbm:s6], $0xF7A  }
0x23: {  	s9 =	sor.u32 $0xD0000000, s2;
	s6 =	simm.s32 $0x108;
	_ =	swait.ge @!p0 [sflag:s8], $0x0  }
0x24: {  	s3 =	sadd.s32 $0x88, s3;
	s6 =	simm.s32 @!p1 $0x1082;
	[sflag:s4] =	ssyncset.s32 $0xFFFFF086  }
0x25: {  	[simem:s6], [sflag:s4] =	dma.local [hbm:s3], $0xF7A  }
0x26: {  	[smem:$0x3F9C] =	sst s1;
	(tag) =	ssettag s2;
	_ =	strace s9  }
0x27: {  	s1 =	sld [smem:$0x3FAC]  }
0x28: {  	s2 =	sld [smem:$0x3FAD]  }
0x29: {  	s4 =	sld [smem:$0x3FAF]  }
0x2a: {  	p0 =	seq.s32 s5, $0x0;
	s5 =	sld [smem:$0x3FB0]  }
0x2b: {  	s6 =	sld [smem:$0x3FB1]  }
0x2c: {  	s7 =	sld [smem:$0x3FB2]  }
0x2d: {  	s3 =	simm.s32 $0x108;
	s8 =	sld [smem:$0x3FB3]  }
0x2e: {  	s3 =	simm.s32 @!p0 $0x1082;
	s9 =	sld [smem:$0x3FB4]  }
0x2f: {  	lr =	sadd.s32 s0, s3;
	s0 =	sld [smem:$0x3FAB]  }
0x30: {  	s3 =	sld [smem:$0x3FAE]  }
0x31: {  	[smem:$0x3FB7] =	sst s10  }
0x32: {  	s10 =	sld [smem:$0x3FB5];
	_ =	sdelay $0x3  }
0x33: {  	p0 =	seq.s32 s10, $0x1;
	s10 =	sld [smem:$0x3FB7];
	_ =	sdelay $0x3  }
0x34: {  	[smem:$0x3FB7] =	sst s10  }
0x35: {  	s10 =	sld [smem:$0x3FB6];
	_ =	sdelay $0x3  }
0x36: {  	p1 =	seq.s32 s10, $0x1;
	s10 =	sld [smem:$0x3FB7];
	_ =	sdelay $0x3  }
0x37: {  	[smem:$0x3FB7] =	sst s10  }
0x38: {  	s10 =	sld [smem:$0x3FB8]  }
0x39: {  	_ = 	snop;
	(pc) =	sbr.ind lr, $3  }
0x3a: {  	_ = 	snop  }
0x3b: {  	_ = 	snop  }
0x3c: {  	p2 =	seq.s32 s10, $0x1;
	s10 =	sld [smem:$0x3FB7]  }
0x3d: {  	_ =	shalt  }
0x3e: {  	_ =	shalt  }
0x3f: {  	_ =	shalt  }
0x40: {  	_ =	shalt  }
0x41: {  	_ =	shalt  }
0x42: {  	_ =	shalt  }
0x43: {  	_ =	shalt  }
0x44: {  	_ =	shalt  }
0x45: {  	_ =	shalt  }
0x46: {  	_ =	shalt  }
0x47: {  	_ =	shalt  }
0x48: {  	_ =	shalt  }
0x49: {  	_ =	shalt  }
0x4a: {  	_ =	shalt  }
0x4b: {  	_ =	shalt  }
0x4c: {  	_ =	shalt  }
0x4d: {  	_ =	shalt  }
0x4e: {  	_ =	shalt  }
0x4f: {  	_ =	shalt  }
0x50: {  	_ =	shalt  }
0x51: {  	_ =	shalt  }
0x52: {  	_ =	shalt  }
0x53: {  	_ =	shalt  }
0x54: {  	_ =	shalt  }
0x55: {  	_ =	shalt  }
0x56: {  	_ =	shalt  }
0x57: {  	_ =	shalt  }
0x58: {  	_ =	shalt  }
0x59: {  	_ =	shalt  }
0x5a: {  	_ =	shalt  }
0x5b: {  	_ =	shalt  }
0x5c: {  	_ =	shalt  }
0x5d: {  	_ =	shalt  }
0x5e: {  	_ =	shalt  }
0x5f: {  	_ =	shalt  }
0x60: {  	_ =	shalt  }
0x61: {  	_ =	shalt  }
0x62: {  	_ =	shalt  }
0x63: {  	_ =	shalt  }
0x64: {  	_ =	shalt  }
0x65: {  	_ =	shalt  }
0x66: {  	_ =	shalt  }
0x67: {  	_ =	shalt  }
0x68: {  	_ =	shalt  }
0x69: {  	_ =	shalt  }
0x6a: {  	_ =	shalt  }
0x6b: {  	_ =	shalt  }
0x6c: {  	_ =	shalt  }
0x6d: {  	_ =	shalt  }
0x6e: {  	_ =	shalt  }
0x6f: {  	_ =	shalt  }
0x70: {  	_ =	shalt  }
0x71: {  	_ =	shalt  }
0x72: {  	_ =	shalt  }
0x73: {  	_ =	shalt  }
0x74: {  	_ =	shalt  }
0x75: {  	_ =	shalt  }
0x76: {  	_ =	shalt  }
0x77: {  	_ =	shalt  }
0x78: {  	_ =	shalt  }
0x79: {  	_ =	shalt  }
0x7a: {  	_ =	shalt  }
0x7b: {  	_ =	shalt  }
0x7c: {  	_ =	shalt  }
0x7d: {  	_ =	shalt  }
0x7e: {  	_ =	shalt  }
0x7f: {  	_ =	shalt  }
0x80: {  	_ =	shalt  }
0x81: {  	_ =	shalt  }
0x82: {  	_ =	shalt  }
0x83: {  	_ =	shalt  }
0x84: {  	_ =	shalt  }
0x85: {  	_ =	shalt  }
0x86: {  	_ =	shalt  }
0x87: {  	_ =	shalt  }
.Lfunc_end0:
.L_simem_size_0:
called_computation_lowered:
.L_overlay_start_0:
0x88: {  	s2 =	sld [smem:$0x3FD9]  }
0x89: {  	s3 =	sld [smem:$0x3FFE];
	_ =	sdelay $0x1  }
0x8a: {  	s1 =	srdreg.scid  }
0x8b: {  	s0 =	sand.u32 $0x1, s1  }
0x8c: {  	s17 =	sshll.u32 s0, $0xA;
	s2 =	sadd.s32 s3, s2  }
0x8d: {  	s2 =	sadd.s32 s2, s17  }
0x8e: {  	[smem:$0x3FC3] =	sst s2  }
0x8f: {  	_ = 	snop  }
0x90: {  	s2 =	sld [smem:$0x3FC8]  }
0x91: {  	s18 =	sld [smem:$0x3FD0];
	(tm) =	ssettm $0x1  }
0x92: {  	s4 =	sld [smem:$0x3FFB];
	_ =	sdelay $0x3  }
0x93: {  	_ =	strace s4  }
0x94: {  	s4 =	sld [smem:$0x3FFC];
	_ =	sdelay $0x3  }
0x95: {  	_ =	strace s4  }
0x96: {  	s4 =	sld [smem:$0x3FFD];
	_ =	sdelay $0x3  }
0x97: {  	_ =	strace s4  }
0x98: {  	_ =	strace $0x8FFFFFFF  }
0x99: {  	s19 =	sld [smem:$0x3FDB];
	_ =	sdelay $0x1  }
0x9a: {  	s5 =	simm.s32 $_scs_section_size  }
0x9b: {  	s6 =	simm.s32 $_size__tile_overlayer_lowered;
	s7 =	simm.s32 $_tile_overlayer_lowered  }
0x9c: {  	s22 =	simm.s32 $0x1BFF;
	s21 =	sshll.u32 s7, $0x1;
	s4 =	sadd.s32 s5, s19  }
0x9d: {  	s8 =	simm.s32 $0x0;
	s20 =	sshll.u32 s6, $0x1;
	s6 =	sadd.s32 s21, s4  }
0x9e: {  	[timem:s8], [sflag:s22] =	dma.local [hbm:s6], s20  }
0x9f: {  	_ =	swait.ge [sflag:s22], s20  }
0xa0: {  	s5 =	ssub.s32 $0x0, s20;
	[sflag:s22] =	ssyncset.done $0x0  }
0xa1: {  	[sflag:s22] =	ssyncadd.s32 s5;
	_ =	sdelay $0x1  }
0xa2: {  	s23 =	simm.s32 $0x1B8B  }
0xa3: {  	_ =	swait.ge [sflag:s23], $0x1  }
0xa4: {  	[sflag:s23] =	ssyncset.done $0x0  }
0xa5: {  	s25 =	simm.s32 $0x1B8E;
	s24 =	sld [smem:$0x3FFE];
	[sflag:s23] =	ssyncadd.s32 $0xFFFFFFFF  }
0xa6: {  	s26 =	simm.s32 $execute0_lowered;
	[smem:$0x3FD2] =	sst s25  }
0xa7: {  	s6 =	sshll.u32 s26, $0x1;
	_ =	strace $0x80000046;
	[dreg:$0x1] =	wrdreg $0xFFFFFFFF  }
0xa8: {  	s28 =	simm.s32 $_size_execute0_lowered;
	s4 =	sadd.s32 s4, s6;
	[dreg:$0x0] =	wrdreg $0x0  }
0xa9: {  	s6 =	sshll.u32 s28, $0x1;
	[dreg:$0x2] =	wrdreg s4  }
0xaa: {  	[dreg:$0x3] =	wrdreg s6  }
0xab: {  	[dreg:$0x4] =	wrdreg $0xC0  }
0xac: {  	_ =	task [dreg:s8], $0x5FFFF  }
0xad: {  	[dreg:$0x1] =	wrdreg $0xFFFFFFFF  }
0xae: {  	[dreg:$0x0] =	wrdreg $0x60  }
0xaf: {  	[dreg:$0x2] =	wrdreg s24  }
0xb0: {  	[dreg:$0x3] =	wrdreg s2  }
0xb1: {  	[dreg:$0x4] =	wrdreg s18  }
0xb2: {  	[dreg:$0x5] =	wrdreg $0x9  }
0xb3: {  	_ =	task.clear_ibuf [dreg:s8], $0x6FFFF;
	_ =	strace $0x90000046  }
0xb4: {  	s29 =	simm.s32 $0x9;
	_ =	strace $0x80000048  }
0xb5: {  	_ =	swait.ge [sflag:s29], $0x1  }
0xb6: {  	[sflag:s29] =	ssyncadd.s32 $0xFFFFFFFF  }
0xb7: {  	_ =	strace $0x90000048  }
0xb8: {  	_ =	sfence  }
0xb9: {  	s30 =	sld [smem:$0x0];
	_ =	sdelay $0x2  }
0xba: {  	s31 =	sshll.u32 s1, $0xD;
	s1 =	sshrl.u32 s1, $0x2  }
0xbb: {  	s3 =	sand.u32 $0x4000, s31;
	s1 =	sadd.s32 s1, s30  }
0xbc: {  	s0 =	sor.u32 s3, s0;
	s1 =	sshll.u32 s1, $0x11  }
0xbd: {  	s0 =	sor.u32 s1, s0  }
0xbe: {  	s0 =	sadd.s32 $0x8F2B, s0  }
0xbf: {  	[sflag:s0] =	ssyncadd.remote.s32 $0x1  }
0xc0: {  	_ =	sfence.sel $0xFFFF  }
0xc1: {  	[dreg:$0x0] =	wrdreg $0xFFFFFFFF;
	(pc) =	sbr.abs _section_cstart, $3  }
0xc2: {  	[dreg:$0x1] =	wrdreg $0xFFFFFFFF  }
0xc3: {  	_ =	task.clear_ibuf [dreg:s8], $0x2FFFF;
	_ =	strace $0x9FFFFFFF  }
0xc4: {  	(tm) =	ssettm $0x7FFFFFFF  }
0xc5: {  	_ =	shalt  }
tec
execute0_lowered:
.L_overlay_start_1:
0x0: {  	(tag) =	ssettag $0x1  }
0x1: {  	s0 =	rddreg [dreg:$0x0]  }
0x2: {  	s1 =	rddreg [dreg:$0x1]  }
0x3: {  	s8 =	rddreg [dreg:$0x2];
	s3 =	simm.s32 $0x0;
	s2 =	srdreg.scid  }
0x4: {  	s4 =	stileid.u32;
	s24 =	simm.s32 $0x20;
	s10 =	simm.s32 $0x4  }
0x5: {  	s30 =	simm.s32 $0x1;
	s18 =	simm.s32 $0x3A0;
	s22 =	simm.s32 $0x3C0  }
0x6: {  	s11 =	simm.s32 $0x3E0;
	s29 =	simm.s32 $0x400;
	s17 =	simm.s32 $0x420  }
0x7: {  	s23 =	simm.s32 $0x440;
	s15 =	simm.s32 $0x460;
	s20 =	simm.s32 $0x480  }
0x8: {  	s21 =	simm.s32 $0x4C0;
	s16 =	simm.s32 $0x2;
	s28 =	simm.s32 $0x6  }
0x9: {  	[smem:$0x7FF] =	sst s3;
	s2 =	sand.u32 $0x1, s2;
	s6 =	sshll.u32 s4, $0xA  }
0xa: {  	s4 =	sadd.s32 $0xA00, s0;
	s5 =	sadd.s32 $0x1E9000, s0;
	s31 =	sadd.s32 $0x200, s8  }
0xb: {  	_ =	strace $0x80000047;
	s7 =	sshll.u32 s2, $0x9;
	s2 =	ssub.s32 $0x2, s2  }
0xc: {  	[dreg:$0x9] =	wrdreg s31;
	s6 =	sor.u32 s7, s6;
	s7 =	sadd.s32 $0x187400, s0  }
0xd: {  	s0 =	sadd.s32 $0xAA00, s0;
	[dreg:$0x4] =	wrdreg s6;
	s6 =	sshrl.u32 s6, $0x3  }
0xe: {  	s25 =	sshrl.u32 s2, $0x1;
	[dreg:$0x5] =	wrdreg s0;
	s1 =	sadd.s32 s1, s6  }
0xf: {  	s0 =	ssub.s32 s2, s25;
	s9 =	sadd.s32 s4, s6;
	[dreg:$0x7] =	wrdreg s1  }
0x10: {  	s2 =	simm.s32 $0x0;
	s0 =	smax.u32 s0, $0x1;
	[dreg:$0x6] =	wrdreg s9  }
0x11: {  	s26 =	sadd.s32 $0x4, s9;
	[dreg:$0xa] =	wrdreg s0;
	s9 =	simm.s32 $0x4A0  }
0x12: {  	v0 =	vimm.f32 $0.0e+00;
	s0 =	simm.s32 $0x4E0;
	[dreg:$0x8] =	wrdreg s26;
	s26 =	simm.s32 $0x280  }
.LBB2_1:
0x13: {  	[dreg:$0xb] =	wrdreg s2  }
0x14: {  	s1 =	rddreg [dreg:$0x7];
	s31 =	simm.s32 $0x11500;
	s8 =	simm.s32 $0x8  }
0x15: {  	[tilespmem:s31], [sflag:$0x8] =	stream.linear.gather [hbm4b:s1+s3], $0x200, $0x38;
	[tilespmem:$0x13700] =	vst v63  }
0x16: {  	_ =	swait.ge [sflag:s8], $0x200  }
0x17: {  	s6 =	simm.s32 $0x80;
	[sflag:s8] =	ssyncset.done $0x0  }
0x18: {  	s1 =	rddreg [dreg:$0x5];
	[sflag:s8] =	ssyncadd.s32 $0xFFFFFE00;
	s8 =	simm.s32 $0x11700  }
0x19: {  	[tilespmem:s8], [sflag:$0x7] =	stream.indirect.gather [hbm4b:s1+s6], $0x10, s31, s6, $0xb8;
	[tilespmem:$0x13700] =	vst v63  }
0x1a: {  	s12 =	simm.s32 $0x11580;
	s13 =	simm.s32 $0x11F00  }
0x1b: {  	[tilespmem:s13], [sflag:$0x7] =	stream.indirect.gather [hbm4b:s1+s6], $0x10, s12, s6, $0xb8;
	[tilespmem:$0x13700] =	vst v63  }
0x1c: {  	s14 =	simm.s32 $0x11600;
	s19 =	simm.s32 $0x12700  }
0x1d: {  	[tilespmem:s19], [sflag:$0x7] =	stream.indirect.gather [hbm4b:s1+s6], $0x10, s14, s6, $0xb8;
	[tilespmem:$0x13700] =	vst v63  }
0x1e: {  	s25 =	simm.s32 $0x11680;
	s31 =	simm.s32 $0x12F00  }
0x1f: {  	[tilespmem:s31], [sflag:$0x7] =	stream.indirect.gather [hbm4b:s1+s6], $0x10, s25, s6, $0xb8;
	[tilespmem:$0x13700] =	vst v63  }
0x20: {  	s2 =	simm.s32 $0x0;
	s1 =	simm.s32 $0x200  }
.LBB2_2:
0x21: {  	p0 =	sne.s32 s1, $0x3E00;
	[tilespmem:s2+$0xF570] =	vst v0;
	s6 =	smov.u32 s1;
	s1 =	sadd.s32 $0x200, s1  }
.Ltmp0:
0x22: {  	[tilespmem:s2+$0x10570] =	vst v0;
	(pc) =	sbr.rel @p0 .LBB2_2-.Ltmp0, $2  }
0x23: {  	_ =	sdelay $0x2  }
0x24: {  	s2 =	sshra.s32 s6, $0x2  }
0x25: {  	[tilespmem:s2+$0xF570] =	vst v0  }
0x26: {  	[tilespmem:s2+$0x10570] =	vst v0;
	s6 =	simm.s32 $0x0;
	s1 =	rddreg [dreg:$0x6];
	s13 =	simm.s32 $0x4000  }
0x27: {  	[tilespmem:s6], [sflag:$0x3] =	stream.strided.gather [hbm4b:s1+s24], $0x280, s13, s24, $0x38;
	[tilespmem:$0x13700] =	vst v63  }
0x28: {  	s14 =	rddreg [dreg:$0x8];
	s19 =	simm.s32 $0x3  }
0x29: {  	[tilespmem:s26], [sflag:$0x4] =	stream.strided.gather [hbm4b:s14+s24], $0x280, s13, s24, $0x38;
	[tilespmem:$0x13700] =	vst v63  }
0x2a: {  	_ =	swait.ge [sflag:s19], $0x280  }
0x2b: {  	[sflag:s19] =	ssyncset.done $0x0  }
0x2c: {  	s25 =	simm.s32 $0x500;
	[sflag:s19] =	ssyncadd.s32 $0xFFFFFD80  }
0x2d: {  	[tilespmem:s25], [sflag:$0x1] =	stream.indirect.gather [hbm4b:s5+s24], $0x10, s6, s24, $0xb8;
	[tilespmem:$0x13700] =	vst v63  }
0x2e: {  	s31 =	simm.s32 $0x5500  }
0x2f: {  	[tilespmem:s31], [sflag:$0x1] =	stream.indirect.gather [hbm4b:s7+s24], $0x20, s6, s24, $0xb8;
	[tilespmem:$0x13700] =	vst v63  }
0x30: {  	s2 =	simm.s32 $0x700  }
0x31: {  	[tilespmem:s2], [sflag:$0x1] =	stream.indirect.gather [hbm4b:s5+s24], $0x10, s24, s24, $0xb8;
	[tilespmem:$0x13700] =	vst v63  }
0x32: {  	s8 =	simm.s32 $0x5900  }
0x33: {  	[tilespmem:s8], [sflag:$0x1] =	stream.indirect.gather [hbm4b:s7+s24], $0x20, s24, s24, $0xb8;
	[tilespmem:$0x13700] =	vst v63  }
0x34: {  	s12 =	simm.s32 $0x40;
	s13 =	simm.s32 $0x900  }
0x35: {  	[tilespmem:s13], [sflag:$0x1] =	stream.indirect.gather [hbm4b:s5+s24], $0x10, s12, s24, $0xb8;
	[tilespmem:$0x13700] =	vst v63  }
0x36: {  	s14 =	simm.s32 $0x5D00  }
0x37: {  	[tilespmem:s14], [sflag:$0x1] =	stream.indirect.gather [hbm4b:s7+s24], $0x20, s12, s24, $0xb8;
	[tilespmem:$0x13700] =	vst v63  }
0x38: {  	s19 =	simm.s32 $0x60;
	s25 =	simm.s32 $0xB00  }
0x39: {  	[tilespmem:s25], [sflag:$0x1] =	stream.indirect.gather [hbm4b:s5+s24], $0x10, s19, s24, $0xb8;
	[tilespmem:$0x13700] =	vst v63  }
0x3a: {  	s31 =	simm.s32 $0x6100  }
0x3b: {  	[tilespmem:s31], [sflag:$0x1] =	stream.indirect.gather [hbm4b:s7+s24], $0x20, s19, s24, $0xb8;
	[tilespmem:$0x13700] =	vst v63  }
0x3c: {  	s8 =	simm.s32 $0x80;
	s12 =	simm.s32 $0xD00  }
0x3d: {  	[tilespmem:s12], [sflag:$0x1] =	stream.indirect.gather [hbm4b:s5+s24], $0x10, s8, s24, $0xb8;
	[tilespmem:$0x13700] =	vst v63  }
0x3e: {  	s13 =	simm.s32 $0x6500  }
0x3f: {  	[tilespmem:s13], [sflag:$0x1] =	stream.indirect.gather [hbm4b:s7+s24], $0x20, s8, s24, $0xb8;
	[tilespmem:$0x13700] =	vst v63  }
0x40: {  	s14 =	simm.s32 $0xA0;
	s19 =	simm.s32 $0xF00  }
0x41: {  	[tilespmem:s19], [sflag:$0x1] =	stream.indirect.gather [hbm4b:s5+s24], $0x10, s14, s24, $0xb8;
	[tilespmem:$0x13700] =	vst v63  }
0x42: {  	s25 =	simm.s32 $0x6900  }
0x43: {  	[tilespmem:s25], [sflag:$0x1] =	stream.indirect.gather [hbm4b:s7+s24], $0x20, s14, s24, $0xb8;
	[tilespmem:$0x13700] =	vst v63  }
0x44: {  	s31 =	simm.s32 $0xC0;
	s8 =	simm.s32 $0x1100  }
0x45: {  	[tilespmem:s8], [sflag:$0x1] =	stream.indirect.gather [hbm4b:s5+s24], $0x10, s31, s24, $0xb8;
	[tilespmem:$0x13700] =	vst v63  }
0x46: {  	s12 =	simm.s32 $0x6D00  }
0x47: {  	[tilespmem:s12], [sflag:$0x1] =	stream.indirect.gather [hbm4b:s7+s24], $0x20, s31, s24, $0xb8;
	[tilespmem:$0x13700] =	vst v63  }
0x48: {  	s13 =	simm.s32 $0xE0;
	s14 =	simm.s32 $0x1300  }
0x49: {  	[tilespmem:s14], [sflag:$0x1] =	stream.indirect.gather [hbm4b:s5+s24], $0x10, s13, s24, $0xb8;
	[tilespmem:$0x13700] =	vst v63  }
0x4a: {  	s19 =	simm.s32 $0x7100  }
0x4b: {  	[tilespmem:s19], [sflag:$0x1] =	stream.indirect.gather [hbm4b:s7+s24], $0x20, s13, s24, $0xb8;
	[tilespmem:$0x13700] =	vst v63  }
0x4c: {  	s25 =	simm.s32 $0x100;
	s31 =	simm.s32 $0x1500  }
0x4d: {  	[tilespmem:s31], [sflag:$0x1] =	stream.indirect.gather [hbm4b:s5+s24], $0x10, s25, s24, $0xb8;
	[tilespmem:$0x13700] =	vst v63  }
0x4e: {  	s8 =	simm.s32 $0x7500  }
0x4f: {  	[tilespmem:s8], [sflag:$0x1] =	stream.indirect.gather [hbm4b:s7+s24], $0x20, s25, s24, $0xb8;
	[tilespmem:$0x13700] =	vst v63  }
0x50: {  	s12 =	simm.s32 $0x120;
	s13 =	simm.s32 $0x1700  }
0x51: {  	[tilespmem:s13], [sflag:$0x1] =	stream.indirect.gather [hbm4b:s5+s24], $0x10, s12, s24, $0xb8;
	[tilespmem:$0x13700] =	vst v63  }
0x52: {  	s14 =	simm.s32 $0x7900  }
0x53: {  	[tilespmem:s14], [sflag:$0x1] =	stream.indirect.gather [hbm4b:s7+s24], $0x20, s12, s24, $0xb8;
	[tilespmem:$0x13700] =	vst v63  }
0x54: {  	s19 =	simm.s32 $0x140;
	s25 =	simm.s32 $0x1900  }
0x55: {  	[tilespmem:s25], [sflag:$0x1] =	stream.indirect.gather [hbm4b:s5+s24], $0x10, s19, s24, $0xb8;
	[tilespmem:$0x13700] =	vst v63  }
0x56: {  	s31 =	simm.s32 $0x7D00  }
0x57: {  	[tilespmem:s31], [sflag:$0x1] =	stream.indirect.gather [hbm4b:s7+s24], $0x20, s19, s24, $0xb8;
	[tilespmem:$0x13700] =	vst v63  }
0x58: {  	s8 =	simm.s32 $0x160;
	s12 =	simm.s32 $0x1B00  }
0x59: {  	[tilespmem:s12], [sflag:$0x1] =	stream.indirect.gather [hbm4b:s5+s24], $0x10, s8, s24, $0xb8;
	[tilespmem:$0x13700] =	vst v63  }
0x5a: {  	s13 =	simm.s32 $0x8100  }
0x5b: {  	[tilespmem:s13], [sflag:$0x1] =	stream.indirect.gather [hbm4b:s7+s24], $0x20, s8, s24, $0xb8;
	[tilespmem:$0x13700] =	vst v63  }
0x5c: {  	s14 =	simm.s32 $0x180;
	s19 =	simm.s32 $0x1D00  }
0x5d: {  	[tilespmem:s19], [sflag:$0x1] =	stream.indirect.gather [hbm4b:s5+s24], $0x10, s14, s24, $0xb8;
	[tilespmem:$0x13700] =	vst v63  }
0x5e: {  	s25 =	simm.s32 $0x8500  }
0x5f: {  	[tilespmem:s25], [sflag:$0x1] =	stream.indirect.gather [hbm4b:s7+s24], $0x20, s14, s24, $0xb8;
	[tilespmem:$0x13700] =	vst v63  }
0x60: {  	s31 =	simm.s32 $0x1A0;
	s8 =	simm.s32 $0x1F00  }
0x61: {  	[tilespmem:s8], [sflag:$0x1] =	stream.indirect.gather [hbm4b:s5+s24], $0x10, s31, s24, $0xb8;
	[tilespmem:$0x13700] =	vst v63  }
0x62: {  	s12 =	simm.s32 $0x8900  }
0x63: {  	[tilespmem:s12], [sflag:$0x1] =	stream.indirect.gather [hbm4b:s7+s24], $0x20, s31, s24, $0xb8;
	[tilespmem:$0x13700] =	vst v63  }
0x64: {  	s13 =	simm.s32 $0x1C0;
	s14 =	simm.s32 $0x2100  }
0x65: {  	[tilespmem:s14], [sflag:$0x1] =	stream.indirect.gather [hbm4b:s5+s24], $0x10, s13, s24, $0xb8;
	[tilespmem:$0x13700] =	vst v63  }
0x66: {  	s19 =	simm.s32 $0x8D00  }
0x67: {  	[tilespmem:s19], [sflag:$0x1] =	stream.indirect.gather [hbm4b:s7+s24], $0x20, s13, s24, $0xb8;
	[tilespmem:$0x13700] =	vst v63  }
0x68: {  	s25 =	simm.s32 $0x1E0;
	s31 =	simm.s32 $0x2300  }
0x69: {  	[tilespmem:s31], [sflag:$0x1] =	stream.indirect.gather [hbm4b:s5+s24], $0x10, s25, s24, $0xb8;
	[tilespmem:$0x13700] =	vst v63  }
0x6a: {  	s8 =	simm.s32 $0x9100  }
0x6b: {  	[tilespmem:s8], [sflag:$0x1] =	stream.indirect.gather [hbm4b:s7+s24], $0x20, s25, s24, $0xb8;
	[tilespmem:$0x13700] =	vst v63  }
0x6c: {  	s12 =	simm.s32 $0x200;
	s13 =	simm.s32 $0x2500  }
0x6d: {  	[tilespmem:s13], [sflag:$0x1] =	stream.indirect.gather [hbm4b:s5+s24], $0x10, s12, s24, $0xb8;
	[tilespmem:$0x13700] =	vst v63  }
0x6e: {  	s14 =	simm.s32 $0x9500  }
0x6f: {  	[tilespmem:s14], [sflag:$0x1] =	stream.indirect.gather [hbm4b:s7+s24], $0x20, s12, s24, $0xb8;
	[tilespmem:$0x13700] =	vst v63  }
0x70: {  	s19 =	simm.s32 $0x220;
	s25 =	simm.s32 $0x2700  }
0x71: {  	[tilespmem:s25], [sflag:$0x1] =	stream.indirect.gather [hbm4b:s5+s24], $0x10, s19, s24, $0xb8;
	[tilespmem:$0x13700] =	vst v63  }
0x72: {  	s31 =	simm.s32 $0x9900  }
0x73: {  	[tilespmem:s31], [sflag:$0x1] =	stream.indirect.gather [hbm4b:s7+s24], $0x20, s19, s24, $0xb8;
	[tilespmem:$0x13700] =	vst v63  }
0x74: {  	s8 =	simm.s32 $0x240;
	s12 =	simm.s32 $0x2900  }
0x75: {  	[tilespmem:s12], [sflag:$0x1] =	stream.indirect.gather [hbm4b:s5+s24], $0x10, s8, s24, $0xb8;
	[tilespmem:$0x13700] =	vst v63  }
0x76: {  	s13 =	simm.s32 $0x9D00  }
0x77: {  	[tilespmem:s13], [sflag:$0x1] =	stream.indirect.gather [hbm4b:s7+s24], $0x20, s8, s24, $0xb8;
	[tilespmem:$0x13700] =	vst v63  }
0x78: {  	s14 =	simm.s32 $0x260;
	s19 =	simm.s32 $0x2B00  }
0x79: {  	[tilespmem:s19], [sflag:$0x1] =	stream.indirect.gather [hbm4b:s5+s24], $0x10, s14, s24, $0xb8;
	[tilespmem:$0x13700] =	vst v63  }
0x7a: {  	s25 =	simm.s32 $0xA100;
	s31 =	simm.s32 $0x7  }
0x7b: {  	[tilespmem:s25], [sflag:$0x1] =	stream.indirect.gather [hbm4b:s7+s24], $0x20, s14, s24, $0xb8;
	[tilespmem:$0x13700] =	vst v63  }
0x7c: {  	_ =	swait.ge [sflag:s31], $0x800  }
0x7d: {  	[sflag:s31] =	ssyncset.done $0x0  }
0x7e: {  	[sflag:s31] =	ssyncadd.s32 $0xFFFFF800  }
0x7f: {  	_ =	swait.ge [sflag:s31], $0x800  }
0x80: {  	[sflag:s31] =	ssyncset.done $0x0  }
0x81: {  	[sflag:s31] =	ssyncadd.s32 $0xFFFFF800  }
0x82: {  	_ =	swait.ge [sflag:s31], $0x800  }
0x83: {  	[sflag:s31] =	ssyncset.done $0x0  }
0x84: {  	[sflag:s31] =	ssyncadd.s32 $0xFFFFF800  }
0x85: {  	_ =	swait.ge [sflag:s31], $0x800  }
0x86: {  	[sflag:s31] =	ssyncset.done $0x0  }
0x87: {  	s8 =	simm.s32 $0x11700;
	s25 =	simm.s32 $0x11900;
	[sflag:s31] =	ssyncadd.s32 $0xFFFFF800  }
.LBB2_4:
0x88: {  	_ =	swait.ge [sflag:s10], $0x280  }
0x89: {  	[sflag:s10] =	ssyncset.done $0x0  }
0x8a: {  	[sflag:s10] =	ssyncadd.s32 $0xFFFFFD80  }
0x8b: {  	_ =	swait.ge [sflag:s30], $0x200  }
0x8c: {  	[sflag:s30] =	ssyncset.done $0x0  }
0x8d: {  	[sflag:s30] =	ssyncadd.s32 $0xFFFFFE00  }
0x8e: {  	_ =	swait.ge [sflag:s30], $0x400  }
0x8f: {  	[sflag:s30] =	ssyncset.done $0x0  }
0x90: {  	[sflag:s30] =	ssyncadd.s32 $0xFFFFFC00  }
0x91: {  	_ =	swait.ge [sflag:s30], $0x200  }
0x92: {  	[sflag:s30] =	ssyncset.done $0x0  }
0x93: {  	[sflag:s30] =	ssyncadd.s32 $0xFFFFFE00  }
0x94: {  	_ =	swait.ge [sflag:s30], $0x400  }
0x95: {  	[sflag:s30] =	ssyncset.done $0x0  }
0x96: {  	[sflag:s30] =	ssyncadd.s32 $0xFFFFFC00  }
0x97: {  	_ =	swait.ge [sflag:s30], $0x200  }
0x98: {  	[sflag:s30] =	ssyncset.done $0x0  }
0x99: {  	[sflag:s30] =	ssyncadd.s32 $0xFFFFFE00  }
0x9a: {  	_ =	swait.ge [sflag:s30], $0x400  }
0x9b: {  	[sflag:s30] =	ssyncset.done $0x0  }
0x9c: {  	[sflag:s30] =	ssyncadd.s32 $0xFFFFFC00  }
0x9d: {  	_ =	swait.ge [sflag:s30], $0x200  }
0x9e: {  	[sflag:s30] =	ssyncset.done $0x0  }
0x9f: {  	[sflag:s30] =	ssyncadd.s32 $0xFFFFFE00  }
0xa0: {  	_ =	swait.ge [sflag:s30], $0x400  }
0xa1: {  	[sflag:s30] =	ssyncset.done $0x0  }
0xa2: {  	[sflag:s30] =	ssyncadd.s32 $0xFFFFFC00  }
0xa3: {  	_ =	swait.ge [sflag:s30], $0x200  }
0xa4: {  	[sflag:s30] =	ssyncset.done $0x0  }
0xa5: {  	[sflag:s30] =	ssyncadd.s32 $0xFFFFFE00  }
0xa6: {  	_ =	swait.ge [sflag:s30], $0x400  }
0xa7: {  	[sflag:s30] =	ssyncset.done $0x0  }
0xa8: {  	[sflag:s30] =	ssyncadd.s32 $0xFFFFFC00  }
0xa9: {  	_ =	swait.ge [sflag:s30], $0x200  }
0xaa: {  	[sflag:s30] =	ssyncset.done $0x0  }
0xab: {  	[sflag:s30] =	ssyncadd.s32 $0xFFFFFE00  }
0xac: {  	_ =	swait.ge [sflag:s30], $0x400  }
0xad: {  	[sflag:s30] =	ssyncset.done $0x0  }
0xae: {  	[sflag:s30] =	ssyncadd.s32 $0xFFFFFC00  }
0xaf: {  	_ =	swait.ge [sflag:s30], $0x200  }
0xb0: {  	[sflag:s30] =	ssyncset.done $0x0  }
0xb1: {  	[sflag:s30] =	ssyncadd.s32 $0xFFFFFE00  }
0xb2: {  	_ =	swait.ge [sflag:s30], $0x400  }
0xb3: {  	[sflag:s30] =	ssyncset.done $0x0  }
0xb4: {  	[sflag:s30] =	ssyncadd.s32 $0xFFFFFC00  }
0xb5: {  	_ =	swait.ge [sflag:s30], $0x200  }
0xb6: {  	[sflag:s30] =	ssyncset.done $0x0  }
0xb7: {  	[sflag:s30] =	ssyncadd.s32 $0xFFFFFE00  }
0xb8: {  	_ =	swait.ge [sflag:s30], $0x400  }
0xb9: {  	[sflag:s30] =	ssyncset.done $0x0  }
0xba: {  	[sflag:s30] =	ssyncadd.s32 $0xFFFFFC00  }
0xbb: {  	_ =	swait.ge [sflag:s30], $0x200  }
0xbc: {  	[sflag:s30] =	ssyncset.done $0x0  }
0xbd: {  	[sflag:s30] =	ssyncadd.s32 $0xFFFFFE00  }
0xbe: {  	_ =	swait.ge [sflag:s30], $0x400  }
0xbf: {  	[sflag:s30] =	ssyncset.done $0x0  }
0xc0: {  	[sflag:s30] =	ssyncadd.s32 $0xFFFFFC00  }
0xc1: {  	_ =	swait.ge [sflag:s30], $0x200  }
0xc2: {  	[sflag:s30] =	ssyncset.done $0x0  }
0xc3: {  	[sflag:s30] =	ssyncadd.s32 $0xFFFFFE00  }
0xc4: {  	_ =	swait.ge [sflag:s30], $0x400  }
0xc5: {  	[sflag:s30] =	ssyncset.done $0x0  }
0xc6: {  	[sflag:s30] =	ssyncadd.s32 $0xFFFFFC00  }
0xc7: {  	_ =	swait.ge [sflag:s30], $0x200  }
0xc8: {  	[sflag:s30] =	ssyncset.done $0x0  }
0xc9: {  	[sflag:s30] =	ssyncadd.s32 $0xFFFFFE00  }
0xca: {  	_ =	swait.ge [sflag:s30], $0x400  }
0xcb: {  	[sflag:s30] =	ssyncset.done $0x0  }
0xcc: {  	[sflag:s30] =	ssyncadd.s32 $0xFFFFFC00  }
0xcd: {  	_ =	swait.ge [sflag:s30], $0x200  }
0xce: {  	[sflag:s30] =	ssyncset.done $0x0  }
0xcf: {  	[sflag:s30] =	ssyncadd.s32 $0xFFFFFE00  }
0xd0: {  	_ =	swait.ge [sflag:s30], $0x400  }
0xd1: {  	[sflag:s30] =	ssyncset.done $0x0  }
0xd2: {  	[sflag:s30] =	ssyncadd.s32 $0xFFFFFC00  }
0xd3: {  	_ =	swait.ge [sflag:s30], $0x200  }
0xd4: {  	[sflag:s30] =	ssyncset.done $0x0  }
0xd5: {  	[sflag:s30] =	ssyncadd.s32 $0xFFFFFE00  }
0xd6: {  	_ =	swait.ge [sflag:s30], $0x400  }
0xd7: {  	[sflag:s30] =	ssyncset.done $0x0  }
0xd8: {  	[sflag:s30] =	ssyncadd.s32 $0xFFFFFC00  }
0xd9: {  	_ =	swait.ge [sflag:s30], $0x200  }
0xda: {  	[sflag:s30] =	ssyncset.done $0x0  }
0xdb: {  	[sflag:s30] =	ssyncadd.s32 $0xFFFFFE00  }
0xdc: {  	_ =	swait.ge [sflag:s30], $0x400  }
0xdd: {  	[sflag:s30] =	ssyncset.done $0x0  }
0xde: {  	[sflag:s30] =	ssyncadd.s32 $0xFFFFFC00  }
0xdf: {  	_ =	swait.ge [sflag:s30], $0x200  }
0xe0: {  	[sflag:s30] =	ssyncset.done $0x0  }
0xe1: {  	[sflag:s30] =	ssyncadd.s32 $0xFFFFFE00  }
0xe2: {  	_ =	swait.ge [sflag:s30], $0x400  }
0xe3: {  	[sflag:s30] =	ssyncset.done $0x0  }
0xe4: {  	[sflag:s30] =	ssyncadd.s32 $0xFFFFFC00  }
0xe5: {  	_ =	swait.ge [sflag:s30], $0x200  }
0xe6: {  	[sflag:s30] =	ssyncset.done $0x0  }
0xe7: {  	[sflag:s30] =	ssyncadd.s32 $0xFFFFFE00  }
0xe8: {  	_ =	swait.ge [sflag:s30], $0x400  }
0xe9: {  	[sflag:s30] =	ssyncset.done $0x0  }
0xea: {  	[sflag:s30] =	ssyncadd.s32 $0xFFFFFC00  }
0xeb: {  	_ =	swait.ge [sflag:s30], $0x200  }
0xec: {  	[sflag:s30] =	ssyncset.done $0x0  }
0xed: {  	[sflag:s30] =	ssyncadd.s32 $0xFFFFFE00  }
0xee: {  	_ =	swait.ge [sflag:s30], $0x400  }
0xef: {  	[sflag:s30] =	ssyncset.done $0x0  }
0xf0: {  	[sflag:s30] =	ssyncadd.s32 $0xFFFFFC00  }
0xf1: {  	_ =	swait.ge [sflag:s30], $0x200  }
0xf2: {  	[sflag:s30] =	ssyncset.done $0x0  }
0xf3: {  	[sflag:s30] =	ssyncadd.s32 $0xFFFFFE00  }
0xf4: {  	_ =	swait.ge [sflag:s30], $0x400  }
0xf5: {  	[sflag:s30] =	ssyncset.done $0x0  }
0xf6: {  	[sflag:s30] =	ssyncadd.s32 $0xFFFFFC00  }
0xf7: {  	_ =	swait.ge [sflag:s30], $0x200  }
0xf8: {  	[sflag:s30] =	ssyncset.done $0x0  }
0xf9: {  	[sflag:s30] =	ssyncadd.s32 $0xFFFFFE00  }
0xfa: {  	_ =	swait.ge [sflag:s30], $0x400  }
0xfb: {  	[sflag:s30] =	ssyncset.done $0x0  }
0xfc: {  	[sflag:s30] =	ssyncadd.s32 $0xFFFFFC00  }
0xfd: {  	_ =	swait.ge [sflag:s30], $0x200  }
0xfe: {  	[sflag:s30] =	ssyncset.done $0x0  }
0xff: {  	[sflag:s30] =	ssyncadd.s32 $0xFFFFFE00  }
0x100: {  	_ =	swait.ge [sflag:s30], $0x400  }
0x101: {  	[sflag:s30] =	ssyncset.done $0x0  }
0x102: {  	s1 =	simm.s32 $0x2D00;
	[sflag:s30] =	ssyncadd.s32 $0xFFFFFC00  }
0x103: {  	[tilespmem:s1], [sflag:$0x2] =	stream.indirect.gather [hbm4b:s5+s24], $0x10, s26, s24, $0xb8;
	[tilespmem:$0x13700] =	vst v63  }
0x104: {  	s13 =	simm.s32 $0xA500  }
0x105: {  	[tilespmem:s13], [sflag:$0x2] =	stream.indirect.gather [hbm4b:s7+s24], $0x20, s26, s24, $0xb8;
	[tilespmem:$0x13700] =	vst v63  }
0x106: {  	s14 =	simm.s32 $0x2A0;
	s2 =	simm.s32 $0x2F00  }
0x107: {  	[tilespmem:s2], [sflag:$0x2] =	stream.indirect.gather [hbm4b:s5+s24], $0x10, s14, s24, $0xb8;
	[tilespmem:$0x13700] =	vst v63  }
0x108: {  	s19 =	simm.s32 $0xA900  }
0x109: {  	[tilespmem:s19], [sflag:$0x2] =	stream.indirect.gather [hbm4b:s7+s24], $0x20, s14, s24, $0xb8;
	[tilespmem:$0x13700] =	vst v63  }
0x10a: {  	s31 =	simm.s32 $0x2C0;
	s12 =	simm.s32 $0x3100  }
0x10b: {  	[tilespmem:s12], [sflag:$0x2] =	stream.indirect.gather [hbm4b:s5+s24], $0x10, s31, s24, $0xb8;
	[tilespmem:$0x13700] =	vst v63  }
0x10c: {  	s13 =	simm.s32 $0xAD00  }
0x10d: {  	[tilespmem:s13], [sflag:$0x2] =	stream.indirect.gather [hbm4b:s7+s24], $0x20, s31, s24, $0xb8;
	[tilespmem:$0x13700] =	vst v63  }
0x10e: {  	s14 =	simm.s32 $0x2E0;
	s19 =	simm.s32 $0x3300  }
0x10f: {  	[tilespmem:s19], [sflag:$0x2] =	stream.indirect.gather [hbm4b:s5+s24], $0x10, s14, s24, $0xb8;
	[tilespmem:$0x13700] =	vst v63  }
0x110: {  	s31 =	simm.s32 $0xB100  }
0x111: {  	[tilespmem:s31], [sflag:$0x2] =	stream.indirect.gather [hbm4b:s7+s24], $0x20, s14, s24, $0xb8;
	[tilespmem:$0x13700] =	vst v63  }
0x112: {  	s12 =	simm.s32 $0x300;
	s13 =	simm.s32 $0x3500  }
0x113: {  	[tilespmem:s13], [sflag:$0x2] =	stream.indirect.gather [hbm4b:s5+s24], $0x10, s12, s24, $0xb8;
	[tilespmem:$0x13700] =	vst v63  }
0x114: {  	s14 =	simm.s32 $0xB500  }
0x115: {  	[tilespmem:s14], [sflag:$0x2] =	stream.indirect.gather [hbm4b:s7+s24], $0x20, s12, s24, $0xb8;
	[tilespmem:$0x13700] =	vst v63  }
0x116: {  	s19 =	simm.s32 $0x320;
	s31 =	simm.s32 $0x3700  }
0x117: {  	[tilespmem:s31], [sflag:$0x2] =	stream.indirect.gather [hbm4b:s5+s24], $0x10, s19, s24, $0xb8;
	[tilespmem:$0x13700] =	vst v63  }
0x118: {  	s12 =	simm.s32 $0xB900  }
0x119: {  	[tilespmem:s12], [sflag:$0x2] =	stream.indirect.gather [hbm4b:s7+s24], $0x20, s19, s24, $0xb8;
	[tilespmem:$0x13700] =	vst v63  }
0x11a: {  	s13 =	simm.s32 $0x340;
	s14 =	simm.s32 $0x3900  }
0x11b: {  	[tilespmem:s14], [sflag:$0x2] =	stream.indirect.gather [hbm4b:s5+s24], $0x10, s13, s24, $0xb8;
	[tilespmem:$0x13700] =	vst v63  }
0x11c: {  	s19 =	simm.s32 $0xBD00  }
0x11d: {  	[tilespmem:s19], [sflag:$0x2] =	stream.indirect.gather [hbm4b:s7+s24], $0x20, s13, s24, $0xb8;
	[tilespmem:$0x13700] =	vst v63  }
0x11e: {  	s31 =	simm.s32 $0x360;
	s12 =	simm.s32 $0x3B00  }
0x11f: {  	[tilespmem:s12], [sflag:$0x2] =	stream.indirect.gather [hbm4b:s5+s24], $0x10, s31, s24, $0xb8;
	[tilespmem:$0x13700] =	vst v63  }
0x120: {  	s13 =	simm.s32 $0xC100  }
0x121: {  	[tilespmem:s13], [sflag:$0x2] =	stream.indirect.gather [hbm4b:s7+s24], $0x20, s31, s24, $0xb8;
	[tilespmem:$0x13700] =	vst v63  }
0x122: {  	s14 =	simm.s32 $0x380;
	s19 =	simm.s32 $0x3D00  }
0x123: {  	[tilespmem:s19], [sflag:$0x2] =	stream.indirect.gather [hbm4b:s5+s24], $0x10, s14, s24, $0xb8;
	[tilespmem:$0x13700] =	vst v63  }
0x124: {  	s31 =	simm.s32 $0xC500  }
0x125: {  	[tilespmem:s31], [sflag:$0x2] =	stream.indirect.gather [hbm4b:s7+s24], $0x20, s14, s24, $0xb8;
	[tilespmem:$0x13700] =	vst v63  }
0x126: {  	s2 =	simm.s32 $0x3F00  }
0x127: {  	[tilespmem:s2], [sflag:$0x2] =	stream.indirect.gather [hbm4b:s5+s24], $0x10, s18, s24, $0xb8;
	[tilespmem:$0x13700] =	vst v63  }
0x128: {  	s12 =	simm.s32 $0xC900  }
0x129: {  	[tilespmem:s12], [sflag:$0x2] =	stream.indirect.gather [hbm4b:s7+s24], $0x20, s18, s24, $0xb8;
	[tilespmem:$0x13700] =	vst v63  }
0x12a: {  	s13 =	simm.s32 $0x4100  }
0x12b: {  	[tilespmem:s13], [sflag:$0x2] =	stream.indirect.gather [hbm4b:s5+s24], $0x10, s22, s24, $0xb8;
	[tilespmem:$0x13700] =	vst v63  }
0x12c: {  	s14 =	simm.s32 $0xCD00  }
0x12d: {  	[tilespmem:s14], [sflag:$0x2] =	stream.indirect.gather [hbm4b:s7+s24], $0x20, s22, s24, $0xb8;
	[tilespmem:$0x13700] =	vst v63  }
0x12e: {  	s19 =	simm.s32 $0x4300  }
0x12f: {  	[tilespmem:s19], [sflag:$0x2] =	stream.indirect.gather [hbm4b:s5+s24], $0x10, s11, s24, $0xb8;
	[tilespmem:$0x13700] =	vst v63  }
0x130: {  	s31 =	simm.s32 $0xD100  }
0x131: {  	[tilespmem:s31], [sflag:$0x2] =	stream.indirect.gather [hbm4b:s7+s24], $0x20, s11, s24, $0xb8;
	[tilespmem:$0x13700] =	vst v63  }
0x132: {  	s2 =	simm.s32 $0x4500  }
0x133: {  	[tilespmem:s2], [sflag:$0x2] =	stream.indirect.gather [hbm4b:s5+s24], $0x10, s29, s24, $0xb8;
	[tilespmem:$0x13700] =	vst v63  }
0x134: {  	s12 =	simm.s32 $0xD500  }
0x135: {  	[tilespmem:s12], [sflag:$0x2] =	stream.indirect.gather [hbm4b:s7+s24], $0x20, s29, s24, $0xb8;
	[tilespmem:$0x13700] =	vst v63  }
0x136: {  	s13 =	simm.s32 $0x4700  }
0x137: {  	[tilespmem:s13], [sflag:$0x2] =	stream.indirect.gather [hbm4b:s5+s24], $0x10, s17, s24, $0xb8;
	[tilespmem:$0x13700] =	vst v63  }
0x138: {  	s14 =	simm.s32 $0xD900  }
0x139: {  	[tilespmem:s14], [sflag:$0x2] =	stream.indirect.gather [hbm4b:s7+s24], $0x20, s17, s24, $0xb8;
	[tilespmem:$0x13700] =	vst v63  }
0x13a: {  	s19 =	simm.s32 $0x4900  }
0x13b: {  	[tilespmem:s19], [sflag:$0x2] =	stream.indirect.gather [hbm4b:s5+s24], $0x10, s23, s24, $0xb8;
	[tilespmem:$0x13700] =	vst v63  }
0x13c: {  	s31 =	simm.s32 $0xDD00  }
0x13d: {  	[tilespmem:s31], [sflag:$0x2] =	stream.indirect.gather [hbm4b:s7+s24], $0x20, s23, s24, $0xb8;
	[tilespmem:$0x13700] =	vst v63  }
0x13e: {  	s2 =	simm.s32 $0x4B00  }
0x13f: {  	[tilespmem:s2], [sflag:$0x2] =	stream.indirect.gather [hbm4b:s5+s24], $0x10, s15, s24, $0xb8;
	[tilespmem:$0x13700] =	vst v63  }
0x140: {  	s12 =	simm.s32 $0xE100  }
0x141: {  	[tilespmem:s12], [sflag:$0x2] =	stream.indirect.gather [hbm4b:s7+s24], $0x20, s15, s24, $0xb8;
	[tilespmem:$0x13700] =	vst v63  }
0x142: {  	s13 =	simm.s32 $0x4D00  }
0x143: {  	[tilespmem:s13], [sflag:$0x2] =	stream.indirect.gather [hbm4b:s5+s24], $0x10, s20, s24, $0xb8;
	[tilespmem:$0x13700] =	vst v63  }
0x144: {  	s14 =	simm.s32 $0xE500  }
0x145: {  	[tilespmem:s14], [sflag:$0x2] =	stream.indirect.gather [hbm4b:s7+s24], $0x20, s20, s24, $0xb8;
	[tilespmem:$0x13700] =	vst v63  }
0x146: {  	s19 =	simm.s32 $0x4F00  }
0x147: {  	[tilespmem:s19], [sflag:$0x2] =	stream.indirect.gather [hbm4b:s5+s24], $0x10, s9, s24, $0xb8;
	[tilespmem:$0x13700] =	vst v63  }
0x148: {  	s31 =	simm.s32 $0xE900  }
0x149: {  	[tilespmem:s31], [sflag:$0x2] =	stream.indirect.gather [hbm4b:s7+s24], $0x20, s9, s24, $0xb8;
	[tilespmem:$0x13700] =	vst v63  }
0x14a: {  	s2 =	simm.s32 $0x5100  }
0x14b: {  	[tilespmem:s2], [sflag:$0x2] =	stream.indirect.gather [hbm4b:s5+s24], $0x10, s21, s24, $0xb8;
	[tilespmem:$0x13700] =	vst v63  }
0x14c: {  	s12 =	simm.s32 $0xED00  }
0x14d: {  	[tilespmem:s12], [sflag:$0x2] =	stream.indirect.gather [hbm4b:s7+s24], $0x20, s21, s24, $0xb8;
	[tilespmem:$0x13700] =	vst v63  }
0x14e: {  	p0 =	seq.s32 s6, $0x0;
	s13 =	simm.s32 $0x5300  }
0x14f: {  	[tilespmem:s13], [sflag:$0x2] =	stream.indirect.gather [hbm4b:s5+s24], $0x10, s0, s24, $0xb8;
	[tilespmem:$0x13700] =	vst v63  }
0x150: {  	s1 =	simm.s32 @!p0 $0x5;
	s14 =	simm.s32 $0xF100  }
0x151: {  	[tilespmem:s14], [sflag:$0x2] =	stream.indirect.gather [hbm4b:s7+s24], $0x20, s0, s24, $0xb8;
	[tilespmem:$0x13700] =	vst v63  }
0x152: {  	_ =	swait.ge @!p0 [sflag:s1], $0x1000  }
0x153: {  	[sflag:s1] =	ssyncset.done @!p0 $0x0  }
0x154: {  	[sflag:s1] =	ssyncadd.s32 @!p0 $0xFFFFF000;
	s1 =	simm.s32 $0x1900  }
0x155: {  	v1 =	vld [tilespmem:s1+$0x1200]  }
0x156: {  	v2 =	vld [tilespmem:s1+$0x1000]  }
0x157: {  	v3 =	vld [tilespmem:s1+$0xE00]  }
0x158: {  	v4 =	vld [tilespmem:s1+$0xC00]  }
0x159: {  	v5 =	vld [tilespmem:s1+$0xA00]  }
0x15a: {  	v6 =	vld [tilespmem:s1+$0x800]  }
0x15b: {  	v7 =	vld [tilespmem:s1+$0x600]  }
0x15c: {  	v8 =	vld [tilespmem:s1+$0x400]  }
0x15d: {  	v9 =	vld [tilespmem:s1+$0x200]  }
0x15e: {  	v10 =	vld [tilespmem:s1+$0x0]  }
0x15f: {  	v11 =	vld [tilespmem:s1+$0xFFFFFE00]  }
0x160: {  	v12 =	vld [tilespmem:s1+$0xFFFFFC00]  }
0x161: {  	v13 =	vld [tilespmem:s1+$0xFFFFFA00]  }
0x162: {  	v14 =	vld [tilespmem:s1+$0xFFFFF800]  }
0x163: {  	v15 =	vld [tilespmem:s1+$0xFFFFF600]  }
0x164: {  	v16 =	vld [tilespmem:s1+$0xFFFFF400]  }
0x165: {  	v17 =	vld [tilespmem:s1+$0xFFFFF200]  }
0x166: {  	v18 =	vld [tilespmem:s1+$0xFFFFF000]  }
0x167: {  	v19 =	vld [tilespmem:s1+$0xFFFFEC00]  }
0x168: {  	s19 =	simm.s32 $0x0;
	v20 =	vld [tilespmem:s1+$0xFFFFEE00]  }
0x169: {  	v21 =	vld [tilespmem:s19+$0x5910]  }
0x16a: {  	v22 =	vld [tilespmem:s19+$0x5500]  }
0x16b: {  	v23 =	vld [tilespmem:s19+$0x5900]  }
0x16c: {  	v24 =	vld [tilespmem:s19+$0x5510]  }
0x16d: {  	v25 =	vld [tilespmem:s19+$0x5D00]  }
0x16e: {  	v26 =	vld [tilespmem:s19+$0x5D10]  }
0x16f: {  	v53 =	vld [tilespmem:s19+$0x6100];
	v19 =	vadd.f32 v20, v19  }
0x170: {  	v54 =	vld [tilespmem:s19+$0x6110];
	v22 =	vadd.f32 v23, v22  }
0x171: {  	v56 =	vld [tilespmem:s19+$0x6500];
	v55 =	vadd.f32 v21, v24;
	v18 =	vadd.f32 v18, v19  }
0x172: {  	v57 =	vld [tilespmem:s19+$0x6510];
	v22 =	vadd.f32 v25, v22  }
0x173: {  	v59 =	vld [tilespmem:s19+$0x6900];
	v58 =	vadd.f32 v26, v55;
	v17 =	vadd.f32 v17, v18  }
0x174: {  	v60 =	vld [tilespmem:s19+$0x6910];
	v20 =	vadd.f32 v53, v22  }
0x175: {  	v62 =	vld [tilespmem:s19+$0x6D00];
	v61 =	vadd.f32 v54, v58;
	v16 =	vadd.f32 v16, v17  }
0x176: {  	v63 =	vld [tilespmem:s19+$0x6D10];
	v20 =	vadd.f32 v56, v20  }
0x177: {  	v25 =	vld [tilespmem:s19+$0x7100];
	v24 =	vadd.f32 v57, v61;
	v15 =	vadd.f32 v15, v16  }
0x178: {  	v26 =	vld [tilespmem:s19+$0x7110];
	v19 =	vadd.f32 v59, v20  }
0x179: {  	v28 =	vld [tilespmem:s19+$0x7500];
	v27 =	vadd.f32 v60, v24;
	v14 =	vadd.f32 v14, v15  }
0x17a: {  	v29 =	vld [tilespmem:s19+$0x7510];
	v18 =	vadd.f32 v62, v19  }
0x17b: {  	v31 =	vld [tilespmem:s19+$0x7900];
	v30 =	vadd.f32 v63, v27;
	v13 =	vadd.f32 v13, v14  }
0x17c: {  	v32 =	vld [tilespmem:s19+$0x7910];
	v17 =	vadd.f32 v25, v18  }
0x17d: {  	v34 =	vld [tilespmem:s19+$0x7D00];
	v33 =	vadd.f32 v26, v30;
	v12 =	vadd.f32 v12, v13  }
0x17e: {  	v35 =	vld [tilespmem:s19+$0x7D10];
	v16 =	vadd.f32 v28, v17  }
0x17f: {  	v37 =	vld [tilespmem:s19+$0x8100];
	v36 =	vadd.f32 v29, v33;
	v11 =	vadd.f32 v11, v12  }
0x180: {  	v38 =	vld [tilespmem:s19+$0x8110];
	v15 =	vadd.f32 v31, v16  }
0x181: {  	v40 =	vld [tilespmem:s19+$0x8500];
	v39 =	vadd.f32 v32, v36;
	v10 =	vadd.f32 v10, v11  }
0x182: {  	v41 =	vld [tilespmem:s19+$0x8510];
	v14 =	vadd.f32 v34, v15  }
0x183: {  	v43 =	vld [tilespmem:s19+$0x8900];
	v42 =	vadd.f32 v35, v39;
	v9 =	vadd.f32 v9, v10  }
0x184: {  	v44 =	vld [tilespmem:s19+$0x8910];
	v13 =	vadd.f32 v37, v14  }
0x185: {  	v46 =	vld [tilespmem:s19+$0x8D00];
	v45 =	vadd.f32 v38, v42;
	v8 =	vadd.f32 v8, v9  }
0x186: {  	v47 =	vld [tilespmem:s19+$0x8D10];
	v12 =	vadd.f32 v40, v13  }
0x187: {  	v49 =	vld [tilespmem:s19+$0x9100];
	v48 =	vadd.f32 v41, v45;
	v7 =	vadd.f32 v7, v8  }
0x188: {  	v50 =	vld [tilespmem:s19+$0x9110];
	v11 =	vadd.f32 v43, v12  }
0x189: {  	v52 =	vld [tilespmem:s19+$0x9500];
	v51 =	vadd.f32 v44, v48;
	v6 =	vadd.f32 v6, v7  }
0x18a: {  	v53 =	vld [tilespmem:s19+$0x9510];
	v10 =	vadd.f32 v46, v11  }
0x18b: {  	v55 =	vld [tilespmem:s19+$0x9900];
	v54 =	vadd.f32 v47, v51;
	v5 =	vadd.f32 v5, v6  }
0x18c: {  	v56 =	vld [tilespmem:s19+$0x9910];
	v9 =	vadd.f32 v49, v10  }
0x18d: {  	v58 =	vld [tilespmem:s19+$0x9D00];
	v57 =	vadd.f32 v50, v54;
	v4 =	vadd.f32 v4, v5  }
0x18e: {  	v59 =	vld [tilespmem:s19+$0x9D10];
	v8 =	vadd.f32 v52, v9  }
0x18f: {  	v61 =	vld [tilespmem:s19+$0xA100];
	v60 =	vadd.f32 v53, v57;
	v3 =	vadd.f32 v3, v4  }
0x190: {  	v62 =	vld [tilespmem:s19+$0xA110];
	v7 =	vadd.f32 v55, v8  }
0x191: {  	v2 =	vadd.f32 v2, v3;
	v3 =	vadd.f32 v56, v60  }
0x192: {  	v63 =	vadd.f32 v58, v7  }
0x193: {  	v1 =	vadd.f32 v1, v2;
	v2 =	vadd.f32 v59, v3  }
0x194: {  	s19 =	simm.s32 $0xF500;
	v3 =	vadd.f32 v61, v63  }
0x195: {  	[tilespmem:s19+$0x0] =	vst v1;
	v1 =	vadd.f32 v62, v2  }
0x196: {  	[tilespmem:s19+$0x10] =	vst v3  }
0x197: {  	s31 =	sshll.u32 s6, $0x6;
	s13 =	simm.s32 $0x80;
	s12 =	rddreg [dreg:$0x4];
	[tilespmem:s19+$0x20] =	vst v1  }
0x198: {  	s14 =	simm.s32 $0xF500;
	s2 =	sor.u32 s12, s31;
	s12 =	smov.u32 s8;
	v1 =	vld [tilespmem:s8+$0x0]  }
.LBB2_5:
0x199: {  	_ = 	snop  }
0x19a: {  	s12 =	sadd.s32 $0x10, s12;
	s19 =	sadd.s32 $0x80, s19;
	s1 =	sadd.s32 $0x10, s1  }
0x19b: {  	p1 =	sne.s32 s13, $0xF80;
	s31 =	smov.u32 s13;
	s13 =	sadd.s32 $0x80, s13  }
0x19c: {  	_ = 	snop  }
0x19d: {  	[tilespmem:s14+$0x60] =	vst v1;
	s14 =	smov.u32 s19  }
0x19e: {  	v1 =	vld [tilespmem:s1+$0x1200]  }
0x19f: {  	v2 =	vld [tilespmem:s1+$0x1000]  }
0x1a0: {  	v3 =	vld [tilespmem:s1+$0xE00]  }
0x1a1: {  	v4 =	vld [tilespmem:s1+$0xC00]  }
0x1a2: {  	v5 =	vld [tilespmem:s1+$0xA00]  }
0x1a3: {  	v6 =	vld [tilespmem:s1+$0x800]  }
0x1a4: {  	v7 =	vld [tilespmem:s1+$0x600]  }
0x1a5: {  	v8 =	vld [tilespmem:s1+$0x400]  }
0x1a6: {  	v9 =	vld [tilespmem:s1+$0x200]  }
0x1a7: {  	v10 =	vld [tilespmem:s1+$0x0]  }
0x1a8: {  	v11 =	vld [tilespmem:s1+$0xFFFFFE00]  }
0x1a9: {  	v12 =	vld [tilespmem:s1+$0xFFFFFC00]  }
0x1aa: {  	v13 =	vld [tilespmem:s1+$0xFFFFFA00]  }
0x1ab: {  	v14 =	vld [tilespmem:s1+$0xFFFFF800]  }
0x1ac: {  	v15 =	vld [tilespmem:s1+$0xFFFFF600]  }
0x1ad: {  	v16 =	vld [tilespmem:s1+$0xFFFFF400]  }
0x1ae: {  	v17 =	vld [tilespmem:s1+$0xFFFFF200]  }
0x1af: {  	v18 =	vld [tilespmem:s1+$0xFFFFF000]  }
0x1b0: {  	v19 =	vld [tilespmem:s1+$0xFFFFEC00]  }
0x1b1: {  	s31 =	sshra.s32 s31, $0x2;
	v20 =	vld [tilespmem:s1+$0xFFFFEE00]  }
0x1b2: {  	v21 =	vld [tilespmem:s31+$0x5910]  }
0x1b3: {  	v22 =	vld [tilespmem:s31+$0x5500]  }
0x1b4: {  	v23 =	vld [tilespmem:s31+$0x5900]  }
0x1b5: {  	v24 =	vld [tilespmem:s31+$0x5510]  }
0x1b6: {  	v19 =	vadd.f32 v20, v19;
	v20 =	vld [tilespmem:s31+$0x5D00]  }
0x1b7: {  	v25 =	vld [tilespmem:s31+$0x5D10]  }
0x1b8: {  	v18 =	vadd.f32 v18, v19;
	v19 =	vld [tilespmem:s31+$0x6100]  }
0x1b9: {  	v22 =	vadd.f32 v23, v22;
	v23 =	vld [tilespmem:s31+$0x6110]  }
0x1ba: {  	v21 =	vadd.f32 v21, v24;
	v17 =	vadd.f32 v17, v18;
	v18 =	vld [tilespmem:s31+$0x6500]  }
0x1bb: {  	v20 =	vadd.f32 v20, v22;
	v22 =	vld [tilespmem:s31+$0x6510]  }
0x1bc: {  	v21 =	vadd.f32 v25, v21;
	v16 =	vadd.f32 v16, v17;
	v17 =	vld [tilespmem:s31+$0x6900]  }
0x1bd: {  	v19 =	vadd.f32 v19, v20;
	v20 =	vld [tilespmem:s31+$0x6910]  }
0x1be: {  	v21 =	vadd.f32 v23, v21;
	v15 =	vadd.f32 v15, v16;
	v16 =	vld [tilespmem:s31+$0x6D00]  }
0x1bf: {  	v18 =	vadd.f32 v18, v19;
	v19 =	vld [tilespmem:s31+$0x6D10]  }
0x1c0: {  	v21 =	vadd.f32 v22, v21;
	v14 =	vadd.f32 v14, v15;
	v15 =	vld [tilespmem:s31+$0x7100]  }
0x1c1: {  	v17 =	vadd.f32 v17, v18;
	v18 =	vld [tilespmem:s31+$0x7110]  }
0x1c2: {  	v20 =	vadd.f32 v20, v21;
	v13 =	vadd.f32 v13, v14;
	v14 =	vld [tilespmem:s31+$0x7500]  }
0x1c3: {  	v16 =	vadd.f32 v16, v17;
	v17 =	vld [tilespmem:s31+$0x7510]  }
0x1c4: {  	v19 =	vadd.f32 v19, v20;
	v12 =	vadd.f32 v12, v13;
	v13 =	vld [tilespmem:s31+$0x7900]  }
0x1c5: {  	v15 =	vadd.f32 v15, v16;
	v16 =	vld [tilespmem:s31+$0x7910]  }
0x1c6: {  	v18 =	vadd.f32 v18, v19;
	v11 =	vadd.f32 v11, v12;
	v12 =	vld [tilespmem:s31+$0x7D00]  }
0x1c7: {  	v14 =	vadd.f32 v14, v15;
	v15 =	vld [tilespmem:s31+$0x7D10]  }
0x1c8: {  	v17 =	vadd.f32 v17, v18;
	v10 =	vadd.f32 v10, v11;
	v11 =	vld [tilespmem:s31+$0x8100]  }
0x1c9: {  	v13 =	vadd.f32 v13, v14;
	v14 =	vld [tilespmem:s31+$0x8110]  }
0x1ca: {  	v16 =	vadd.f32 v16, v17;
	v9 =	vadd.f32 v9, v10;
	v10 =	vld [tilespmem:s31+$0x8500]  }
0x1cb: {  	v12 =	vadd.f32 v12, v13;
	v13 =	vld [tilespmem:s31+$0x8510]  }
0x1cc: {  	v15 =	vadd.f32 v15, v16;
	v8 =	vadd.f32 v8, v9;
	v9 =	vld [tilespmem:s31+$0x8900]  }
0x1cd: {  	v11 =	vadd.f32 v11, v12;
	v12 =	vld [tilespmem:s31+$0x8910]  }
0x1ce: {  	v14 =	vadd.f32 v14, v15;
	v7 =	vadd.f32 v7, v8;
	v8 =	vld [tilespmem:s31+$0x8D00]  }
0x1cf: {  	v10 =	vadd.f32 v10, v11;
	v11 =	vld [tilespmem:s31+$0x8D10]  }
0x1d0: {  	v13 =	vadd.f32 v13, v14;
	v6 =	vadd.f32 v6, v7;
	v7 =	vld [tilespmem:s31+$0x9100]  }
0x1d1: {  	v9 =	vadd.f32 v9, v10;
	v10 =	vld [tilespmem:s31+$0x9110]  }
0x1d2: {  	v12 =	vadd.f32 v12, v13;
	v5 =	vadd.f32 v5, v6;
	v6 =	vld [tilespmem:s31+$0x9500]  }
0x1d3: {  	v8 =	vadd.f32 v8, v9;
	v9 =	vld [tilespmem:s31+$0x9510]  }
0x1d4: {  	v11 =	vadd.f32 v11, v12;
	v4 =	vadd.f32 v4, v5;
	v5 =	vld [tilespmem:s31+$0x9900]  }
0x1d5: {  	v7 =	vadd.f32 v7, v8;
	v8 =	vld [tilespmem:s31+$0x9910]  }
0x1d6: {  	v10 =	vadd.f32 v10, v11;
	v3 =	vadd.f32 v3, v4;
	v4 =	vld [tilespmem:s31+$0x9D00]  }
0x1d7: {  	v6 =	vadd.f32 v6, v7;
	v7 =	vld [tilespmem:s31+$0x9D10]  }
0x1d8: {  	v9 =	vadd.f32 v9, v10;
	v2 =	vadd.f32 v2, v3;
	v3 =	vld [tilespmem:s31+$0xA100]  }
0x1d9: {  	v5 =	vadd.f32 v5, v6;
	v6 =	vld [tilespmem:s31+$0xA110]  }
0x1da: {  	v8 =	vadd.f32 v8, v9;
	v1 =	vadd.f32 v1, v2  }
0x1db: {  	v2 =	vadd.f32 v4, v5  }
0x1dc: {  	v4 =	vadd.f32 v7, v8;
	[tilespmem:s19+$0x0] =	vst v1  }
.Ltmp1:
0x1dd: {  	v1 =	vadd.f32 v3, v2;
	(pc) =	sbr.rel @p1 .LBB2_5-.Ltmp1, $4  }
0x1de: {  	v2 =	vadd.f32 v6, v4  }
0x1df: {  	[tilespmem:s19+$0x10] =	vst v1  }
0x1e0: {  	[tilespmem:s19+$0x20] =	vst v2  }
0x1e1: {  	v1 =	vld [tilespmem:s12+$0x0]  }
0x1e2: {  	_ = 	snop  }
0x1e3: {  	p1 =	seq.s32 s6, $0x7  }
0x1e4: {  	s1 =	sshrl.u32 @!p1 s2, $0x3  }
0x1e5: {  	s12 =	simm.s32 @!p1 $0x20;
	s1 =	sadd.s32 @!p1 s4, s1  }
0x1e6: {  	s13 =	simm.s32 @!p1 $0x4000;
	s1 =	sadd.s32 @!p1 $0x8, s1;
	[tilespmem:s14+$0x60] =	vst v1;
	s14 =	simm.s32 @!p1 $0x0  }
0x1e7: {  	[tilespmem:s14], [sflag:$0x3] =	stream.strided.gather @!p1 [hbm4b:s1+s12], $0x280, s13, s12, $0x38;
	[tilespmem:$0x13700] =	vst v63  }
0x1e8: {  	s19 =	rddreg [dreg:$0x2];
	s1 =	sshll.u32 s2, $0x4  }
0x1e9: {  	s31 =	simm.s32 $0xF500;
	s12 =	sadd.s32 s19, s1  }
0x1ea: {  	[hbm4b:s12+s3] =	stream.linear.scatter [tilespmem:s31], [sflag:$0x5], $0x1000, $0x38;
	[tilespmem:$0x13700] =	vst v63  }
0x1eb: {  	_ =	swait.ge [sflag:s16], $0x200  }
0x1ec: {  	[sflag:s16] =	ssyncset.done $0x0  }
0x1ed: {  	[sflag:s16] =	ssyncadd.s32 $0xFFFFFE00  }
0x1ee: {  	_ =	swait.ge [sflag:s16], $0x400  }
0x1ef: {  	[sflag:s16] =	ssyncset.done $0x0  }
0x1f0: {  	[sflag:s16] =	ssyncadd.s32 $0xFFFFFC00  }
0x1f1: {  	_ =	swait.ge [sflag:s16], $0x200  }
0x1f2: {  	[sflag:s16] =	ssyncset.done $0x0  }
0x1f3: {  	[sflag:s16] =	ssyncadd.s32 $0xFFFFFE00  }
0x1f4: {  	_ =	swait.ge [sflag:s16], $0x400  }
0x1f5: {  	[sflag:s16] =	ssyncset.done $0x0  }
0x1f6: {  	[sflag:s16] =	ssyncadd.s32 $0xFFFFFC00  }
0x1f7: {  	_ =	swait.ge [sflag:s16], $0x200  }
0x1f8: {  	[sflag:s16] =	ssyncset.done $0x0  }
0x1f9: {  	[sflag:s16] =	ssyncadd.s32 $0xFFFFFE00  }
0x1fa: {  	_ =	swait.ge [sflag:s16], $0x400  }
0x1fb: {  	[sflag:s16] =	ssyncset.done $0x0  }
0x1fc: {  	[sflag:s16] =	ssyncadd.s32 $0xFFFFFC00  }
0x1fd: {  	_ =	swait.ge [sflag:s16], $0x200  }
0x1fe: {  	[sflag:s16] =	ssyncset.done $0x0  }
0x1ff: {  	[sflag:s16] =	ssyncadd.s32 $0xFFFFFE00  }
0x200: {  	_ =	swait.ge [sflag:s16], $0x400  }
0x201: {  	[sflag:s16] =	ssyncset.done $0x0  }
0x202: {  	[sflag:s16] =	ssyncadd.s32 $0xFFFFFC00  }
0x203: {  	_ =	swait.ge [sflag:s16], $0x200  }
0x204: {  	[sflag:s16] =	ssyncset.done $0x0  }
0x205: {  	[sflag:s16] =	ssyncadd.s32 $0xFFFFFE00  }
0x206: {  	_ =	swait.ge [sflag:s16], $0x400  }
0x207: {  	[sflag:s16] =	ssyncset.done $0x0  }
0x208: {  	[sflag:s16] =	ssyncadd.s32 $0xFFFFFC00  }
0x209: {  	_ =	swait.ge [sflag:s16], $0x200  }
0x20a: {  	[sflag:s16] =	ssyncset.done $0x0  }
0x20b: {  	[sflag:s16] =	ssyncadd.s32 $0xFFFFFE00  }
0x20c: {  	_ =	swait.ge [sflag:s16], $0x400  }
0x20d: {  	[sflag:s16] =	ssyncset.done $0x0  }
0x20e: {  	[sflag:s16] =	ssyncadd.s32 $0xFFFFFC00  }
0x20f: {  	_ =	swait.ge [sflag:s16], $0x200  }
0x210: {  	[sflag:s16] =	ssyncset.done $0x0  }
0x211: {  	[sflag:s16] =	ssyncadd.s32 $0xFFFFFE00  }
0x212: {  	_ =	swait.ge [sflag:s16], $0x400  }
0x213: {  	[sflag:s16] =	ssyncset.done $0x0  }
0x214: {  	[sflag:s16] =	ssyncadd.s32 $0xFFFFFC00  }
0x215: {  	_ =	swait.ge [sflag:s16], $0x200  }
0x216: {  	[sflag:s16] =	ssyncset.done $0x0  }
0x217: {  	[sflag:s16] =	ssyncadd.s32 $0xFFFFFE00  }
0x218: {  	_ =	swait.ge [sflag:s16], $0x400  }
0x219: {  	[sflag:s16] =	ssyncset.done $0x0  }
0x21a: {  	[sflag:s16] =	ssyncadd.s32 $0xFFFFFC00  }
0x21b: {  	_ =	swait.ge [sflag:s16], $0x200  }
0x21c: {  	[sflag:s16] =	ssyncset.done $0x0  }
0x21d: {  	[sflag:s16] =	ssyncadd.s32 $0xFFFFFE00  }
0x21e: {  	_ =	swait.ge [sflag:s16], $0x400  }
0x21f: {  	[sflag:s16] =	ssyncset.done $0x0  }
0x220: {  	[sflag:s16] =	ssyncadd.s32 $0xFFFFFC00  }
0x221: {  	_ =	swait.ge [sflag:s16], $0x200  }
0x222: {  	[sflag:s16] =	ssyncset.done $0x0  }
0x223: {  	[sflag:s16] =	ssyncadd.s32 $0xFFFFFE00  }
0x224: {  	_ =	swait.ge [sflag:s16], $0x400  }
0x225: {  	[sflag:s16] =	ssyncset.done $0x0  }
0x226: {  	[sflag:s16] =	ssyncadd.s32 $0xFFFFFC00  }
0x227: {  	_ =	swait.ge [sflag:s16], $0x200  }
0x228: {  	[sflag:s16] =	ssyncset.done $0x0  }
0x229: {  	[sflag:s16] =	ssyncadd.s32 $0xFFFFFE00  }
0x22a: {  	_ =	swait.ge [sflag:s16], $0x400  }
0x22b: {  	[sflag:s16] =	ssyncset.done $0x0  }
0x22c: {  	[sflag:s16] =	ssyncadd.s32 $0xFFFFFC00  }
0x22d: {  	_ =	swait.ge [sflag:s16], $0x200  }
0x22e: {  	[sflag:s16] =	ssyncset.done $0x0  }
0x22f: {  	[sflag:s16] =	ssyncadd.s32 $0xFFFFFE00  }
0x230: {  	_ =	swait.ge [sflag:s16], $0x400  }
0x231: {  	[sflag:s16] =	ssyncset.done $0x0  }
0x232: {  	[sflag:s16] =	ssyncadd.s32 $0xFFFFFC00  }
0x233: {  	_ =	swait.ge [sflag:s16], $0x200  }
0x234: {  	[sflag:s16] =	ssyncset.done $0x0  }
0x235: {  	[sflag:s16] =	ssyncadd.s32 $0xFFFFFE00  }
0x236: {  	_ =	swait.ge [sflag:s16], $0x400  }
0x237: {  	[sflag:s16] =	ssyncset.done $0x0  }
0x238: {  	[sflag:s16] =	ssyncadd.s32 $0xFFFFFC00  }
0x239: {  	_ =	swait.ge [sflag:s16], $0x200  }
0x23a: {  	[sflag:s16] =	ssyncset.done $0x0  }
0x23b: {  	[sflag:s16] =	ssyncadd.s32 $0xFFFFFE00  }
0x23c: {  	_ =	swait.ge [sflag:s16], $0x400  }
0x23d: {  	[sflag:s16] =	ssyncset.done $0x0  }
0x23e: {  	[sflag:s16] =	ssyncadd.s32 $0xFFFFFC00  }
0x23f: {  	_ =	swait.ge [sflag:s16], $0x200  }
0x240: {  	[sflag:s16] =	ssyncset.done $0x0  }
0x241: {  	[sflag:s16] =	ssyncadd.s32 $0xFFFFFE00  }
0x242: {  	_ =	swait.ge [sflag:s16], $0x400  }
0x243: {  	[sflag:s16] =	ssyncset.done $0x0  }
0x244: {  	[sflag:s16] =	ssyncadd.s32 $0xFFFFFC00  }
0x245: {  	_ =	swait.ge [sflag:s16], $0x200  }
0x246: {  	[sflag:s16] =	ssyncset.done $0x0  }
0x247: {  	[sflag:s16] =	ssyncadd.s32 $0xFFFFFE00  }
0x248: {  	_ =	swait.ge [sflag:s16], $0x400  }
0x249: {  	[sflag:s16] =	ssyncset.done $0x0  }
0x24a: {  	[sflag:s16] =	ssyncadd.s32 $0xFFFFFC00  }
0x24b: {  	_ =	swait.ge [sflag:s16], $0x200  }
0x24c: {  	[sflag:s16] =	ssyncset.done $0x0  }
0x24d: {  	[sflag:s16] =	ssyncadd.s32 $0xFFFFFE00  }
0x24e: {  	_ =	swait.ge [sflag:s16], $0x400  }
0x24f: {  	[sflag:s16] =	ssyncset.done $0x0  }
0x250: {  	[sflag:s16] =	ssyncadd.s32 $0xFFFFFC00  }
0x251: {  	_ =	swait.ge [sflag:s16], $0x200  }
0x252: {  	[sflag:s16] =	ssyncset.done $0x0  }
0x253: {  	[sflag:s16] =	ssyncadd.s32 $0xFFFFFE00  }
0x254: {  	_ =	swait.ge [sflag:s16], $0x400  }
0x255: {  	[sflag:s16] =	ssyncset.done $0x0  }
0x256: {  	[sflag:s16] =	ssyncadd.s32 $0xFFFFFC00  }
0x257: {  	_ =	swait.ge [sflag:s16], $0x200  }
0x258: {  	[sflag:s16] =	ssyncset.done $0x0  }
0x259: {  	[sflag:s16] =	ssyncadd.s32 $0xFFFFFE00  }
0x25a: {  	_ =	swait.ge [sflag:s16], $0x400  }
0x25b: {  	[sflag:s16] =	ssyncset.done $0x0  }
0x25c: {  	[sflag:s16] =	ssyncadd.s32 $0xFFFFFC00  }
0x25d: {  	_ =	swait.ge [sflag:s16], $0x200  }
.Ltmp2:
0x25e: {  	[sflag:s16] =	ssyncset.done $0x0;
	(pc) =	sbr.rel @p1 .LBB2_8-.Ltmp2, $4  }
0x25f: {  	[sflag:s16] =	ssyncadd.s32 $0xFFFFFE00  }
0x260: {  	_ =	swait.ge [sflag:s16], $0x400  }
0x261: {  	[sflag:s16] =	ssyncset.done $0x0  }
0x262: {  	[sflag:s16] =	ssyncadd.s32 $0xFFFFFC00  }
0x263: {  	s12 =	simm.s32 $0x3  }
0x264: {  	_ =	swait.ge [sflag:s12], $0x280  }
0x265: {  	[sflag:s12] =	ssyncset.done $0x0  }
0x266: {  	s14 =	simm.s32 $0x500;
	[sflag:s12] =	ssyncadd.s32 $0xFFFFFD80  }
0x267: {  	[tilespmem:s14], [sflag:$0x1] =	stream.indirect.gather [hbm4b:s5+s24], $0x10, s3, s24, $0xb8;
	[tilespmem:$0x13700] =	vst v63  }
0x268: {  	s19 =	simm.s32 $0x5500  }
0x269: {  	[tilespmem:s19], [sflag:$0x1] =	stream.indirect.gather [hbm4b:s7+s24], $0x20, s3, s24, $0xb8;
	[tilespmem:$0x13700] =	vst v63  }
0x26a: {  	s31 =	simm.s32 $0x700  }
0x26b: {  	[tilespmem:s31], [sflag:$0x1] =	stream.indirect.gather [hbm4b:s5+s24], $0x10, s24, s24, $0xb8;
	[tilespmem:$0x13700] =	vst v63  }
0x26c: {  	s13 =	simm.s32 $0x5900  }
0x26d: {  	[tilespmem:s13], [sflag:$0x1] =	stream.indirect.gather [hbm4b:s7+s24], $0x20, s24, s24, $0xb8;
	[tilespmem:$0x13700] =	vst v63  }
0x26e: {  	s14 =	simm.s32 $0x40;
	s13 =	simm.s32 $0x900  }
0x26f: {  	[tilespmem:s13], [sflag:$0x1] =	stream.indirect.gather [hbm4b:s5+s24], $0x10, s14, s24, $0xb8;
	[tilespmem:$0x13700] =	vst v63  }
0x270: {  	s19 =	simm.s32 $0x5D00  }
0x271: {  	[tilespmem:s19], [sflag:$0x1] =	stream.indirect.gather [hbm4b:s7+s24], $0x20, s14, s24, $0xb8;
	[tilespmem:$0x13700] =	vst v63  }
0x272: {  	s31 =	simm.s32 $0x60;
	s14 =	simm.s32 $0xB00  }
0x273: {  	[tilespmem:s14], [sflag:$0x1] =	stream.indirect.gather [hbm4b:s5+s24], $0x10, s31, s24, $0xb8;
	[tilespmem:$0x13700] =	vst v63  }
0x274: {  	s19 =	simm.s32 $0x6100  }
0x275: {  	[tilespmem:s19], [sflag:$0x1] =	stream.indirect.gather [hbm4b:s7+s24], $0x20, s31, s24, $0xb8;
	[tilespmem:$0x13700] =	vst v63  }
0x276: {  	s14 =	simm.s32 $0xD00;
	s31 =	simm.s32 $0x80  }
0x277: {  	[tilespmem:s14], [sflag:$0x1] =	stream.indirect.gather [hbm4b:s5+s24], $0x10, s31, s24, $0xb8;
	[tilespmem:$0x13700] =	vst v63  }
0x278: {  	s19 =	simm.s32 $0x6500  }
0x279: {  	[tilespmem:s19], [sflag:$0x1] =	stream.indirect.gather [hbm4b:s7+s24], $0x20, s31, s24, $0xb8;
	[tilespmem:$0x13700] =	vst v63  }
0x27a: {  	s14 =	simm.s32 $0xF00;
	s31 =	simm.s32 $0xA0  }
0x27b: {  	[tilespmem:s14], [sflag:$0x1] =	stream.indirect.gather [hbm4b:s5+s24], $0x10, s31, s24, $0xb8;
	[tilespmem:$0x13700] =	vst v63  }
0x27c: {  	s19 =	simm.s32 $0x6900  }
0x27d: {  	[tilespmem:s19], [sflag:$0x1] =	stream.indirect.gather [hbm4b:s7+s24], $0x20, s31, s24, $0xb8;
	[tilespmem:$0x13700] =	vst v63  }
0x27e: {  	s14 =	simm.s32 $0x1100;
	s31 =	simm.s32 $0xC0  }
0x27f: {  	[tilespmem:s14], [sflag:$0x1] =	stream.indirect.gather [hbm4b:s5+s24], $0x10, s31, s24, $0xb8;
	[tilespmem:$0x13700] =	vst v63  }
0x280: {  	s19 =	simm.s32 $0x6D00  }
0x281: {  	[tilespmem:s19], [sflag:$0x1] =	stream.indirect.gather [hbm4b:s7+s24], $0x20, s31, s24, $0xb8;
	[tilespmem:$0x13700] =	vst v63  }
0x282: {  	s14 =	simm.s32 $0x1300;
	s31 =	simm.s32 $0xE0  }
0x283: {  	[tilespmem:s14], [sflag:$0x1] =	stream.indirect.gather [hbm4b:s5+s24], $0x10, s31, s24, $0xb8;
	[tilespmem:$0x13700] =	vst v63  }
0x284: {  	s19 =	simm.s32 $0x7100  }
0x285: {  	[tilespmem:s19], [sflag:$0x1] =	stream.indirect.gather [hbm4b:s7+s24], $0x20, s31, s24, $0xb8;
	[tilespmem:$0x13700] =	vst v63  }
0x286: {  	s14 =	simm.s32 $0x1500;
	s31 =	simm.s32 $0x100  }
0x287: {  	[tilespmem:s14], [sflag:$0x1] =	stream.indirect.gather [hbm4b:s5+s24], $0x10, s31, s24, $0xb8;
	[tilespmem:$0x13700] =	vst v63  }
0x288: {  	s19 =	simm.s32 $0x7500  }
0x289: {  	[tilespmem:s19], [sflag:$0x1] =	stream.indirect.gather [hbm4b:s7+s24], $0x20, s31, s24, $0xb8;
	[tilespmem:$0x13700] =	vst v63  }
0x28a: {  	s14 =	simm.s32 $0x1700;
	s31 =	simm.s32 $0x120  }
0x28b: {  	[tilespmem:s14], [sflag:$0x1] =	stream.indirect.gather [hbm4b:s5+s24], $0x10, s31, s24, $0xb8;
	[tilespmem:$0x13700] =	vst v63  }
0x28c: {  	s19 =	simm.s32 $0x7900  }
0x28d: {  	[tilespmem:s19], [sflag:$0x1] =	stream.indirect.gather [hbm4b:s7+s24], $0x20, s31, s24, $0xb8;
	[tilespmem:$0x13700] =	vst v63  }
0x28e: {  	s14 =	simm.s32 $0x1900;
	s31 =	simm.s32 $0x140  }
0x28f: {  	[tilespmem:s14], [sflag:$0x1] =	stream.indirect.gather [hbm4b:s5+s24], $0x10, s31, s24, $0xb8;
	[tilespmem:$0x13700] =	vst v63  }
0x290: {  	s19 =	simm.s32 $0x7D00  }
0x291: {  	[tilespmem:s19], [sflag:$0x1] =	stream.indirect.gather [hbm4b:s7+s24], $0x20, s31, s24, $0xb8;
	[tilespmem:$0x13700] =	vst v63  }
0x292: {  	s14 =	simm.s32 $0x1B00;
	s31 =	simm.s32 $0x160  }
0x293: {  	[tilespmem:s14], [sflag:$0x1] =	stream.indirect.gather [hbm4b:s5+s24], $0x10, s31, s24, $0xb8;
	[tilespmem:$0x13700] =	vst v63  }
0x294: {  	s19 =	simm.s32 $0x8100  }
0x295: {  	[tilespmem:s19], [sflag:$0x1] =	stream.indirect.gather [hbm4b:s7+s24], $0x20, s31, s24, $0xb8;
	[tilespmem:$0x13700] =	vst v63  }
0x296: {  	s14 =	simm.s32 $0x1D00;
	s31 =	simm.s32 $0x180  }
0x297: {  	[tilespmem:s14], [sflag:$0x1] =	stream.indirect.gather [hbm4b:s5+s24], $0x10, s31, s24, $0xb8;
	[tilespmem:$0x13700] =	vst v63  }
0x298: {  	s19 =	simm.s32 $0x8500  }
0x299: {  	[tilespmem:s19], [sflag:$0x1] =	stream.indirect.gather [hbm4b:s7+s24], $0x20, s31, s24, $0xb8;
	[tilespmem:$0x13700] =	vst v63  }
0x29a: {  	s14 =	simm.s32 $0x1F00;
	s31 =	simm.s32 $0x1A0  }
0x29b: {  	[tilespmem:s14], [sflag:$0x1] =	stream.indirect.gather [hbm4b:s5+s24], $0x10, s31, s24, $0xb8;
	[tilespmem:$0x13700] =	vst v63  }
0x29c: {  	s19 =	simm.s32 $0x8900  }
0x29d: {  	[tilespmem:s19], [sflag:$0x1] =	stream.indirect.gather [hbm4b:s7+s24], $0x20, s31, s24, $0xb8;
	[tilespmem:$0x13700] =	vst v63  }
0x29e: {  	s14 =	simm.s32 $0x2100;
	s31 =	simm.s32 $0x1C0  }
0x29f: {  	[tilespmem:s14], [sflag:$0x1] =	stream.indirect.gather [hbm4b:s5+s24], $0x10, s31, s24, $0xb8;
	[tilespmem:$0x13700] =	vst v63  }
0x2a0: {  	s19 =	simm.s32 $0x8D00  }
0x2a1: {  	[tilespmem:s19], [sflag:$0x1] =	stream.indirect.gather [hbm4b:s7+s24], $0x20, s31, s24, $0xb8;
	[tilespmem:$0x13700] =	vst v63  }
0x2a2: {  	s14 =	simm.s32 $0x2300;
	s31 =	simm.s32 $0x1E0  }
0x2a3: {  	[tilespmem:s14], [sflag:$0x1] =	stream.indirect.gather [hbm4b:s5+s24], $0x10, s31, s24, $0xb8;
	[tilespmem:$0x13700] =	vst v63  }
0x2a4: {  	s19 =	simm.s32 $0x9100  }
0x2a5: {  	[tilespmem:s19], [sflag:$0x1] =	stream.indirect.gather [hbm4b:s7+s24], $0x20, s31, s24, $0xb8;
	[tilespmem:$0x13700] =	vst v63  }
0x2a6: {  	s14 =	simm.s32 $0x2500;
	s31 =	simm.s32 $0x200  }
0x2a7: {  	[tilespmem:s14], [sflag:$0x1] =	stream.indirect.gather [hbm4b:s5+s24], $0x10, s31, s24, $0xb8;
	[tilespmem:$0x13700] =	vst v63  }
0x2a8: {  	s19 =	simm.s32 $0x9500  }
0x2a9: {  	[tilespmem:s19], [sflag:$0x1] =	stream.indirect.gather [hbm4b:s7+s24], $0x20, s31, s24, $0xb8;
	[tilespmem:$0x13700] =	vst v63  }
0x2aa: {  	s14 =	simm.s32 $0x2700;
	s31 =	simm.s32 $0x220  }
0x2ab: {  	[tilespmem:s14], [sflag:$0x1] =	stream.indirect.gather [hbm4b:s5+s24], $0x10, s31, s24, $0xb8;
	[tilespmem:$0x13700] =	vst v63  }
0x2ac: {  	s19 =	simm.s32 $0x9900  }
0x2ad: {  	[tilespmem:s19], [sflag:$0x1] =	stream.indirect.gather [hbm4b:s7+s24], $0x20, s31, s24, $0xb8;
	[tilespmem:$0x13700] =	vst v63  }
0x2ae: {  	s14 =	simm.s32 $0x2900;
	s31 =	simm.s32 $0x240  }
0x2af: {  	[tilespmem:s14], [sflag:$0x1] =	stream.indirect.gather [hbm4b:s5+s24], $0x10, s31, s24, $0xb8;
	[tilespmem:$0x13700] =	vst v63  }
0x2b0: {  	s19 =	simm.s32 $0x9D00  }
0x2b1: {  	[tilespmem:s19], [sflag:$0x1] =	stream.indirect.gather [hbm4b:s7+s24], $0x20, s31, s24, $0xb8;
	[tilespmem:$0x13700] =	vst v63  }
0x2b2: {  	s14 =	simm.s32 $0x2B00;
	s31 =	simm.s32 $0x260  }
0x2b3: {  	[tilespmem:s14], [sflag:$0x1] =	stream.indirect.gather [hbm4b:s5+s24], $0x10, s31, s24, $0xb8;
	[tilespmem:$0x13700] =	vst v63  }
.Ltmp3:
0x2b4: {  	s2 =	sshrl.u32 s2, $0x3;
	(pc) =	sbr.rel @p0 .LBB2_9-.Ltmp3, $4  }
0x2b5: {  	s2 =	sadd.s32 s4, s2;
	s19 =	simm.s32 $0xA100  }
0x2b6: {  	[tilespmem:s19], [sflag:$0x1] =	stream.indirect.gather [hbm4b:s7+s24], $0x20, s31, s24, $0xb8;
	[tilespmem:$0x13700] =	vst v63  }
0x2b7: {  	s2 =	sadd.s32 $0xC, s2;
	s31 =	simm.s32 $0x4000  }
0x2b8: {  	[tilespmem:s26], [sflag:$0x4] =	stream.strided.gather [hbm4b:s2+s24], $0x280, s31, s24, $0x38;
	[tilespmem:$0x13700] =	vst v63  }
.LBB2_8:
0x2b9: {  	_ =	swait.ge [sflag:s28], $0x1000  }
0x2ba: {  	[sflag:s28] =	ssyncset.done $0x0  }
0x2bb: {  	[sflag:s28] =	ssyncadd.s32 $0xFFFFF000  }
.LBB2_9:
0x2bc: {  	s2 =	simm.s32 $0x4100  }
0x2bd: {  	v1 =	vld [tilespmem:s2+$0x1200]  }
0x2be: {  	v2 =	vld [tilespmem:s2+$0x1000]  }
0x2bf: {  	v3 =	vld [tilespmem:s2+$0xE00]  }
0x2c0: {  	v4 =	vld [tilespmem:s2+$0xC00]  }
0x2c1: {  	v5 =	vld [tilespmem:s2+$0xA00]  }
0x2c2: {  	v6 =	vld [tilespmem:s2+$0x800]  }
0x2c3: {  	v7 =	vld [tilespmem:s2+$0x600]  }
0x2c4: {  	v8 =	vld [tilespmem:s2+$0x400]  }
0x2c5: {  	v9 =	vld [tilespmem:s2+$0x200]  }
0x2c6: {  	v10 =	vld [tilespmem:s2+$0x0]  }
0x2c7: {  	v11 =	vld [tilespmem:s2+$0xFFFFFE00]  }
0x2c8: {  	v12 =	vld [tilespmem:s2+$0xFFFFFC00]  }
0x2c9: {  	v13 =	vld [tilespmem:s2+$0xFFFFFA00]  }
0x2ca: {  	v14 =	vld [tilespmem:s2+$0xFFFFF800]  }
0x2cb: {  	v15 =	vld [tilespmem:s2+$0xFFFFF600]  }
0x2cc: {  	v16 =	vld [tilespmem:s2+$0xFFFFF400]  }
0x2cd: {  	v17 =	vld [tilespmem:s2+$0xFFFFF200]  }
0x2ce: {  	v18 =	vld [tilespmem:s2+$0xFFFFF000]  }
0x2cf: {  	v19 =	vld [tilespmem:s2+$0xFFFFEC00]  }
0x2d0: {  	s12 =	simm.s32 $0x0;
	v20 =	vld [tilespmem:s2+$0xFFFFEE00]  }
0x2d1: {  	v21 =	vld [tilespmem:s12+$0xA910]  }
0x2d2: {  	v22 =	vld [tilespmem:s12+$0xA500]  }
0x2d3: {  	v23 =	vld [tilespmem:s12+$0xA900]  }
0x2d4: {  	v24 =	vld [tilespmem:s12+$0xA510]  }
0x2d5: {  	v25 =	vld [tilespmem:s12+$0xAD00]  }
0x2d6: {  	v26 =	vld [tilespmem:s12+$0xAD10]  }
0x2d7: {  	v53 =	vld [tilespmem:s12+$0xB100];
	v19 =	vadd.f32 v20, v19  }
0x2d8: {  	v54 =	vld [tilespmem:s12+$0xB110];
	v22 =	vadd.f32 v23, v22  }
0x2d9: {  	v56 =	vld [tilespmem:s12+$0xB500];
	v55 =	vadd.f32 v21, v24;
	v18 =	vadd.f32 v18, v19  }
0x2da: {  	v57 =	vld [tilespmem:s12+$0xB510];
	v22 =	vadd.f32 v25, v22  }
0x2db: {  	v59 =	vld [tilespmem:s12+$0xB900];
	v58 =	vadd.f32 v26, v55;
	v17 =	vadd.f32 v17, v18  }
0x2dc: {  	v60 =	vld [tilespmem:s12+$0xB910];
	v20 =	vadd.f32 v53, v22  }
0x2dd: {  	v62 =	vld [tilespmem:s12+$0xBD00];
	v61 =	vadd.f32 v54, v58;
	v16 =	vadd.f32 v16, v17  }
0x2de: {  	v63 =	vld [tilespmem:s12+$0xBD10];
	v20 =	vadd.f32 v56, v20  }
0x2df: {  	v25 =	vld [tilespmem:s12+$0xC100];
	v24 =	vadd.f32 v57, v61;
	v15 =	vadd.f32 v15, v16  }
0x2e0: {  	v26 =	vld [tilespmem:s12+$0xC110];
	v19 =	vadd.f32 v59, v20  }
0x2e1: {  	v28 =	vld [tilespmem:s12+$0xC500];
	v27 =	vadd.f32 v60, v24;
	v14 =	vadd.f32 v14, v15  }
0x2e2: {  	v29 =	vld [tilespmem:s12+$0xC510];
	v18 =	vadd.f32 v62, v19  }
0x2e3: {  	v31 =	vld [tilespmem:s12+$0xC900];
	v30 =	vadd.f32 v63, v27;
	v13 =	vadd.f32 v13, v14  }
0x2e4: {  	v32 =	vld [tilespmem:s12+$0xC910];
	v17 =	vadd.f32 v25, v18  }
0x2e5: {  	v34 =	vld [tilespmem:s12+$0xCD00];
	v33 =	vadd.f32 v26, v30;
	v12 =	vadd.f32 v12, v13  }
0x2e6: {  	v35 =	vld [tilespmem:s12+$0xCD10];
	v16 =	vadd.f32 v28, v17  }
0x2e7: {  	v37 =	vld [tilespmem:s12+$0xD100];
	v36 =	vadd.f32 v29, v33;
	v11 =	vadd.f32 v11, v12  }
0x2e8: {  	v38 =	vld [tilespmem:s12+$0xD110];
	v15 =	vadd.f32 v31, v16  }
0x2e9: {  	v40 =	vld [tilespmem:s12+$0xD500];
	v39 =	vadd.f32 v32, v36;
	v10 =	vadd.f32 v10, v11  }
0x2ea: {  	v41 =	vld [tilespmem:s12+$0xD510];
	v14 =	vadd.f32 v34, v15  }
0x2eb: {  	v43 =	vld [tilespmem:s12+$0xD900];
	v42 =	vadd.f32 v35, v39;
	v9 =	vadd.f32 v9, v10  }
0x2ec: {  	v44 =	vld [tilespmem:s12+$0xD910];
	v13 =	vadd.f32 v37, v14  }
0x2ed: {  	v46 =	vld [tilespmem:s12+$0xDD00];
	v45 =	vadd.f32 v38, v42;
	v8 =	vadd.f32 v8, v9  }
0x2ee: {  	v47 =	vld [tilespmem:s12+$0xDD10];
	v12 =	vadd.f32 v40, v13  }
0x2ef: {  	v49 =	vld [tilespmem:s12+$0xE100];
	v48 =	vadd.f32 v41, v45;
	v7 =	vadd.f32 v7, v8  }
0x2f0: {  	v50 =	vld [tilespmem:s12+$0xE110];
	v11 =	vadd.f32 v43, v12  }
0x2f1: {  	v52 =	vld [tilespmem:s12+$0xE500];
	v51 =	vadd.f32 v44, v48;
	v6 =	vadd.f32 v6, v7  }
0x2f2: {  	v53 =	vld [tilespmem:s12+$0xE510];
	v10 =	vadd.f32 v46, v11  }
0x2f3: {  	v55 =	vld [tilespmem:s12+$0xE900];
	v54 =	vadd.f32 v47, v51;
	v5 =	vadd.f32 v5, v6  }
0x2f4: {  	v56 =	vld [tilespmem:s12+$0xE910];
	v9 =	vadd.f32 v49, v10  }
0x2f5: {  	v58 =	vld [tilespmem:s12+$0xED00];
	v57 =	vadd.f32 v50, v54;
	v4 =	vadd.f32 v4, v5  }
0x2f6: {  	v59 =	vld [tilespmem:s12+$0xED10];
	v8 =	vadd.f32 v52, v9  }
0x2f7: {  	v61 =	vld [tilespmem:s12+$0xF100];
	v60 =	vadd.f32 v53, v57;
	v3 =	vadd.f32 v3, v4  }
0x2f8: {  	v62 =	vld [tilespmem:s12+$0xF110];
	v7 =	vadd.f32 v55, v8  }
0x2f9: {  	v2 =	vadd.f32 v2, v3;
	v3 =	vadd.f32 v56, v60  }
0x2fa: {  	v63 =	vadd.f32 v58, v7  }
0x2fb: {  	v1 =	vadd.f32 v1, v2;
	v2 =	vadd.f32 v59, v3  }
0x2fc: {  	s19 =	simm.s32 $0x10500;
	v3 =	vadd.f32 v61, v63  }
0x2fd: {  	[tilespmem:s19+$0x0] =	vst v1;
	v1 =	vadd.f32 v62, v2  }
0x2fe: {  	[tilespmem:s19+$0x10] =	vst v3  }
0x2ff: {  	[tilespmem:s19+$0x20] =	vst v1  }
0x300: {  	s13 =	simm.s32 $0x80;
	s14 =	simm.s32 $0x10500;
	s12 =	smov.u32 s25;
	v1 =	vld [tilespmem:s25+$0x0]  }
.LBB2_10:
0x301: {  	_ = 	snop  }
0x302: {  	s12 =	sadd.s32 $0x10, s12;
	s19 =	sadd.s32 $0x80, s19;
	s2 =	sadd.s32 $0x10, s2  }
0x303: {  	p0 =	sne.s32 s13, $0xF80;
	s31 =	smov.u32 s13;
	s13 =	sadd.s32 $0x80, s13  }
0x304: {  	_ = 	snop  }
0x305: {  	[tilespmem:s14+$0x60] =	vst v1;
	s14 =	smov.u32 s19  }
0x306: {  	v1 =	vld [tilespmem:s2+$0x1200]  }
0x307: {  	v2 =	vld [tilespmem:s2+$0x1000]  }
0x308: {  	v3 =	vld [tilespmem:s2+$0xE00]  }
0x309: {  	v4 =	vld [tilespmem:s2+$0xC00]  }
0x30a: {  	v5 =	vld [tilespmem:s2+$0xA00]  }
0x30b: {  	v6 =	vld [tilespmem:s2+$0x800]  }
0x30c: {  	v7 =	vld [tilespmem:s2+$0x600]  }
0x30d: {  	v8 =	vld [tilespmem:s2+$0x400]  }
0x30e: {  	v9 =	vld [tilespmem:s2+$0x200]  }
0x30f: {  	v10 =	vld [tilespmem:s2+$0x0]  }
0x310: {  	v11 =	vld [tilespmem:s2+$0xFFFFFE00]  }
0x311: {  	v12 =	vld [tilespmem:s2+$0xFFFFFC00]  }
0x312: {  	v13 =	vld [tilespmem:s2+$0xFFFFFA00]  }
0x313: {  	v14 =	vld [tilespmem:s2+$0xFFFFF800]  }
0x314: {  	v15 =	vld [tilespmem:s2+$0xFFFFF600]  }
0x315: {  	v16 =	vld [tilespmem:s2+$0xFFFFF400]  }
0x316: {  	v17 =	vld [tilespmem:s2+$0xFFFFF200]  }
0x317: {  	v18 =	vld [tilespmem:s2+$0xFFFFF000]  }
0x318: {  	v19 =	vld [tilespmem:s2+$0xFFFFEC00]  }
0x319: {  	s31 =	sshra.s32 s31, $0x2;
	v20 =	vld [tilespmem:s2+$0xFFFFEE00]  }
0x31a: {  	v21 =	vld [tilespmem:s31+$0xA910]  }
0x31b: {  	v22 =	vld [tilespmem:s31+$0xA500]  }
0x31c: {  	v23 =	vld [tilespmem:s31+$0xA900]  }
0x31d: {  	v24 =	vld [tilespmem:s31+$0xA510]  }
0x31e: {  	v19 =	vadd.f32 v20, v19;
	v20 =	vld [tilespmem:s31+$0xAD00]  }
0x31f: {  	v25 =	vld [tilespmem:s31+$0xAD10]  }
0x320: {  	v18 =	vadd.f32 v18, v19;
	v19 =	vld [tilespmem:s31+$0xB100]  }
0x321: {  	v22 =	vadd.f32 v23, v22;
	v23 =	vld [tilespmem:s31+$0xB110]  }
0x322: {  	v21 =	vadd.f32 v21, v24;
	v17 =	vadd.f32 v17, v18;
	v18 =	vld [tilespmem:s31+$0xB500]  }
0x323: {  	v20 =	vadd.f32 v20, v22;
	v22 =	vld [tilespmem:s31+$0xB510]  }
0x324: {  	v21 =	vadd.f32 v25, v21;
	v16 =	vadd.f32 v16, v17;
	v17 =	vld [tilespmem:s31+$0xB900]  }
0x325: {  	v19 =	vadd.f32 v19, v20;
	v20 =	vld [tilespmem:s31+$0xB910]  }
0x326: {  	v21 =	vadd.f32 v23, v21;
	v15 =	vadd.f32 v15, v16;
	v16 =	vld [tilespmem:s31+$0xBD00]  }
0x327: {  	v18 =	vadd.f32 v18, v19;
	v19 =	vld [tilespmem:s31+$0xBD10]  }
0x328: {  	v21 =	vadd.f32 v22, v21;
	v14 =	vadd.f32 v14, v15;
	v15 =	vld [tilespmem:s31+$0xC100]  }
0x329: {  	v17 =	vadd.f32 v17, v18;
	v18 =	vld [tilespmem:s31+$0xC110]  }
0x32a: {  	v20 =	vadd.f32 v20, v21;
	v13 =	vadd.f32 v13, v14;
	v14 =	vld [tilespmem:s31+$0xC500]  }
0x32b: {  	v16 =	vadd.f32 v16, v17;
	v17 =	vld [tilespmem:s31+$0xC510]  }
0x32c: {  	v19 =	vadd.f32 v19, v20;
	v12 =	vadd.f32 v12, v13;
	v13 =	vld [tilespmem:s31+$0xC900]  }
0x32d: {  	v15 =	vadd.f32 v15, v16;
	v16 =	vld [tilespmem:s31+$0xC910]  }
0x32e: {  	v18 =	vadd.f32 v18, v19;
	v11 =	vadd.f32 v11, v12;
	v12 =	vld [tilespmem:s31+$0xCD00]  }
0x32f: {  	v14 =	vadd.f32 v14, v15;
	v15 =	vld [tilespmem:s31+$0xCD10]  }
0x330: {  	v17 =	vadd.f32 v17, v18;
	v10 =	vadd.f32 v10, v11;
	v11 =	vld [tilespmem:s31+$0xD100]  }
0x331: {  	v13 =	vadd.f32 v13, v14;
	v14 =	vld [tilespmem:s31+$0xD110]  }
0x332: {  	v16 =	vadd.f32 v16, v17;
	v9 =	vadd.f32 v9, v10;
	v10 =	vld [tilespmem:s31+$0xD500]  }
0x333: {  	v12 =	vadd.f32 v12, v13;
	v13 =	vld [tilespmem:s31+$0xD510]  }
0x334: {  	v15 =	vadd.f32 v15, v16;
	v8 =	vadd.f32 v8, v9;
	v9 =	vld [tilespmem:s31+$0xD900]  }
0x335: {  	v11 =	vadd.f32 v11, v12;
	v12 =	vld [tilespmem:s31+$0xD910]  }
0x336: {  	v14 =	vadd.f32 v14, v15;
	v7 =	vadd.f32 v7, v8;
	v8 =	vld [tilespmem:s31+$0xDD00]  }
0x337: {  	v10 =	vadd.f32 v10, v11;
	v11 =	vld [tilespmem:s31+$0xDD10]  }
0x338: {  	v13 =	vadd.f32 v13, v14;
	v6 =	vadd.f32 v6, v7;
	v7 =	vld [tilespmem:s31+$0xE100]  }
0x339: {  	v9 =	vadd.f32 v9, v10;
	v10 =	vld [tilespmem:s31+$0xE110]  }
0x33a: {  	v12 =	vadd.f32 v12, v13;
	v5 =	vadd.f32 v5, v6;
	v6 =	vld [tilespmem:s31+$0xE500]  }
0x33b: {  	v8 =	vadd.f32 v8, v9;
	v9 =	vld [tilespmem:s31+$0xE510]  }
0x33c: {  	v11 =	vadd.f32 v11, v12;
	v4 =	vadd.f32 v4, v5;
	v5 =	vld [tilespmem:s31+$0xE900]  }
0x33d: {  	v7 =	vadd.f32 v7, v8;
	v8 =	vld [tilespmem:s31+$0xE910]  }
0x33e: {  	v10 =	vadd.f32 v10, v11;
	v3 =	vadd.f32 v3, v4;
	v4 =	vld [tilespmem:s31+$0xED00]  }
0x33f: {  	v6 =	vadd.f32 v6, v7;
	v7 =	vld [tilespmem:s31+$0xED10]  }
0x340: {  	v9 =	vadd.f32 v9, v10;
	v2 =	vadd.f32 v2, v3;
	v3 =	vld [tilespmem:s31+$0xF100]  }
0x341: {  	v5 =	vadd.f32 v5, v6;
	v6 =	vld [tilespmem:s31+$0xF110]  }
0x342: {  	v8 =	vadd.f32 v8, v9;
	v1 =	vadd.f32 v1, v2  }
0x343: {  	v2 =	vadd.f32 v4, v5  }
0x344: {  	v4 =	vadd.f32 v7, v8;
	[tilespmem:s19+$0x0] =	vst v1  }
.Ltmp4:
0x345: {  	v1 =	vadd.f32 v3, v2;
	(pc) =	sbr.rel @p0 .LBB2_10-.Ltmp4, $4  }
0x346: {  	v2 =	vadd.f32 v6, v4  }
0x347: {  	[tilespmem:s19+$0x10] =	vst v1  }
0x348: {  	[tilespmem:s19+$0x20] =	vst v2  }
0x349: {  	v1 =	vld [tilespmem:s12+$0x0]  }
0x34a: {  	s6 =	sadd.s32 $0x1, s6  }
0x34b: {  	p0 =	sne.s32 s6, $0x8  }
.Ltmp5:
0x34c: {  	_ = 	snop;
	(pc) =	sbr.rel @p0 .LBB2_4-.Ltmp5, $4  }
0x34d: {  	_ = 	snop  }
0x34e: {  	s2 =	rddreg [dreg:$0x9];
	s31 =	simm.s32 $0x10500  }
0x34f: {  	s8 =	sadd.s32 $0x400, s8;
	s25 =	sadd.s32 $0x400, s25;
	s1 =	sadd.s32 s1, s2;
	[tilespmem:s14+$0x60] =	vst v1  }
0x350: {  	[hbm4b:s1+s3] =	stream.linear.scatter [tilespmem:s31], [sflag:$0x6], $0x1000, $0x38;
	[tilespmem:$0x13700] =	vst v63  }
0x351: {  	s1 =	simm.s32 $0x5  }
0x352: {  	_ =	swait.ge [sflag:s1], $0x1000  }
0x353: {  	[sflag:s1] =	ssyncset.done $0x0  }
0x354: {  	[sflag:s1] =	ssyncadd.s32 $0xFFFFF000  }
0x355: {  	_ =	swait.ge [sflag:s28], $0x1000  }
0x356: {  	s2 =	rddreg [dreg:$0xb]  }
0x357: {  	s31 =	rddreg [dreg:$0xa];
	s2 =	sadd.s32 $0x1, s2  }
0x358: {  	p0 =	sne.s32 s2, s31  }
.Ltmp6:
0x359: {  	_ = 	snop;
	(pc) =	sbr.rel @p0 .LBB2_1-.Ltmp6, $3  }
0x35a: {  	_ =	sdelay $0x1  }
0x35b: {  	[sflag:s28] =	ssyncset.done $0x0  }
0x35c: {  	[sflag:s28] =	ssyncadd.s32 $0xFFFFF000  }
0x35d: {  	_ =	sfence.sel $0x180000  }
0x35e: {  	[bflag:$0x0] =	sbarrier.arrive $0xFFFF  }
0x35f: {  	_ =	strace $0x90000047  }
0x360: {  	s0 =	stileid.u32;
	[bflag:$0x2] =	sbarrier.arrive $0xFFFF  }
0x361: {  	p0 =	sne.s32 s0, $0x0;
	s0 =	rddreg [dreg:$0x3]  }
0x362: {  	s0 =	sadd.s32 @!p0 $0x100000, s0  }
0x363: {  	[sflag:s0] =	ssyncadd.tile.s32 @!p0 $0x1;
	_ =	shalt  }
.Lfunc_end2:
_tile_overlayer_lowered:
.L_overlay_start_2:
0x364: {  	(tag) =	ssettag $0x2  }
0x365: {  	s0 =	rddreg [dreg:$0x0];
	s2 =	stileid.u32  }
0x366: {  	s1 =	rddreg [dreg:$0x1];
	p0 =	sne.s32 s2, $0x0  }
0x367: {  	s3 =	rddreg [dreg:$0x2];
	[bflag:$0x3] =	sbarrier.arrive $0xFFFF;
	s2 =	simm.s32 @!p0 $0x1C08  }
0x368: {  	[timem:s3], [sflag:s2] =	dma.local @!p0 [hbm:s0], s1  }
0x369: {  	s0 =	simm.s32 @!p0 $0x8  }
0x36a: {  	_ =	swait.ge @!p0 [sflag:s0], s1  }
0x36b: {  	s1 =	ssub.s32 @!p0 $0x0, s1;
	[sflag:s0] =	ssyncset.done @!p0 $0x0  }
0x36c: {  	[sflag:s0] =	ssyncadd.s32 @!p0 s1  }
0x36d: {  	[bflag:$0x3] =	sbarrier.arrive $0xFFFF  }
0x36e: {  	_ =	shalt  }

</sc_bundles>
